<compile_context>
chip_gen: v7x
topology: tpu7x:2x2x1
jax: 0.10.2.dev20260603
libtpu: 0.0.44.dev20260713+nightly
codegen_flags: <defaults>
</compile_context>

<pallas_src>
import jax
import jax.numpy as jnp
from jax import lax
from jax.experimental import pallas as pl
from jax.experimental.pallas import tpu as pltpu
from jax.experimental.pallas import tpu_sc as plsc

N = 10000
N_PAD = 10240
E = 320000
IN_CH = 128
HID = 64
HID2 = 32
OUT = 2
D1 = 72

CHUNK = 128
NCORES = 2
TILES = 16
NW = NCORES * TILES
NCHUNK = E // CHUNK
CPT = 78
NTAIL = NCHUNK - NW * CPT
ROWS_PER_TILE = N_PAD // TILES


def _make_seg_sum(d, K):
  G = CPT // K
  """SC kernel: per-SC partial segment sums of (N_PAD,d) rows over dst."""
  out_types = [jax.ShapeDtypeStruct((NCORES, N_PAD, d), jnp.float32)]
  scratch = [
      pltpu.VMEM_SHARED((N_PAD, d), jnp.float32),
      pltpu.VMEM((K, CHUNK), jnp.int32),
      pltpu.VMEM((K, CHUNK), jnp.int32),
      pltpu.VMEM((K, CHUNK), jnp.int32),
      pltpu.VMEM((K, CHUNK), jnp.int32),
      pltpu.VMEM((K, CHUNK, d), jnp.float32),
      pltpu.VMEM((K, CHUNK, d), jnp.float32),
      pltpu.SemaphoreType.DMA,
      pltpu.SemaphoreType.DMA,
      pltpu.SemaphoreType.DMA,
      pltpu.SemaphoreType.DMA,
  ]

  mesh = plsc.VectorSubcoreMesh(core_axis_name="c", subcore_axis_name="s")

  def body(vals_hbm, edges_hbm, zeros_hbm, out_hbm,
           acc, srcb0, srcb1, dstb0, dstb1, rows0, rows1,
           sg0, sg1, ss0, ss1):
    c = lax.axis_index("c")
    s = lax.axis_index("s")
    w = c * TILES + s
    r0 = s * ROWS_PER_TILE
    srcb = (srcb0, srcb1)
    dstb = (dstb0, dstb1)
    rows = (rows0, rows1)
    sg = (sg0, sg1)
    ss = (ss0, ss1)

    pltpu.sync_copy(zeros_hbm.at[pl.ds(r0, ROWS_PER_TILE)],
                    acc.at[pl.ds(r0, ROWS_PER_TILE)])
    plsc.subcore_barrier()

    base = w * CPT

    def issue(g, sl):
      row = base + g * K
      pltpu.sync_copy(edges_hbm.at[0, pl.ds(row, K)], srcb[sl])
      pltpu.sync_copy(edges_hbm.at[1, pl.ds(row, K)], dstb[sl])
      for k in range(K):
        pltpu.async_copy(vals_hbm.at[srcb[sl].at[k]], rows[sl].at[k], sg[sl])

    def drain_g(sl):
      for k in range(K):
        pltpu.make_async_copy(vals_hbm.at[srcb[sl].at[k]], rows[sl].at[k],
                              sg[sl]).wait()

    def fire_s(sl):
      for k in range(K):
        pltpu.async_copy(rows[sl].at[k], acc.at[dstb[sl].at[k]], ss[sl],
                         add=True)

    def drain_s(sl):
      for k in range(K):
        pltpu.make_async_copy(rows[sl].at[k], acc.at[dstb[sl].at[k]],
                              ss[sl]).wait()

    issue(0, 0)
    issue(1, 1)

    def step(i, carry):
      drain_g(0)
      fire_s(0)
      drain_g(1)
      fire_s(1)
      drain_s(0)
      issue(2 * i + 2, 0)
      drain_s(1)
      issue(2 * i + 3, 1)
      return carry

    lax.fori_loop(0, (G - 2) // 2, step, 0)
    drain_g(0)
    fire_s(0)
    drain_g(1)
    fire_s(1)
    if G % 2:
      drain_s(0)
      issue(G - 1, 0)
      drain_g(0)
      fire_s(0)
    drain_s(0)
    drain_s(1)

    @pl.when(w < NTAIL)
    def _tail():
      row = NW * CPT + w
      pltpu.sync_copy(edges_hbm.at[0, pl.ds(row, 1)], srcb0.at[pl.ds(0, 1)])
      pltpu.sync_copy(edges_hbm.at[1, pl.ds(row, 1)], dstb0.at[pl.ds(0, 1)])
      pltpu.sync_copy(vals_hbm.at[srcb0.at[0]], rows0.at[0])
      pltpu.sync_copy(rows0.at[0], acc.at[dstb0.at[0]], add=True)

    plsc.subcore_barrier()
    pltpu.sync_copy(acc.at[pl.ds(r0, ROWS_PER_TILE)],
                    out_hbm.at[c, pl.ds(r0, ROWS_PER_TILE)])

  return pl.kernel(
      body, out_type=out_types, mesh=mesh, scratch_types=scratch,
      compiler_params=pltpu.CompilerParams(use_tc_tiling_on_sc=False))


_seg1 = _make_seg_sum(D1, 3)
_seg2 = _make_seg_sum(HID2, 6)

_R = 2048


def _tc1_body(x_ref, wl_ref, wr_ref, b_ref, xl_ref, xr_ref):
  xb = x_ref[...]
  dn = (((1,), (1,)), ((), ()))
  xl_ref[:, :HID] = lax.dot_general(xb, wl_ref[...], dn,
                                    preferred_element_type=jnp.float32)
  xl_ref[:, HID:] = jnp.ones((_R, D1 - HID), jnp.float32)
  xr_ref[...] = lax.dot_general(xb, wr_ref[...], dn,
                                preferred_element_type=jnp.float32) + b_ref[...]


def _tc1(x, W1l, W1r, b1):
  return pl.pallas_call(
      _tc1_body,
      grid=(N_PAD // _R,),
      in_specs=[
          pl.BlockSpec((_R, IN_CH), lambda i: (i, 0)),
          pl.BlockSpec((HID, IN_CH), lambda i: (0, 0)),
          pl.BlockSpec((HID, IN_CH), lambda i: (0, 0)),
          pl.BlockSpec((1, HID), lambda i: (0, 0)),
      ],
      out_specs=[
          pl.BlockSpec((_R, D1), lambda i: (i, 0)),
          pl.BlockSpec((_R, HID), lambda i: (i, 0)),
      ],
      out_shape=[
          jax.ShapeDtypeStruct((N_PAD, D1), jnp.float32),
          jax.ShapeDtypeStruct((N_PAD, HID), jnp.float32),
      ],
  )(x, W1l, W1r, b1.reshape(1, HID))


def _tc2_body(p_ref, xr_ref, wl_ref, wr_ref, b_ref, hl_ref, hr_ref):
  ssum = p_ref[0, :, :HID] + p_ref[1, :, :HID]
  cnt = jnp.maximum(p_ref[0, :, HID:HID + 1] + p_ref[1, :, HID:HID + 1], 1.0)
  h1 = jnp.maximum(ssum / cnt + xr_ref[...], 0.0)
  dn = (((1,), (1,)), ((), ()))
  hl_ref[...] = lax.dot_general(h1, wl_ref[...], dn,
                                preferred_element_type=jnp.float32)
  hr_ref[...] = lax.dot_general(h1, wr_ref[...], dn,
                                preferred_element_type=jnp.float32) + b_ref[...]


def _tc2(p, xr, W2l, b2, W2r):
  return pl.pallas_call(
      _tc2_body,
      grid=(N_PAD // _R,),
      in_specs=[
          pl.BlockSpec((NCORES, _R, D1), lambda i: (0, i, 0)),
          pl.BlockSpec((_R, HID), lambda i: (i, 0)),
          pl.BlockSpec((HID2, HID), lambda i: (0, 0)),
          pl.BlockSpec((HID2, HID), lambda i: (0, 0)),
          pl.BlockSpec((1, HID2), lambda i: (0, 0)),
      ],
      out_specs=[
          pl.BlockSpec((_R, HID2), lambda i: (i, 0)),
          pl.BlockSpec((_R, HID2), lambda i: (i, 0)),
      ],
      out_shape=[
          jax.ShapeDtypeStruct((N_PAD, HID2), jnp.float32),
          jax.ShapeDtypeStruct((N_PAD, HID2), jnp.float32),
      ],
  )(p, xr, W2l, W2r, b2.reshape(1, HID2))


def _tc3_body(q_ref, pc_ref, hr_ref, wo_ref, bo_ref, out_ref):
  ssum = q_ref[0] + q_ref[1]
  cnt = jnp.maximum(pc_ref[0, :, HID:HID + 1] + pc_ref[1, :, HID:HID + 1], 1.0)
  h2 = jnp.maximum(ssum / cnt + hr_ref[...], 0.0)
  dn = (((1,), (1,)), ((), ()))
  logits = lax.dot_general(h2, wo_ref[...], dn,
                           preferred_element_type=jnp.float32) + bo_ref[...]
  m = jnp.max(logits, axis=1, keepdims=True)
  shifted = logits - m
  lse = jnp.log(jnp.sum(jnp.exp(shifted), axis=1, keepdims=True))
  out_ref[...] = shifted - lse


def _tc3(q, p, h1r, Wo, bo):
  return pl.pallas_call(
      _tc3_body,
      grid=(N_PAD // _R,),
      in_specs=[
          pl.BlockSpec((NCORES, _R, HID2), lambda i: (0, i, 0)),
          pl.BlockSpec((NCORES, _R, D1), lambda i: (0, i, 0)),
          pl.BlockSpec((_R, HID2), lambda i: (i, 0)),
          pl.BlockSpec((OUT, HID2), lambda i: (0, 0)),
          pl.BlockSpec((1, OUT), lambda i: (0, 0)),
      ],
      out_specs=pl.BlockSpec((_R, OUT), lambda i: (i, 0)),
      out_shape=jax.ShapeDtypeStruct((N, OUT), jnp.float32),
  )(q, p, h1r, Wo, bo.reshape(1, OUT))


def kernel(x, edge_index, W1l, b1, W1r, W2l, b2, W2r, Wo, bo):
  edges3d = edge_index.astype(jnp.int32).reshape(2, NCHUNK, CHUNK)
  zeros1 = jnp.zeros((N_PAD, D1), jnp.float32)
  zeros2 = jnp.zeros((N_PAD, HID2), jnp.float32)

  xl, xr = _tc1(x, W1l, W1r, b1)
  (p,) = _seg1(xl, edges3d, zeros1)
  h1l, h1r = _tc2(p, xr, W2l, b2, W2r)
  (q,) = _seg2(h1l, edges3d, zeros2)
  return _tc3(q, p, h1r, Wo, bo)

# --- scband reference (transcript-rebuilt; emitter-appended) ---
"""Pipeline reference for scband-explainable-gnn-34531537060047 (READ-ONLY COPY).

The authoritative reference and input builder live on the scoring server;
editing this copy changes nothing except your own understanding.
"""

import jax, jax.numpy as jnp
import numpy as np

N_NODES = 10000
N_EDGES = 320000
IN_CH = 128
HIDDEN = 64
OUT = 2


def setup_inputs(seed: int = 0) -> dict:
    key = jax.random.key(seed)
    ks = jax.random.split(key, 12)
    x = jax.random.normal(ks[0], (N_NODES, IN_CH), dtype=jnp.float32)
    edge_index = jax.random.randint(ks[1], (2, N_EDGES), 0, N_NODES, dtype=jnp.int64 if jax.config.read('jax_enable_x64') else jnp.int32)
    # SAGEConv layer 1: lin_l (applied to aggregated neighbors, with bias), lin_r (root, no bias)
    s1 = 1.0 / np.sqrt(IN_CH)
    W1l = jax.random.uniform(ks[2], (HIDDEN, IN_CH), dtype=jnp.float32, minval=-s1, maxval=s1)
    b1 = jax.random.uniform(ks[3], (HIDDEN,), dtype=jnp.float32, minval=-s1, maxval=s1)
    W1r = jax.random.uniform(ks[4], (HIDDEN, IN_CH), dtype=jnp.float32, minval=-s1, maxval=s1)
    s2 = 1.0 / np.sqrt(HIDDEN)
    W2l = jax.random.uniform(ks[5], (HIDDEN // 2, HIDDEN), dtype=jnp.float32, minval=-s2, maxval=s2)
    b2 = jax.random.uniform(ks[6], (HIDDEN // 2,), dtype=jnp.float32, minval=-s2, maxval=s2)
    W2r = jax.random.uniform(ks[7], (HIDDEN // 2, HIDDEN), dtype=jnp.float32, minval=-s2, maxval=s2)
    s3 = 1.0 / np.sqrt(HIDDEN // 2)
    Wo = jax.random.uniform(ks[8], (OUT, HIDDEN // 2), dtype=jnp.float32, minval=-s3, maxval=s3)
    bo = jax.random.uniform(ks[9], (OUT,), dtype=jnp.float32, minval=-s3, maxval=s3)
    return {"x": x, "edge_index": edge_index, "W1l": W1l, "b1": b1, "W1r": W1r,
            "W2l": W2l, "b2": b2, "W2r": W2r, "Wo": Wo, "bo": bo}


def _sage_conv(x, edge_index, Wl, bl, Wr):
    # PyG SAGEConv with mean aggregation:
    # out = lin_l(mean_{j in N(i)} x_j) + lin_r(x_i)
    src = edge_index[0]
    dst = edge_index[1]
    msgs = jnp.take(x, src, axis=0)
    summed = jax.ops.segment_sum(msgs, dst, num_segments=x.shape[0])
    counts = jax.ops.segment_sum(jnp.ones((edge_index.shape[1],), dtype=x.dtype), dst, num_segments=x.shape[0])
    agg = summed / jnp.clip(counts, 1.0, None)[:, None]
    return agg @ Wl.T + bl + x @ Wr.T


def reference(x, edge_index, W1l, b1, W1r, W2l, b2, W2r, Wo, bo):
    h = jax.nn.relu(_sage_conv(x, edge_index, W1l, b1, W1r))
    # dropout p=0.3 is identity in eval mode
    h = jax.nn.relu(_sage_conv(h, edge_index, W2l, b2, W2r))
    logits = h @ Wo.T + bo
    return jax.nn.log_softmax(logits, axis=1)

if __name__ == "__main__":
    import jax
    _d = setup_inputs()
    print(jax.jit(kernel)(*tuple(_d.values())))

</pallas_src>

<mosaic_0001>
#map = affine_map<(d0, d1) -> (0, 0)>
#map1 = affine_map<(d0, d1) -> (0, 0, 0)>
module attributes {stable_mosaic.version = 14 : i64} {
  func.func @body(%arg0: i32, %arg1: i32, %arg2: memref<10240x32xf32, #tpu.memory_space<hbm>>, %arg3: memref<2x2500x128xi32, #tpu.memory_space<hbm>>, %arg4: memref<10240x32xf32, #tpu.memory_space<hbm>>, %arg5: memref<2x10240x32xf32, #tpu.memory_space<hbm>>, %arg6: memref<10240x32xf32, #tpu.memory_space<vmem_shared>>, %arg7: memref<6x128xi32, #tpu.memory_space<vmem>>, %arg8: memref<6x128xi32, #tpu.memory_space<vmem>>, %arg9: memref<6x128xi32, #tpu.memory_space<vmem>>, %arg10: memref<6x128xi32, #tpu.memory_space<vmem>>, %arg11: memref<6x128x32xf32, #tpu.memory_space<vmem>>, %arg12: memref<6x128x32xf32, #tpu.memory_space<vmem>>, %arg13: memref<!tpu.dma_semaphore, #tpu.memory_space<semaphore_mem>>, %arg14: memref<!tpu.dma_semaphore, #tpu.memory_space<semaphore_mem>>, %arg15: memref<!tpu.dma_semaphore, #tpu.memory_space<semaphore_mem>>, %arg16: memref<!tpu.dma_semaphore, #tpu.memory_space<semaphore_mem>>) attributes {dimension_semantics = [#tpu.dimension_semantics<core_parallel>, #tpu.dimension_semantics<subcore_parallel>], iteration_bounds = array<i64: 2, 16>, scalar_prefetch = 0 : i64, scratch_operands = 11 : i64, tpu.core_type = #tpu.core_type<sc_vector_subcore>, window_params = [{transform_indices = #map}, {transform_indices = #map1}, {transform_indices = #map}, {transform_indices = #map1}]} {
    %mul3A = arith.constant 16 : i32
    %mul3A_0 = arith.muli %arg0, %mul3A : i32
    %add3A = arith.addi %mul3A_0, %arg1 : i32
    %mul3A_1 = arith.constant 640 : i32
    %mul3A_2 = arith.muli %arg1, %mul3A_1 : i32
    "tpu.region"() ({
      %run_scoped3A_886 = tpu.sem_alloc : memref<!tpu.dma_semaphore, #tpu.memory_space<semaphore_mem>>
      %dma_start3A_887 = arith.constant 0 : i32
      %dma_start3A_888 = tpu.memref_slice %arg6[%mul3A_2, %dma_start3A_887] : memref<10240x32xf32, #tpu.memory_space<vmem_shared>> -> memref<640x32xf32, #tpu.memory_space<vmem_shared>>
      %dma_start3A_889 = arith.constant 0 : i32
      %dma_start3A_890 = tpu.memref_slice %arg4[%mul3A_2, %dma_start3A_889] : memref<10240x32xf32, #tpu.memory_space<hbm>> -> memref<640x32xf32, #tpu.memory_space<hbm>>
      tpu.enqueue_dma source(%dma_start3A_890 : memref<640x32xf32, #tpu.memory_space<hbm>>) target(%dma_start3A_888 : memref<640x32xf32, #tpu.memory_space<vmem_shared>>) target_semaphore(%run_scoped3A_886 : memref<!tpu.dma_semaphore, #tpu.memory_space<semaphore_mem>>)
      %dma_wait3A_891 = arith.constant 0 : i32
      %dma_wait3A_892 = tpu.memref_slice %arg6[%mul3A_2, %dma_wait3A_891] : memref<10240x32xf32, #tpu.memory_space<vmem_shared>> -> memref<640x32xf32, #tpu.memory_space<vmem_shared>>
      %dma_wait3A_893 = arith.constant 0 : i32
      %dma_wait3A_894 = tpu.memref_slice %arg4[%mul3A_2, %dma_wait3A_893] : memref<10240x32xf32, #tpu.memory_space<hbm>> -> memref<640x32xf32, #tpu.memory_space<hbm>>
      tpu.wait_dma2 semaphore(%run_scoped3A_886 : memref<!tpu.dma_semaphore, #tpu.memory_space<semaphore_mem>>) src(%dma_wait3A_894 : memref<640x32xf32, #tpu.memory_space<hbm>>) dst(%dma_wait3A_892 : memref<640x32xf32, #tpu.memory_space<vmem_shared>>)
      tpu.yield
    }) : () -> ()
    %barrier3A = arith.constant 0 : index
    tpu.barrier barrier_id(%barrier3A)
    %mul3A_3 = arith.constant 78 : i32
    %mul3A_4 = arith.muli %add3A, %mul3A_3 : i32
    %add3A_5 = arith.constant 0 : i32
    %add3A_6 = arith.addi %mul3A_4, %add3A_5 : i32
    %run_scoped3A = arith.constant 0 : i32
    "tpu.region"() ({
      %run_scoped3A_886 = tpu.sem_alloc : memref<!tpu.dma_semaphore, #tpu.memory_space<semaphore_mem>>
      %dma_start3A_887 = arith.constant 0 : i32
      %dma_start3A_888 = tpu.memref_slice %arg3[%run_scoped3A, %add3A_6, %dma_start3A_887] : memref<2x2500x128xi32, #tpu.memory_space<hbm>> -> memref<1x6x128xi32, #tpu.memory_space<hbm>>
      %dma_start3A_889 = tpu.memref_squeeze %dma_start3A_888 : memref<1x6x128xi32, #tpu.memory_space<hbm>> -> memref<6x128xi32, #tpu.memory_space<hbm>>
      %dma_start3A_890 = arith.constant 0 : i32
      %dma_start3A_891 = tpu.memref_slice %arg3[%run_scoped3A, %add3A_6, %dma_start3A_890] : memref<2x2500x128xi32, #tpu.memory_space<hbm>> -> memref<1x6x128xi32, #tpu.memory_space<hbm>>
      %dma_start3A_892 = tpu.memref_squeeze %dma_start3A_891 : memref<1x6x128xi32, #tpu.memory_space<hbm>> -> memref<6x128xi32, #tpu.memory_space<hbm>>
      tpu.enqueue_dma source(%dma_start3A_892 : memref<6x128xi32, #tpu.memory_space<hbm>>) target(%arg7 : memref<6x128xi32, #tpu.memory_space<vmem>>) target_semaphore(%run_scoped3A_886 : memref<!tpu.dma_semaphore, #tpu.memory_space<semaphore_mem>>)
      %dma_wait3A_893 = arith.constant 0 : i32
      %dma_wait3A_894 = tpu.memref_slice %arg3[%run_scoped3A, %add3A_6, %dma_wait3A_893] : memref<2x2500x128xi32, #tpu.memory_space<hbm>> -> memref<1x6x128xi32, #tpu.memory_space<hbm>>
      %dma_wait3A_895 = tpu.memref_squeeze %dma_wait3A_894 : memref<1x6x128xi32, #tpu.memory_space<hbm>> -> memref<6x128xi32, #tpu.memory_space<hbm>>
      %dma_wait3A_896 = arith.constant 0 : i32
      %dma_wait3A_897 = tpu.memref_slice %arg3[%run_scoped3A, %add3A_6, %dma_wait3A_896] : memref<2x2500x128xi32, #tpu.memory_space<hbm>> -> memref<1x6x128xi32, #tpu.memory_space<hbm>>
      %dma_wait3A_898 = tpu.memref_squeeze %dma_wait3A_897 : memref<1x6x128xi32, #tpu.memory_space<hbm>> -> memref<6x128xi32, #tpu.memory_space<hbm>>
      tpu.wait_dma2 semaphore(%run_scoped3A_886 : memref<!tpu.dma_semaphore, #tpu.memory_space<semaphore_mem>>) src(%dma_wait3A_898 : memref<6x128xi32, #tpu.memory_space<hbm>>) dst(%arg7 : memref<6x128xi32, #tpu.memory_space<vmem>>)
      tpu.yield
    }) : () -> ()
    %run_scoped3A_7 = arith.constant 1 : i32
    "tpu.region"() ({
      %run_scoped3A_886 = tpu.sem_alloc : memref<!tpu.dma_semaphore, #tpu.memory_space<semaphore_mem>>
      %dma_start3A_887 = arith.constant 0 : i32
      %dma_start3A_888 = tpu.memref_slice %arg3[%run_scoped3A_7, %add3A_6, %dma_start3A_887] : memref<2x2500x128xi32, #tpu.memory_space<hbm>> -> memref<1x6x128xi32, #tpu.memory_space<hbm>>
      %dma_start3A_889 = tpu.memref_squeeze %dma_start3A_888 : memref<1x6x128xi32, #tpu.memory_space<hbm>> -> memref<6x128xi32, #tpu.memory_space<hbm>>
      %dma_start3A_890 = arith.constant 0 : i32
      %dma_start3A_891 = tpu.memref_slice %arg3[%run_scoped3A_7, %add3A_6, %dma_start3A_890] : memref<2x2500x128xi32, #tpu.memory_space<hbm>> -> memref<1x6x128xi32, #tpu.memory_space<hbm>>
      %dma_start3A_892 = tpu.memref_squeeze %dma_start3A_891 : memref<1x6x128xi32, #tpu.memory_space<hbm>> -> memref<6x128xi32, #tpu.memory_space<hbm>>
      tpu.enqueue_dma source(%dma_start3A_892 : memref<6x128xi32, #tpu.memory_space<hbm>>) target(%arg9 : memref<6x128xi32, #tpu.memory_space<vmem>>) target_semaphore(%run_scoped3A_886 : memref<!tpu.dma_semaphore, #tpu.memory_space<semaphore_mem>>)
      %dma_wait3A_893 = arith.constant 0 : i32
      %dma_wait3A_894 = tpu.memref_slice %arg3[%run_scoped3A_7, %add3A_6, %dma_wait3A_893] : memref<2x2500x128xi32, #tpu.memory_space<hbm>> -> memref<1x6x128xi32, #tpu.memory_space<hbm>>
      %dma_wait3A_895 = tpu.memref_squeeze %dma_wait3A_894 : memref<1x6x128xi32, #tpu.memory_space<hbm>> -> memref<6x128xi32, #tpu.memory_space<hbm>>
      %dma_wait3A_896 = arith.constant 0 : i32
      %dma_wait3A_897 = tpu.memref_slice %arg3[%run_scoped3A_7, %add3A_6, %dma_wait3A_896] : memref<2x2500x128xi32, #tpu.memory_space<hbm>> -> memref<1x6x128xi32, #tpu.memory_space<hbm>>
      %dma_wait3A_898 = tpu.memref_squeeze %dma_wait3A_897 : memref<1x6x128xi32, #tpu.memory_space<hbm>> -> memref<6x128xi32, #tpu.memory_space<hbm>>
      tpu.wait_dma2 semaphore(%run_scoped3A_886 : memref<!tpu.dma_semaphore, #tpu.memory_space<semaphore_mem>>) src(%dma_wait3A_898 : memref<6x128xi32, #tpu.memory_space<hbm>>) dst(%arg9 : memref<6x128xi32, #tpu.memory_space<vmem>>)
      tpu.yield
    }) : () -> ()
    %dma_start3A = arith.constant 0 : i32
    %dma_start3A_8 = arith.constant 0 : i32
    %dma_start3A_9 = arith.constant 0 : i32
    %dma_start3A_10 = arith.constant 0 : i32
    %dma_start3A_11 = tpu.memref_slice %arg11[%dma_start3A_8, %dma_start3A_9, %dma_start3A_10] : memref<6x128x32xf32, #tpu.memory_space<vmem>> -> memref<1x128x32xf32, #tpu.memory_space<vmem>>
    %dma_start3A_12 = tpu.memref_squeeze %dma_start3A_11 : memref<1x128x32xf32, #tpu.memory_space<vmem>> -> memref<128x32xf32, #tpu.memory_space<vmem>>
    %dma_start3A_13 = arith.constant 0 : i32
    %dma_start3A_14 = tpu.memref_slice %arg7[%dma_start3A, %dma_start3A_13] : memref<6x128xi32, #tpu.memory_space<vmem>> -> memref<1x128xi32, #tpu.memory_space<vmem>>
    %dma_start3A_15 = tpu.memref_squeeze %dma_start3A_14 : memref<1x128xi32, #tpu.memory_space<vmem>> -> memref<128xi32, #tpu.memory_space<vmem>>
    %dma_start3A_16 = arith.constant 0 : i32
    %dma_start3A_17 = arith.constant 0 : i32
    %dma_start3A_18 = tpu.memref_slice %arg2[%dma_start3A_16, %dma_start3A_17] : memref<10240x32xf32, #tpu.memory_space<hbm>> -> memref<10240x32xf32, #tpu.memory_space<hbm>>
    tpu.enqueue_indirect_dma source(%dma_start3A_18 : memref<10240x32xf32, #tpu.memory_space<hbm>>) target(%dma_start3A_12 : memref<128x32xf32, #tpu.memory_space<vmem>>) offsets(%dma_start3A_15 : memref<128xi32, #tpu.memory_space<vmem>>) semaphore(%arg13 : memref<!tpu.dma_semaphore, #tpu.memory_space<semaphore_mem>>)
    %dma_start3A_19 = arith.constant 1 : i32
    %dma_start3A_20 = arith.constant 1 : i32
    %dma_start3A_21 = arith.constant 0 : i32
    %dma_start3A_22 = arith.constant 0 : i32
    %dma_start3A_23 = tpu.memref_slice %arg11[%dma_start3A_20, %dma_start3A_21, %dma_start3A_22] : memref<6x128x32xf32, #tpu.memory_space<vmem>> -> memref<1x128x32xf32, #tpu.memory_space<vmem>>
    %dma_start3A_24 = tpu.memref_squeeze %dma_start3A_23 : memref<1x128x32xf32, #tpu.memory_space<vmem>> -> memref<128x32xf32, #tpu.memory_space<vmem>>
    %dma_start3A_25 = arith.constant 0 : i32
    %dma_start3A_26 = tpu.memref_slice %arg7[%dma_start3A_19, %dma_start3A_25] : memref<6x128xi32, #tpu.memory_space<vmem>> -> memref<1x128xi32, #tpu.memory_space<vmem>>
    %dma_start3A_27 = tpu.memref_squeeze %dma_start3A_26 : memref<1x128xi32, #tpu.memory_space<vmem>> -> memref<128xi32, #tpu.memory_space<vmem>>
    %dma_start3A_28 = arith.constant 0 : i32
    %dma_start3A_29 = arith.constant 0 : i32
    %dma_start3A_30 = tpu.memref_slice %arg2[%dma_start3A_28, %dma_start3A_29] : memref<10240x32xf32, #tpu.memory_space<hbm>> -> memref<10240x32xf32, #tpu.memory_space<hbm>>
    tpu.enqueue_indirect_dma source(%dma_start3A_30 : memref<10240x32xf32, #tpu.memory_space<hbm>>) target(%dma_start3A_24 : memref<128x32xf32, #tpu.memory_space<vmem>>) offsets(%dma_start3A_27 : memref<128xi32, #tpu.memory_space<vmem>>) semaphore(%arg13 : memref<!tpu.dma_semaphore, #tpu.memory_space<semaphore_mem>>)
    %dma_start3A_31 = arith.constant 2 : i32
    %dma_start3A_32 = arith.constant 2 : i32
    %dma_start3A_33 = arith.constant 0 : i32
    %dma_start3A_34 = arith.constant 0 : i32
    %dma_start3A_35 = tpu.memref_slice %arg11[%dma_start3A_32, %dma_start3A_33, %dma_start3A_34] : memref<6x128x32xf32, #tpu.memory_space<vmem>> -> memref<1x128x32xf32, #tpu.memory_space<vmem>>
    %dma_start3A_36 = tpu.memref_squeeze %dma_start3A_35 : memref<1x128x32xf32, #tpu.memory_space<vmem>> -> memref<128x32xf32, #tpu.memory_space<vmem>>
    %dma_start3A_37 = arith.constant 0 : i32
    %dma_start3A_38 = tpu.memref_slice %arg7[%dma_start3A_31, %dma_start3A_37] : memref<6x128xi32, #tpu.memory_space<vmem>> -> memref<1x128xi32, #tpu.memory_space<vmem>>
    %dma_start3A_39 = tpu.memref_squeeze %dma_start3A_38 : memref<1x128xi32, #tpu.memory_space<vmem>> -> memref<128xi32, #tpu.memory_space<vmem>>
    %dma_start3A_40 = arith.constant 0 : i32
    %dma_start3A_41 = arith.constant 0 : i32
    %dma_start3A_42 = tpu.memref_slice %arg2[%dma_start3A_40, %dma_start3A_41] : memref<10240x32xf32, #tpu.memory_space<hbm>> -> memref<10240x32xf32, #tpu.memory_space<hbm>>
    tpu.enqueue_indirect_dma source(%dma_start3A_42 : memref<10240x32xf32, #tpu.memory_space<hbm>>) target(%dma_start3A_36 : memref<128x32xf32, #tpu.memory_space<vmem>>) offsets(%dma_start3A_39 : memref<128xi32, #tpu.memory_space<vmem>>) semaphore(%arg13 : memref<!tpu.dma_semaphore, #tpu.memory_space<semaphore_mem>>)
    %dma_start3A_43 = arith.constant 3 : i32
    %dma_start3A_44 = arith.constant 3 : i32
    %dma_start3A_45 = arith.constant 0 : i32
    %dma_start3A_46 = arith.constant 0 : i32
    %dma_start3A_47 = tpu.memref_slice %arg11[%dma_start3A_44, %dma_start3A_45, %dma_start3A_46] : memref<6x128x32xf32, #tpu.memory_space<vmem>> -> memref<1x128x32xf32, #tpu.memory_space<vmem>>
    %dma_start3A_48 = tpu.memref_squeeze %dma_start3A_47 : memref<1x128x32xf32, #tpu.memory_space<vmem>> -> memref<128x32xf32, #tpu.memory_space<vmem>>
    %dma_start3A_49 = arith.constant 0 : i32
    %dma_start3A_50 = tpu.memref_slice %arg7[%dma_start3A_43, %dma_start3A_49] : memref<6x128xi32, #tpu.memory_space<vmem>> -> memref<1x128xi32, #tpu.memory_space<vmem>>
    %dma_start3A_51 = tpu.memref_squeeze %dma_start3A_50 : memref<1x128xi32, #tpu.memory_space<vmem>> -> memref<128xi32, #tpu.memory_space<vmem>>
    %dma_start3A_52 = arith.constant 0 : i32
    %dma_start3A_53 = arith.constant 0 : i32
    %dma_start3A_54 = tpu.memref_slice %arg2[%dma_start3A_52, %dma_start3A_53] : memref<10240x32xf32, #tpu.memory_space<hbm>> -> memref<10240x32xf32, #tpu.memory_space<hbm>>
    tpu.enqueue_indirect_dma source(%dma_start3A_54 : memref<10240x32xf32, #tpu.memory_space<hbm>>) target(%dma_start3A_48 : memref<128x32xf32, #tpu.memory_space<vmem>>) offsets(%dma_start3A_51 : memref<128xi32, #tpu.memory_space<vmem>>) semaphore(%arg13 : memref<!tpu.dma_semaphore, #tpu.memory_space<semaphore_mem>>)
    %dma_start3A_55 = arith.constant 4 : i32
    %dma_start3A_56 = arith.constant 4 : i32
    %dma_start3A_57 = arith.constant 0 : i32
    %dma_start3A_58 = arith.constant 0 : i32
    %dma_start3A_59 = tpu.memref_slice %arg11[%dma_start3A_56, %dma_start3A_57, %dma_start3A_58] : memref<6x128x32xf32, #tpu.memory_space<vmem>> -> memref<1x128x32xf32, #tpu.memory_space<vmem>>
    %dma_start3A_60 = tpu.memref_squeeze %dma_start3A_59 : memref<1x128x32xf32, #tpu.memory_space<vmem>> -> memref<128x32xf32, #tpu.memory_space<vmem>>
    %dma_start3A_61 = arith.constant 0 : i32
    %dma_start3A_62 = tpu.memref_slice %arg7[%dma_start3A_55, %dma_start3A_61] : memref<6x128xi32, #tpu.memory_space<vmem>> -> memref<1x128xi32, #tpu.memory_space<vmem>>
    %dma_start3A_63 = tpu.memref_squeeze %dma_start3A_62 : memref<1x128xi32, #tpu.memory_space<vmem>> -> memref<128xi32, #tpu.memory_space<vmem>>
    %dma_start3A_64 = arith.constant 0 : i32
    %dma_start3A_65 = arith.constant 0 : i32
    %dma_start3A_66 = tpu.memref_slice %arg2[%dma_start3A_64, %dma_start3A_65] : memref<10240x32xf32, #tpu.memory_space<hbm>> -> memref<10240x32xf32, #tpu.memory_space<hbm>>
    tpu.enqueue_indirect_dma source(%dma_start3A_66 : memref<10240x32xf32, #tpu.memory_space<hbm>>) target(%dma_start3A_60 : memref<128x32xf32, #tpu.memory_space<vmem>>) offsets(%dma_start3A_63 : memref<128xi32, #tpu.memory_space<vmem>>) semaphore(%arg13 : memref<!tpu.dma_semaphore, #tpu.memory_space<semaphore_mem>>)
    %dma_start3A_67 = arith.constant 5 : i32
    %dma_start3A_68 = arith.constant 5 : i32
    %dma_start3A_69 = arith.constant 0 : i32
    %dma_start3A_70 = arith.constant 0 : i32
    %dma_start3A_71 = tpu.memref_slice %arg11[%dma_start3A_68, %dma_start3A_69, %dma_start3A_70] : memref<6x128x32xf32, #tpu.memory_space<vmem>> -> memref<1x128x32xf32, #tpu.memory_space<vmem>>
    %dma_start3A_72 = tpu.memref_squeeze %dma_start3A_71 : memref<1x128x32xf32, #tpu.memory_space<vmem>> -> memref<128x32xf32, #tpu.memory_space<vmem>>
    %dma_start3A_73 = arith.constant 0 : i32
    %dma_start3A_74 = tpu.memref_slice %arg7[%dma_start3A_67, %dma_start3A_73] : memref<6x128xi32, #tpu.memory_space<vmem>> -> memref<1x128xi32, #tpu.memory_space<vmem>>
    %dma_start3A_75 = tpu.memref_squeeze %dma_start3A_74 : memref<1x128xi32, #tpu.memory_space<vmem>> -> memref<128xi32, #tpu.memory_space<vmem>>
    %dma_start3A_76 = arith.constant 0 : i32
    %dma_start3A_77 = arith.constant 0 : i32
    %dma_start3A_78 = tpu.memref_slice %arg2[%dma_start3A_76, %dma_start3A_77] : memref<10240x32xf32, #tpu.memory_space<hbm>> -> memref<10240x32xf32, #tpu.memory_space<hbm>>
    tpu.enqueue_indirect_dma source(%dma_start3A_78 : memref<10240x32xf32, #tpu.memory_space<hbm>>) target(%dma_start3A_72 : memref<128x32xf32, #tpu.memory_space<vmem>>) offsets(%dma_start3A_75 : memref<128xi32, #tpu.memory_space<vmem>>) semaphore(%arg13 : memref<!tpu.dma_semaphore, #tpu.memory_space<semaphore_mem>>)
    %add3A_79 = arith.constant 6 : i32
    %add3A_80 = arith.addi %mul3A_4, %add3A_79 : i32
    %run_scoped3A_81 = arith.constant 0 : i32
    "tpu.region"() ({
      %run_scoped3A_886 = tpu.sem_alloc : memref<!tpu.dma_semaphore, #tpu.memory_space<semaphore_mem>>
      %dma_start3A_887 = arith.constant 0 : i32
      %dma_start3A_888 = tpu.memref_slice %arg3[%run_scoped3A_81, %add3A_80, %dma_start3A_887] : memref<2x2500x128xi32, #tpu.memory_space<hbm>> -> memref<1x6x128xi32, #tpu.memory_space<hbm>>
      %dma_start3A_889 = tpu.memref_squeeze %dma_start3A_888 : memref<1x6x128xi32, #tpu.memory_space<hbm>> -> memref<6x128xi32, #tpu.memory_space<hbm>>
      %dma_start3A_890 = arith.constant 0 : i32
      %dma_start3A_891 = tpu.memref_slice %arg3[%run_scoped3A_81, %add3A_80, %dma_start3A_890] : memref<2x2500x128xi32, #tpu.memory_space<hbm>> -> memref<1x6x128xi32, #tpu.memory_space<hbm>>
      %dma_start3A_892 = tpu.memref_squeeze %dma_start3A_891 : memref<1x6x128xi32, #tpu.memory_space<hbm>> -> memref<6x128xi32, #tpu.memory_space<hbm>>
      tpu.enqueue_dma source(%dma_start3A_892 : memref<6x128xi32, #tpu.memory_space<hbm>>) target(%arg8 : memref<6x128xi32, #tpu.memory_space<vmem>>) target_semaphore(%run_scoped3A_886 : memref<!tpu.dma_semaphore, #tpu.memory_space<semaphore_mem>>)
      %dma_wait3A_893 = arith.constant 0 : i32
      %dma_wait3A_894 = tpu.memref_slice %arg3[%run_scoped3A_81, %add3A_80, %dma_wait3A_893] : memref<2x2500x128xi32, #tpu.memory_space<hbm>> -> memref<1x6x128xi32, #tpu.memory_space<hbm>>
      %dma_wait3A_895 = tpu.memref_squeeze %dma_wait3A_894 : memref<1x6x128xi32, #tpu.memory_space<hbm>> -> memref<6x128xi32, #tpu.memory_space<hbm>>
      %dma_wait3A_896 = arith.constant 0 : i32
      %dma_wait3A_897 = tpu.memref_slice %arg3[%run_scoped3A_81, %add3A_80, %dma_wait3A_896] : memref<2x2500x128xi32, #tpu.memory_space<hbm>> -> memref<1x6x128xi32, #tpu.memory_space<hbm>>
      %dma_wait3A_898 = tpu.memref_squeeze %dma_wait3A_897 : memref<1x6x128xi32, #tpu.memory_space<hbm>> -> memref<6x128xi32, #tpu.memory_space<hbm>>
      tpu.wait_dma2 semaphore(%run_scoped3A_886 : memref<!tpu.dma_semaphore, #tpu.memory_space<semaphore_mem>>) src(%dma_wait3A_898 : memref<6x128xi32, #tpu.memory_space<hbm>>) dst(%arg8 : memref<6x128xi32, #tpu.memory_space<vmem>>)
      tpu.yield
    }) : () -> ()
    %run_scoped3A_82 = arith.constant 1 : i32
    "tpu.region"() ({
      %run_scoped3A_886 = tpu.sem_alloc : memref<!tpu.dma_semaphore, #tpu.memory_space<semaphore_mem>>
      %dma_start3A_887 = arith.constant 0 : i32
      %dma_start3A_888 = tpu.memref_slice %arg3[%run_scoped3A_82, %add3A_80, %dma_start3A_887] : memref<2x2500x128xi32, #tpu.memory_space<hbm>> -> memref<1x6x128xi32, #tpu.memory_space<hbm>>
      %dma_start3A_889 = tpu.memref_squeeze %dma_start3A_888 : memref<1x6x128xi32, #tpu.memory_space<hbm>> -> memref<6x128xi32, #tpu.memory_space<hbm>>
      %dma_start3A_890 = arith.constant 0 : i32
      %dma_start3A_891 = tpu.memref_slice %arg3[%run_scoped3A_82, %add3A_80, %dma_start3A_890] : memref<2x2500x128xi32, #tpu.memory_space<hbm>> -> memref<1x6x128xi32, #tpu.memory_space<hbm>>
      %dma_start3A_892 = tpu.memref_squeeze %dma_start3A_891 : memref<1x6x128xi32, #tpu.memory_space<hbm>> -> memref<6x128xi32, #tpu.memory_space<hbm>>
      tpu.enqueue_dma source(%dma_start3A_892 : memref<6x128xi32, #tpu.memory_space<hbm>>) target(%arg10 : memref<6x128xi32, #tpu.memory_space<vmem>>) target_semaphore(%run_scoped3A_886 : memref<!tpu.dma_semaphore, #tpu.memory_space<semaphore_mem>>)
      %dma_wait3A_893 = arith.constant 0 : i32
      %dma_wait3A_894 = tpu.memref_slice %arg3[%run_scoped3A_82, %add3A_80, %dma_wait3A_893] : memref<2x2500x128xi32, #tpu.memory_space<hbm>> -> memref<1x6x128xi32, #tpu.memory_space<hbm>>
      %dma_wait3A_895 = tpu.memref_squeeze %dma_wait3A_894 : memref<1x6x128xi32, #tpu.memory_space<hbm>> -> memref<6x128xi32, #tpu.memory_space<hbm>>
      %dma_wait3A_896 = arith.constant 0 : i32
      %dma_wait3A_897 = tpu.memref_slice %arg3[%run_scoped3A_82, %add3A_80, %dma_wait3A_896] : memref<2x2500x128xi32, #tpu.memory_space<hbm>> -> memref<1x6x128xi32, #tpu.memory_space<hbm>>
      %dma_wait3A_898 = tpu.memref_squeeze %dma_wait3A_897 : memref<1x6x128xi32, #tpu.memory_space<hbm>> -> memref<6x128xi32, #tpu.memory_space<hbm>>
      tpu.wait_dma2 semaphore(%run_scoped3A_886 : memref<!tpu.dma_semaphore, #tpu.memory_space<semaphore_mem>>) src(%dma_wait3A_898 : memref<6x128xi32, #tpu.memory_space<hbm>>) dst(%arg10 : memref<6x128xi32, #tpu.memory_space<vmem>>)
      tpu.yield
    }) : () -> ()
    %dma_start3A_83 = arith.constant 0 : i32
    %dma_start3A_84 = arith.constant 0 : i32
    %dma_start3A_85 = arith.constant 0 : i32
    %dma_start3A_86 = arith.constant 0 : i32
    %dma_start3A_87 = tpu.memref_slice %arg12[%dma_start3A_84, %dma_start3A_85, %dma_start3A_86] : memref<6x128x32xf32, #tpu.memory_space<vmem>> -> memref<1x128x32xf32, #tpu.memory_space<vmem>>
    %dma_start3A_88 = tpu.memref_squeeze %dma_start3A_87 : memref<1x128x32xf32, #tpu.memory_space<vmem>> -> memref<128x32xf32, #tpu.memory_space<vmem>>
    %dma_start3A_89 = arith.constant 0 : i32
    %dma_start3A_90 = tpu.memref_slice %arg8[%dma_start3A_83, %dma_start3A_89] : memref<6x128xi32, #tpu.memory_space<vmem>> -> memref<1x128xi32, #tpu.memory_space<vmem>>
    %dma_start3A_91 = tpu.memref_squeeze %dma_start3A_90 : memref<1x128xi32, #tpu.memory_space<vmem>> -> memref<128xi32, #tpu.memory_space<vmem>>
    %dma_start3A_92 = arith.constant 0 : i32
    %dma_start3A_93 = arith.constant 0 : i32
    %dma_start3A_94 = tpu.memref_slice %arg2[%dma_start3A_92, %dma_start3A_93] : memref<10240x32xf32, #tpu.memory_space<hbm>> -> memref<10240x32xf32, #tpu.memory_space<hbm>>
    tpu.enqueue_indirect_dma source(%dma_start3A_94 : memref<10240x32xf32, #tpu.memory_space<hbm>>) target(%dma_start3A_88 : memref<128x32xf32, #tpu.memory_space<vmem>>) offsets(%dma_start3A_91 : memref<128xi32, #tpu.memory_space<vmem>>) semaphore(%arg14 : memref<!tpu.dma_semaphore, #tpu.memory_space<semaphore_mem>>)
    %dma_start3A_95 = arith.constant 1 : i32
    %dma_start3A_96 = arith.constant 1 : i32
    %dma_start3A_97 = arith.constant 0 : i32
    %dma_start3A_98 = arith.constant 0 : i32
    %dma_start3A_99 = tpu.memref_slice %arg12[%dma_start3A_96, %dma_start3A_97, %dma_start3A_98] : memref<6x128x32xf32, #tpu.memory_space<vmem>> -> memref<1x128x32xf32, #tpu.memory_space<vmem>>
    %dma_start3A_100 = tpu.memref_squeeze %dma_start3A_99 : memref<1x128x32xf32, #tpu.memory_space<vmem>> -> memref<128x32xf32, #tpu.memory_space<vmem>>
    %dma_start3A_101 = arith.constant 0 : i32
    %dma_start3A_102 = tpu.memref_slice %arg8[%dma_start3A_95, %dma_start3A_101] : memref<6x128xi32, #tpu.memory_space<vmem>> -> memref<1x128xi32, #tpu.memory_space<vmem>>
    %dma_start3A_103 = tpu.memref_squeeze %dma_start3A_102 : memref<1x128xi32, #tpu.memory_space<vmem>> -> memref<128xi32, #tpu.memory_space<vmem>>
    %dma_start3A_104 = arith.constant 0 : i32
    %dma_start3A_105 = arith.constant 0 : i32
    %dma_start3A_106 = tpu.memref_slice %arg2[%dma_start3A_104, %dma_start3A_105] : memref<10240x32xf32, #tpu.memory_space<hbm>> -> memref<10240x32xf32, #tpu.memory_space<hbm>>
    tpu.enqueue_indirect_dma source(%dma_start3A_106 : memref<10240x32xf32, #tpu.memory_space<hbm>>) target(%dma_start3A_100 : memref<128x32xf32, #tpu.memory_space<vmem>>) offsets(%dma_start3A_103 : memref<128xi32, #tpu.memory_space<vmem>>) semaphore(%arg14 : memref<!tpu.dma_semaphore, #tpu.memory_space<semaphore_mem>>)
    %dma_start3A_107 = arith.constant 2 : i32
    %dma_start3A_108 = arith.constant 2 : i32
    %dma_start3A_109 = arith.constant 0 : i32
    %dma_start3A_110 = arith.constant 0 : i32
    %dma_start3A_111 = tpu.memref_slice %arg12[%dma_start3A_108, %dma_start3A_109, %dma_start3A_110] : memref<6x128x32xf32, #tpu.memory_space<vmem>> -> memref<1x128x32xf32, #tpu.memory_space<vmem>>
    %dma_start3A_112 = tpu.memref_squeeze %dma_start3A_111 : memref<1x128x32xf32, #tpu.memory_space<vmem>> -> memref<128x32xf32, #tpu.memory_space<vmem>>
    %dma_start3A_113 = arith.constant 0 : i32
    %dma_start3A_114 = tpu.memref_slice %arg8[%dma_start3A_107, %dma_start3A_113] : memref<6x128xi32, #tpu.memory_space<vmem>> -> memref<1x128xi32, #tpu.memory_space<vmem>>
    %dma_start3A_115 = tpu.memref_squeeze %dma_start3A_114 : memref<1x128xi32, #tpu.memory_space<vmem>> -> memref<128xi32, #tpu.memory_space<vmem>>
    %dma_start3A_116 = arith.constant 0 : i32
    %dma_start3A_117 = arith.constant 0 : i32
    %dma_start3A_118 = tpu.memref_slice %arg2[%dma_start3A_116, %dma_start3A_117] : memref<10240x32xf32, #tpu.memory_space<hbm>> -> memref<10240x32xf32, #tpu.memory_space<hbm>>
    tpu.enqueue_indirect_dma source(%dma_start3A_118 : memref<10240x32xf32, #tpu.memory_space<hbm>>) target(%dma_start3A_112 : memref<128x32xf32, #tpu.memory_space<vmem>>) offsets(%dma_start3A_115 : memref<128xi32, #tpu.memory_space<vmem>>) semaphore(%arg14 : memref<!tpu.dma_semaphore, #tpu.memory_space<semaphore_mem>>)
    %dma_start3A_119 = arith.constant 3 : i32
    %dma_start3A_120 = arith.constant 3 : i32
    %dma_start3A_121 = arith.constant 0 : i32
    %dma_start3A_122 = arith.constant 0 : i32
    %dma_start3A_123 = tpu.memref_slice %arg12[%dma_start3A_120, %dma_start3A_121, %dma_start3A_122] : memref<6x128x32xf32, #tpu.memory_space<vmem>> -> memref<1x128x32xf32, #tpu.memory_space<vmem>>
    %dma_start3A_124 = tpu.memref_squeeze %dma_start3A_123 : memref<1x128x32xf32, #tpu.memory_space<vmem>> -> memref<128x32xf32, #tpu.memory_space<vmem>>
    %dma_start3A_125 = arith.constant 0 : i32
    %dma_start3A_126 = tpu.memref_slice %arg8[%dma_start3A_119, %dma_start3A_125] : memref<6x128xi32, #tpu.memory_space<vmem>> -> memref<1x128xi32, #tpu.memory_space<vmem>>
    %dma_start3A_127 = tpu.memref_squeeze %dma_start3A_126 : memref<1x128xi32, #tpu.memory_space<vmem>> -> memref<128xi32, #tpu.memory_space<vmem>>
    %dma_start3A_128 = arith.constant 0 : i32
    %dma_start3A_129 = arith.constant 0 : i32
    %dma_start3A_130 = tpu.memref_slice %arg2[%dma_start3A_128, %dma_start3A_129] : memref<10240x32xf32, #tpu.memory_space<hbm>> -> memref<10240x32xf32, #tpu.memory_space<hbm>>
    tpu.enqueue_indirect_dma source(%dma_start3A_130 : memref<10240x32xf32, #tpu.memory_space<hbm>>) target(%dma_start3A_124 : memref<128x32xf32, #tpu.memory_space<vmem>>) offsets(%dma_start3A_127 : memref<128xi32, #tpu.memory_space<vmem>>) semaphore(%arg14 : memref<!tpu.dma_semaphore, #tpu.memory_space<semaphore_mem>>)
    %dma_start3A_131 = arith.constant 4 : i32
    %dma_start3A_132 = arith.constant 4 : i32
    %dma_start3A_133 = arith.constant 0 : i32
    %dma_start3A_134 = arith.constant 0 : i32
    %dma_start3A_135 = tpu.memref_slice %arg12[%dma_start3A_132, %dma_start3A_133, %dma_start3A_134] : memref<6x128x32xf32, #tpu.memory_space<vmem>> -> memref<1x128x32xf32, #tpu.memory_space<vmem>>
    %dma_start3A_136 = tpu.memref_squeeze %dma_start3A_135 : memref<1x128x32xf32, #tpu.memory_space<vmem>> -> memref<128x32xf32, #tpu.memory_space<vmem>>
    %dma_start3A_137 = arith.constant 0 : i32
    %dma_start3A_138 = tpu.memref_slice %arg8[%dma_start3A_131, %dma_start3A_137] : memref<6x128xi32, #tpu.memory_space<vmem>> -> memref<1x128xi32, #tpu.memory_space<vmem>>
    %dma_start3A_139 = tpu.memref_squeeze %dma_start3A_138 : memref<1x128xi32, #tpu.memory_space<vmem>> -> memref<128xi32, #tpu.memory_space<vmem>>
    %dma_start3A_140 = arith.constant 0 : i32
    %dma_start3A_141 = arith.constant 0 : i32
    %dma_start3A_142 = tpu.memref_slice %arg2[%dma_start3A_140, %dma_start3A_141] : memref<10240x32xf32, #tpu.memory_space<hbm>> -> memref<10240x32xf32, #tpu.memory_space<hbm>>
    tpu.enqueue_indirect_dma source(%dma_start3A_142 : memref<10240x32xf32, #tpu.memory_space<hbm>>) target(%dma_start3A_136 : memref<128x32xf32, #tpu.memory_space<vmem>>) offsets(%dma_start3A_139 : memref<128xi32, #tpu.memory_space<vmem>>) semaphore(%arg14 : memref<!tpu.dma_semaphore, #tpu.memory_space<semaphore_mem>>)
    %dma_start3A_143 = arith.constant 5 : i32
    %dma_start3A_144 = arith.constant 5 : i32
    %dma_start3A_145 = arith.constant 0 : i32
    %dma_start3A_146 = arith.constant 0 : i32
    %dma_start3A_147 = tpu.memref_slice %arg12[%dma_start3A_144, %dma_start3A_145, %dma_start3A_146] : memref<6x128x32xf32, #tpu.memory_space<vmem>> -> memref<1x128x32xf32, #tpu.memory_space<vmem>>
    %dma_start3A_148 = tpu.memref_squeeze %dma_start3A_147 : memref<1x128x32xf32, #tpu.memory_space<vmem>> -> memref<128x32xf32, #tpu.memory_space<vmem>>
    %dma_start3A_149 = arith.constant 0 : i32
    %dma_start3A_150 = tpu.memref_slice %arg8[%dma_start3A_143, %dma_start3A_149] : memref<6x128xi32, #tpu.memory_space<vmem>> -> memref<1x128xi32, #tpu.memory_space<vmem>>
    %dma_start3A_151 = tpu.memref_squeeze %dma_start3A_150 : memref<1x128xi32, #tpu.memory_space<vmem>> -> memref<128xi32, #tpu.memory_space<vmem>>
    %dma_start3A_152 = arith.constant 0 : i32
    %dma_start3A_153 = arith.constant 0 : i32
    %dma_start3A_154 = tpu.memref_slice %arg2[%dma_start3A_152, %dma_start3A_153] : memref<10240x32xf32, #tpu.memory_space<hbm>> -> memref<10240x32xf32, #tpu.memory_space<hbm>>
    tpu.enqueue_indirect_dma source(%dma_start3A_154 : memref<10240x32xf32, #tpu.memory_space<hbm>>) target(%dma_start3A_148 : memref<128x32xf32, #tpu.memory_space<vmem>>) offsets(%dma_start3A_151 : memref<128xi32, #tpu.memory_space<vmem>>) semaphore(%arg14 : memref<!tpu.dma_semaphore, #tpu.memory_space<semaphore_mem>>)
    %scan3A = arith.constant 0 : i32
    %scan3A_155 = arith.constant 0 : i32
    %scan3A_156 = arith.constant 5 : i32
    %scan3A_157 = arith.addi %scan3A_155, %scan3A_156 : i32
    %scan3A_158 = arith.constant 1 : i32
    scf.for %scan3A_886 = %scan3A_155 to %scan3A_157 step %scan3A_158  : i32 {
      %dma_wait3A_887 = arith.constant 0 : i32
      %dma_wait3A_888 = arith.constant 0 : i32
      %dma_wait3A_889 = arith.constant 0 : i32
      %dma_wait3A_890 = arith.constant 0 : i32
      %dma_wait3A_891 = tpu.memref_slice %arg11[%dma_wait3A_888, %dma_wait3A_889, %dma_wait3A_890] : memref<6x128x32xf32, #tpu.memory_space<vmem>> -> memref<1x128x32xf32, #tpu.memory_space<vmem>>
      %dma_wait3A_892 = tpu.memref_squeeze %dma_wait3A_891 : memref<1x128x32xf32, #tpu.memory_space<vmem>> -> memref<128x32xf32, #tpu.memory_space<vmem>>
      %dma_wait3A_893 = arith.constant 0 : i32
      %dma_wait3A_894 = tpu.memref_slice %arg7[%dma_wait3A_887, %dma_wait3A_893] : memref<6x128xi32, #tpu.memory_space<vmem>> -> memref<1x128xi32, #tpu.memory_space<vmem>>
      %dma_wait3A_895 = tpu.memref_squeeze %dma_wait3A_894 : memref<1x128xi32, #tpu.memory_space<vmem>> -> memref<128xi32, #tpu.memory_space<vmem>>
      %dma_wait3A_896 = arith.constant 0 : i32
      %dma_wait3A_897 = arith.constant 0 : i32
      %dma_wait3A_898 = tpu.memref_slice %arg2[%dma_wait3A_896, %dma_wait3A_897] : memref<10240x32xf32, #tpu.memory_space<hbm>> -> memref<10240x32xf32, #tpu.memory_space<hbm>>
      tpu.wait_indirect_dma semaphore(%arg13 : memref<!tpu.dma_semaphore, #tpu.memory_space<semaphore_mem>>) src(%dma_wait3A_898 : memref<10240x32xf32, #tpu.memory_space<hbm>>) dst(%dma_wait3A_892 : memref<128x32xf32, #tpu.memory_space<vmem>>)
      %dma_wait3A_899 = arith.constant 1 : i32
      %dma_wait3A_900 = arith.constant 1 : i32
      %dma_wait3A_901 = arith.constant 0 : i32
      %dma_wait3A_902 = arith.constant 0 : i32
      %dma_wait3A_903 = tpu.memref_slice %arg11[%dma_wait3A_900, %dma_wait3A_901, %dma_wait3A_902] : memref<6x128x32xf32, #tpu.memory_space<vmem>> -> memref<1x128x32xf32, #tpu.memory_space<vmem>>
      %dma_wait3A_904 = tpu.memref_squeeze %dma_wait3A_903 : memref<1x128x32xf32, #tpu.memory_space<vmem>> -> memref<128x32xf32, #tpu.memory_space<vmem>>
      %dma_wait3A_905 = arith.constant 0 : i32
      %dma_wait3A_906 = tpu.memref_slice %arg7[%dma_wait3A_899, %dma_wait3A_905] : memref<6x128xi32, #tpu.memory_space<vmem>> -> memref<1x128xi32, #tpu.memory_space<vmem>>
      %dma_wait3A_907 = tpu.memref_squeeze %dma_wait3A_906 : memref<1x128xi32, #tpu.memory_space<vmem>> -> memref<128xi32, #tpu.memory_space<vmem>>
      %dma_wait3A_908 = arith.constant 0 : i32
      %dma_wait3A_909 = arith.constant 0 : i32
      %dma_wait3A_910 = tpu.memref_slice %arg2[%dma_wait3A_908, %dma_wait3A_909] : memref<10240x32xf32, #tpu.memory_space<hbm>> -> memref<10240x32xf32, #tpu.memory_space<hbm>>
      tpu.wait_indirect_dma semaphore(%arg13 : memref<!tpu.dma_semaphore, #tpu.memory_space<semaphore_mem>>) src(%dma_wait3A_910 : memref<10240x32xf32, #tpu.memory_space<hbm>>) dst(%dma_wait3A_904 : memref<128x32xf32, #tpu.memory_space<vmem>>)
      %dma_wait3A_911 = arith.constant 2 : i32
      %dma_wait3A_912 = arith.constant 2 : i32
      %dma_wait3A_913 = arith.constant 0 : i32
      %dma_wait3A_914 = arith.constant 0 : i32
      %dma_wait3A_915 = tpu.memref_slice %arg11[%dma_wait3A_912, %dma_wait3A_913, %dma_wait3A_914] : memref<6x128x32xf32, #tpu.memory_space<vmem>> -> memref<1x128x32xf32, #tpu.memory_space<vmem>>
      %dma_wait3A_916 = tpu.memref_squeeze %dma_wait3A_915 : memref<1x128x32xf32, #tpu.memory_space<vmem>> -> memref<128x32xf32, #tpu.memory_space<vmem>>
      %dma_wait3A_917 = arith.constant 0 : i32
      %dma_wait3A_918 = tpu.memref_slice %arg7[%dma_wait3A_911, %dma_wait3A_917] : memref<6x128xi32, #tpu.memory_space<vmem>> -> memref<1x128xi32, #tpu.memory_space<vmem>>
      %dma_wait3A_919 = tpu.memref_squeeze %dma_wait3A_918 : memref<1x128xi32, #tpu.memory_space<vmem>> -> memref<128xi32, #tpu.memory_space<vmem>>
      %dma_wait3A_920 = arith.constant 0 : i32
      %dma_wait3A_921 = arith.constant 0 : i32
      %dma_wait3A_922 = tpu.memref_slice %arg2[%dma_wait3A_920, %dma_wait3A_921] : memref<10240x32xf32, #tpu.memory_space<hbm>> -> memref<10240x32xf32, #tpu.memory_space<hbm>>
      tpu.wait_indirect_dma semaphore(%arg13 : memref<!tpu.dma_semaphore, #tpu.memory_space<semaphore_mem>>) src(%dma_wait3A_922 : memref<10240x32xf32, #tpu.memory_space<hbm>>) dst(%dma_wait3A_916 : memref<128x32xf32, #tpu.memory_space<vmem>>)
      %dma_wait3A_923 = arith.constant 3 : i32
      %dma_wait3A_924 = arith.constant 3 : i32
      %dma_wait3A_925 = arith.constant 0 : i32
      %dma_wait3A_926 = arith.constant 0 : i32
      %dma_wait3A_927 = tpu.memref_slice %arg11[%dma_wait3A_924, %dma_wait3A_925, %dma_wait3A_926] : memref<6x128x32xf32, #tpu.memory_space<vmem>> -> memref<1x128x32xf32, #tpu.memory_space<vmem>>
      %dma_wait3A_928 = tpu.memref_squeeze %dma_wait3A_927 : memref<1x128x32xf32, #tpu.memory_space<vmem>> -> memref<128x32xf32, #tpu.memory_space<vmem>>
      %dma_wait3A_929 = arith.constant 0 : i32
      %dma_wait3A_930 = tpu.memref_slice %arg7[%dma_wait3A_923, %dma_wait3A_929] : memref<6x128xi32, #tpu.memory_space<vmem>> -> memref<1x128xi32, #tpu.memory_space<vmem>>
      %dma_wait3A_931 = tpu.memref_squeeze %dma_wait3A_930 : memref<1x128xi32, #tpu.memory_space<vmem>> -> memref<128xi32, #tpu.memory_space<vmem>>
      %dma_wait3A_932 = arith.constant 0 : i32
      %dma_wait3A_933 = arith.constant 0 : i32
      %dma_wait3A_934 = tpu.memref_slice %arg2[%dma_wait3A_932, %dma_wait3A_933] : memref<10240x32xf32, #tpu.memory_space<hbm>> -> memref<10240x32xf32, #tpu.memory_space<hbm>>
      tpu.wait_indirect_dma semaphore(%arg13 : memref<!tpu.dma_semaphore, #tpu.memory_space<semaphore_mem>>) src(%dma_wait3A_934 : memref<10240x32xf32, #tpu.memory_space<hbm>>) dst(%dma_wait3A_928 : memref<128x32xf32, #tpu.memory_space<vmem>>)
      %dma_wait3A_935 = arith.constant 4 : i32
      %dma_wait3A_936 = arith.constant 4 : i32
      %dma_wait3A_937 = arith.constant 0 : i32
      %dma_wait3A_938 = arith.constant 0 : i32
      %dma_wait3A_939 = tpu.memref_slice %arg11[%dma_wait3A_936, %dma_wait3A_937, %dma_wait3A_938] : memref<6x128x32xf32, #tpu.memory_space<vmem>> -> memref<1x128x32xf32, #tpu.memory_space<vmem>>
      %dma_wait3A_940 = tpu.memref_squeeze %dma_wait3A_939 : memref<1x128x32xf32, #tpu.memory_space<vmem>> -> memref<128x32xf32, #tpu.memory_space<vmem>>
      %dma_wait3A_941 = arith.constant 0 : i32
      %dma_wait3A_942 = tpu.memref_slice %arg7[%dma_wait3A_935, %dma_wait3A_941] : memref<6x128xi32, #tpu.memory_space<vmem>> -> memref<1x128xi32, #tpu.memory_space<vmem>>
      %dma_wait3A_943 = tpu.memref_squeeze %dma_wait3A_942 : memref<1x128xi32, #tpu.memory_space<vmem>> -> memref<128xi32, #tpu.memory_space<vmem>>
      %dma_wait3A_944 = arith.constant 0 : i32
      %dma_wait3A_945 = arith.constant 0 : i32
      %dma_wait3A_946 = tpu.memref_slice %arg2[%dma_wait3A_944, %dma_wait3A_945] : memref<10240x32xf32, #tpu.memory_space<hbm>> -> memref<10240x32xf32, #tpu.memory_space<hbm>>
      tpu.wait_indirect_dma semaphore(%arg13 : memref<!tpu.dma_semaphore, #tpu.memory_space<semaphore_mem>>) src(%dma_wait3A_946 : memref<10240x32xf32, #tpu.memory_space<hbm>>) dst(%dma_wait3A_940 : memref<128x32xf32, #tpu.memory_space<vmem>>)
      %dma_wait3A_947 = arith.constant 5 : i32
      %dma_wait3A_948 = arith.constant 5 : i32
      %dma_wait3A_949 = arith.constant 0 : i32
      %dma_wait3A_950 = arith.constant 0 : i32
      %dma_wait3A_951 = tpu.memref_slice %arg11[%dma_wait3A_948, %dma_wait3A_949, %dma_wait3A_950] : memref<6x128x32xf32, #tpu.memory_space<vmem>> -> memref<1x128x32xf32, #tpu.memory_space<vmem>>
      %dma_wait3A_952 = tpu.memref_squeeze %dma_wait3A_951 : memref<1x128x32xf32, #tpu.memory_space<vmem>> -> memref<128x32xf32, #tpu.memory_space<vmem>>
      %dma_wait3A_953 = arith.constant 0 : i32
      %dma_wait3A_954 = tpu.memref_slice %arg7[%dma_wait3A_947, %dma_wait3A_953] : memref<6x128xi32, #tpu.memory_space<vmem>> -> memref<1x128xi32, #tpu.memory_space<vmem>>
      %dma_wait3A_955 = tpu.memref_squeeze %dma_wait3A_954 : memref<1x128xi32, #tpu.memory_space<vmem>> -> memref<128xi32, #tpu.memory_space<vmem>>
      %dma_wait3A_956 = arith.constant 0 : i32
      %dma_wait3A_957 = arith.constant 0 : i32
      %dma_wait3A_958 = tpu.memref_slice %arg2[%dma_wait3A_956, %dma_wait3A_957] : memref<10240x32xf32, #tpu.memory_space<hbm>> -> memref<10240x32xf32, #tpu.memory_space<hbm>>
      tpu.wait_indirect_dma semaphore(%arg13 : memref<!tpu.dma_semaphore, #tpu.memory_space<semaphore_mem>>) src(%dma_wait3A_958 : memref<10240x32xf32, #tpu.memory_space<hbm>>) dst(%dma_wait3A_952 : memref<128x32xf32, #tpu.memory_space<vmem>>)
      %dma_start3A_959 = arith.constant 0 : i32
      %dma_start3A_960 = arith.constant 0 : i32
      %dma_start3A_961 = arith.constant 0 : i32
      %dma_start3A_962 = arith.constant 0 : i32
      %dma_start3A_963 = tpu.memref_slice %arg11[%dma_start3A_959, %dma_start3A_961, %dma_start3A_962] : memref<6x128x32xf32, #tpu.memory_space<vmem>> -> memref<1x128x32xf32, #tpu.memory_space<vmem>>
      %dma_start3A_964 = tpu.memref_squeeze %dma_start3A_963 : memref<1x128x32xf32, #tpu.memory_space<vmem>> -> memref<128x32xf32, #tpu.memory_space<vmem>>
      %dma_start3A_965 = arith.constant 0 : i32
      %dma_start3A_966 = tpu.memref_slice %arg9[%dma_start3A_960, %dma_start3A_965] : memref<6x128xi32, #tpu.memory_space<vmem>> -> memref<1x128xi32, #tpu.memory_space<vmem>>
      %dma_start3A_967 = tpu.memref_squeeze %dma_start3A_966 : memref<1x128xi32, #tpu.memory_space<vmem>> -> memref<128xi32, #tpu.memory_space<vmem>>
      %dma_start3A_968 = arith.constant 0 : i32
      %dma_start3A_969 = arith.constant 0 : i32
      %dma_start3A_970 = tpu.memref_slice %arg6[%dma_start3A_968, %dma_start3A_969] : memref<10240x32xf32, #tpu.memory_space<vmem_shared>> -> memref<10240x32xf32, #tpu.memory_space<vmem_shared>>
      tpu.enqueue_indirect_dma source(%dma_start3A_964 : memref<128x32xf32, #tpu.memory_space<vmem>>) target(%dma_start3A_970 : memref<10240x32xf32, #tpu.memory_space<vmem_shared>>) offsets(%dma_start3A_967 : memref<128xi32, #tpu.memory_space<vmem>>) semaphore(%arg15 : memref<!tpu.dma_semaphore, #tpu.memory_space<semaphore_mem>>) {add = true}
      %dma_start3A_971 = arith.constant 1 : i32
      %dma_start3A_972 = arith.constant 1 : i32
      %dma_start3A_973 = arith.constant 0 : i32
      %dma_start3A_974 = arith.constant 0 : i32
      %dma_start3A_975 = tpu.memref_slice %arg11[%dma_start3A_971, %dma_start3A_973, %dma_start3A_974] : memref<6x128x32xf32, #tpu.memory_space<vmem>> -> memref<1x128x32xf32, #tpu.memory_space<vmem>>
      %dma_start3A_976 = tpu.memref_squeeze %dma_start3A_975 : memref<1x128x32xf32, #tpu.memory_space<vmem>> -> memref<128x32xf32, #tpu.memory_space<vmem>>
      %dma_start3A_977 = arith.constant 0 : i32
      %dma_start3A_978 = tpu.memref_slice %arg9[%dma_start3A_972, %dma_start3A_977] : memref<6x128xi32, #tpu.memory_space<vmem>> -> memref<1x128xi32, #tpu.memory_space<vmem>>
      %dma_start3A_979 = tpu.memref_squeeze %dma_start3A_978 : memref<1x128xi32, #tpu.memory_space<vmem>> -> memref<128xi32, #tpu.memory_space<vmem>>
      %dma_start3A_980 = arith.constant 0 : i32
      %dma_start3A_981 = arith.constant 0 : i32
      %dma_start3A_982 = tpu.memref_slice %arg6[%dma_start3A_980, %dma_start3A_981] : memref<10240x32xf32, #tpu.memory_space<vmem_shared>> -> memref<10240x32xf32, #tpu.memory_space<vmem_shared>>
      tpu.enqueue_indirect_dma source(%dma_start3A_976 : memref<128x32xf32, #tpu.memory_space<vmem>>) target(%dma_start3A_982 : memref<10240x32xf32, #tpu.memory_space<vmem_shared>>) offsets(%dma_start3A_979 : memref<128xi32, #tpu.memory_space<vmem>>) semaphore(%arg15 : memref<!tpu.dma_semaphore, #tpu.memory_space<semaphore_mem>>) {add = true}
      %dma_start3A_983 = arith.constant 2 : i32
      %dma_start3A_984 = arith.constant 2 : i32
      %dma_start3A_985 = arith.constant 0 : i32
      %dma_start3A_986 = arith.constant 0 : i32
      %dma_start3A_987 = tpu.memref_slice %arg11[%dma_start3A_983, %dma_start3A_985, %dma_start3A_986] : memref<6x128x32xf32, #tpu.memory_space<vmem>> -> memref<1x128x32xf32, #tpu.memory_space<vmem>>
      %dma_start3A_988 = tpu.memref_squeeze %dma_start3A_987 : memref<1x128x32xf32, #tpu.memory_space<vmem>> -> memref<128x32xf32, #tpu.memory_space<vmem>>
      %dma_start3A_989 = arith.constant 0 : i32
      %dma_start3A_990 = tpu.memref_slice %arg9[%dma_start3A_984, %dma_start3A_989] : memref<6x128xi32, #tpu.memory_space<vmem>> -> memref<1x128xi32, #tpu.memory_space<vmem>>
      %dma_start3A_991 = tpu.memref_squeeze %dma_start3A_990 : memref<1x128xi32, #tpu.memory_space<vmem>> -> memref<128xi32, #tpu.memory_space<vmem>>
      %dma_start3A_992 = arith.constant 0 : i32
      %dma_start3A_993 = arith.constant 0 : i32
      %dma_start3A_994 = tpu.memref_slice %arg6[%dma_start3A_992, %dma_start3A_993] : memref<10240x32xf32, #tpu.memory_space<vmem_shared>> -> memref<10240x32xf32, #tpu.memory_space<vmem_shared>>
      tpu.enqueue_indirect_dma source(%dma_start3A_988 : memref<128x32xf32, #tpu.memory_space<vmem>>) target(%dma_start3A_994 : memref<10240x32xf32, #tpu.memory_space<vmem_shared>>) offsets(%dma_start3A_991 : memref<128xi32, #tpu.memory_space<vmem>>) semaphore(%arg15 : memref<!tpu.dma_semaphore, #tpu.memory_space<semaphore_mem>>) {add = true}
      %dma_start3A_995 = arith.constant 3 : i32
      %dma_start3A_996 = arith.constant 3 : i32
      %dma_start3A_997 = arith.constant 0 : i32
      %dma_start3A_998 = arith.constant 0 : i32
      %dma_start3A_999 = tpu.memref_slice %arg11[%dma_start3A_995, %dma_start3A_997, %dma_start3A_998] : memref<6x128x32xf32, #tpu.memory_space<vmem>> -> memref<1x128x32xf32, #tpu.memory_space<vmem>>
      %dma_start3A_1000 = tpu.memref_squeeze %dma_start3A_999 : memref<1x128x32xf32, #tpu.memory_space<vmem>> -> memref<128x32xf32, #tpu.memory_space<vmem>>
      %dma_start3A_1001 = arith.constant 0 : i32
      %dma_start3A_1002 = tpu.memref_slice %arg9[%dma_start3A_996, %dma_start3A_1001] : memref<6x128xi32, #tpu.memory_space<vmem>> -> memref<1x128xi32, #tpu.memory_space<vmem>>
      %dma_start3A_1003 = tpu.memref_squeeze %dma_start3A_1002 : memref<1x128xi32, #tpu.memory_space<vmem>> -> memref<128xi32, #tpu.memory_space<vmem>>
      %dma_start3A_1004 = arith.constant 0 : i32
      %dma_start3A_1005 = arith.constant 0 : i32
      %dma_start3A_1006 = tpu.memref_slice %arg6[%dma_start3A_1004, %dma_start3A_1005] : memref<10240x32xf32, #tpu.memory_space<vmem_shared>> -> memref<10240x32xf32, #tpu.memory_space<vmem_shared>>
      tpu.enqueue_indirect_dma source(%dma_start3A_1000 : memref<128x32xf32, #tpu.memory_space<vmem>>) target(%dma_start3A_1006 : memref<10240x32xf32, #tpu.memory_space<vmem_shared>>) offsets(%dma_start3A_1003 : memref<128xi32, #tpu.memory_space<vmem>>) semaphore(%arg15 : memref<!tpu.dma_semaphore, #tpu.memory_space<semaphore_mem>>) {add = true}
      %dma_start3A_1007 = arith.constant 4 : i32
      %dma_start3A_1008 = arith.constant 4 : i32
      %dma_start3A_1009 = arith.constant 0 : i32
      %dma_start3A_1010 = arith.constant 0 : i32
      %dma_start3A_1011 = tpu.memref_slice %arg11[%dma_start3A_1007, %dma_start3A_1009, %dma_start3A_1010] : memref<6x128x32xf32, #tpu.memory_space<vmem>> -> memref<1x128x32xf32, #tpu.memory_space<vmem>>
      %dma_start3A_1012 = tpu.memref_squeeze %dma_start3A_1011 : memref<1x128x32xf32, #tpu.memory_space<vmem>> -> memref<128x32xf32, #tpu.memory_space<vmem>>
      %dma_start3A_1013 = arith.constant 0 : i32
      %dma_start3A_1014 = tpu.memref_slice %arg9[%dma_start3A_1008, %dma_start3A_1013] : memref<6x128xi32, #tpu.memory_space<vmem>> -> memref<1x128xi32, #tpu.memory_space<vmem>>
      %dma_start3A_1015 = tpu.memref_squeeze %dma_start3A_1014 : memref<1x128xi32, #tpu.memory_space<vmem>> -> memref<128xi32, #tpu.memory_space<vmem>>
      %dma_start3A_1016 = arith.constant 0 : i32
      %dma_start3A_1017 = arith.constant 0 : i32
      %dma_start3A_1018 = tpu.memref_slice %arg6[%dma_start3A_1016, %dma_start3A_1017] : memref<10240x32xf32, #tpu.memory_space<vmem_shared>> -> memref<10240x32xf32, #tpu.memory_space<vmem_shared>>
      tpu.enqueue_indirect_dma source(%dma_start3A_1012 : memref<128x32xf32, #tpu.memory_space<vmem>>) target(%dma_start3A_1018 : memref<10240x32xf32, #tpu.memory_space<vmem_shared>>) offsets(%dma_start3A_1015 : memref<128xi32, #tpu.memory_space<vmem>>) semaphore(%arg15 : memref<!tpu.dma_semaphore, #tpu.memory_space<semaphore_mem>>) {add = true}
      %dma_start3A_1019 = arith.constant 5 : i32
      %dma_start3A_1020 = arith.constant 5 : i32
      %dma_start3A_1021 = arith.constant 0 : i32
      %dma_start3A_1022 = arith.constant 0 : i32
      %dma_start3A_1023 = tpu.memref_slice %arg11[%dma_start3A_1019, %dma_start3A_1021, %dma_start3A_1022] : memref<6x128x32xf32, #tpu.memory_space<vmem>> -> memref<1x128x32xf32, #tpu.memory_space<vmem>>
      %dma_start3A_1024 = tpu.memref_squeeze %dma_start3A_1023 : memref<1x128x32xf32, #tpu.memory_space<vmem>> -> memref<128x32xf32, #tpu.memory_space<vmem>>
      %dma_start3A_1025 = arith.constant 0 : i32
      %dma_start3A_1026 = tpu.memref_slice %arg9[%dma_start3A_1020, %dma_start3A_1025] : memref<6x128xi32, #tpu.memory_space<vmem>> -> memref<1x128xi32, #tpu.memory_space<vmem>>
      %dma_start3A_1027 = tpu.memref_squeeze %dma_start3A_1026 : memref<1x128xi32, #tpu.memory_space<vmem>> -> memref<128xi32, #tpu.memory_space<vmem>>
      %dma_start3A_1028 = arith.constant 0 : i32
      %dma_start3A_1029 = arith.constant 0 : i32
      %dma_start3A_1030 = tpu.memref_slice %arg6[%dma_start3A_1028, %dma_start3A_1029] : memref<10240x32xf32, #tpu.memory_space<vmem_shared>> -> memref<10240x32xf32, #tpu.memory_space<vmem_shared>>
      tpu.enqueue_indirect_dma source(%dma_start3A_1024 : memref<128x32xf32, #tpu.memory_space<vmem>>) target(%dma_start3A_1030 : memref<10240x32xf32, #tpu.memory_space<vmem_shared>>) offsets(%dma_start3A_1027 : memref<128xi32, #tpu.memory_space<vmem>>) semaphore(%arg15 : memref<!tpu.dma_semaphore, #tpu.memory_space<semaphore_mem>>) {add = true}
      %dma_wait3A_1031 = arith.constant 0 : i32
      %dma_wait3A_1032 = arith.constant 0 : i32
      %dma_wait3A_1033 = arith.constant 0 : i32
      %dma_wait3A_1034 = arith.constant 0 : i32
      %dma_wait3A_1035 = tpu.memref_slice %arg12[%dma_wait3A_1032, %dma_wait3A_1033, %dma_wait3A_1034] : memref<6x128x32xf32, #tpu.memory_space<vmem>> -> memref<1x128x32xf32, #tpu.memory_space<vmem>>
      %dma_wait3A_1036 = tpu.memref_squeeze %dma_wait3A_1035 : memref<1x128x32xf32, #tpu.memory_space<vmem>> -> memref<128x32xf32, #tpu.memory_space<vmem>>
      %dma_wait3A_1037 = arith.constant 0 : i32
      %dma_wait3A_1038 = tpu.memref_slice %arg8[%dma_wait3A_1031, %dma_wait3A_1037] : memref<6x128xi32, #tpu.memory_space<vmem>> -> memref<1x128xi32, #tpu.memory_space<vmem>>
      %dma_wait3A_1039 = tpu.memref_squeeze %dma_wait3A_1038 : memref<1x128xi32, #tpu.memory_space<vmem>> -> memref<128xi32, #tpu.memory_space<vmem>>
      %dma_wait3A_1040 = arith.constant 0 : i32
      %dma_wait3A_1041 = arith.constant 0 : i32
      %dma_wait3A_1042 = tpu.memref_slice %arg2[%dma_wait3A_1040, %dma_wait3A_1041] : memref<10240x32xf32, #tpu.memory_space<hbm>> -> memref<10240x32xf32, #tpu.memory_space<hbm>>
      tpu.wait_indirect_dma semaphore(%arg14 : memref<!tpu.dma_semaphore, #tpu.memory_space<semaphore_mem>>) src(%dma_wait3A_1042 : memref<10240x32xf32, #tpu.memory_space<hbm>>) dst(%dma_wait3A_1036 : memref<128x32xf32, #tpu.memory_space<vmem>>)
      %dma_wait3A_1043 = arith.constant 1 : i32
      %dma_wait3A_1044 = arith.constant 1 : i32
      %dma_wait3A_1045 = arith.constant 0 : i32
      %dma_wait3A_1046 = arith.constant 0 : i32
      %dma_wait3A_1047 = tpu.memref_slice %arg12[%dma_wait3A_1044, %dma_wait3A_1045, %dma_wait3A_1046] : memref<6x128x32xf32, #tpu.memory_space<vmem>> -> memref<1x128x32xf32, #tpu.memory_space<vmem>>
      %dma_wait3A_1048 = tpu.memref_squeeze %dma_wait3A_1047 : memref<1x128x32xf32, #tpu.memory_space<vmem>> -> memref<128x32xf32, #tpu.memory_space<vmem>>
      %dma_wait3A_1049 = arith.constant 0 : i32
      %dma_wait3A_1050 = tpu.memref_slice %arg8[%dma_wait3A_1043, %dma_wait3A_1049] : memref<6x128xi32, #tpu.memory_space<vmem>> -> memref<1x128xi32, #tpu.memory_space<vmem>>
      %dma_wait3A_1051 = tpu.memref_squeeze %dma_wait3A_1050 : memref<1x128xi32, #tpu.memory_space<vmem>> -> memref<128xi32, #tpu.memory_space<vmem>>
      %dma_wait3A_1052 = arith.constant 0 : i32
      %dma_wait3A_1053 = arith.constant 0 : i32
      %dma_wait3A_1054 = tpu.memref_slice %arg2[%dma_wait3A_1052, %dma_wait3A_1053] : memref<10240x32xf32, #tpu.memory_space<hbm>> -> memref<10240x32xf32, #tpu.memory_space<hbm>>
      tpu.wait_indirect_dma semaphore(%arg14 : memref<!tpu.dma_semaphore, #tpu.memory_space<semaphore_mem>>) src(%dma_wait3A_1054 : memref<10240x32xf32, #tpu.memory_space<hbm>>) dst(%dma_wait3A_1048 : memref<128x32xf32, #tpu.memory_space<vmem>>)
      %dma_wait3A_1055 = arith.constant 2 : i32
      %dma_wait3A_1056 = arith.constant 2 : i32
      %dma_wait3A_1057 = arith.constant 0 : i32
      %dma_wait3A_1058 = arith.constant 0 : i32
      %dma_wait3A_1059 = tpu.memref_slice %arg12[%dma_wait3A_1056, %dma_wait3A_1057, %dma_wait3A_1058] : memref<6x128x32xf32, #tpu.memory_space<vmem>> -> memref<1x128x32xf32, #tpu.memory_space<vmem>>
      %dma_wait3A_1060 = tpu.memref_squeeze %dma_wait3A_1059 : memref<1x128x32xf32, #tpu.memory_space<vmem>> -> memref<128x32xf32, #tpu.memory_space<vmem>>
      %dma_wait3A_1061 = arith.constant 0 : i32
      %dma_wait3A_1062 = tpu.memref_slice %arg8[%dma_wait3A_1055, %dma_wait3A_1061] : memref<6x128xi32, #tpu.memory_space<vmem>> -> memref<1x128xi32, #tpu.memory_space<vmem>>
      %dma_wait3A_1063 = tpu.memref_squeeze %dma_wait3A_1062 : memref<1x128xi32, #tpu.memory_space<vmem>> -> memref<128xi32, #tpu.memory_space<vmem>>
      %dma_wait3A_1064 = arith.constant 0 : i32
      %dma_wait3A_1065 = arith.constant 0 : i32
      %dma_wait3A_1066 = tpu.memref_slice %arg2[%dma_wait3A_1064, %dma_wait3A_1065] : memref<10240x32xf32, #tpu.memory_space<hbm>> -> memref<10240x32xf32, #tpu.memory_space<hbm>>
      tpu.wait_indirect_dma semaphore(%arg14 : memref<!tpu.dma_semaphore, #tpu.memory_space<semaphore_mem>>) src(%dma_wait3A_1066 : memref<10240x32xf32, #tpu.memory_space<hbm>>) dst(%dma_wait3A_1060 : memref<128x32xf32, #tpu.memory_space<vmem>>)
      %dma_wait3A_1067 = arith.constant 3 : i32
      %dma_wait3A_1068 = arith.constant 3 : i32
      %dma_wait3A_1069 = arith.constant 0 : i32
      %dma_wait3A_1070 = arith.constant 0 : i32
      %dma_wait3A_1071 = tpu.memref_slice %arg12[%dma_wait3A_1068, %dma_wait3A_1069, %dma_wait3A_1070] : memref<6x128x32xf32, #tpu.memory_space<vmem>> -> memref<1x128x32xf32, #tpu.memory_space<vmem>>
      %dma_wait3A_1072 = tpu.memref_squeeze %dma_wait3A_1071 : memref<1x128x32xf32, #tpu.memory_space<vmem>> -> memref<128x32xf32, #tpu.memory_space<vmem>>
      %dma_wait3A_1073 = arith.constant 0 : i32
      %dma_wait3A_1074 = tpu.memref_slice %arg8[%dma_wait3A_1067, %dma_wait3A_1073] : memref<6x128xi32, #tpu.memory_space<vmem>> -> memref<1x128xi32, #tpu.memory_space<vmem>>
      %dma_wait3A_1075 = tpu.memref_squeeze %dma_wait3A_1074 : memref<1x128xi32, #tpu.memory_space<vmem>> -> memref<128xi32, #tpu.memory_space<vmem>>
      %dma_wait3A_1076 = arith.constant 0 : i32
      %dma_wait3A_1077 = arith.constant 0 : i32
      %dma_wait3A_1078 = tpu.memref_slice %arg2[%dma_wait3A_1076, %dma_wait3A_1077] : memref<10240x32xf32, #tpu.memory_space<hbm>> -> memref<10240x32xf32, #tpu.memory_space<hbm>>
      tpu.wait_indirect_dma semaphore(%arg14 : memref<!tpu.dma_semaphore, #tpu.memory_space<semaphore_mem>>) src(%dma_wait3A_1078 : memref<10240x32xf32, #tpu.memory_space<hbm>>) dst(%dma_wait3A_1072 : memref<128x32xf32, #tpu.memory_space<vmem>>)
      %dma_wait3A_1079 = arith.constant 4 : i32
      %dma_wait3A_1080 = arith.constant 4 : i32
      %dma_wait3A_1081 = arith.constant 0 : i32
      %dma_wait3A_1082 = arith.constant 0 : i32
      %dma_wait3A_1083 = tpu.memref_slice %arg12[%dma_wait3A_1080, %dma_wait3A_1081, %dma_wait3A_1082] : memref<6x128x32xf32, #tpu.memory_space<vmem>> -> memref<1x128x32xf32, #tpu.memory_space<vmem>>
      %dma_wait3A_1084 = tpu.memref_squeeze %dma_wait3A_1083 : memref<1x128x32xf32, #tpu.memory_space<vmem>> -> memref<128x32xf32, #tpu.memory_space<vmem>>
      %dma_wait3A_1085 = arith.constant 0 : i32
      %dma_wait3A_1086 = tpu.memref_slice %arg8[%dma_wait3A_1079, %dma_wait3A_1085] : memref<6x128xi32, #tpu.memory_space<vmem>> -> memref<1x128xi32, #tpu.memory_space<vmem>>
      %dma_wait3A_1087 = tpu.memref_squeeze %dma_wait3A_1086 : memref<1x128xi32, #tpu.memory_space<vmem>> -> memref<128xi32, #tpu.memory_space<vmem>>
      %dma_wait3A_1088 = arith.constant 0 : i32
      %dma_wait3A_1089 = arith.constant 0 : i32
      %dma_wait3A_1090 = tpu.memref_slice %arg2[%dma_wait3A_1088, %dma_wait3A_1089] : memref<10240x32xf32, #tpu.memory_space<hbm>> -> memref<10240x32xf32, #tpu.memory_space<hbm>>
      tpu.wait_indirect_dma semaphore(%arg14 : memref<!tpu.dma_semaphore, #tpu.memory_space<semaphore_mem>>) src(%dma_wait3A_1090 : memref<10240x32xf32, #tpu.memory_space<hbm>>) dst(%dma_wait3A_1084 : memref<128x32xf32, #tpu.memory_space<vmem>>)
      %dma_wait3A_1091 = arith.constant 5 : i32
      %dma_wait3A_1092 = arith.constant 5 : i32
      %dma_wait3A_1093 = arith.constant 0 : i32
      %dma_wait3A_1094 = arith.constant 0 : i32
      %dma_wait3A_1095 = tpu.memref_slice %arg12[%dma_wait3A_1092, %dma_wait3A_1093, %dma_wait3A_1094] : memref<6x128x32xf32, #tpu.memory_space<vmem>> -> memref<1x128x32xf32, #tpu.memory_space<vmem>>
      %dma_wait3A_1096 = tpu.memref_squeeze %dma_wait3A_1095 : memref<1x128x32xf32, #tpu.memory_space<vmem>> -> memref<128x32xf32, #tpu.memory_space<vmem>>
      %dma_wait3A_1097 = arith.constant 0 : i32
      %dma_wait3A_1098 = tpu.memref_slice %arg8[%dma_wait3A_1091, %dma_wait3A_1097] : memref<6x128xi32, #tpu.memory_space<vmem>> -> memref<1x128xi32, #tpu.memory_space<vmem>>
      %dma_wait3A_1099 = tpu.memref_squeeze %dma_wait3A_1098 : memref<1x128xi32, #tpu.memory_space<vmem>> -> memref<128xi32, #tpu.memory_space<vmem>>
      %dma_wait3A_1100 = arith.constant 0 : i32
      %dma_wait3A_1101 = arith.constant 0 : i32
      %dma_wait3A_1102 = tpu.memref_slice %arg2[%dma_wait3A_1100, %dma_wait3A_1101] : memref<10240x32xf32, #tpu.memory_space<hbm>> -> memref<10240x32xf32, #tpu.memory_space<hbm>>
      tpu.wait_indirect_dma semaphore(%arg14 : memref<!tpu.dma_semaphore, #tpu.memory_space<semaphore_mem>>) src(%dma_wait3A_1102 : memref<10240x32xf32, #tpu.memory_space<hbm>>) dst(%dma_wait3A_1096 : memref<128x32xf32, #tpu.memory_space<vmem>>)
      %dma_start3A_1103 = arith.constant 0 : i32
      %dma_start3A_1104 = arith.constant 0 : i32
      %dma_start3A_1105 = arith.constant 0 : i32
      %dma_start3A_1106 = arith.constant 0 : i32
      %dma_start3A_1107 = tpu.memref_slice %arg12[%dma_start3A_1103, %dma_start3A_1105, %dma_start3A_1106] : memref<6x128x32xf32, #tpu.memory_space<vmem>> -> memref<1x128x32xf32, #tpu.memory_space<vmem>>
      %dma_start3A_1108 = tpu.memref_squeeze %dma_start3A_1107 : memref<1x128x32xf32, #tpu.memory_space<vmem>> -> memref<128x32xf32, #tpu.memory_space<vmem>>
      %dma_start3A_1109 = arith.constant 0 : i32
      %dma_start3A_1110 = tpu.memref_slice %arg10[%dma_start3A_1104, %dma_start3A_1109] : memref<6x128xi32, #tpu.memory_space<vmem>> -> memref<1x128xi32, #tpu.memory_space<vmem>>
      %dma_start3A_1111 = tpu.memref_squeeze %dma_start3A_1110 : memref<1x128xi32, #tpu.memory_space<vmem>> -> memref<128xi32, #tpu.memory_space<vmem>>
      %dma_start3A_1112 = arith.constant 0 : i32
      %dma_start3A_1113 = arith.constant 0 : i32
      %dma_start3A_1114 = tpu.memref_slice %arg6[%dma_start3A_1112, %dma_start3A_1113] : memref<10240x32xf32, #tpu.memory_space<vmem_shared>> -> memref<10240x32xf32, #tpu.memory_space<vmem_shared>>
      tpu.enqueue_indirect_dma source(%dma_start3A_1108 : memref<128x32xf32, #tpu.memory_space<vmem>>) target(%dma_start3A_1114 : memref<10240x32xf32, #tpu.memory_space<vmem_shared>>) offsets(%dma_start3A_1111 : memref<128xi32, #tpu.memory_space<vmem>>) semaphore(%arg16 : memref<!tpu.dma_semaphore, #tpu.memory_space<semaphore_mem>>) {add = true}
      %dma_start3A_1115 = arith.constant 1 : i32
      %dma_start3A_1116 = arith.constant 1 : i32
      %dma_start3A_1117 = arith.constant 0 : i32
      %dma_start3A_1118 = arith.constant 0 : i32
      %dma_start3A_1119 = tpu.memref_slice %arg12[%dma_start3A_1115, %dma_start3A_1117, %dma_start3A_1118] : memref<6x128x32xf32, #tpu.memory_space<vmem>> -> memref<1x128x32xf32, #tpu.memory_space<vmem>>
      %dma_start3A_1120 = tpu.memref_squeeze %dma_start3A_1119 : memref<1x128x32xf32, #tpu.memory_space<vmem>> -> memref<128x32xf32, #tpu.memory_space<vmem>>
      %dma_start3A_1121 = arith.constant 0 : i32
      %dma_start3A_1122 = tpu.memref_slice %arg10[%dma_start3A_1116, %dma_start3A_1121] : memref<6x128xi32, #tpu.memory_space<vmem>> -> memref<1x128xi32, #tpu.memory_space<vmem>>
      %dma_start3A_1123 = tpu.memref_squeeze %dma_start3A_1122 : memref<1x128xi32, #tpu.memory_space<vmem>> -> memref<128xi32, #tpu.memory_space<vmem>>
      %dma_start3A_1124 = arith.constant 0 : i32
      %dma_start3A_1125 = arith.constant 0 : i32
      %dma_start3A_1126 = tpu.memref_slice %arg6[%dma_start3A_1124, %dma_start3A_1125] : memref<10240x32xf32, #tpu.memory_space<vmem_shared>> -> memref<10240x32xf32, #tpu.memory_space<vmem_shared>>
      tpu.enqueue_indirect_dma source(%dma_start3A_1120 : memref<128x32xf32, #tpu.memory_space<vmem>>) target(%dma_start3A_1126 : memref<10240x32xf32, #tpu.memory_space<vmem_shared>>) offsets(%dma_start3A_1123 : memref<128xi32, #tpu.memory_space<vmem>>) semaphore(%arg16 : memref<!tpu.dma_semaphore, #tpu.memory_space<semaphore_mem>>) {add = true}
      %dma_start3A_1127 = arith.constant 2 : i32
      %dma_start3A_1128 = arith.constant 2 : i32
      %dma_start3A_1129 = arith.constant 0 : i32
      %dma_start3A_1130 = arith.constant 0 : i32
      %dma_start3A_1131 = tpu.memref_slice %arg12[%dma_start3A_1127, %dma_start3A_1129, %dma_start3A_1130] : memref<6x128x32xf32, #tpu.memory_space<vmem>> -> memref<1x128x32xf32, #tpu.memory_space<vmem>>
      %dma_start3A_1132 = tpu.memref_squeeze %dma_start3A_1131 : memref<1x128x32xf32, #tpu.memory_space<vmem>> -> memref<128x32xf32, #tpu.memory_space<vmem>>
      %dma_start3A_1133 = arith.constant 0 : i32
      %dma_start3A_1134 = tpu.memref_slice %arg10[%dma_start3A_1128, %dma_start3A_1133] : memref<6x128xi32, #tpu.memory_space<vmem>> -> memref<1x128xi32, #tpu.memory_space<vmem>>
      %dma_start3A_1135 = tpu.memref_squeeze %dma_start3A_1134 : memref<1x128xi32, #tpu.memory_space<vmem>> -> memref<128xi32, #tpu.memory_space<vmem>>
      %dma_start3A_1136 = arith.constant 0 : i32
      %dma_start3A_1137 = arith.constant 0 : i32
      %dma_start3A_1138 = tpu.memref_slice %arg6[%dma_start3A_1136, %dma_start3A_1137] : memref<10240x32xf32, #tpu.memory_space<vmem_shared>> -> memref<10240x32xf32, #tpu.memory_space<vmem_shared>>
      tpu.enqueue_indirect_dma source(%dma_start3A_1132 : memref<128x32xf32, #tpu.memory_space<vmem>>) target(%dma_start3A_1138 : memref<10240x32xf32, #tpu.memory_space<vmem_shared>>) offsets(%dma_start3A_1135 : memref<128xi32, #tpu.memory_space<vmem>>) semaphore(%arg16 : memref<!tpu.dma_semaphore, #tpu.memory_space<semaphore_mem>>) {add = true}
      %dma_start3A_1139 = arith.constant 3 : i32
      %dma_start3A_1140 = arith.constant 3 : i32
      %dma_start3A_1141 = arith.constant 0 : i32
      %dma_start3A_1142 = arith.constant 0 : i32
      %dma_start3A_1143 = tpu.memref_slice %arg12[%dma_start3A_1139, %dma_start3A_1141, %dma_start3A_1142] : memref<6x128x32xf32, #tpu.memory_space<vmem>> -> memref<1x128x32xf32, #tpu.memory_space<vmem>>
      %dma_start3A_1144 = tpu.memref_squeeze %dma_start3A_1143 : memref<1x128x32xf32, #tpu.memory_space<vmem>> -> memref<128x32xf32, #tpu.memory_space<vmem>>
      %dma_start3A_1145 = arith.constant 0 : i32
      %dma_start3A_1146 = tpu.memref_slice %arg10[%dma_start3A_1140, %dma_start3A_1145] : memref<6x128xi32, #tpu.memory_space<vmem>> -> memref<1x128xi32, #tpu.memory_space<vmem>>
      %dma_start3A_1147 = tpu.memref_squeeze %dma_start3A_1146 : memref<1x128xi32, #tpu.memory_space<vmem>> -> memref<128xi32, #tpu.memory_space<vmem>>
      %dma_start3A_1148 = arith.constant 0 : i32
      %dma_start3A_1149 = arith.constant 0 : i32
      %dma_start3A_1150 = tpu.memref_slice %arg6[%dma_start3A_1148, %dma_start3A_1149] : memref<10240x32xf32, #tpu.memory_space<vmem_shared>> -> memref<10240x32xf32, #tpu.memory_space<vmem_shared>>
      tpu.enqueue_indirect_dma source(%dma_start3A_1144 : memref<128x32xf32, #tpu.memory_space<vmem>>) target(%dma_start3A_1150 : memref<10240x32xf32, #tpu.memory_space<vmem_shared>>) offsets(%dma_start3A_1147 : memref<128xi32, #tpu.memory_space<vmem>>) semaphore(%arg16 : memref<!tpu.dma_semaphore, #tpu.memory_space<semaphore_mem>>) {add = true}
      %dma_start3A_1151 = arith.constant 4 : i32
      %dma_start3A_1152 = arith.constant 4 : i32
      %dma_start3A_1153 = arith.constant 0 : i32
      %dma_start3A_1154 = arith.constant 0 : i32
      %dma_start3A_1155 = tpu.memref_slice %arg12[%dma_start3A_1151, %dma_start3A_1153, %dma_start3A_1154] : memref<6x128x32xf32, #tpu.memory_space<vmem>> -> memref<1x128x32xf32, #tpu.memory_space<vmem>>
      %dma_start3A_1156 = tpu.memref_squeeze %dma_start3A_1155 : memref<1x128x32xf32, #tpu.memory_space<vmem>> -> memref<128x32xf32, #tpu.memory_space<vmem>>
      %dma_start3A_1157 = arith.constant 0 : i32
      %dma_start3A_1158 = tpu.memref_slice %arg10[%dma_start3A_1152, %dma_start3A_1157] : memref<6x128xi32, #tpu.memory_space<vmem>> -> memref<1x128xi32, #tpu.memory_space<vmem>>
      %dma_start3A_1159 = tpu.memref_squeeze %dma_start3A_1158 : memref<1x128xi32, #tpu.memory_space<vmem>> -> memref<128xi32, #tpu.memory_space<vmem>>
      %dma_start3A_1160 = arith.constant 0 : i32
      %dma_start3A_1161 = arith.constant 0 : i32
      %dma_start3A_1162 = tpu.memref_slice %arg6[%dma_start3A_1160, %dma_start3A_1161] : memref<10240x32xf32, #tpu.memory_space<vmem_shared>> -> memref<10240x32xf32, #tpu.memory_space<vmem_shared>>
      tpu.enqueue_indirect_dma source(%dma_start3A_1156 : memref<128x32xf32, #tpu.memory_space<vmem>>) target(%dma_start3A_1162 : memref<10240x32xf32, #tpu.memory_space<vmem_shared>>) offsets(%dma_start3A_1159 : memref<128xi32, #tpu.memory_space<vmem>>) semaphore(%arg16 : memref<!tpu.dma_semaphore, #tpu.memory_space<semaphore_mem>>) {add = true}
      %dma_start3A_1163 = arith.constant 5 : i32
      %dma_start3A_1164 = arith.constant 5 : i32
      %dma_start3A_1165 = arith.constant 0 : i32
      %dma_start3A_1166 = arith.constant 0 : i32
      %dma_start3A_1167 = tpu.memref_slice %arg12[%dma_start3A_1163, %dma_start3A_1165, %dma_start3A_1166] : memref<6x128x32xf32, #tpu.memory_space<vmem>> -> memref<1x128x32xf32, #tpu.memory_space<vmem>>
      %dma_start3A_1168 = tpu.memref_squeeze %dma_start3A_1167 : memref<1x128x32xf32, #tpu.memory_space<vmem>> -> memref<128x32xf32, #tpu.memory_space<vmem>>
      %dma_start3A_1169 = arith.constant 0 : i32
      %dma_start3A_1170 = tpu.memref_slice %arg10[%dma_start3A_1164, %dma_start3A_1169] : memref<6x128xi32, #tpu.memory_space<vmem>> -> memref<1x128xi32, #tpu.memory_space<vmem>>
      %dma_start3A_1171 = tpu.memref_squeeze %dma_start3A_1170 : memref<1x128xi32, #tpu.memory_space<vmem>> -> memref<128xi32, #tpu.memory_space<vmem>>
      %dma_start3A_1172 = arith.constant 0 : i32
      %dma_start3A_1173 = arith.constant 0 : i32
      %dma_start3A_1174 = tpu.memref_slice %arg6[%dma_start3A_1172, %dma_start3A_1173] : memref<10240x32xf32, #tpu.memory_space<vmem_shared>> -> memref<10240x32xf32, #tpu.memory_space<vmem_shared>>
      tpu.enqueue_indirect_dma source(%dma_start3A_1168 : memref<128x32xf32, #tpu.memory_space<vmem>>) target(%dma_start3A_1174 : memref<10240x32xf32, #tpu.memory_space<vmem_shared>>) offsets(%dma_start3A_1171 : memref<128xi32, #tpu.memory_space<vmem>>) semaphore(%arg16 : memref<!tpu.dma_semaphore, #tpu.memory_space<semaphore_mem>>) {add = true}
      %dma_wait3A_1175 = arith.constant 0 : i32
      %dma_wait3A_1176 = arith.constant 0 : i32
      %dma_wait3A_1177 = arith.constant 0 : i32
      %dma_wait3A_1178 = arith.constant 0 : i32
      %dma_wait3A_1179 = tpu.memref_slice %arg11[%dma_wait3A_1175, %dma_wait3A_1177, %dma_wait3A_1178] : memref<6x128x32xf32, #tpu.memory_space<vmem>> -> memref<1x128x32xf32, #tpu.memory_space<vmem>>
      %dma_wait3A_1180 = tpu.memref_squeeze %dma_wait3A_1179 : memref<1x128x32xf32, #tpu.memory_space<vmem>> -> memref<128x32xf32, #tpu.memory_space<vmem>>
      %dma_wait3A_1181 = arith.constant 0 : i32
      %dma_wait3A_1182 = tpu.memref_slice %arg9[%dma_wait3A_1176, %dma_wait3A_1181] : memref<6x128xi32, #tpu.memory_space<vmem>> -> memref<1x128xi32, #tpu.memory_space<vmem>>
      %dma_wait3A_1183 = tpu.memref_squeeze %dma_wait3A_1182 : memref<1x128xi32, #tpu.memory_space<vmem>> -> memref<128xi32, #tpu.memory_space<vmem>>
      %dma_wait3A_1184 = arith.constant 0 : i32
      %dma_wait3A_1185 = arith.constant 0 : i32
      %dma_wait3A_1186 = tpu.memref_slice %arg6[%dma_wait3A_1184, %dma_wait3A_1185] : memref<10240x32xf32, #tpu.memory_space<vmem_shared>> -> memref<10240x32xf32, #tpu.memory_space<vmem_shared>>
      tpu.wait_indirect_dma semaphore(%arg15 : memref<!tpu.dma_semaphore, #tpu.memory_space<semaphore_mem>>) src(%dma_wait3A_1180 : memref<128x32xf32, #tpu.memory_space<vmem>>) dst(%dma_wait3A_1186 : memref<10240x32xf32, #tpu.memory_space<vmem_shared>>)
      %dma_wait3A_1187 = arith.constant 1 : i32
      %dma_wait3A_1188 = arith.constant 1 : i32
      %dma_wait3A_1189 = arith.constant 0 : i32
      %dma_wait3A_1190 = arith.constant 0 : i32
      %dma_wait3A_1191 = tpu.memref_slice %arg11[%dma_wait3A_1187, %dma_wait3A_1189, %dma_wait3A_1190] : memref<6x128x32xf32, #tpu.memory_space<vmem>> -> memref<1x128x32xf32, #tpu.memory_space<vmem>>
      %dma_wait3A_1192 = tpu.memref_squeeze %dma_wait3A_1191 : memref<1x128x32xf32, #tpu.memory_space<vmem>> -> memref<128x32xf32, #tpu.memory_space<vmem>>
      %dma_wait3A_1193 = arith.constant 0 : i32
      %dma_wait3A_1194 = tpu.memref_slice %arg9[%dma_wait3A_1188, %dma_wait3A_1193] : memref<6x128xi32, #tpu.memory_space<vmem>> -> memref<1x128xi32, #tpu.memory_space<vmem>>
      %dma_wait3A_1195 = tpu.memref_squeeze %dma_wait3A_1194 : memref<1x128xi32, #tpu.memory_space<vmem>> -> memref<128xi32, #tpu.memory_space<vmem>>
      %dma_wait3A_1196 = arith.constant 0 : i32
      %dma_wait3A_1197 = arith.constant 0 : i32
      %dma_wait3A_1198 = tpu.memref_slice %arg6[%dma_wait3A_1196, %dma_wait3A_1197] : memref<10240x32xf32, #tpu.memory_space<vmem_shared>> -> memref<10240x32xf32, #tpu.memory_space<vmem_shared>>
      tpu.wait_indirect_dma semaphore(%arg15 : memref<!tpu.dma_semaphore, #tpu.memory_space<semaphore_mem>>) src(%dma_wait3A_1192 : memref<128x32xf32, #tpu.memory_space<vmem>>) dst(%dma_wait3A_1198 : memref<10240x32xf32, #tpu.memory_space<vmem_shared>>)
      %dma_wait3A_1199 = arith.constant 2 : i32
      %dma_wait3A_1200 = arith.constant 2 : i32
      %dma_wait3A_1201 = arith.constant 0 : i32
      %dma_wait3A_1202 = arith.constant 0 : i32
      %dma_wait3A_1203 = tpu.memref_slice %arg11[%dma_wait3A_1199, %dma_wait3A_1201, %dma_wait3A_1202] : memref<6x128x32xf32, #tpu.memory_space<vmem>> -> memref<1x128x32xf32, #tpu.memory_space<vmem>>
      %dma_wait3A_1204 = tpu.memref_squeeze %dma_wait3A_1203 : memref<1x128x32xf32, #tpu.memory_space<vmem>> -> memref<128x32xf32, #tpu.memory_space<vmem>>
      %dma_wait3A_1205 = arith.constant 0 : i32
      %dma_wait3A_1206 = tpu.memref_slice %arg9[%dma_wait3A_1200, %dma_wait3A_1205] : memref<6x128xi32, #tpu.memory_space<vmem>> -> memref<1x128xi32, #tpu.memory_space<vmem>>
      %dma_wait3A_1207 = tpu.memref_squeeze %dma_wait3A_1206 : memref<1x128xi32, #tpu.memory_space<vmem>> -> memref<128xi32, #tpu.memory_space<vmem>>
      %dma_wait3A_1208 = arith.constant 0 : i32
      %dma_wait3A_1209 = arith.constant 0 : i32
      %dma_wait3A_1210 = tpu.memref_slice %arg6[%dma_wait3A_1208, %dma_wait3A_1209] : memref<10240x32xf32, #tpu.memory_space<vmem_shared>> -> memref<10240x32xf32, #tpu.memory_space<vmem_shared>>
      tpu.wait_indirect_dma semaphore(%arg15 : memref<!tpu.dma_semaphore, #tpu.memory_space<semaphore_mem>>) src(%dma_wait3A_1204 : memref<128x32xf32, #tpu.memory_space<vmem>>) dst(%dma_wait3A_1210 : memref<10240x32xf32, #tpu.memory_space<vmem_shared>>)
      %dma_wait3A_1211 = arith.constant 3 : i32
      %dma_wait3A_1212 = arith.constant 3 : i32
      %dma_wait3A_1213 = arith.constant 0 : i32
      %dma_wait3A_1214 = arith.constant 0 : i32
      %dma_wait3A_1215 = tpu.memref_slice %arg11[%dma_wait3A_1211, %dma_wait3A_1213, %dma_wait3A_1214] : memref<6x128x32xf32, #tpu.memory_space<vmem>> -> memref<1x128x32xf32, #tpu.memory_space<vmem>>
      %dma_wait3A_1216 = tpu.memref_squeeze %dma_wait3A_1215 : memref<1x128x32xf32, #tpu.memory_space<vmem>> -> memref<128x32xf32, #tpu.memory_space<vmem>>
      %dma_wait3A_1217 = arith.constant 0 : i32
      %dma_wait3A_1218 = tpu.memref_slice %arg9[%dma_wait3A_1212, %dma_wait3A_1217] : memref<6x128xi32, #tpu.memory_space<vmem>> -> memref<1x128xi32, #tpu.memory_space<vmem>>
      %dma_wait3A_1219 = tpu.memref_squeeze %dma_wait3A_1218 : memref<1x128xi32, #tpu.memory_space<vmem>> -> memref<128xi32, #tpu.memory_space<vmem>>
      %dma_wait3A_1220 = arith.constant 0 : i32
      %dma_wait3A_1221 = arith.constant 0 : i32
      %dma_wait3A_1222 = tpu.memref_slice %arg6[%dma_wait3A_1220, %dma_wait3A_1221] : memref<10240x32xf32, #tpu.memory_space<vmem_shared>> -> memref<10240x32xf32, #tpu.memory_space<vmem_shared>>
      tpu.wait_indirect_dma semaphore(%arg15 : memref<!tpu.dma_semaphore, #tpu.memory_space<semaphore_mem>>) src(%dma_wait3A_1216 : memref<128x32xf32, #tpu.memory_space<vmem>>) dst(%dma_wait3A_1222 : memref<10240x32xf32, #tpu.memory_space<vmem_shared>>)
      %dma_wait3A_1223 = arith.constant 4 : i32
      %dma_wait3A_1224 = arith.constant 4 : i32
      %dma_wait3A_1225 = arith.constant 0 : i32
      %dma_wait3A_1226 = arith.constant 0 : i32
      %dma_wait3A_1227 = tpu.memref_slice %arg11[%dma_wait3A_1223, %dma_wait3A_1225, %dma_wait3A_1226] : memref<6x128x32xf32, #tpu.memory_space<vmem>> -> memref<1x128x32xf32, #tpu.memory_space<vmem>>
      %dma_wait3A_1228 = tpu.memref_squeeze %dma_wait3A_1227 : memref<1x128x32xf32, #tpu.memory_space<vmem>> -> memref<128x32xf32, #tpu.memory_space<vmem>>
      %dma_wait3A_1229 = arith.constant 0 : i32
      %dma_wait3A_1230 = tpu.memref_slice %arg9[%dma_wait3A_1224, %dma_wait3A_1229] : memref<6x128xi32, #tpu.memory_space<vmem>> -> memref<1x128xi32, #tpu.memory_space<vmem>>
      %dma_wait3A_1231 = tpu.memref_squeeze %dma_wait3A_1230 : memref<1x128xi32, #tpu.memory_space<vmem>> -> memref<128xi32, #tpu.memory_space<vmem>>
      %dma_wait3A_1232 = arith.constant 0 : i32
      %dma_wait3A_1233 = arith.constant 0 : i32
      %dma_wait3A_1234 = tpu.memref_slice %arg6[%dma_wait3A_1232, %dma_wait3A_1233] : memref<10240x32xf32, #tpu.memory_space<vmem_shared>> -> memref<10240x32xf32, #tpu.memory_space<vmem_shared>>
      tpu.wait_indirect_dma semaphore(%arg15 : memref<!tpu.dma_semaphore, #tpu.memory_space<semaphore_mem>>) src(%dma_wait3A_1228 : memref<128x32xf32, #tpu.memory_space<vmem>>) dst(%dma_wait3A_1234 : memref<10240x32xf32, #tpu.memory_space<vmem_shared>>)
      %dma_wait3A_1235 = arith.constant 5 : i32
      %dma_wait3A_1236 = arith.constant 5 : i32
      %dma_wait3A_1237 = arith.constant 0 : i32
      %dma_wait3A_1238 = arith.constant 0 : i32
      %dma_wait3A_1239 = tpu.memref_slice %arg11[%dma_wait3A_1235, %dma_wait3A_1237, %dma_wait3A_1238] : memref<6x128x32xf32, #tpu.memory_space<vmem>> -> memref<1x128x32xf32, #tpu.memory_space<vmem>>
      %dma_wait3A_1240 = tpu.memref_squeeze %dma_wait3A_1239 : memref<1x128x32xf32, #tpu.memory_space<vmem>> -> memref<128x32xf32, #tpu.memory_space<vmem>>
      %dma_wait3A_1241 = arith.constant 0 : i32
      %dma_wait3A_1242 = tpu.memref_slice %arg9[%dma_wait3A_1236, %dma_wait3A_1241] : memref<6x128xi32, #tpu.memory_space<vmem>> -> memref<1x128xi32, #tpu.memory_space<vmem>>
      %dma_wait3A_1243 = tpu.memref_squeeze %dma_wait3A_1242 : memref<1x128xi32, #tpu.memory_space<vmem>> -> memref<128xi32, #tpu.memory_space<vmem>>
      %dma_wait3A_1244 = arith.constant 0 : i32
      %dma_wait3A_1245 = arith.constant 0 : i32
      %dma_wait3A_1246 = tpu.memref_slice %arg6[%dma_wait3A_1244, %dma_wait3A_1245] : memref<10240x32xf32, #tpu.memory_space<vmem_shared>> -> memref<10240x32xf32, #tpu.memory_space<vmem_shared>>
      tpu.wait_indirect_dma semaphore(%arg15 : memref<!tpu.dma_semaphore, #tpu.memory_space<semaphore_mem>>) src(%dma_wait3A_1240 : memref<128x32xf32, #tpu.memory_space<vmem>>) dst(%dma_wait3A_1246 : memref<10240x32xf32, #tpu.memory_space<vmem_shared>>)
      %mul3A_1247 = arith.constant 2 : i32
      %mul3A_1248 = arith.muli %mul3A_1247, %scan3A_886 : i32
      %add3A_1249 = arith.constant 2 : i32
      %add3A_1250 = arith.addi %mul3A_1248, %add3A_1249 : i32
      %mul3A_1251 = arith.constant 6 : i32
      %mul3A_1252 = arith.muli %add3A_1250, %mul3A_1251 : i32
      %add3A_1253 = arith.addi %mul3A_4, %mul3A_1252 : i32
      %run_scoped3A_1254 = arith.constant 0 : i32
      "tpu.region"() ({
        %run_scoped3A_1481 = tpu.sem_alloc : memref<!tpu.dma_semaphore, #tpu.memory_space<semaphore_mem>>
        %dma_start3A_1482 = arith.constant 0 : i32
        %dma_start3A_1483 = tpu.memref_slice %arg3[%run_scoped3A_1254, %add3A_1253, %dma_start3A_1482] : memref<2x2500x128xi32, #tpu.memory_space<hbm>> -> memref<1x6x128xi32, #tpu.memory_space<hbm>>
        %dma_start3A_1484 = tpu.memref_squeeze %dma_start3A_1483 : memref<1x6x128xi32, #tpu.memory_space<hbm>> -> memref<6x128xi32, #tpu.memory_space<hbm>>
        %dma_start3A_1485 = arith.constant 0 : i32
        %dma_start3A_1486 = tpu.memref_slice %arg3[%run_scoped3A_1254, %add3A_1253, %dma_start3A_1485] : memref<2x2500x128xi32, #tpu.memory_space<hbm>> -> memref<1x6x128xi32, #tpu.memory_space<hbm>>
        %dma_start3A_1487 = tpu.memref_squeeze %dma_start3A_1486 : memref<1x6x128xi32, #tpu.memory_space<hbm>> -> memref<6x128xi32, #tpu.memory_space<hbm>>
        tpu.enqueue_dma source(%dma_start3A_1487 : memref<6x128xi32, #tpu.memory_space<hbm>>) target(%arg7 : memref<6x128xi32, #tpu.memory_space<vmem>>) target_semaphore(%run_scoped3A_1481 : memref<!tpu.dma_semaphore, #tpu.memory_space<semaphore_mem>>)
        %dma_wait3A_1488 = arith.constant 0 : i32
        %dma_wait3A_1489 = tpu.memref_slice %arg3[%run_scoped3A_1254, %add3A_1253, %dma_wait3A_1488] : memref<2x2500x128xi32, #tpu.memory_space<hbm>> -> memref<1x6x128xi32, #tpu.memory_space<hbm>>
        %dma_wait3A_1490 = tpu.memref_squeeze %dma_wait3A_1489 : memref<1x6x128xi32, #tpu.memory_space<hbm>> -> memref<6x128xi32, #tpu.memory_space<hbm>>
        %dma_wait3A_1491 = arith.constant 0 : i32
        %dma_wait3A_1492 = tpu.memref_slice %arg3[%run_scoped3A_1254, %add3A_1253, %dma_wait3A_1491] : memref<2x2500x128xi32, #tpu.memory_space<hbm>> -> memref<1x6x128xi32, #tpu.memory_space<hbm>>
        %dma_wait3A_1493 = tpu.memref_squeeze %dma_wait3A_1492 : memref<1x6x128xi32, #tpu.memory_space<hbm>> -> memref<6x128xi32, #tpu.memory_space<hbm>>
        tpu.wait_dma2 semaphore(%run_scoped3A_1481 : memref<!tpu.dma_semaphore, #tpu.memory_space<semaphore_mem>>) src(%dma_wait3A_1493 : memref<6x128xi32, #tpu.memory_space<hbm>>) dst(%arg7 : memref<6x128xi32, #tpu.memory_space<vmem>>)
        tpu.yield
      }) : () -> ()
      %run_scoped3A_1255 = arith.constant 1 : i32
      "tpu.region"() ({
        %run_scoped3A_1481 = tpu.sem_alloc : memref<!tpu.dma_semaphore, #tpu.memory_space<semaphore_mem>>
        %dma_start3A_1482 = arith.constant 0 : i32
        %dma_start3A_1483 = tpu.memref_slice %arg3[%run_scoped3A_1255, %add3A_1253, %dma_start3A_1482] : memref<2x2500x128xi32, #tpu.memory_space<hbm>> -> memref<1x6x128xi32, #tpu.memory_space<hbm>>
        %dma_start3A_1484 = tpu.memref_squeeze %dma_start3A_1483 : memref<1x6x128xi32, #tpu.memory_space<hbm>> -> memref<6x128xi32, #tpu.memory_space<hbm>>
        %dma_start3A_1485 = arith.constant 0 : i32
        %dma_start3A_1486 = tpu.memref_slice %arg3[%run_scoped3A_1255, %add3A_1253, %dma_start3A_1485] : memref<2x2500x128xi32, #tpu.memory_space<hbm>> -> memref<1x6x128xi32, #tpu.memory_space<hbm>>
        %dma_start3A_1487 = tpu.memref_squeeze %dma_start3A_1486 : memref<1x6x128xi32, #tpu.memory_space<hbm>> -> memref<6x128xi32, #tpu.memory_space<hbm>>
        tpu.enqueue_dma source(%dma_start3A_1487 : memref<6x128xi32, #tpu.memory_space<hbm>>) target(%arg9 : memref<6x128xi32, #tpu.memory_space<vmem>>) target_semaphore(%run_scoped3A_1481 : memref<!tpu.dma_semaphore, #tpu.memory_space<semaphore_mem>>)
        %dma_wait3A_1488 = arith.constant 0 : i32
        %dma_wait3A_1489 = tpu.memref_slice %arg3[%run_scoped3A_1255, %add3A_1253, %dma_wait3A_1488] : memref<2x2500x128xi32, #tpu.memory_space<hbm>> -> memref<1x6x128xi32, #tpu.memory_space<hbm>>
        %dma_wait3A_1490 = tpu.memref_squeeze %dma_wait3A_1489 : memref<1x6x128xi32, #tpu.memory_space<hbm>> -> memref<6x128xi32, #tpu.memory_space<hbm>>
        %dma_wait3A_1491 = arith.constant 0 : i32
        %dma_wait3A_1492 = tpu.memref_slice %arg3[%run_scoped3A_1255, %add3A_1253, %dma_wait3A_1491] : memref<2x2500x128xi32, #tpu.memory_space<hbm>> -> memref<1x6x128xi32, #tpu.memory_space<hbm>>
        %dma_wait3A_1493 = tpu.memref_squeeze %dma_wait3A_1492 : memref<1x6x128xi32, #tpu.memory_space<hbm>> -> memref<6x128xi32, #tpu.memory_space<hbm>>
        tpu.wait_dma2 semaphore(%run_scoped3A_1481 : memref<!tpu.dma_semaphore, #tpu.memory_space<semaphore_mem>>) src(%dma_wait3A_1493 : memref<6x128xi32, #tpu.memory_space<hbm>>) dst(%arg9 : memref<6x128xi32, #tpu.memory_space<vmem>>)
        tpu.yield
      }) : () -> ()
      %dma_start3A_1256 = arith.constant 0 : i32
      %dma_start3A_1257 = arith.constant 0 : i32
      %dma_start3A_1258 = arith.constant 0 : i32
      %dma_start3A_1259 = arith.constant 0 : i32
      %dma_start3A_1260 = tpu.memref_slice %arg11[%dma_start3A_1257, %dma_start3A_1258, %dma_start3A_1259] : memref<6x128x32xf32, #tpu.memory_space<vmem>> -> memref<1x128x32xf32, #tpu.memory_space<vmem>>
      %dma_start3A_1261 = tpu.memref_squeeze %dma_start3A_1260 : memref<1x128x32xf32, #tpu.memory_space<vmem>> -> memref<128x32xf32, #tpu.memory_space<vmem>>
      %dma_start3A_1262 = arith.constant 0 : i32
      %dma_start3A_1263 = tpu.memref_slice %arg7[%dma_start3A_1256, %dma_start3A_1262] : memref<6x128xi32, #tpu.memory_space<vmem>> -> memref<1x128xi32, #tpu.memory_space<vmem>>
      %dma_start3A_1264 = tpu.memref_squeeze %dma_start3A_1263 : memref<1x128xi32, #tpu.memory_space<vmem>> -> memref<128xi32, #tpu.memory_space<vmem>>
      %dma_start3A_1265 = arith.constant 0 : i32
      %dma_start3A_1266 = arith.constant 0 : i32
      %dma_start3A_1267 = tpu.memref_slice %arg2[%dma_start3A_1265, %dma_start3A_1266] : memref<10240x32xf32, #tpu.memory_space<hbm>> -> memref<10240x32xf32, #tpu.memory_space<hbm>>
      tpu.enqueue_indirect_dma source(%dma_start3A_1267 : memref<10240x32xf32, #tpu.memory_space<hbm>>) target(%dma_start3A_1261 : memref<128x32xf32, #tpu.memory_space<vmem>>) offsets(%dma_start3A_1264 : memref<128xi32, #tpu.memory_space<vmem>>) semaphore(%arg13 : memref<!tpu.dma_semaphore, #tpu.memory_space<semaphore_mem>>)
      %dma_start3A_1268 = arith.constant 1 : i32
      %dma_start3A_1269 = arith.constant 1 : i32
      %dma_start3A_1270 = arith.constant 0 : i32
      %dma_start3A_1271 = arith.constant 0 : i32
      %dma_start3A_1272 = tpu.memref_slice %arg11[%dma_start3A_1269, %dma_start3A_1270, %dma_start3A_1271] : memref<6x128x32xf32, #tpu.memory_space<vmem>> -> memref<1x128x32xf32, #tpu.memory_space<vmem>>
      %dma_start3A_1273 = tpu.memref_squeeze %dma_start3A_1272 : memref<1x128x32xf32, #tpu.memory_space<vmem>> -> memref<128x32xf32, #tpu.memory_space<vmem>>
      %dma_start3A_1274 = arith.constant 0 : i32
      %dma_start3A_1275 = tpu.memref_slice %arg7[%dma_start3A_1268, %dma_start3A_1274] : memref<6x128xi32, #tpu.memory_space<vmem>> -> memref<1x128xi32, #tpu.memory_space<vmem>>
      %dma_start3A_1276 = tpu.memref_squeeze %dma_start3A_1275 : memref<1x128xi32, #tpu.memory_space<vmem>> -> memref<128xi32, #tpu.memory_space<vmem>>
      %dma_start3A_1277 = arith.constant 0 : i32
      %dma_start3A_1278 = arith.constant 0 : i32
      %dma_start3A_1279 = tpu.memref_slice %arg2[%dma_start3A_1277, %dma_start3A_1278] : memref<10240x32xf32, #tpu.memory_space<hbm>> -> memref<10240x32xf32, #tpu.memory_space<hbm>>
      tpu.enqueue_indirect_dma source(%dma_start3A_1279 : memref<10240x32xf32, #tpu.memory_space<hbm>>) target(%dma_start3A_1273 : memref<128x32xf32, #tpu.memory_space<vmem>>) offsets(%dma_start3A_1276 : memref<128xi32, #tpu.memory_space<vmem>>) semaphore(%arg13 : memref<!tpu.dma_semaphore, #tpu.memory_space<semaphore_mem>>)
      %dma_start3A_1280 = arith.constant 2 : i32
      %dma_start3A_1281 = arith.constant 2 : i32
      %dma_start3A_1282 = arith.constant 0 : i32
      %dma_start3A_1283 = arith.constant 0 : i32
      %dma_start3A_1284 = tpu.memref_slice %arg11[%dma_start3A_1281, %dma_start3A_1282, %dma_start3A_1283] : memref<6x128x32xf32, #tpu.memory_space<vmem>> -> memref<1x128x32xf32, #tpu.memory_space<vmem>>
      %dma_start3A_1285 = tpu.memref_squeeze %dma_start3A_1284 : memref<1x128x32xf32, #tpu.memory_space<vmem>> -> memref<128x32xf32, #tpu.memory_space<vmem>>
      %dma_start3A_1286 = arith.constant 0 : i32
      %dma_start3A_1287 = tpu.memref_slice %arg7[%dma_start3A_1280, %dma_start3A_1286] : memref<6x128xi32, #tpu.memory_space<vmem>> -> memref<1x128xi32, #tpu.memory_space<vmem>>
      %dma_start3A_1288 = tpu.memref_squeeze %dma_start3A_1287 : memref<1x128xi32, #tpu.memory_space<vmem>> -> memref<128xi32, #tpu.memory_space<vmem>>
      %dma_start3A_1289 = arith.constant 0 : i32
      %dma_start3A_1290 = arith.constant 0 : i32
      %dma_start3A_1291 = tpu.memref_slice %arg2[%dma_start3A_1289, %dma_start3A_1290] : memref<10240x32xf32, #tpu.memory_space<hbm>> -> memref<10240x32xf32, #tpu.memory_space<hbm>>
      tpu.enqueue_indirect_dma source(%dma_start3A_1291 : memref<10240x32xf32, #tpu.memory_space<hbm>>) target(%dma_start3A_1285 : memref<128x32xf32, #tpu.memory_space<vmem>>) offsets(%dma_start3A_1288 : memref<128xi32, #tpu.memory_space<vmem>>) semaphore(%arg13 : memref<!tpu.dma_semaphore, #tpu.memory_space<semaphore_mem>>)
      %dma_start3A_1292 = arith.constant 3 : i32
      %dma_start3A_1293 = arith.constant 3 : i32
      %dma_start3A_1294 = arith.constant 0 : i32
      %dma_start3A_1295 = arith.constant 0 : i32
      %dma_start3A_1296 = tpu.memref_slice %arg11[%dma_start3A_1293, %dma_start3A_1294, %dma_start3A_1295] : memref<6x128x32xf32, #tpu.memory_space<vmem>> -> memref<1x128x32xf32, #tpu.memory_space<vmem>>
      %dma_start3A_1297 = tpu.memref_squeeze %dma_start3A_1296 : memref<1x128x32xf32, #tpu.memory_space<vmem>> -> memref<128x32xf32, #tpu.memory_space<vmem>>
      %dma_start3A_1298 = arith.constant 0 : i32
      %dma_start3A_1299 = tpu.memref_slice %arg7[%dma_start3A_1292, %dma_start3A_1298] : memref<6x128xi32, #tpu.memory_space<vmem>> -> memref<1x128xi32, #tpu.memory_space<vmem>>
      %dma_start3A_1300 = tpu.memref_squeeze %dma_start3A_1299 : memref<1x128xi32, #tpu.memory_space<vmem>> -> memref<128xi32, #tpu.memory_space<vmem>>
      %dma_start3A_1301 = arith.constant 0 : i32
      %dma_start3A_1302 = arith.constant 0 : i32
      %dma_start3A_1303 = tpu.memref_slice %arg2[%dma_start3A_1301, %dma_start3A_1302] : memref<10240x32xf32, #tpu.memory_space<hbm>> -> memref<10240x32xf32, #tpu.memory_space<hbm>>
      tpu.enqueue_indirect_dma source(%dma_start3A_1303 : memref<10240x32xf32, #tpu.memory_space<hbm>>) target(%dma_start3A_1297 : memref<128x32xf32, #tpu.memory_space<vmem>>) offsets(%dma_start3A_1300 : memref<128xi32, #tpu.memory_space<vmem>>) semaphore(%arg13 : memref<!tpu.dma_semaphore, #tpu.memory_space<semaphore_mem>>)
      %dma_start3A_1304 = arith.constant 4 : i32
      %dma_start3A_1305 = arith.constant 4 : i32
      %dma_start3A_1306 = arith.constant 0 : i32
      %dma_start3A_1307 = arith.constant 0 : i32
      %dma_start3A_1308 = tpu.memref_slice %arg11[%dma_start3A_1305, %dma_start3A_1306, %dma_start3A_1307] : memref<6x128x32xf32, #tpu.memory_space<vmem>> -> memref<1x128x32xf32, #tpu.memory_space<vmem>>
      %dma_start3A_1309 = tpu.memref_squeeze %dma_start3A_1308 : memref<1x128x32xf32, #tpu.memory_space<vmem>> -> memref<128x32xf32, #tpu.memory_space<vmem>>
      %dma_start3A_1310 = arith.constant 0 : i32
      %dma_start3A_1311 = tpu.memref_slice %arg7[%dma_start3A_1304, %dma_start3A_1310] : memref<6x128xi32, #tpu.memory_space<vmem>> -> memref<1x128xi32, #tpu.memory_space<vmem>>
      %dma_start3A_1312 = tpu.memref_squeeze %dma_start3A_1311 : memref<1x128xi32, #tpu.memory_space<vmem>> -> memref<128xi32, #tpu.memory_space<vmem>>
      %dma_start3A_1313 = arith.constant 0 : i32
      %dma_start3A_1314 = arith.constant 0 : i32
      %dma_start3A_1315 = tpu.memref_slice %arg2[%dma_start3A_1313, %dma_start3A_1314] : memref<10240x32xf32, #tpu.memory_space<hbm>> -> memref<10240x32xf32, #tpu.memory_space<hbm>>
      tpu.enqueue_indirect_dma source(%dma_start3A_1315 : memref<10240x32xf32, #tpu.memory_space<hbm>>) target(%dma_start3A_1309 : memref<128x32xf32, #tpu.memory_space<vmem>>) offsets(%dma_start3A_1312 : memref<128xi32, #tpu.memory_space<vmem>>) semaphore(%arg13 : memref<!tpu.dma_semaphore, #tpu.memory_space<semaphore_mem>>)
      %dma_start3A_1316 = arith.constant 5 : i32
      %dma_start3A_1317 = arith.constant 5 : i32
      %dma_start3A_1318 = arith.constant 0 : i32
      %dma_start3A_1319 = arith.constant 0 : i32
      %dma_start3A_1320 = tpu.memref_slice %arg11[%dma_start3A_1317, %dma_start3A_1318, %dma_start3A_1319] : memref<6x128x32xf32, #tpu.memory_space<vmem>> -> memref<1x128x32xf32, #tpu.memory_space<vmem>>
      %dma_start3A_1321 = tpu.memref_squeeze %dma_start3A_1320 : memref<1x128x32xf32, #tpu.memory_space<vmem>> -> memref<128x32xf32, #tpu.memory_space<vmem>>
      %dma_start3A_1322 = arith.constant 0 : i32
      %dma_start3A_1323 = tpu.memref_slice %arg7[%dma_start3A_1316, %dma_start3A_1322] : memref<6x128xi32, #tpu.memory_space<vmem>> -> memref<1x128xi32, #tpu.memory_space<vmem>>
      %dma_start3A_1324 = tpu.memref_squeeze %dma_start3A_1323 : memref<1x128xi32, #tpu.memory_space<vmem>> -> memref<128xi32, #tpu.memory_space<vmem>>
      %dma_start3A_1325 = arith.constant 0 : i32
      %dma_start3A_1326 = arith.constant 0 : i32
      %dma_start3A_1327 = tpu.memref_slice %arg2[%dma_start3A_1325, %dma_start3A_1326] : memref<10240x32xf32, #tpu.memory_space<hbm>> -> memref<10240x32xf32, #tpu.memory_space<hbm>>
      tpu.enqueue_indirect_dma source(%dma_start3A_1327 : memref<10240x32xf32, #tpu.memory_space<hbm>>) target(%dma_start3A_1321 : memref<128x32xf32, #tpu.memory_space<vmem>>) offsets(%dma_start3A_1324 : memref<128xi32, #tpu.memory_space<vmem>>) semaphore(%arg13 : memref<!tpu.dma_semaphore, #tpu.memory_space<semaphore_mem>>)
      %dma_wait3A_1328 = arith.constant 0 : i32
      %dma_wait3A_1329 = arith.constant 0 : i32
      %dma_wait3A_1330 = arith.constant 0 : i32
      %dma_wait3A_1331 = arith.constant 0 : i32
      %dma_wait3A_1332 = tpu.memref_slice %arg12[%dma_wait3A_1328, %dma_wait3A_1330, %dma_wait3A_1331] : memref<6x128x32xf32, #tpu.memory_space<vmem>> -> memref<1x128x32xf32, #tpu.memory_space<vmem>>
      %dma_wait3A_1333 = tpu.memref_squeeze %dma_wait3A_1332 : memref<1x128x32xf32, #tpu.memory_space<vmem>> -> memref<128x32xf32, #tpu.memory_space<vmem>>
      %dma_wait3A_1334 = arith.constant 0 : i32
      %dma_wait3A_1335 = tpu.memref_slice %arg10[%dma_wait3A_1329, %dma_wait3A_1334] : memref<6x128xi32, #tpu.memory_space<vmem>> -> memref<1x128xi32, #tpu.memory_space<vmem>>
      %dma_wait3A_1336 = tpu.memref_squeeze %dma_wait3A_1335 : memref<1x128xi32, #tpu.memory_space<vmem>> -> memref<128xi32, #tpu.memory_space<vmem>>
      %dma_wait3A_1337 = arith.constant 0 : i32
      %dma_wait3A_1338 = arith.constant 0 : i32
      %dma_wait3A_1339 = tpu.memref_slice %arg6[%dma_wait3A_1337, %dma_wait3A_1338] : memref<10240x32xf32, #tpu.memory_space<vmem_shared>> -> memref<10240x32xf32, #tpu.memory_space<vmem_shared>>
      tpu.wait_indirect_dma semaphore(%arg16 : memref<!tpu.dma_semaphore, #tpu.memory_space<semaphore_mem>>) src(%dma_wait3A_1333 : memref<128x32xf32, #tpu.memory_space<vmem>>) dst(%dma_wait3A_1339 : memref<10240x32xf32, #tpu.memory_space<vmem_shared>>)
      %dma_wait3A_1340 = arith.constant 1 : i32
      %dma_wait3A_1341 = arith.constant 1 : i32
      %dma_wait3A_1342 = arith.constant 0 : i32
      %dma_wait3A_1343 = arith.constant 0 : i32
      %dma_wait3A_1344 = tpu.memref_slice %arg12[%dma_wait3A_1340, %dma_wait3A_1342, %dma_wait3A_1343] : memref<6x128x32xf32, #tpu.memory_space<vmem>> -> memref<1x128x32xf32, #tpu.memory_space<vmem>>
      %dma_wait3A_1345 = tpu.memref_squeeze %dma_wait3A_1344 : memref<1x128x32xf32, #tpu.memory_space<vmem>> -> memref<128x32xf32, #tpu.memory_space<vmem>>
      %dma_wait3A_1346 = arith.constant 0 : i32
      %dma_wait3A_1347 = tpu.memref_slice %arg10[%dma_wait3A_1341, %dma_wait3A_1346] : memref<6x128xi32, #tpu.memory_space<vmem>> -> memref<1x128xi32, #tpu.memory_space<vmem>>
      %dma_wait3A_1348 = tpu.memref_squeeze %dma_wait3A_1347 : memref<1x128xi32, #tpu.memory_space<vmem>> -> memref<128xi32, #tpu.memory_space<vmem>>
      %dma_wait3A_1349 = arith.constant 0 : i32
      %dma_wait3A_1350 = arith.constant 0 : i32
      %dma_wait3A_1351 = tpu.memref_slice %arg6[%dma_wait3A_1349, %dma_wait3A_1350] : memref<10240x32xf32, #tpu.memory_space<vmem_shared>> -> memref<10240x32xf32, #tpu.memory_space<vmem_shared>>
      tpu.wait_indirect_dma semaphore(%arg16 : memref<!tpu.dma_semaphore, #tpu.memory_space<semaphore_mem>>) src(%dma_wait3A_1345 : memref<128x32xf32, #tpu.memory_space<vmem>>) dst(%dma_wait3A_1351 : memref<10240x32xf32, #tpu.memory_space<vmem_shared>>)
      %dma_wait3A_1352 = arith.constant 2 : i32
      %dma_wait3A_1353 = arith.constant 2 : i32
      %dma_wait3A_1354 = arith.constant 0 : i32
      %dma_wait3A_1355 = arith.constant 0 : i32
      %dma_wait3A_1356 = tpu.memref_slice %arg12[%dma_wait3A_1352, %dma_wait3A_1354, %dma_wait3A_1355] : memref<6x128x32xf32, #tpu.memory_space<vmem>> -> memref<1x128x32xf32, #tpu.memory_space<vmem>>
      %dma_wait3A_1357 = tpu.memref_squeeze %dma_wait3A_1356 : memref<1x128x32xf32, #tpu.memory_space<vmem>> -> memref<128x32xf32, #tpu.memory_space<vmem>>
      %dma_wait3A_1358 = arith.constant 0 : i32
      %dma_wait3A_1359 = tpu.memref_slice %arg10[%dma_wait3A_1353, %dma_wait3A_1358] : memref<6x128xi32, #tpu.memory_space<vmem>> -> memref<1x128xi32, #tpu.memory_space<vmem>>
      %dma_wait3A_1360 = tpu.memref_squeeze %dma_wait3A_1359 : memref<1x128xi32, #tpu.memory_space<vmem>> -> memref<128xi32, #tpu.memory_space<vmem>>
      %dma_wait3A_1361 = arith.constant 0 : i32
      %dma_wait3A_1362 = arith.constant 0 : i32
      %dma_wait3A_1363 = tpu.memref_slice %arg6[%dma_wait3A_1361, %dma_wait3A_1362] : memref<10240x32xf32, #tpu.memory_space<vmem_shared>> -> memref<10240x32xf32, #tpu.memory_space<vmem_shared>>
      tpu.wait_indirect_dma semaphore(%arg16 : memref<!tpu.dma_semaphore, #tpu.memory_space<semaphore_mem>>) src(%dma_wait3A_1357 : memref<128x32xf32, #tpu.memory_space<vmem>>) dst(%dma_wait3A_1363 : memref<10240x32xf32, #tpu.memory_space<vmem_shared>>)
      %dma_wait3A_1364 = arith.constant 3 : i32
      %dma_wait3A_1365 = arith.constant 3 : i32
      %dma_wait3A_1366 = arith.constant 0 : i32
      %dma_wait3A_1367 = arith.constant 0 : i32
      %dma_wait3A_1368 = tpu.memref_slice %arg12[%dma_wait3A_1364, %dma_wait3A_1366, %dma_wait3A_1367] : memref<6x128x32xf32, #tpu.memory_space<vmem>> -> memref<1x128x32xf32, #tpu.memory_space<vmem>>
      %dma_wait3A_1369 = tpu.memref_squeeze %dma_wait3A_1368 : memref<1x128x32xf32, #tpu.memory_space<vmem>> -> memref<128x32xf32, #tpu.memory_space<vmem>>
      %dma_wait3A_1370 = arith.constant 0 : i32
      %dma_wait3A_1371 = tpu.memref_slice %arg10[%dma_wait3A_1365, %dma_wait3A_1370] : memref<6x128xi32, #tpu.memory_space<vmem>> -> memref<1x128xi32, #tpu.memory_space<vmem>>
      %dma_wait3A_1372 = tpu.memref_squeeze %dma_wait3A_1371 : memref<1x128xi32, #tpu.memory_space<vmem>> -> memref<128xi32, #tpu.memory_space<vmem>>
      %dma_wait3A_1373 = arith.constant 0 : i32
      %dma_wait3A_1374 = arith.constant 0 : i32
      %dma_wait3A_1375 = tpu.memref_slice %arg6[%dma_wait3A_1373, %dma_wait3A_1374] : memref<10240x32xf32, #tpu.memory_space<vmem_shared>> -> memref<10240x32xf32, #tpu.memory_space<vmem_shared>>
      tpu.wait_indirect_dma semaphore(%arg16 : memref<!tpu.dma_semaphore, #tpu.memory_space<semaphore_mem>>) src(%dma_wait3A_1369 : memref<128x32xf32, #tpu.memory_space<vmem>>) dst(%dma_wait3A_1375 : memref<10240x32xf32, #tpu.memory_space<vmem_shared>>)
      %dma_wait3A_1376 = arith.constant 4 : i32
      %dma_wait3A_1377 = arith.constant 4 : i32
      %dma_wait3A_1378 = arith.constant 0 : i32
      %dma_wait3A_1379 = arith.constant 0 : i32
      %dma_wait3A_1380 = tpu.memref_slice %arg12[%dma_wait3A_1376, %dma_wait3A_1378, %dma_wait3A_1379] : memref<6x128x32xf32, #tpu.memory_space<vmem>> -> memref<1x128x32xf32, #tpu.memory_space<vmem>>
      %dma_wait3A_1381 = tpu.memref_squeeze %dma_wait3A_1380 : memref<1x128x32xf32, #tpu.memory_space<vmem>> -> memref<128x32xf32, #tpu.memory_space<vmem>>
      %dma_wait3A_1382 = arith.constant 0 : i32
      %dma_wait3A_1383 = tpu.memref_slice %arg10[%dma_wait3A_1377, %dma_wait3A_1382] : memref<6x128xi32, #tpu.memory_space<vmem>> -> memref<1x128xi32, #tpu.memory_space<vmem>>
      %dma_wait3A_1384 = tpu.memref_squeeze %dma_wait3A_1383 : memref<1x128xi32, #tpu.memory_space<vmem>> -> memref<128xi32, #tpu.memory_space<vmem>>
      %dma_wait3A_1385 = arith.constant 0 : i32
      %dma_wait3A_1386 = arith.constant 0 : i32
      %dma_wait3A_1387 = tpu.memref_slice %arg6[%dma_wait3A_1385, %dma_wait3A_1386] : memref<10240x32xf32, #tpu.memory_space<vmem_shared>> -> memref<10240x32xf32, #tpu.memory_space<vmem_shared>>
      tpu.wait_indirect_dma semaphore(%arg16 : memref<!tpu.dma_semaphore, #tpu.memory_space<semaphore_mem>>) src(%dma_wait3A_1381 : memref<128x32xf32, #tpu.memory_space<vmem>>) dst(%dma_wait3A_1387 : memref<10240x32xf32, #tpu.memory_space<vmem_shared>>)
      %dma_wait3A_1388 = arith.constant 5 : i32
      %dma_wait3A_1389 = arith.constant 5 : i32
      %dma_wait3A_1390 = arith.constant 0 : i32
      %dma_wait3A_1391 = arith.constant 0 : i32
      %dma_wait3A_1392 = tpu.memref_slice %arg12[%dma_wait3A_1388, %dma_wait3A_1390, %dma_wait3A_1391] : memref<6x128x32xf32, #tpu.memory_space<vmem>> -> memref<1x128x32xf32, #tpu.memory_space<vmem>>
      %dma_wait3A_1393 = tpu.memref_squeeze %dma_wait3A_1392 : memref<1x128x32xf32, #tpu.memory_space<vmem>> -> memref<128x32xf32, #tpu.memory_space<vmem>>
      %dma_wait3A_1394 = arith.constant 0 : i32
      %dma_wait3A_1395 = tpu.memref_slice %arg10[%dma_wait3A_1389, %dma_wait3A_1394] : memref<6x128xi32, #tpu.memory_space<vmem>> -> memref<1x128xi32, #tpu.memory_space<vmem>>
      %dma_wait3A_1396 = tpu.memref_squeeze %dma_wait3A_1395 : memref<1x128xi32, #tpu.memory_space<vmem>> -> memref<128xi32, #tpu.memory_space<vmem>>
      %dma_wait3A_1397 = arith.constant 0 : i32
      %dma_wait3A_1398 = arith.constant 0 : i32
      %dma_wait3A_1399 = tpu.memref_slice %arg6[%dma_wait3A_1397, %dma_wait3A_1398] : memref<10240x32xf32, #tpu.memory_space<vmem_shared>> -> memref<10240x32xf32, #tpu.memory_space<vmem_shared>>
      tpu.wait_indirect_dma semaphore(%arg16 : memref<!tpu.dma_semaphore, #tpu.memory_space<semaphore_mem>>) src(%dma_wait3A_1393 : memref<128x32xf32, #tpu.memory_space<vmem>>) dst(%dma_wait3A_1399 : memref<10240x32xf32, #tpu.memory_space<vmem_shared>>)
      %mul3A_1400 = arith.constant 2 : i32
      %mul3A_1401 = arith.muli %mul3A_1400, %scan3A_886 : i32
      %add3A_1402 = arith.constant 3 : i32
      %add3A_1403 = arith.addi %mul3A_1401, %add3A_1402 : i32
      %mul3A_1404 = arith.constant 6 : i32
      %mul3A_1405 = arith.muli %add3A_1403, %mul3A_1404 : i32
      %add3A_1406 = arith.addi %mul3A_4, %mul3A_1405 : i32
      %run_scoped3A_1407 = arith.constant 0 : i32
      "tpu.region"() ({
        %run_scoped3A_1481 = tpu.sem_alloc : memref<!tpu.dma_semaphore, #tpu.memory_space<semaphore_mem>>
        %dma_start3A_1482 = arith.constant 0 : i32
        %dma_start3A_1483 = tpu.memref_slice %arg3[%run_scoped3A_1407, %add3A_1406, %dma_start3A_1482] : memref<2x2500x128xi32, #tpu.memory_space<hbm>> -> memref<1x6x128xi32, #tpu.memory_space<hbm>>
        %dma_start3A_1484 = tpu.memref_squeeze %dma_start3A_1483 : memref<1x6x128xi32, #tpu.memory_space<hbm>> -> memref<6x128xi32, #tpu.memory_space<hbm>>
        %dma_start3A_1485 = arith.constant 0 : i32
        %dma_start3A_1486 = tpu.memref_slice %arg3[%run_scoped3A_1407, %add3A_1406, %dma_start3A_1485] : memref<2x2500x128xi32, #tpu.memory_space<hbm>> -> memref<1x6x128xi32, #tpu.memory_space<hbm>>
        %dma_start3A_1487 = tpu.memref_squeeze %dma_start3A_1486 : memref<1x6x128xi32, #tpu.memory_space<hbm>> -> memref<6x128xi32, #tpu.memory_space<hbm>>
        tpu.enqueue_dma source(%dma_start3A_1487 : memref<6x128xi32, #tpu.memory_space<hbm>>) target(%arg8 : memref<6x128xi32, #tpu.memory_space<vmem>>) target_semaphore(%run_scoped3A_1481 : memref<!tpu.dma_semaphore, #tpu.memory_space<semaphore_mem>>)
        %dma_wait3A_1488 = arith.constant 0 : i32
        %dma_wait3A_1489 = tpu.memref_slice %arg3[%run_scoped3A_1407, %add3A_1406, %dma_wait3A_1488] : memref<2x2500x128xi32, #tpu.memory_space<hbm>> -> memref<1x6x128xi32, #tpu.memory_space<hbm>>
        %dma_wait3A_1490 = tpu.memref_squeeze %dma_wait3A_1489 : memref<1x6x128xi32, #tpu.memory_space<hbm>> -> memref<6x128xi32, #tpu.memory_space<hbm>>
        %dma_wait3A_1491 = arith.constant 0 : i32
        %dma_wait3A_1492 = tpu.memref_slice %arg3[%run_scoped3A_1407, %add3A_1406, %dma_wait3A_1491] : memref<2x2500x128xi32, #tpu.memory_space<hbm>> -> memref<1x6x128xi32, #tpu.memory_space<hbm>>
        %dma_wait3A_1493 = tpu.memref_squeeze %dma_wait3A_1492 : memref<1x6x128xi32, #tpu.memory_space<hbm>> -> memref<6x128xi32, #tpu.memory_space<hbm>>
        tpu.wait_dma2 semaphore(%run_scoped3A_1481 : memref<!tpu.dma_semaphore, #tpu.memory_space<semaphore_mem>>) src(%dma_wait3A_1493 : memref<6x128xi32, #tpu.memory_space<hbm>>) dst(%arg8 : memref<6x128xi32, #tpu.memory_space<vmem>>)
        tpu.yield
      }) : () -> ()
      %run_scoped3A_1408 = arith.constant 1 : i32
      "tpu.region"() ({
        %run_scoped3A_1481 = tpu.sem_alloc : memref<!tpu.dma_semaphore, #tpu.memory_space<semaphore_mem>>
        %dma_start3A_1482 = arith.constant 0 : i32
        %dma_start3A_1483 = tpu.memref_slice %arg3[%run_scoped3A_1408, %add3A_1406, %dma_start3A_1482] : memref<2x2500x128xi32, #tpu.memory_space<hbm>> -> memref<1x6x128xi32, #tpu.memory_space<hbm>>
        %dma_start3A_1484 = tpu.memref_squeeze %dma_start3A_1483 : memref<1x6x128xi32, #tpu.memory_space<hbm>> -> memref<6x128xi32, #tpu.memory_space<hbm>>
        %dma_start3A_1485 = arith.constant 0 : i32
        %dma_start3A_1486 = tpu.memref_slice %arg3[%run_scoped3A_1408, %add3A_1406, %dma_start3A_1485] : memref<2x2500x128xi32, #tpu.memory_space<hbm>> -> memref<1x6x128xi32, #tpu.memory_space<hbm>>
        %dma_start3A_1487 = tpu.memref_squeeze %dma_start3A_1486 : memref<1x6x128xi32, #tpu.memory_space<hbm>> -> memref<6x128xi32, #tpu.memory_space<hbm>>
        tpu.enqueue_dma source(%dma_start3A_1487 : memref<6x128xi32, #tpu.memory_space<hbm>>) target(%arg10 : memref<6x128xi32, #tpu.memory_space<vmem>>) target_semaphore(%run_scoped3A_1481 : memref<!tpu.dma_semaphore, #tpu.memory_space<semaphore_mem>>)
        %dma_wait3A_1488 = arith.constant 0 : i32
        %dma_wait3A_1489 = tpu.memref_slice %arg3[%run_scoped3A_1408, %add3A_1406, %dma_wait3A_1488] : memref<2x2500x128xi32, #tpu.memory_space<hbm>> -> memref<1x6x128xi32, #tpu.memory_space<hbm>>
        %dma_wait3A_1490 = tpu.memref_squeeze %dma_wait3A_1489 : memref<1x6x128xi32, #tpu.memory_space<hbm>> -> memref<6x128xi32, #tpu.memory_space<hbm>>
        %dma_wait3A_1491 = arith.constant 0 : i32
        %dma_wait3A_1492 = tpu.memref_slice %arg3[%run_scoped3A_1408, %add3A_1406, %dma_wait3A_1491] : memref<2x2500x128xi32, #tpu.memory_space<hbm>> -> memref<1x6x128xi32, #tpu.memory_space<hbm>>
        %dma_wait3A_1493 = tpu.memref_squeeze %dma_wait3A_1492 : memref<1x6x128xi32, #tpu.memory_space<hbm>> -> memref<6x128xi32, #tpu.memory_space<hbm>>
        tpu.wait_dma2 semaphore(%run_scoped3A_1481 : memref<!tpu.dma_semaphore, #tpu.memory_space<semaphore_mem>>) src(%dma_wait3A_1493 : memref<6x128xi32, #tpu.memory_space<hbm>>) dst(%arg10 : memref<6x128xi32, #tpu.memory_space<vmem>>)
        tpu.yield
      }) : () -> ()
      %dma_start3A_1409 = arith.constant 0 : i32
      %dma_start3A_1410 = arith.constant 0 : i32
      %dma_start3A_1411 = arith.constant 0 : i32
      %dma_start3A_1412 = arith.constant 0 : i32
      %dma_start3A_1413 = tpu.memref_slice %arg12[%dma_start3A_1410, %dma_start3A_1411, %dma_start3A_1412] : memref<6x128x32xf32, #tpu.memory_space<vmem>> -> memref<1x128x32xf32, #tpu.memory_space<vmem>>
      %dma_start3A_1414 = tpu.memref_squeeze %dma_start3A_1413 : memref<1x128x32xf32, #tpu.memory_space<vmem>> -> memref<128x32xf32, #tpu.memory_space<vmem>>
      %dma_start3A_1415 = arith.constant 0 : i32
      %dma_start3A_1416 = tpu.memref_slice %arg8[%dma_start3A_1409, %dma_start3A_1415] : memref<6x128xi32, #tpu.memory_space<vmem>> -> memref<1x128xi32, #tpu.memory_space<vmem>>
      %dma_start3A_1417 = tpu.memref_squeeze %dma_start3A_1416 : memref<1x128xi32, #tpu.memory_space<vmem>> -> memref<128xi32, #tpu.memory_space<vmem>>
      %dma_start3A_1418 = arith.constant 0 : i32
      %dma_start3A_1419 = arith.constant 0 : i32
      %dma_start3A_1420 = tpu.memref_slice %arg2[%dma_start3A_1418, %dma_start3A_1419] : memref<10240x32xf32, #tpu.memory_space<hbm>> -> memref<10240x32xf32, #tpu.memory_space<hbm>>
      tpu.enqueue_indirect_dma source(%dma_start3A_1420 : memref<10240x32xf32, #tpu.memory_space<hbm>>) target(%dma_start3A_1414 : memref<128x32xf32, #tpu.memory_space<vmem>>) offsets(%dma_start3A_1417 : memref<128xi32, #tpu.memory_space<vmem>>) semaphore(%arg14 : memref<!tpu.dma_semaphore, #tpu.memory_space<semaphore_mem>>)
      %dma_start3A_1421 = arith.constant 1 : i32
      %dma_start3A_1422 = arith.constant 1 : i32
      %dma_start3A_1423 = arith.constant 0 : i32
      %dma_start3A_1424 = arith.constant 0 : i32
      %dma_start3A_1425 = tpu.memref_slice %arg12[%dma_start3A_1422, %dma_start3A_1423, %dma_start3A_1424] : memref<6x128x32xf32, #tpu.memory_space<vmem>> -> memref<1x128x32xf32, #tpu.memory_space<vmem>>
      %dma_start3A_1426 = tpu.memref_squeeze %dma_start3A_1425 : memref<1x128x32xf32, #tpu.memory_space<vmem>> -> memref<128x32xf32, #tpu.memory_space<vmem>>
      %dma_start3A_1427 = arith.constant 0 : i32
      %dma_start3A_1428 = tpu.memref_slice %arg8[%dma_start3A_1421, %dma_start3A_1427] : memref<6x128xi32, #tpu.memory_space<vmem>> -> memref<1x128xi32, #tpu.memory_space<vmem>>
      %dma_start3A_1429 = tpu.memref_squeeze %dma_start3A_1428 : memref<1x128xi32, #tpu.memory_space<vmem>> -> memref<128xi32, #tpu.memory_space<vmem>>
      %dma_start3A_1430 = arith.constant 0 : i32
      %dma_start3A_1431 = arith.constant 0 : i32
      %dma_start3A_1432 = tpu.memref_slice %arg2[%dma_start3A_1430, %dma_start3A_1431] : memref<10240x32xf32, #tpu.memory_space<hbm>> -> memref<10240x32xf32, #tpu.memory_space<hbm>>
      tpu.enqueue_indirect_dma source(%dma_start3A_1432 : memref<10240x32xf32, #tpu.memory_space<hbm>>) target(%dma_start3A_1426 : memref<128x32xf32, #tpu.memory_space<vmem>>) offsets(%dma_start3A_1429 : memref<128xi32, #tpu.memory_space<vmem>>) semaphore(%arg14 : memref<!tpu.dma_semaphore, #tpu.memory_space<semaphore_mem>>)
      %dma_start3A_1433 = arith.constant 2 : i32
      %dma_start3A_1434 = arith.constant 2 : i32
      %dma_start3A_1435 = arith.constant 0 : i32
      %dma_start3A_1436 = arith.constant 0 : i32
      %dma_start3A_1437 = tpu.memref_slice %arg12[%dma_start3A_1434, %dma_start3A_1435, %dma_start3A_1436] : memref<6x128x32xf32, #tpu.memory_space<vmem>> -> memref<1x128x32xf32, #tpu.memory_space<vmem>>
      %dma_start3A_1438 = tpu.memref_squeeze %dma_start3A_1437 : memref<1x128x32xf32, #tpu.memory_space<vmem>> -> memref<128x32xf32, #tpu.memory_space<vmem>>
      %dma_start3A_1439 = arith.constant 0 : i32
      %dma_start3A_1440 = tpu.memref_slice %arg8[%dma_start3A_1433, %dma_start3A_1439] : memref<6x128xi32, #tpu.memory_space<vmem>> -> memref<1x128xi32, #tpu.memory_space<vmem>>
      %dma_start3A_1441 = tpu.memref_squeeze %dma_start3A_1440 : memref<1x128xi32, #tpu.memory_space<vmem>> -> memref<128xi32, #tpu.memory_space<vmem>>
      %dma_start3A_1442 = arith.constant 0 : i32
      %dma_start3A_1443 = arith.constant 0 : i32
      %dma_start3A_1444 = tpu.memref_slice %arg2[%dma_start3A_1442, %dma_start3A_1443] : memref<10240x32xf32, #tpu.memory_space<hbm>> -> memref<10240x32xf32, #tpu.memory_space<hbm>>
      tpu.enqueue_indirect_dma source(%dma_start3A_1444 : memref<10240x32xf32, #tpu.memory_space<hbm>>) target(%dma_start3A_1438 : memref<128x32xf32, #tpu.memory_space<vmem>>) offsets(%dma_start3A_1441 : memref<128xi32, #tpu.memory_space<vmem>>) semaphore(%arg14 : memref<!tpu.dma_semaphore, #tpu.memory_space<semaphore_mem>>)
      %dma_start3A_1445 = arith.constant 3 : i32
      %dma_start3A_1446 = arith.constant 3 : i32
      %dma_start3A_1447 = arith.constant 0 : i32
      %dma_start3A_1448 = arith.constant 0 : i32
      %dma_start3A_1449 = tpu.memref_slice %arg12[%dma_start3A_1446, %dma_start3A_1447, %dma_start3A_1448] : memref<6x128x32xf32, #tpu.memory_space<vmem>> -> memref<1x128x32xf32, #tpu.memory_space<vmem>>
      %dma_start3A_1450 = tpu.memref_squeeze %dma_start3A_1449 : memref<1x128x32xf32, #tpu.memory_space<vmem>> -> memref<128x32xf32, #tpu.memory_space<vmem>>
      %dma_start3A_1451 = arith.constant 0 : i32
      %dma_start3A_1452 = tpu.memref_slice %arg8[%dma_start3A_1445, %dma_start3A_1451] : memref<6x128xi32, #tpu.memory_space<vmem>> -> memref<1x128xi32, #tpu.memory_space<vmem>>
      %dma_start3A_1453 = tpu.memref_squeeze %dma_start3A_1452 : memref<1x128xi32, #tpu.memory_space<vmem>> -> memref<128xi32, #tpu.memory_space<vmem>>
      %dma_start3A_1454 = arith.constant 0 : i32
      %dma_start3A_1455 = arith.constant 0 : i32
      %dma_start3A_1456 = tpu.memref_slice %arg2[%dma_start3A_1454, %dma_start3A_1455] : memref<10240x32xf32, #tpu.memory_space<hbm>> -> memref<10240x32xf32, #tpu.memory_space<hbm>>
      tpu.enqueue_indirect_dma source(%dma_start3A_1456 : memref<10240x32xf32, #tpu.memory_space<hbm>>) target(%dma_start3A_1450 : memref<128x32xf32, #tpu.memory_space<vmem>>) offsets(%dma_start3A_1453 : memref<128xi32, #tpu.memory_space<vmem>>) semaphore(%arg14 : memref<!tpu.dma_semaphore, #tpu.memory_space<semaphore_mem>>)
      %dma_start3A_1457 = arith.constant 4 : i32
      %dma_start3A_1458 = arith.constant 4 : i32
      %dma_start3A_1459 = arith.constant 0 : i32
      %dma_start3A_1460 = arith.constant 0 : i32
      %dma_start3A_1461 = tpu.memref_slice %arg12[%dma_start3A_1458, %dma_start3A_1459, %dma_start3A_1460] : memref<6x128x32xf32, #tpu.memory_space<vmem>> -> memref<1x128x32xf32, #tpu.memory_space<vmem>>
      %dma_start3A_1462 = tpu.memref_squeeze %dma_start3A_1461 : memref<1x128x32xf32, #tpu.memory_space<vmem>> -> memref<128x32xf32, #tpu.memory_space<vmem>>
      %dma_start3A_1463 = arith.constant 0 : i32
      %dma_start3A_1464 = tpu.memref_slice %arg8[%dma_start3A_1457, %dma_start3A_1463] : memref<6x128xi32, #tpu.memory_space<vmem>> -> memref<1x128xi32, #tpu.memory_space<vmem>>
      %dma_start3A_1465 = tpu.memref_squeeze %dma_start3A_1464 : memref<1x128xi32, #tpu.memory_space<vmem>> -> memref<128xi32, #tpu.memory_space<vmem>>
      %dma_start3A_1466 = arith.constant 0 : i32
      %dma_start3A_1467 = arith.constant 0 : i32
      %dma_start3A_1468 = tpu.memref_slice %arg2[%dma_start3A_1466, %dma_start3A_1467] : memref<10240x32xf32, #tpu.memory_space<hbm>> -> memref<10240x32xf32, #tpu.memory_space<hbm>>
      tpu.enqueue_indirect_dma source(%dma_start3A_1468 : memref<10240x32xf32, #tpu.memory_space<hbm>>) target(%dma_start3A_1462 : memref<128x32xf32, #tpu.memory_space<vmem>>) offsets(%dma_start3A_1465 : memref<128xi32, #tpu.memory_space<vmem>>) semaphore(%arg14 : memref<!tpu.dma_semaphore, #tpu.memory_space<semaphore_mem>>)
      %dma_start3A_1469 = arith.constant 5 : i32
      %dma_start3A_1470 = arith.constant 5 : i32
      %dma_start3A_1471 = arith.constant 0 : i32
      %dma_start3A_1472 = arith.constant 0 : i32
      %dma_start3A_1473 = tpu.memref_slice %arg12[%dma_start3A_1470, %dma_start3A_1471, %dma_start3A_1472] : memref<6x128x32xf32, #tpu.memory_space<vmem>> -> memref<1x128x32xf32, #tpu.memory_space<vmem>>
      %dma_start3A_1474 = tpu.memref_squeeze %dma_start3A_1473 : memref<1x128x32xf32, #tpu.memory_space<vmem>> -> memref<128x32xf32, #tpu.memory_space<vmem>>
      %dma_start3A_1475 = arith.constant 0 : i32
      %dma_start3A_1476 = tpu.memref_slice %arg8[%dma_start3A_1469, %dma_start3A_1475] : memref<6x128xi32, #tpu.memory_space<vmem>> -> memref<1x128xi32, #tpu.memory_space<vmem>>
      %dma_start3A_1477 = tpu.memref_squeeze %dma_start3A_1476 : memref<1x128xi32, #tpu.memory_space<vmem>> -> memref<128xi32, #tpu.memory_space<vmem>>
      %dma_start3A_1478 = arith.constant 0 : i32
      %dma_start3A_1479 = arith.constant 0 : i32
      %dma_start3A_1480 = tpu.memref_slice %arg2[%dma_start3A_1478, %dma_start3A_1479] : memref<10240x32xf32, #tpu.memory_space<hbm>> -> memref<10240x32xf32, #tpu.memory_space<hbm>>
      tpu.enqueue_indirect_dma source(%dma_start3A_1480 : memref<10240x32xf32, #tpu.memory_space<hbm>>) target(%dma_start3A_1474 : memref<128x32xf32, #tpu.memory_space<vmem>>) offsets(%dma_start3A_1477 : memref<128xi32, #tpu.memory_space<vmem>>) semaphore(%arg14 : memref<!tpu.dma_semaphore, #tpu.memory_space<semaphore_mem>>)
    }
    %scan3A_159 = arith.constant 5 : i32
    %dma_wait3A = arith.constant 0 : i32
    %dma_wait3A_160 = arith.constant 0 : i32
    %dma_wait3A_161 = arith.constant 0 : i32
    %dma_wait3A_162 = arith.constant 0 : i32
    %dma_wait3A_163 = tpu.memref_slice %arg11[%dma_wait3A_160, %dma_wait3A_161, %dma_wait3A_162] : memref<6x128x32xf32, #tpu.memory_space<vmem>> -> memref<1x128x32xf32, #tpu.memory_space<vmem>>
    %dma_wait3A_164 = tpu.memref_squeeze %dma_wait3A_163 : memref<1x128x32xf32, #tpu.memory_space<vmem>> -> memref<128x32xf32, #tpu.memory_space<vmem>>
    %dma_wait3A_165 = arith.constant 0 : i32
    %dma_wait3A_166 = tpu.memref_slice %arg7[%dma_wait3A, %dma_wait3A_165] : memref<6x128xi32, #tpu.memory_space<vmem>> -> memref<1x128xi32, #tpu.memory_space<vmem>>
    %dma_wait3A_167 = tpu.memref_squeeze %dma_wait3A_166 : memref<1x128xi32, #tpu.memory_space<vmem>> -> memref<128xi32, #tpu.memory_space<vmem>>
    %dma_wait3A_168 = arith.constant 0 : i32
    %dma_wait3A_169 = arith.constant 0 : i32
    %dma_wait3A_170 = tpu.memref_slice %arg2[%dma_wait3A_168, %dma_wait3A_169] : memref<10240x32xf32, #tpu.memory_space<hbm>> -> memref<10240x32xf32, #tpu.memory_space<hbm>>
    tpu.wait_indirect_dma semaphore(%arg13 : memref<!tpu.dma_semaphore, #tpu.memory_space<semaphore_mem>>) src(%dma_wait3A_170 : memref<10240x32xf32, #tpu.memory_space<hbm>>) dst(%dma_wait3A_164 : memref<128x32xf32, #tpu.memory_space<vmem>>)
    %dma_wait3A_171 = arith.constant 1 : i32
    %dma_wait3A_172 = arith.constant 1 : i32
    %dma_wait3A_173 = arith.constant 0 : i32
    %dma_wait3A_174 = arith.constant 0 : i32
    %dma_wait3A_175 = tpu.memref_slice %arg11[%dma_wait3A_172, %dma_wait3A_173, %dma_wait3A_174] : memref<6x128x32xf32, #tpu.memory_space<vmem>> -> memref<1x128x32xf32, #tpu.memory_space<vmem>>
    %dma_wait3A_176 = tpu.memref_squeeze %dma_wait3A_175 : memref<1x128x32xf32, #tpu.memory_space<vmem>> -> memref<128x32xf32, #tpu.memory_space<vmem>>
    %dma_wait3A_177 = arith.constant 0 : i32
    %dma_wait3A_178 = tpu.memref_slice %arg7[%dma_wait3A_171, %dma_wait3A_177] : memref<6x128xi32, #tpu.memory_space<vmem>> -> memref<1x128xi32, #tpu.memory_space<vmem>>
    %dma_wait3A_179 = tpu.memref_squeeze %dma_wait3A_178 : memref<1x128xi32, #tpu.memory_space<vmem>> -> memref<128xi32, #tpu.memory_space<vmem>>
    %dma_wait3A_180 = arith.constant 0 : i32
    %dma_wait3A_181 = arith.constant 0 : i32
    %dma_wait3A_182 = tpu.memref_slice %arg2[%dma_wait3A_180, %dma_wait3A_181] : memref<10240x32xf32, #tpu.memory_space<hbm>> -> memref<10240x32xf32, #tpu.memory_space<hbm>>
    tpu.wait_indirect_dma semaphore(%arg13 : memref<!tpu.dma_semaphore, #tpu.memory_space<semaphore_mem>>) src(%dma_wait3A_182 : memref<10240x32xf32, #tpu.memory_space<hbm>>) dst(%dma_wait3A_176 : memref<128x32xf32, #tpu.memory_space<vmem>>)
    %dma_wait3A_183 = arith.constant 2 : i32
    %dma_wait3A_184 = arith.constant 2 : i32
    %dma_wait3A_185 = arith.constant 0 : i32
    %dma_wait3A_186 = arith.constant 0 : i32
    %dma_wait3A_187 = tpu.memref_slice %arg11[%dma_wait3A_184, %dma_wait3A_185, %dma_wait3A_186] : memref<6x128x32xf32, #tpu.memory_space<vmem>> -> memref<1x128x32xf32, #tpu.memory_space<vmem>>
    %dma_wait3A_188 = tpu.memref_squeeze %dma_wait3A_187 : memref<1x128x32xf32, #tpu.memory_space<vmem>> -> memref<128x32xf32, #tpu.memory_space<vmem>>
    %dma_wait3A_189 = arith.constant 0 : i32
    %dma_wait3A_190 = tpu.memref_slice %arg7[%dma_wait3A_183, %dma_wait3A_189] : memref<6x128xi32, #tpu.memory_space<vmem>> -> memref<1x128xi32, #tpu.memory_space<vmem>>
    %dma_wait3A_191 = tpu.memref_squeeze %dma_wait3A_190 : memref<1x128xi32, #tpu.memory_space<vmem>> -> memref<128xi32, #tpu.memory_space<vmem>>
    %dma_wait3A_192 = arith.constant 0 : i32
    %dma_wait3A_193 = arith.constant 0 : i32
    %dma_wait3A_194 = tpu.memref_slice %arg2[%dma_wait3A_192, %dma_wait3A_193] : memref<10240x32xf32, #tpu.memory_space<hbm>> -> memref<10240x32xf32, #tpu.memory_space<hbm>>
    tpu.wait_indirect_dma semaphore(%arg13 : memref<!tpu.dma_semaphore, #tpu.memory_space<semaphore_mem>>) src(%dma_wait3A_194 : memref<10240x32xf32, #tpu.memory_space<hbm>>) dst(%dma_wait3A_188 : memref<128x32xf32, #tpu.memory_space<vmem>>)
    %dma_wait3A_195 = arith.constant 3 : i32
    %dma_wait3A_196 = arith.constant 3 : i32
    %dma_wait3A_197 = arith.constant 0 : i32
    %dma_wait3A_198 = arith.constant 0 : i32
    %dma_wait3A_199 = tpu.memref_slice %arg11[%dma_wait3A_196, %dma_wait3A_197, %dma_wait3A_198] : memref<6x128x32xf32, #tpu.memory_space<vmem>> -> memref<1x128x32xf32, #tpu.memory_space<vmem>>
    %dma_wait3A_200 = tpu.memref_squeeze %dma_wait3A_199 : memref<1x128x32xf32, #tpu.memory_space<vmem>> -> memref<128x32xf32, #tpu.memory_space<vmem>>
    %dma_wait3A_201 = arith.constant 0 : i32
    %dma_wait3A_202 = tpu.memref_slice %arg7[%dma_wait3A_195, %dma_wait3A_201] : memref<6x128xi32, #tpu.memory_space<vmem>> -> memref<1x128xi32, #tpu.memory_space<vmem>>
    %dma_wait3A_203 = tpu.memref_squeeze %dma_wait3A_202 : memref<1x128xi32, #tpu.memory_space<vmem>> -> memref<128xi32, #tpu.memory_space<vmem>>
    %dma_wait3A_204 = arith.constant 0 : i32
    %dma_wait3A_205 = arith.constant 0 : i32
    %dma_wait3A_206 = tpu.memref_slice %arg2[%dma_wait3A_204, %dma_wait3A_205] : memref<10240x32xf32, #tpu.memory_space<hbm>> -> memref<10240x32xf32, #tpu.memory_space<hbm>>
    tpu.wait_indirect_dma semaphore(%arg13 : memref<!tpu.dma_semaphore, #tpu.memory_space<semaphore_mem>>) src(%dma_wait3A_206 : memref<10240x32xf32, #tpu.memory_space<hbm>>) dst(%dma_wait3A_200 : memref<128x32xf32, #tpu.memory_space<vmem>>)
    %dma_wait3A_207 = arith.constant 4 : i32
    %dma_wait3A_208 = arith.constant 4 : i32
    %dma_wait3A_209 = arith.constant 0 : i32
    %dma_wait3A_210 = arith.constant 0 : i32
    %dma_wait3A_211 = tpu.memref_slice %arg11[%dma_wait3A_208, %dma_wait3A_209, %dma_wait3A_210] : memref<6x128x32xf32, #tpu.memory_space<vmem>> -> memref<1x128x32xf32, #tpu.memory_space<vmem>>
    %dma_wait3A_212 = tpu.memref_squeeze %dma_wait3A_211 : memref<1x128x32xf32, #tpu.memory_space<vmem>> -> memref<128x32xf32, #tpu.memory_space<vmem>>
    %dma_wait3A_213 = arith.constant 0 : i32
    %dma_wait3A_214 = tpu.memref_slice %arg7[%dma_wait3A_207, %dma_wait3A_213] : memref<6x128xi32, #tpu.memory_space<vmem>> -> memref<1x128xi32, #tpu.memory_space<vmem>>
    %dma_wait3A_215 = tpu.memref_squeeze %dma_wait3A_214 : memref<1x128xi32, #tpu.memory_space<vmem>> -> memref<128xi32, #tpu.memory_space<vmem>>
    %dma_wait3A_216 = arith.constant 0 : i32
    %dma_wait3A_217 = arith.constant 0 : i32
    %dma_wait3A_218 = tpu.memref_slice %arg2[%dma_wait3A_216, %dma_wait3A_217] : memref<10240x32xf32, #tpu.memory_space<hbm>> -> memref<10240x32xf32, #tpu.memory_space<hbm>>
    tpu.wait_indirect_dma semaphore(%arg13 : memref<!tpu.dma_semaphore, #tpu.memory_space<semaphore_mem>>) src(%dma_wait3A_218 : memref<10240x32xf32, #tpu.memory_space<hbm>>) dst(%dma_wait3A_212 : memref<128x32xf32, #tpu.memory_space<vmem>>)
    %dma_wait3A_219 = arith.constant 5 : i32
    %dma_wait3A_220 = arith.constant 5 : i32
    %dma_wait3A_221 = arith.constant 0 : i32
    %dma_wait3A_222 = arith.constant 0 : i32
    %dma_wait3A_223 = tpu.memref_slice %arg11[%dma_wait3A_220, %dma_wait3A_221, %dma_wait3A_222] : memref<6x128x32xf32, #tpu.memory_space<vmem>> -> memref<1x128x32xf32, #tpu.memory_space<vmem>>
    %dma_wait3A_224 = tpu.memref_squeeze %dma_wait3A_223 : memref<1x128x32xf32, #tpu.memory_space<vmem>> -> memref<128x32xf32, #tpu.memory_space<vmem>>
    %dma_wait3A_225 = arith.constant 0 : i32
    %dma_wait3A_226 = tpu.memref_slice %arg7[%dma_wait3A_219, %dma_wait3A_225] : memref<6x128xi32, #tpu.memory_space<vmem>> -> memref<1x128xi32, #tpu.memory_space<vmem>>
    %dma_wait3A_227 = tpu.memref_squeeze %dma_wait3A_226 : memref<1x128xi32, #tpu.memory_space<vmem>> -> memref<128xi32, #tpu.memory_space<vmem>>
    %dma_wait3A_228 = arith.constant 0 : i32
    %dma_wait3A_229 = arith.constant 0 : i32
    %dma_wait3A_230 = tpu.memref_slice %arg2[%dma_wait3A_228, %dma_wait3A_229] : memref<10240x32xf32, #tpu.memory_space<hbm>> -> memref<10240x32xf32, #tpu.memory_space<hbm>>
    tpu.wait_indirect_dma semaphore(%arg13 : memref<!tpu.dma_semaphore, #tpu.memory_space<semaphore_mem>>) src(%dma_wait3A_230 : memref<10240x32xf32, #tpu.memory_space<hbm>>) dst(%dma_wait3A_224 : memref<128x32xf32, #tpu.memory_space<vmem>>)
    %dma_start3A_231 = arith.constant 0 : i32
    %dma_start3A_232 = arith.constant 0 : i32
    %dma_start3A_233 = arith.constant 0 : i32
    %dma_start3A_234 = arith.constant 0 : i32
    %dma_start3A_235 = tpu.memref_slice %arg11[%dma_start3A_231, %dma_start3A_233, %dma_start3A_234] : memref<6x128x32xf32, #tpu.memory_space<vmem>> -> memref<1x128x32xf32, #tpu.memory_space<vmem>>
    %dma_start3A_236 = tpu.memref_squeeze %dma_start3A_235 : memref<1x128x32xf32, #tpu.memory_space<vmem>> -> memref<128x32xf32, #tpu.memory_space<vmem>>
    %dma_start3A_237 = arith.constant 0 : i32
    %dma_start3A_238 = tpu.memref_slice %arg9[%dma_start3A_232, %dma_start3A_237] : memref<6x128xi32, #tpu.memory_space<vmem>> -> memref<1x128xi32, #tpu.memory_space<vmem>>
    %dma_start3A_239 = tpu.memref_squeeze %dma_start3A_238 : memref<1x128xi32, #tpu.memory_space<vmem>> -> memref<128xi32, #tpu.memory_space<vmem>>
    %dma_start3A_240 = arith.constant 0 : i32
    %dma_start3A_241 = arith.constant 0 : i32
    %dma_start3A_242 = tpu.memref_slice %arg6[%dma_start3A_240, %dma_start3A_241] : memref<10240x32xf32, #tpu.memory_space<vmem_shared>> -> memref<10240x32xf32, #tpu.memory_space<vmem_shared>>
    tpu.enqueue_indirect_dma source(%dma_start3A_236 : memref<128x32xf32, #tpu.memory_space<vmem>>) target(%dma_start3A_242 : memref<10240x32xf32, #tpu.memory_space<vmem_shared>>) offsets(%dma_start3A_239 : memref<128xi32, #tpu.memory_space<vmem>>) semaphore(%arg15 : memref<!tpu.dma_semaphore, #tpu.memory_space<semaphore_mem>>) {add = true}
    %dma_start3A_243 = arith.constant 1 : i32
    %dma_start3A_244 = arith.constant 1 : i32
    %dma_start3A_245 = arith.constant 0 : i32
    %dma_start3A_246 = arith.constant 0 : i32
    %dma_start3A_247 = tpu.memref_slice %arg11[%dma_start3A_243, %dma_start3A_245, %dma_start3A_246] : memref<6x128x32xf32, #tpu.memory_space<vmem>> -> memref<1x128x32xf32, #tpu.memory_space<vmem>>
    %dma_start3A_248 = tpu.memref_squeeze %dma_start3A_247 : memref<1x128x32xf32, #tpu.memory_space<vmem>> -> memref<128x32xf32, #tpu.memory_space<vmem>>
    %dma_start3A_249 = arith.constant 0 : i32
    %dma_start3A_250 = tpu.memref_slice %arg9[%dma_start3A_244, %dma_start3A_249] : memref<6x128xi32, #tpu.memory_space<vmem>> -> memref<1x128xi32, #tpu.memory_space<vmem>>
    %dma_start3A_251 = tpu.memref_squeeze %dma_start3A_250 : memref<1x128xi32, #tpu.memory_space<vmem>> -> memref<128xi32, #tpu.memory_space<vmem>>
    %dma_start3A_252 = arith.constant 0 : i32
    %dma_start3A_253 = arith.constant 0 : i32
    %dma_start3A_254 = tpu.memref_slice %arg6[%dma_start3A_252, %dma_start3A_253] : memref<10240x32xf32, #tpu.memory_space<vmem_shared>> -> memref<10240x32xf32, #tpu.memory_space<vmem_shared>>
    tpu.enqueue_indirect_dma source(%dma_start3A_248 : memref<128x32xf32, #tpu.memory_space<vmem>>) target(%dma_start3A_254 : memref<10240x32xf32, #tpu.memory_space<vmem_shared>>) offsets(%dma_start3A_251 : memref<128xi32, #tpu.memory_space<vmem>>) semaphore(%arg15 : memref<!tpu.dma_semaphore, #tpu.memory_space<semaphore_mem>>) {add = true}
    %dma_start3A_255 = arith.constant 2 : i32
    %dma_start3A_256 = arith.constant 2 : i32
    %dma_start3A_257 = arith.constant 0 : i32
    %dma_start3A_258 = arith.constant 0 : i32
    %dma_start3A_259 = tpu.memref_slice %arg11[%dma_start3A_255, %dma_start3A_257, %dma_start3A_258] : memref<6x128x32xf32, #tpu.memory_space<vmem>> -> memref<1x128x32xf32, #tpu.memory_space<vmem>>
    %dma_start3A_260 = tpu.memref_squeeze %dma_start3A_259 : memref<1x128x32xf32, #tpu.memory_space<vmem>> -> memref<128x32xf32, #tpu.memory_space<vmem>>
    %dma_start3A_261 = arith.constant 0 : i32
    %dma_start3A_262 = tpu.memref_slice %arg9[%dma_start3A_256, %dma_start3A_261] : memref<6x128xi32, #tpu.memory_space<vmem>> -> memref<1x128xi32, #tpu.memory_space<vmem>>
    %dma_start3A_263 = tpu.memref_squeeze %dma_start3A_262 : memref<1x128xi32, #tpu.memory_space<vmem>> -> memref<128xi32, #tpu.memory_space<vmem>>
    %dma_start3A_264 = arith.constant 0 : i32
    %dma_start3A_265 = arith.constant 0 : i32
    %dma_start3A_266 = tpu.memref_slice %arg6[%dma_start3A_264, %dma_start3A_265] : memref<10240x32xf32, #tpu.memory_space<vmem_shared>> -> memref<10240x32xf32, #tpu.memory_space<vmem_shared>>
    tpu.enqueue_indirect_dma source(%dma_start3A_260 : memref<128x32xf32, #tpu.memory_space<vmem>>) target(%dma_start3A_266 : memref<10240x32xf32, #tpu.memory_space<vmem_shared>>) offsets(%dma_start3A_263 : memref<128xi32, #tpu.memory_space<vmem>>) semaphore(%arg15 : memref<!tpu.dma_semaphore, #tpu.memory_space<semaphore_mem>>) {add = true}
    %dma_start3A_267 = arith.constant 3 : i32
    %dma_start3A_268 = arith.constant 3 : i32
    %dma_start3A_269 = arith.constant 0 : i32
    %dma_start3A_270 = arith.constant 0 : i32
    %dma_start3A_271 = tpu.memref_slice %arg11[%dma_start3A_267, %dma_start3A_269, %dma_start3A_270] : memref<6x128x32xf32, #tpu.memory_space<vmem>> -> memref<1x128x32xf32, #tpu.memory_space<vmem>>
    %dma_start3A_272 = tpu.memref_squeeze %dma_start3A_271 : memref<1x128x32xf32, #tpu.memory_space<vmem>> -> memref<128x32xf32, #tpu.memory_space<vmem>>
    %dma_start3A_273 = arith.constant 0 : i32
    %dma_start3A_274 = tpu.memref_slice %arg9[%dma_start3A_268, %dma_start3A_273] : memref<6x128xi32, #tpu.memory_space<vmem>> -> memref<1x128xi32, #tpu.memory_space<vmem>>
    %dma_start3A_275 = tpu.memref_squeeze %dma_start3A_274 : memref<1x128xi32, #tpu.memory_space<vmem>> -> memref<128xi32, #tpu.memory_space<vmem>>
    %dma_start3A_276 = arith.constant 0 : i32
    %dma_start3A_277 = arith.constant 0 : i32
    %dma_start3A_278 = tpu.memref_slice %arg6[%dma_start3A_276, %dma_start3A_277] : memref<10240x32xf32, #tpu.memory_space<vmem_shared>> -> memref<10240x32xf32, #tpu.memory_space<vmem_shared>>
    tpu.enqueue_indirect_dma source(%dma_start3A_272 : memref<128x32xf32, #tpu.memory_space<vmem>>) target(%dma_start3A_278 : memref<10240x32xf32, #tpu.memory_space<vmem_shared>>) offsets(%dma_start3A_275 : memref<128xi32, #tpu.memory_space<vmem>>) semaphore(%arg15 : memref<!tpu.dma_semaphore, #tpu.memory_space<semaphore_mem>>) {add = true}
    %dma_start3A_279 = arith.constant 4 : i32
    %dma_start3A_280 = arith.constant 4 : i32
    %dma_start3A_281 = arith.constant 0 : i32
    %dma_start3A_282 = arith.constant 0 : i32
    %dma_start3A_283 = tpu.memref_slice %arg11[%dma_start3A_279, %dma_start3A_281, %dma_start3A_282] : memref<6x128x32xf32, #tpu.memory_space<vmem>> -> memref<1x128x32xf32, #tpu.memory_space<vmem>>
    %dma_start3A_284 = tpu.memref_squeeze %dma_start3A_283 : memref<1x128x32xf32, #tpu.memory_space<vmem>> -> memref<128x32xf32, #tpu.memory_space<vmem>>
    %dma_start3A_285 = arith.constant 0 : i32
    %dma_start3A_286 = tpu.memref_slice %arg9[%dma_start3A_280, %dma_start3A_285] : memref<6x128xi32, #tpu.memory_space<vmem>> -> memref<1x128xi32, #tpu.memory_space<vmem>>
    %dma_start3A_287 = tpu.memref_squeeze %dma_start3A_286 : memref<1x128xi32, #tpu.memory_space<vmem>> -> memref<128xi32, #tpu.memory_space<vmem>>
    %dma_start3A_288 = arith.constant 0 : i32
    %dma_start3A_289 = arith.constant 0 : i32
    %dma_start3A_290 = tpu.memref_slice %arg6[%dma_start3A_288, %dma_start3A_289] : memref<10240x32xf32, #tpu.memory_space<vmem_shared>> -> memref<10240x32xf32, #tpu.memory_space<vmem_shared>>
    tpu.enqueue_indirect_dma source(%dma_start3A_284 : memref<128x32xf32, #tpu.memory_space<vmem>>) target(%dma_start3A_290 : memref<10240x32xf32, #tpu.memory_space<vmem_shared>>) offsets(%dma_start3A_287 : memref<128xi32, #tpu.memory_space<vmem>>) semaphore(%arg15 : memref<!tpu.dma_semaphore, #tpu.memory_space<semaphore_mem>>) {add = true}
    %dma_start3A_291 = arith.constant 5 : i32
    %dma_start3A_292 = arith.constant 5 : i32
    %dma_start3A_293 = arith.constant 0 : i32
    %dma_start3A_294 = arith.constant 0 : i32
    %dma_start3A_295 = tpu.memref_slice %arg11[%dma_start3A_291, %dma_start3A_293, %dma_start3A_294] : memref<6x128x32xf32, #tpu.memory_space<vmem>> -> memref<1x128x32xf32, #tpu.memory_space<vmem>>
    %dma_start3A_296 = tpu.memref_squeeze %dma_start3A_295 : memref<1x128x32xf32, #tpu.memory_space<vmem>> -> memref<128x32xf32, #tpu.memory_space<vmem>>
    %dma_start3A_297 = arith.constant 0 : i32
    %dma_start3A_298 = tpu.memref_slice %arg9[%dma_start3A_292, %dma_start3A_297] : memref<6x128xi32, #tpu.memory_space<vmem>> -> memref<1x128xi32, #tpu.memory_space<vmem>>
    %dma_start3A_299 = tpu.memref_squeeze %dma_start3A_298 : memref<1x128xi32, #tpu.memory_space<vmem>> -> memref<128xi32, #tpu.memory_space<vmem>>
    %dma_start3A_300 = arith.constant 0 : i32
    %dma_start3A_301 = arith.constant 0 : i32
    %dma_start3A_302 = tpu.memref_slice %arg6[%dma_start3A_300, %dma_start3A_301] : memref<10240x32xf32, #tpu.memory_space<vmem_shared>> -> memref<10240x32xf32, #tpu.memory_space<vmem_shared>>
    tpu.enqueue_indirect_dma source(%dma_start3A_296 : memref<128x32xf32, #tpu.memory_space<vmem>>) target(%dma_start3A_302 : memref<10240x32xf32, #tpu.memory_space<vmem_shared>>) offsets(%dma_start3A_299 : memref<128xi32, #tpu.memory_space<vmem>>) semaphore(%arg15 : memref<!tpu.dma_semaphore, #tpu.memory_space<semaphore_mem>>) {add = true}
    %dma_wait3A_303 = arith.constant 0 : i32
    %dma_wait3A_304 = arith.constant 0 : i32
    %dma_wait3A_305 = arith.constant 0 : i32
    %dma_wait3A_306 = arith.constant 0 : i32
    %dma_wait3A_307 = tpu.memref_slice %arg12[%dma_wait3A_304, %dma_wait3A_305, %dma_wait3A_306] : memref<6x128x32xf32, #tpu.memory_space<vmem>> -> memref<1x128x32xf32, #tpu.memory_space<vmem>>
    %dma_wait3A_308 = tpu.memref_squeeze %dma_wait3A_307 : memref<1x128x32xf32, #tpu.memory_space<vmem>> -> memref<128x32xf32, #tpu.memory_space<vmem>>
    %dma_wait3A_309 = arith.constant 0 : i32
    %dma_wait3A_310 = tpu.memref_slice %arg8[%dma_wait3A_303, %dma_wait3A_309] : memref<6x128xi32, #tpu.memory_space<vmem>> -> memref<1x128xi32, #tpu.memory_space<vmem>>
    %dma_wait3A_311 = tpu.memref_squeeze %dma_wait3A_310 : memref<1x128xi32, #tpu.memory_space<vmem>> -> memref<128xi32, #tpu.memory_space<vmem>>
    %dma_wait3A_312 = arith.constant 0 : i32
    %dma_wait3A_313 = arith.constant 0 : i32
    %dma_wait3A_314 = tpu.memref_slice %arg2[%dma_wait3A_312, %dma_wait3A_313] : memref<10240x32xf32, #tpu.memory_space<hbm>> -> memref<10240x32xf32, #tpu.memory_space<hbm>>
    tpu.wait_indirect_dma semaphore(%arg14 : memref<!tpu.dma_semaphore, #tpu.memory_space<semaphore_mem>>) src(%dma_wait3A_314 : memref<10240x32xf32, #tpu.memory_space<hbm>>) dst(%dma_wait3A_308 : memref<128x32xf32, #tpu.memory_space<vmem>>)
    %dma_wait3A_315 = arith.constant 1 : i32
    %dma_wait3A_316 = arith.constant 1 : i32
    %dma_wait3A_317 = arith.constant 0 : i32
    %dma_wait3A_318 = arith.constant 0 : i32
    %dma_wait3A_319 = tpu.memref_slice %arg12[%dma_wait3A_316, %dma_wait3A_317, %dma_wait3A_318] : memref<6x128x32xf32, #tpu.memory_space<vmem>> -> memref<1x128x32xf32, #tpu.memory_space<vmem>>
    %dma_wait3A_320 = tpu.memref_squeeze %dma_wait3A_319 : memref<1x128x32xf32, #tpu.memory_space<vmem>> -> memref<128x32xf32, #tpu.memory_space<vmem>>
    %dma_wait3A_321 = arith.constant 0 : i32
    %dma_wait3A_322 = tpu.memref_slice %arg8[%dma_wait3A_315, %dma_wait3A_321] : memref<6x128xi32, #tpu.memory_space<vmem>> -> memref<1x128xi32, #tpu.memory_space<vmem>>
    %dma_wait3A_323 = tpu.memref_squeeze %dma_wait3A_322 : memref<1x128xi32, #tpu.memory_space<vmem>> -> memref<128xi32, #tpu.memory_space<vmem>>
    %dma_wait3A_324 = arith.constant 0 : i32
    %dma_wait3A_325 = arith.constant 0 : i32
    %dma_wait3A_326 = tpu.memref_slice %arg2[%dma_wait3A_324, %dma_wait3A_325] : memref<10240x32xf32, #tpu.memory_space<hbm>> -> memref<10240x32xf32, #tpu.memory_space<hbm>>
    tpu.wait_indirect_dma semaphore(%arg14 : memref<!tpu.dma_semaphore, #tpu.memory_space<semaphore_mem>>) src(%dma_wait3A_326 : memref<10240x32xf32, #tpu.memory_space<hbm>>) dst(%dma_wait3A_320 : memref<128x32xf32, #tpu.memory_space<vmem>>)
    %dma_wait3A_327 = arith.constant 2 : i32
    %dma_wait3A_328 = arith.constant 2 : i32
    %dma_wait3A_329 = arith.constant 0 : i32
    %dma_wait3A_330 = arith.constant 0 : i32
    %dma_wait3A_331 = tpu.memref_slice %arg12[%dma_wait3A_328, %dma_wait3A_329, %dma_wait3A_330] : memref<6x128x32xf32, #tpu.memory_space<vmem>> -> memref<1x128x32xf32, #tpu.memory_space<vmem>>
    %dma_wait3A_332 = tpu.memref_squeeze %dma_wait3A_331 : memref<1x128x32xf32, #tpu.memory_space<vmem>> -> memref<128x32xf32, #tpu.memory_space<vmem>>
    %dma_wait3A_333 = arith.constant 0 : i32
    %dma_wait3A_334 = tpu.memref_slice %arg8[%dma_wait3A_327, %dma_wait3A_333] : memref<6x128xi32, #tpu.memory_space<vmem>> -> memref<1x128xi32, #tpu.memory_space<vmem>>
    %dma_wait3A_335 = tpu.memref_squeeze %dma_wait3A_334 : memref<1x128xi32, #tpu.memory_space<vmem>> -> memref<128xi32, #tpu.memory_space<vmem>>
    %dma_wait3A_336 = arith.constant 0 : i32
    %dma_wait3A_337 = arith.constant 0 : i32
    %dma_wait3A_338 = tpu.memref_slice %arg2[%dma_wait3A_336, %dma_wait3A_337] : memref<10240x32xf32, #tpu.memory_space<hbm>> -> memref<10240x32xf32, #tpu.memory_space<hbm>>
    tpu.wait_indirect_dma semaphore(%arg14 : memref<!tpu.dma_semaphore, #tpu.memory_space<semaphore_mem>>) src(%dma_wait3A_338 : memref<10240x32xf32, #tpu.memory_space<hbm>>) dst(%dma_wait3A_332 : memref<128x32xf32, #tpu.memory_space<vmem>>)
    %dma_wait3A_339 = arith.constant 3 : i32
    %dma_wait3A_340 = arith.constant 3 : i32
    %dma_wait3A_341 = arith.constant 0 : i32
    %dma_wait3A_342 = arith.constant 0 : i32
    %dma_wait3A_343 = tpu.memref_slice %arg12[%dma_wait3A_340, %dma_wait3A_341, %dma_wait3A_342] : memref<6x128x32xf32, #tpu.memory_space<vmem>> -> memref<1x128x32xf32, #tpu.memory_space<vmem>>
    %dma_wait3A_344 = tpu.memref_squeeze %dma_wait3A_343 : memref<1x128x32xf32, #tpu.memory_space<vmem>> -> memref<128x32xf32, #tpu.memory_space<vmem>>
    %dma_wait3A_345 = arith.constant 0 : i32
    %dma_wait3A_346 = tpu.memref_slice %arg8[%dma_wait3A_339, %dma_wait3A_345] : memref<6x128xi32, #tpu.memory_space<vmem>> -> memref<1x128xi32, #tpu.memory_space<vmem>>
    %dma_wait3A_347 = tpu.memref_squeeze %dma_wait3A_346 : memref<1x128xi32, #tpu.memory_space<vmem>> -> memref<128xi32, #tpu.memory_space<vmem>>
    %dma_wait3A_348 = arith.constant 0 : i32
    %dma_wait3A_349 = arith.constant 0 : i32
    %dma_wait3A_350 = tpu.memref_slice %arg2[%dma_wait3A_348, %dma_wait3A_349] : memref<10240x32xf32, #tpu.memory_space<hbm>> -> memref<10240x32xf32, #tpu.memory_space<hbm>>
    tpu.wait_indirect_dma semaphore(%arg14 : memref<!tpu.dma_semaphore, #tpu.memory_space<semaphore_mem>>) src(%dma_wait3A_350 : memref<10240x32xf32, #tpu.memory_space<hbm>>) dst(%dma_wait3A_344 : memref<128x32xf32, #tpu.memory_space<vmem>>)
    %dma_wait3A_351 = arith.constant 4 : i32
    %dma_wait3A_352 = arith.constant 4 : i32
    %dma_wait3A_353 = arith.constant 0 : i32
    %dma_wait3A_354 = arith.constant 0 : i32
    %dma_wait3A_355 = tpu.memref_slice %arg12[%dma_wait3A_352, %dma_wait3A_353, %dma_wait3A_354] : memref<6x128x32xf32, #tpu.memory_space<vmem>> -> memref<1x128x32xf32, #tpu.memory_space<vmem>>
    %dma_wait3A_356 = tpu.memref_squeeze %dma_wait3A_355 : memref<1x128x32xf32, #tpu.memory_space<vmem>> -> memref<128x32xf32, #tpu.memory_space<vmem>>
    %dma_wait3A_357 = arith.constant 0 : i32
    %dma_wait3A_358 = tpu.memref_slice %arg8[%dma_wait3A_351, %dma_wait3A_357] : memref<6x128xi32, #tpu.memory_space<vmem>> -> memref<1x128xi32, #tpu.memory_space<vmem>>
    %dma_wait3A_359 = tpu.memref_squeeze %dma_wait3A_358 : memref<1x128xi32, #tpu.memory_space<vmem>> -> memref<128xi32, #tpu.memory_space<vmem>>
    %dma_wait3A_360 = arith.constant 0 : i32
    %dma_wait3A_361 = arith.constant 0 : i32
    %dma_wait3A_362 = tpu.memref_slice %arg2[%dma_wait3A_360, %dma_wait3A_361] : memref<10240x32xf32, #tpu.memory_space<hbm>> -> memref<10240x32xf32, #tpu.memory_space<hbm>>
    tpu.wait_indirect_dma semaphore(%arg14 : memref<!tpu.dma_semaphore, #tpu.memory_space<semaphore_mem>>) src(%dma_wait3A_362 : memref<10240x32xf32, #tpu.memory_space<hbm>>) dst(%dma_wait3A_356 : memref<128x32xf32, #tpu.memory_space<vmem>>)
    %dma_wait3A_363 = arith.constant 5 : i32
    %dma_wait3A_364 = arith.constant 5 : i32
    %dma_wait3A_365 = arith.constant 0 : i32
    %dma_wait3A_366 = arith.constant 0 : i32
    %dma_wait3A_367 = tpu.memref_slice %arg12[%dma_wait3A_364, %dma_wait3A_365, %dma_wait3A_366] : memref<6x128x32xf32, #tpu.memory_space<vmem>> -> memref<1x128x32xf32, #tpu.memory_space<vmem>>
    %dma_wait3A_368 = tpu.memref_squeeze %dma_wait3A_367 : memref<1x128x32xf32, #tpu.memory_space<vmem>> -> memref<128x32xf32, #tpu.memory_space<vmem>>
    %dma_wait3A_369 = arith.constant 0 : i32
    %dma_wait3A_370 = tpu.memref_slice %arg8[%dma_wait3A_363, %dma_wait3A_369] : memref<6x128xi32, #tpu.memory_space<vmem>> -> memref<1x128xi32, #tpu.memory_space<vmem>>
    %dma_wait3A_371 = tpu.memref_squeeze %dma_wait3A_370 : memref<1x128xi32, #tpu.memory_space<vmem>> -> memref<128xi32, #tpu.memory_space<vmem>>
    %dma_wait3A_372 = arith.constant 0 : i32
    %dma_wait3A_373 = arith.constant 0 : i32
    %dma_wait3A_374 = tpu.memref_slice %arg2[%dma_wait3A_372, %dma_wait3A_373] : memref<10240x32xf32, #tpu.memory_space<hbm>> -> memref<10240x32xf32, #tpu.memory_space<hbm>>
    tpu.wait_indirect_dma semaphore(%arg14 : memref<!tpu.dma_semaphore, #tpu.memory_space<semaphore_mem>>) src(%dma_wait3A_374 : memref<10240x32xf32, #tpu.memory_space<hbm>>) dst(%dma_wait3A_368 : memref<128x32xf32, #tpu.memory_space<vmem>>)
    %dma_start3A_375 = arith.constant 0 : i32
    %dma_start3A_376 = arith.constant 0 : i32
    %dma_start3A_377 = arith.constant 0 : i32
    %dma_start3A_378 = arith.constant 0 : i32
    %dma_start3A_379 = tpu.memref_slice %arg12[%dma_start3A_375, %dma_start3A_377, %dma_start3A_378] : memref<6x128x32xf32, #tpu.memory_space<vmem>> -> memref<1x128x32xf32, #tpu.memory_space<vmem>>
    %dma_start3A_380 = tpu.memref_squeeze %dma_start3A_379 : memref<1x128x32xf32, #tpu.memory_space<vmem>> -> memref<128x32xf32, #tpu.memory_space<vmem>>
    %dma_start3A_381 = arith.constant 0 : i32
    %dma_start3A_382 = tpu.memref_slice %arg10[%dma_start3A_376, %dma_start3A_381] : memref<6x128xi32, #tpu.memory_space<vmem>> -> memref<1x128xi32, #tpu.memory_space<vmem>>
    %dma_start3A_383 = tpu.memref_squeeze %dma_start3A_382 : memref<1x128xi32, #tpu.memory_space<vmem>> -> memref<128xi32, #tpu.memory_space<vmem>>
    %dma_start3A_384 = arith.constant 0 : i32
    %dma_start3A_385 = arith.constant 0 : i32
    %dma_start3A_386 = tpu.memref_slice %arg6[%dma_start3A_384, %dma_start3A_385] : memref<10240x32xf32, #tpu.memory_space<vmem_shared>> -> memref<10240x32xf32, #tpu.memory_space<vmem_shared>>
    tpu.enqueue_indirect_dma source(%dma_start3A_380 : memref<128x32xf32, #tpu.memory_space<vmem>>) target(%dma_start3A_386 : memref<10240x32xf32, #tpu.memory_space<vmem_shared>>) offsets(%dma_start3A_383 : memref<128xi32, #tpu.memory_space<vmem>>) semaphore(%arg16 : memref<!tpu.dma_semaphore, #tpu.memory_space<semaphore_mem>>) {add = true}
    %dma_start3A_387 = arith.constant 1 : i32
    %dma_start3A_388 = arith.constant 1 : i32
    %dma_start3A_389 = arith.constant 0 : i32
    %dma_start3A_390 = arith.constant 0 : i32
    %dma_start3A_391 = tpu.memref_slice %arg12[%dma_start3A_387, %dma_start3A_389, %dma_start3A_390] : memref<6x128x32xf32, #tpu.memory_space<vmem>> -> memref<1x128x32xf32, #tpu.memory_space<vmem>>
    %dma_start3A_392 = tpu.memref_squeeze %dma_start3A_391 : memref<1x128x32xf32, #tpu.memory_space<vmem>> -> memref<128x32xf32, #tpu.memory_space<vmem>>
    %dma_start3A_393 = arith.constant 0 : i32
    %dma_start3A_394 = tpu.memref_slice %arg10[%dma_start3A_388, %dma_start3A_393] : memref<6x128xi32, #tpu.memory_space<vmem>> -> memref<1x128xi32, #tpu.memory_space<vmem>>
    %dma_start3A_395 = tpu.memref_squeeze %dma_start3A_394 : memref<1x128xi32, #tpu.memory_space<vmem>> -> memref<128xi32, #tpu.memory_space<vmem>>
    %dma_start3A_396 = arith.constant 0 : i32
    %dma_start3A_397 = arith.constant 0 : i32
    %dma_start3A_398 = tpu.memref_slice %arg6[%dma_start3A_396, %dma_start3A_397] : memref<10240x32xf32, #tpu.memory_space<vmem_shared>> -> memref<10240x32xf32, #tpu.memory_space<vmem_shared>>
    tpu.enqueue_indirect_dma source(%dma_start3A_392 : memref<128x32xf32, #tpu.memory_space<vmem>>) target(%dma_start3A_398 : memref<10240x32xf32, #tpu.memory_space<vmem_shared>>) offsets(%dma_start3A_395 : memref<128xi32, #tpu.memory_space<vmem>>) semaphore(%arg16 : memref<!tpu.dma_semaphore, #tpu.memory_space<semaphore_mem>>) {add = true}
    %dma_start3A_399 = arith.constant 2 : i32
    %dma_start3A_400 = arith.constant 2 : i32
    %dma_start3A_401 = arith.constant 0 : i32
    %dma_start3A_402 = arith.constant 0 : i32
    %dma_start3A_403 = tpu.memref_slice %arg12[%dma_start3A_399, %dma_start3A_401, %dma_start3A_402] : memref<6x128x32xf32, #tpu.memory_space<vmem>> -> memref<1x128x32xf32, #tpu.memory_space<vmem>>
    %dma_start3A_404 = tpu.memref_squeeze %dma_start3A_403 : memref<1x128x32xf32, #tpu.memory_space<vmem>> -> memref<128x32xf32, #tpu.memory_space<vmem>>
    %dma_start3A_405 = arith.constant 0 : i32
    %dma_start3A_406 = tpu.memref_slice %arg10[%dma_start3A_400, %dma_start3A_405] : memref<6x128xi32, #tpu.memory_space<vmem>> -> memref<1x128xi32, #tpu.memory_space<vmem>>
    %dma_start3A_407 = tpu.memref_squeeze %dma_start3A_406 : memref<1x128xi32, #tpu.memory_space<vmem>> -> memref<128xi32, #tpu.memory_space<vmem>>
    %dma_start3A_408 = arith.constant 0 : i32
    %dma_start3A_409 = arith.constant 0 : i32
    %dma_start3A_410 = tpu.memref_slice %arg6[%dma_start3A_408, %dma_start3A_409] : memref<10240x32xf32, #tpu.memory_space<vmem_shared>> -> memref<10240x32xf32, #tpu.memory_space<vmem_shared>>
    tpu.enqueue_indirect_dma source(%dma_start3A_404 : memref<128x32xf32, #tpu.memory_space<vmem>>) target(%dma_start3A_410 : memref<10240x32xf32, #tpu.memory_space<vmem_shared>>) offsets(%dma_start3A_407 : memref<128xi32, #tpu.memory_space<vmem>>) semaphore(%arg16 : memref<!tpu.dma_semaphore, #tpu.memory_space<semaphore_mem>>) {add = true}
    %dma_start3A_411 = arith.constant 3 : i32
    %dma_start3A_412 = arith.constant 3 : i32
    %dma_start3A_413 = arith.constant 0 : i32
    %dma_start3A_414 = arith.constant 0 : i32
    %dma_start3A_415 = tpu.memref_slice %arg12[%dma_start3A_411, %dma_start3A_413, %dma_start3A_414] : memref<6x128x32xf32, #tpu.memory_space<vmem>> -> memref<1x128x32xf32, #tpu.memory_space<vmem>>
    %dma_start3A_416 = tpu.memref_squeeze %dma_start3A_415 : memref<1x128x32xf32, #tpu.memory_space<vmem>> -> memref<128x32xf32, #tpu.memory_space<vmem>>
    %dma_start3A_417 = arith.constant 0 : i32
    %dma_start3A_418 = tpu.memref_slice %arg10[%dma_start3A_412, %dma_start3A_417] : memref<6x128xi32, #tpu.memory_space<vmem>> -> memref<1x128xi32, #tpu.memory_space<vmem>>
    %dma_start3A_419 = tpu.memref_squeeze %dma_start3A_418 : memref<1x128xi32, #tpu.memory_space<vmem>> -> memref<128xi32, #tpu.memory_space<vmem>>
    %dma_start3A_420 = arith.constant 0 : i32
    %dma_start3A_421 = arith.constant 0 : i32
    %dma_start3A_422 = tpu.memref_slice %arg6[%dma_start3A_420, %dma_start3A_421] : memref<10240x32xf32, #tpu.memory_space<vmem_shared>> -> memref<10240x32xf32, #tpu.memory_space<vmem_shared>>
    tpu.enqueue_indirect_dma source(%dma_start3A_416 : memref<128x32xf32, #tpu.memory_space<vmem>>) target(%dma_start3A_422 : memref<10240x32xf32, #tpu.memory_space<vmem_shared>>) offsets(%dma_start3A_419 : memref<128xi32, #tpu.memory_space<vmem>>) semaphore(%arg16 : memref<!tpu.dma_semaphore, #tpu.memory_space<semaphore_mem>>) {add = true}
    %dma_start3A_423 = arith.constant 4 : i32
    %dma_start3A_424 = arith.constant 4 : i32
    %dma_start3A_425 = arith.constant 0 : i32
    %dma_start3A_426 = arith.constant 0 : i32
    %dma_start3A_427 = tpu.memref_slice %arg12[%dma_start3A_423, %dma_start3A_425, %dma_start3A_426] : memref<6x128x32xf32, #tpu.memory_space<vmem>> -> memref<1x128x32xf32, #tpu.memory_space<vmem>>
    %dma_start3A_428 = tpu.memref_squeeze %dma_start3A_427 : memref<1x128x32xf32, #tpu.memory_space<vmem>> -> memref<128x32xf32, #tpu.memory_space<vmem>>
    %dma_start3A_429 = arith.constant 0 : i32
    %dma_start3A_430 = tpu.memref_slice %arg10[%dma_start3A_424, %dma_start3A_429] : memref<6x128xi32, #tpu.memory_space<vmem>> -> memref<1x128xi32, #tpu.memory_space<vmem>>
    %dma_start3A_431 = tpu.memref_squeeze %dma_start3A_430 : memref<1x128xi32, #tpu.memory_space<vmem>> -> memref<128xi32, #tpu.memory_space<vmem>>
    %dma_start3A_432 = arith.constant 0 : i32
    %dma_start3A_433 = arith.constant 0 : i32
    %dma_start3A_434 = tpu.memref_slice %arg6[%dma_start3A_432, %dma_start3A_433] : memref<10240x32xf32, #tpu.memory_space<vmem_shared>> -> memref<10240x32xf32, #tpu.memory_space<vmem_shared>>
    tpu.enqueue_indirect_dma source(%dma_start3A_428 : memref<128x32xf32, #tpu.memory_space<vmem>>) target(%dma_start3A_434 : memref<10240x32xf32, #tpu.memory_space<vmem_shared>>) offsets(%dma_start3A_431 : memref<128xi32, #tpu.memory_space<vmem>>) semaphore(%arg16 : memref<!tpu.dma_semaphore, #tpu.memory_space<semaphore_mem>>) {add = true}
    %dma_start3A_435 = arith.constant 5 : i32
    %dma_start3A_436 = arith.constant 5 : i32
    %dma_start3A_437 = arith.constant 0 : i32
    %dma_start3A_438 = arith.constant 0 : i32
    %dma_start3A_439 = tpu.memref_slice %arg12[%dma_start3A_435, %dma_start3A_437, %dma_start3A_438] : memref<6x128x32xf32, #tpu.memory_space<vmem>> -> memref<1x128x32xf32, #tpu.memory_space<vmem>>
    %dma_start3A_440 = tpu.memref_squeeze %dma_start3A_439 : memref<1x128x32xf32, #tpu.memory_space<vmem>> -> memref<128x32xf32, #tpu.memory_space<vmem>>
    %dma_start3A_441 = arith.constant 0 : i32
    %dma_start3A_442 = tpu.memref_slice %arg10[%dma_start3A_436, %dma_start3A_441] : memref<6x128xi32, #tpu.memory_space<vmem>> -> memref<1x128xi32, #tpu.memory_space<vmem>>
    %dma_start3A_443 = tpu.memref_squeeze %dma_start3A_442 : memref<1x128xi32, #tpu.memory_space<vmem>> -> memref<128xi32, #tpu.memory_space<vmem>>
    %dma_start3A_444 = arith.constant 0 : i32
    %dma_start3A_445 = arith.constant 0 : i32
    %dma_start3A_446 = tpu.memref_slice %arg6[%dma_start3A_444, %dma_start3A_445] : memref<10240x32xf32, #tpu.memory_space<vmem_shared>> -> memref<10240x32xf32, #tpu.memory_space<vmem_shared>>
    tpu.enqueue_indirect_dma source(%dma_start3A_440 : memref<128x32xf32, #tpu.memory_space<vmem>>) target(%dma_start3A_446 : memref<10240x32xf32, #tpu.memory_space<vmem_shared>>) offsets(%dma_start3A_443 : memref<128xi32, #tpu.memory_space<vmem>>) semaphore(%arg16 : memref<!tpu.dma_semaphore, #tpu.memory_space<semaphore_mem>>) {add = true}
    %dma_wait3A_447 = arith.constant 0 : i32
    %dma_wait3A_448 = arith.constant 0 : i32
    %dma_wait3A_449 = arith.constant 0 : i32
    %dma_wait3A_450 = arith.constant 0 : i32
    %dma_wait3A_451 = tpu.memref_slice %arg11[%dma_wait3A_447, %dma_wait3A_449, %dma_wait3A_450] : memref<6x128x32xf32, #tpu.memory_space<vmem>> -> memref<1x128x32xf32, #tpu.memory_space<vmem>>
    %dma_wait3A_452 = tpu.memref_squeeze %dma_wait3A_451 : memref<1x128x32xf32, #tpu.memory_space<vmem>> -> memref<128x32xf32, #tpu.memory_space<vmem>>
    %dma_wait3A_453 = arith.constant 0 : i32
    %dma_wait3A_454 = tpu.memref_slice %arg9[%dma_wait3A_448, %dma_wait3A_453] : memref<6x128xi32, #tpu.memory_space<vmem>> -> memref<1x128xi32, #tpu.memory_space<vmem>>
    %dma_wait3A_455 = tpu.memref_squeeze %dma_wait3A_454 : memref<1x128xi32, #tpu.memory_space<vmem>> -> memref<128xi32, #tpu.memory_space<vmem>>
    %dma_wait3A_456 = arith.constant 0 : i32
    %dma_wait3A_457 = arith.constant 0 : i32
    %dma_wait3A_458 = tpu.memref_slice %arg6[%dma_wait3A_456, %dma_wait3A_457] : memref<10240x32xf32, #tpu.memory_space<vmem_shared>> -> memref<10240x32xf32, #tpu.memory_space<vmem_shared>>
    tpu.wait_indirect_dma semaphore(%arg15 : memref<!tpu.dma_semaphore, #tpu.memory_space<semaphore_mem>>) src(%dma_wait3A_452 : memref<128x32xf32, #tpu.memory_space<vmem>>) dst(%dma_wait3A_458 : memref<10240x32xf32, #tpu.memory_space<vmem_shared>>)
    %dma_wait3A_459 = arith.constant 1 : i32
    %dma_wait3A_460 = arith.constant 1 : i32
    %dma_wait3A_461 = arith.constant 0 : i32
    %dma_wait3A_462 = arith.constant 0 : i32
    %dma_wait3A_463 = tpu.memref_slice %arg11[%dma_wait3A_459, %dma_wait3A_461, %dma_wait3A_462] : memref<6x128x32xf32, #tpu.memory_space<vmem>> -> memref<1x128x32xf32, #tpu.memory_space<vmem>>
    %dma_wait3A_464 = tpu.memref_squeeze %dma_wait3A_463 : memref<1x128x32xf32, #tpu.memory_space<vmem>> -> memref<128x32xf32, #tpu.memory_space<vmem>>
    %dma_wait3A_465 = arith.constant 0 : i32
    %dma_wait3A_466 = tpu.memref_slice %arg9[%dma_wait3A_460, %dma_wait3A_465] : memref<6x128xi32, #tpu.memory_space<vmem>> -> memref<1x128xi32, #tpu.memory_space<vmem>>
    %dma_wait3A_467 = tpu.memref_squeeze %dma_wait3A_466 : memref<1x128xi32, #tpu.memory_space<vmem>> -> memref<128xi32, #tpu.memory_space<vmem>>
    %dma_wait3A_468 = arith.constant 0 : i32
    %dma_wait3A_469 = arith.constant 0 : i32
    %dma_wait3A_470 = tpu.memref_slice %arg6[%dma_wait3A_468, %dma_wait3A_469] : memref<10240x32xf32, #tpu.memory_space<vmem_shared>> -> memref<10240x32xf32, #tpu.memory_space<vmem_shared>>
    tpu.wait_indirect_dma semaphore(%arg15 : memref<!tpu.dma_semaphore, #tpu.memory_space<semaphore_mem>>) src(%dma_wait3A_464 : memref<128x32xf32, #tpu.memory_space<vmem>>) dst(%dma_wait3A_470 : memref<10240x32xf32, #tpu.memory_space<vmem_shared>>)
    %dma_wait3A_471 = arith.constant 2 : i32
    %dma_wait3A_472 = arith.constant 2 : i32
    %dma_wait3A_473 = arith.constant 0 : i32
    %dma_wait3A_474 = arith.constant 0 : i32
    %dma_wait3A_475 = tpu.memref_slice %arg11[%dma_wait3A_471, %dma_wait3A_473, %dma_wait3A_474] : memref<6x128x32xf32, #tpu.memory_space<vmem>> -> memref<1x128x32xf32, #tpu.memory_space<vmem>>
    %dma_wait3A_476 = tpu.memref_squeeze %dma_wait3A_475 : memref<1x128x32xf32, #tpu.memory_space<vmem>> -> memref<128x32xf32, #tpu.memory_space<vmem>>
    %dma_wait3A_477 = arith.constant 0 : i32
    %dma_wait3A_478 = tpu.memref_slice %arg9[%dma_wait3A_472, %dma_wait3A_477] : memref<6x128xi32, #tpu.memory_space<vmem>> -> memref<1x128xi32, #tpu.memory_space<vmem>>
    %dma_wait3A_479 = tpu.memref_squeeze %dma_wait3A_478 : memref<1x128xi32, #tpu.memory_space<vmem>> -> memref<128xi32, #tpu.memory_space<vmem>>
    %dma_wait3A_480 = arith.constant 0 : i32
    %dma_wait3A_481 = arith.constant 0 : i32
    %dma_wait3A_482 = tpu.memref_slice %arg6[%dma_wait3A_480, %dma_wait3A_481] : memref<10240x32xf32, #tpu.memory_space<vmem_shared>> -> memref<10240x32xf32, #tpu.memory_space<vmem_shared>>
    tpu.wait_indirect_dma semaphore(%arg15 : memref<!tpu.dma_semaphore, #tpu.memory_space<semaphore_mem>>) src(%dma_wait3A_476 : memref<128x32xf32, #tpu.memory_space<vmem>>) dst(%dma_wait3A_482 : memref<10240x32xf32, #tpu.memory_space<vmem_shared>>)
    %dma_wait3A_483 = arith.constant 3 : i32
    %dma_wait3A_484 = arith.constant 3 : i32
    %dma_wait3A_485 = arith.constant 0 : i32
    %dma_wait3A_486 = arith.constant 0 : i32
    %dma_wait3A_487 = tpu.memref_slice %arg11[%dma_wait3A_483, %dma_wait3A_485, %dma_wait3A_486] : memref<6x128x32xf32, #tpu.memory_space<vmem>> -> memref<1x128x32xf32, #tpu.memory_space<vmem>>
    %dma_wait3A_488 = tpu.memref_squeeze %dma_wait3A_487 : memref<1x128x32xf32, #tpu.memory_space<vmem>> -> memref<128x32xf32, #tpu.memory_space<vmem>>
    %dma_wait3A_489 = arith.constant 0 : i32
    %dma_wait3A_490 = tpu.memref_slice %arg9[%dma_wait3A_484, %dma_wait3A_489] : memref<6x128xi32, #tpu.memory_space<vmem>> -> memref<1x128xi32, #tpu.memory_space<vmem>>
    %dma_wait3A_491 = tpu.memref_squeeze %dma_wait3A_490 : memref<1x128xi32, #tpu.memory_space<vmem>> -> memref<128xi32, #tpu.memory_space<vmem>>
    %dma_wait3A_492 = arith.constant 0 : i32
    %dma_wait3A_493 = arith.constant 0 : i32
    %dma_wait3A_494 = tpu.memref_slice %arg6[%dma_wait3A_492, %dma_wait3A_493] : memref<10240x32xf32, #tpu.memory_space<vmem_shared>> -> memref<10240x32xf32, #tpu.memory_space<vmem_shared>>
    tpu.wait_indirect_dma semaphore(%arg15 : memref<!tpu.dma_semaphore, #tpu.memory_space<semaphore_mem>>) src(%dma_wait3A_488 : memref<128x32xf32, #tpu.memory_space<vmem>>) dst(%dma_wait3A_494 : memref<10240x32xf32, #tpu.memory_space<vmem_shared>>)
    %dma_wait3A_495 = arith.constant 4 : i32
    %dma_wait3A_496 = arith.constant 4 : i32
    %dma_wait3A_497 = arith.constant 0 : i32
    %dma_wait3A_498 = arith.constant 0 : i32
    %dma_wait3A_499 = tpu.memref_slice %arg11[%dma_wait3A_495, %dma_wait3A_497, %dma_wait3A_498] : memref<6x128x32xf32, #tpu.memory_space<vmem>> -> memref<1x128x32xf32, #tpu.memory_space<vmem>>
    %dma_wait3A_500 = tpu.memref_squeeze %dma_wait3A_499 : memref<1x128x32xf32, #tpu.memory_space<vmem>> -> memref<128x32xf32, #tpu.memory_space<vmem>>
    %dma_wait3A_501 = arith.constant 0 : i32
    %dma_wait3A_502 = tpu.memref_slice %arg9[%dma_wait3A_496, %dma_wait3A_501] : memref<6x128xi32, #tpu.memory_space<vmem>> -> memref<1x128xi32, #tpu.memory_space<vmem>>
    %dma_wait3A_503 = tpu.memref_squeeze %dma_wait3A_502 : memref<1x128xi32, #tpu.memory_space<vmem>> -> memref<128xi32, #tpu.memory_space<vmem>>
    %dma_wait3A_504 = arith.constant 0 : i32
    %dma_wait3A_505 = arith.constant 0 : i32
    %dma_wait3A_506 = tpu.memref_slice %arg6[%dma_wait3A_504, %dma_wait3A_505] : memref<10240x32xf32, #tpu.memory_space<vmem_shared>> -> memref<10240x32xf32, #tpu.memory_space<vmem_shared>>
    tpu.wait_indirect_dma semaphore(%arg15 : memref<!tpu.dma_semaphore, #tpu.memory_space<semaphore_mem>>) src(%dma_wait3A_500 : memref<128x32xf32, #tpu.memory_space<vmem>>) dst(%dma_wait3A_506 : memref<10240x32xf32, #tpu.memory_space<vmem_shared>>)
    %dma_wait3A_507 = arith.constant 5 : i32
    %dma_wait3A_508 = arith.constant 5 : i32
    %dma_wait3A_509 = arith.constant 0 : i32
    %dma_wait3A_510 = arith.constant 0 : i32
    %dma_wait3A_511 = tpu.memref_slice %arg11[%dma_wait3A_507, %dma_wait3A_509, %dma_wait3A_510] : memref<6x128x32xf32, #tpu.memory_space<vmem>> -> memref<1x128x32xf32, #tpu.memory_space<vmem>>
    %dma_wait3A_512 = tpu.memref_squeeze %dma_wait3A_511 : memref<1x128x32xf32, #tpu.memory_space<vmem>> -> memref<128x32xf32, #tpu.memory_space<vmem>>
    %dma_wait3A_513 = arith.constant 0 : i32
    %dma_wait3A_514 = tpu.memref_slice %arg9[%dma_wait3A_508, %dma_wait3A_513] : memref<6x128xi32, #tpu.memory_space<vmem>> -> memref<1x128xi32, #tpu.memory_space<vmem>>
    %dma_wait3A_515 = tpu.memref_squeeze %dma_wait3A_514 : memref<1x128xi32, #tpu.memory_space<vmem>> -> memref<128xi32, #tpu.memory_space<vmem>>
    %dma_wait3A_516 = arith.constant 0 : i32
    %dma_wait3A_517 = arith.constant 0 : i32
    %dma_wait3A_518 = tpu.memref_slice %arg6[%dma_wait3A_516, %dma_wait3A_517] : memref<10240x32xf32, #tpu.memory_space<vmem_shared>> -> memref<10240x32xf32, #tpu.memory_space<vmem_shared>>
    tpu.wait_indirect_dma semaphore(%arg15 : memref<!tpu.dma_semaphore, #tpu.memory_space<semaphore_mem>>) src(%dma_wait3A_512 : memref<128x32xf32, #tpu.memory_space<vmem>>) dst(%dma_wait3A_518 : memref<10240x32xf32, #tpu.memory_space<vmem_shared>>)
    %add3A_519 = arith.constant 72 : i32
    %add3A_520 = arith.addi %mul3A_4, %add3A_519 : i32
    %run_scoped3A_521 = arith.constant 0 : i32
    "tpu.region"() ({
      %run_scoped3A_886 = tpu.sem_alloc : memref<!tpu.dma_semaphore, #tpu.memory_space<semaphore_mem>>
      %dma_start3A_887 = arith.constant 0 : i32
      %dma_start3A_888 = tpu.memref_slice %arg3[%run_scoped3A_521, %add3A_520, %dma_start3A_887] : memref<2x2500x128xi32, #tpu.memory_space<hbm>> -> memref<1x6x128xi32, #tpu.memory_space<hbm>>
      %dma_start3A_889 = tpu.memref_squeeze %dma_start3A_888 : memref<1x6x128xi32, #tpu.memory_space<hbm>> -> memref<6x128xi32, #tpu.memory_space<hbm>>
      %dma_start3A_890 = arith.constant 0 : i32
      %dma_start3A_891 = tpu.memref_slice %arg3[%run_scoped3A_521, %add3A_520, %dma_start3A_890] : memref<2x2500x128xi32, #tpu.memory_space<hbm>> -> memref<1x6x128xi32, #tpu.memory_space<hbm>>
      %dma_start3A_892 = tpu.memref_squeeze %dma_start3A_891 : memref<1x6x128xi32, #tpu.memory_space<hbm>> -> memref<6x128xi32, #tpu.memory_space<hbm>>
      tpu.enqueue_dma source(%dma_start3A_892 : memref<6x128xi32, #tpu.memory_space<hbm>>) target(%arg7 : memref<6x128xi32, #tpu.memory_space<vmem>>) target_semaphore(%run_scoped3A_886 : memref<!tpu.dma_semaphore, #tpu.memory_space<semaphore_mem>>)
      %dma_wait3A_893 = arith.constant 0 : i32
      %dma_wait3A_894 = tpu.memref_slice %arg3[%run_scoped3A_521, %add3A_520, %dma_wait3A_893] : memref<2x2500x128xi32, #tpu.memory_space<hbm>> -> memref<1x6x128xi32, #tpu.memory_space<hbm>>
      %dma_wait3A_895 = tpu.memref_squeeze %dma_wait3A_894 : memref<1x6x128xi32, #tpu.memory_space<hbm>> -> memref<6x128xi32, #tpu.memory_space<hbm>>
      %dma_wait3A_896 = arith.constant 0 : i32
      %dma_wait3A_897 = tpu.memref_slice %arg3[%run_scoped3A_521, %add3A_520, %dma_wait3A_896] : memref<2x2500x128xi32, #tpu.memory_space<hbm>> -> memref<1x6x128xi32, #tpu.memory_space<hbm>>
      %dma_wait3A_898 = tpu.memref_squeeze %dma_wait3A_897 : memref<1x6x128xi32, #tpu.memory_space<hbm>> -> memref<6x128xi32, #tpu.memory_space<hbm>>
      tpu.wait_dma2 semaphore(%run_scoped3A_886 : memref<!tpu.dma_semaphore, #tpu.memory_space<semaphore_mem>>) src(%dma_wait3A_898 : memref<6x128xi32, #tpu.memory_space<hbm>>) dst(%arg7 : memref<6x128xi32, #tpu.memory_space<vmem>>)
      tpu.yield
    }) : () -> ()
    %run_scoped3A_522 = arith.constant 1 : i32
    "tpu.region"() ({
      %run_scoped3A_886 = tpu.sem_alloc : memref<!tpu.dma_semaphore, #tpu.memory_space<semaphore_mem>>
      %dma_start3A_887 = arith.constant 0 : i32
      %dma_start3A_888 = tpu.memref_slice %arg3[%run_scoped3A_522, %add3A_520, %dma_start3A_887] : memref<2x2500x128xi32, #tpu.memory_space<hbm>> -> memref<1x6x128xi32, #tpu.memory_space<hbm>>
      %dma_start3A_889 = tpu.memref_squeeze %dma_start3A_888 : memref<1x6x128xi32, #tpu.memory_space<hbm>> -> memref<6x128xi32, #tpu.memory_space<hbm>>
      %dma_start3A_890 = arith.constant 0 : i32
      %dma_start3A_891 = tpu.memref_slice %arg3[%run_scoped3A_522, %add3A_520, %dma_start3A_890] : memref<2x2500x128xi32, #tpu.memory_space<hbm>> -> memref<1x6x128xi32, #tpu.memory_space<hbm>>
      %dma_start3A_892 = tpu.memref_squeeze %dma_start3A_891 : memref<1x6x128xi32, #tpu.memory_space<hbm>> -> memref<6x128xi32, #tpu.memory_space<hbm>>
      tpu.enqueue_dma source(%dma_start3A_892 : memref<6x128xi32, #tpu.memory_space<hbm>>) target(%arg9 : memref<6x128xi32, #tpu.memory_space<vmem>>) target_semaphore(%run_scoped3A_886 : memref<!tpu.dma_semaphore, #tpu.memory_space<semaphore_mem>>)
      %dma_wait3A_893 = arith.constant 0 : i32
      %dma_wait3A_894 = tpu.memref_slice %arg3[%run_scoped3A_522, %add3A_520, %dma_wait3A_893] : memref<2x2500x128xi32, #tpu.memory_space<hbm>> -> memref<1x6x128xi32, #tpu.memory_space<hbm>>
      %dma_wait3A_895 = tpu.memref_squeeze %dma_wait3A_894 : memref<1x6x128xi32, #tpu.memory_space<hbm>> -> memref<6x128xi32, #tpu.memory_space<hbm>>
      %dma_wait3A_896 = arith.constant 0 : i32
      %dma_wait3A_897 = tpu.memref_slice %arg3[%run_scoped3A_522, %add3A_520, %dma_wait3A_896] : memref<2x2500x128xi32, #tpu.memory_space<hbm>> -> memref<1x6x128xi32, #tpu.memory_space<hbm>>
      %dma_wait3A_898 = tpu.memref_squeeze %dma_wait3A_897 : memref<1x6x128xi32, #tpu.memory_space<hbm>> -> memref<6x128xi32, #tpu.memory_space<hbm>>
      tpu.wait_dma2 semaphore(%run_scoped3A_886 : memref<!tpu.dma_semaphore, #tpu.memory_space<semaphore_mem>>) src(%dma_wait3A_898 : memref<6x128xi32, #tpu.memory_space<hbm>>) dst(%arg9 : memref<6x128xi32, #tpu.memory_space<vmem>>)
      tpu.yield
    }) : () -> ()
    %dma_start3A_523 = arith.constant 0 : i32
    %dma_start3A_524 = arith.constant 0 : i32
    %dma_start3A_525 = arith.constant 0 : i32
    %dma_start3A_526 = arith.constant 0 : i32
    %dma_start3A_527 = tpu.memref_slice %arg11[%dma_start3A_524, %dma_start3A_525, %dma_start3A_526] : memref<6x128x32xf32, #tpu.memory_space<vmem>> -> memref<1x128x32xf32, #tpu.memory_space<vmem>>
    %dma_start3A_528 = tpu.memref_squeeze %dma_start3A_527 : memref<1x128x32xf32, #tpu.memory_space<vmem>> -> memref<128x32xf32, #tpu.memory_space<vmem>>
    %dma_start3A_529 = arith.constant 0 : i32
    %dma_start3A_530 = tpu.memref_slice %arg7[%dma_start3A_523, %dma_start3A_529] : memref<6x128xi32, #tpu.memory_space<vmem>> -> memref<1x128xi32, #tpu.memory_space<vmem>>
    %dma_start3A_531 = tpu.memref_squeeze %dma_start3A_530 : memref<1x128xi32, #tpu.memory_space<vmem>> -> memref<128xi32, #tpu.memory_space<vmem>>
    %dma_start3A_532 = arith.constant 0 : i32
    %dma_start3A_533 = arith.constant 0 : i32
    %dma_start3A_534 = tpu.memref_slice %arg2[%dma_start3A_532, %dma_start3A_533] : memref<10240x32xf32, #tpu.memory_space<hbm>> -> memref<10240x32xf32, #tpu.memory_space<hbm>>
    tpu.enqueue_indirect_dma source(%dma_start3A_534 : memref<10240x32xf32, #tpu.memory_space<hbm>>) target(%dma_start3A_528 : memref<128x32xf32, #tpu.memory_space<vmem>>) offsets(%dma_start3A_531 : memref<128xi32, #tpu.memory_space<vmem>>) semaphore(%arg13 : memref<!tpu.dma_semaphore, #tpu.memory_space<semaphore_mem>>)
    %dma_start3A_535 = arith.constant 1 : i32
    %dma_start3A_536 = arith.constant 1 : i32
    %dma_start3A_537 = arith.constant 0 : i32
    %dma_start3A_538 = arith.constant 0 : i32
    %dma_start3A_539 = tpu.memref_slice %arg11[%dma_start3A_536, %dma_start3A_537, %dma_start3A_538] : memref<6x128x32xf32, #tpu.memory_space<vmem>> -> memref<1x128x32xf32, #tpu.memory_space<vmem>>
    %dma_start3A_540 = tpu.memref_squeeze %dma_start3A_539 : memref<1x128x32xf32, #tpu.memory_space<vmem>> -> memref<128x32xf32, #tpu.memory_space<vmem>>
    %dma_start3A_541 = arith.constant 0 : i32
    %dma_start3A_542 = tpu.memref_slice %arg7[%dma_start3A_535, %dma_start3A_541] : memref<6x128xi32, #tpu.memory_space<vmem>> -> memref<1x128xi32, #tpu.memory_space<vmem>>
    %dma_start3A_543 = tpu.memref_squeeze %dma_start3A_542 : memref<1x128xi32, #tpu.memory_space<vmem>> -> memref<128xi32, #tpu.memory_space<vmem>>
    %dma_start3A_544 = arith.constant 0 : i32
    %dma_start3A_545 = arith.constant 0 : i32
    %dma_start3A_546 = tpu.memref_slice %arg2[%dma_start3A_544, %dma_start3A_545] : memref<10240x32xf32, #tpu.memory_space<hbm>> -> memref<10240x32xf32, #tpu.memory_space<hbm>>
    tpu.enqueue_indirect_dma source(%dma_start3A_546 : memref<10240x32xf32, #tpu.memory_space<hbm>>) target(%dma_start3A_540 : memref<128x32xf32, #tpu.memory_space<vmem>>) offsets(%dma_start3A_543 : memref<128xi32, #tpu.memory_space<vmem>>) semaphore(%arg13 : memref<!tpu.dma_semaphore, #tpu.memory_space<semaphore_mem>>)
    %dma_start3A_547 = arith.constant 2 : i32
    %dma_start3A_548 = arith.constant 2 : i32
    %dma_start3A_549 = arith.constant 0 : i32
    %dma_start3A_550 = arith.constant 0 : i32
    %dma_start3A_551 = tpu.memref_slice %arg11[%dma_start3A_548, %dma_start3A_549, %dma_start3A_550] : memref<6x128x32xf32, #tpu.memory_space<vmem>> -> memref<1x128x32xf32, #tpu.memory_space<vmem>>
    %dma_start3A_552 = tpu.memref_squeeze %dma_start3A_551 : memref<1x128x32xf32, #tpu.memory_space<vmem>> -> memref<128x32xf32, #tpu.memory_space<vmem>>
    %dma_start3A_553 = arith.constant 0 : i32
    %dma_start3A_554 = tpu.memref_slice %arg7[%dma_start3A_547, %dma_start3A_553] : memref<6x128xi32, #tpu.memory_space<vmem>> -> memref<1x128xi32, #tpu.memory_space<vmem>>
    %dma_start3A_555 = tpu.memref_squeeze %dma_start3A_554 : memref<1x128xi32, #tpu.memory_space<vmem>> -> memref<128xi32, #tpu.memory_space<vmem>>
    %dma_start3A_556 = arith.constant 0 : i32
    %dma_start3A_557 = arith.constant 0 : i32
    %dma_start3A_558 = tpu.memref_slice %arg2[%dma_start3A_556, %dma_start3A_557] : memref<10240x32xf32, #tpu.memory_space<hbm>> -> memref<10240x32xf32, #tpu.memory_space<hbm>>
    tpu.enqueue_indirect_dma source(%dma_start3A_558 : memref<10240x32xf32, #tpu.memory_space<hbm>>) target(%dma_start3A_552 : memref<128x32xf32, #tpu.memory_space<vmem>>) offsets(%dma_start3A_555 : memref<128xi32, #tpu.memory_space<vmem>>) semaphore(%arg13 : memref<!tpu.dma_semaphore, #tpu.memory_space<semaphore_mem>>)
    %dma_start3A_559 = arith.constant 3 : i32
    %dma_start3A_560 = arith.constant 3 : i32
    %dma_start3A_561 = arith.constant 0 : i32
    %dma_start3A_562 = arith.constant 0 : i32
    %dma_start3A_563 = tpu.memref_slice %arg11[%dma_start3A_560, %dma_start3A_561, %dma_start3A_562] : memref<6x128x32xf32, #tpu.memory_space<vmem>> -> memref<1x128x32xf32, #tpu.memory_space<vmem>>
    %dma_start3A_564 = tpu.memref_squeeze %dma_start3A_563 : memref<1x128x32xf32, #tpu.memory_space<vmem>> -> memref<128x32xf32, #tpu.memory_space<vmem>>
    %dma_start3A_565 = arith.constant 0 : i32
    %dma_start3A_566 = tpu.memref_slice %arg7[%dma_start3A_559, %dma_start3A_565] : memref<6x128xi32, #tpu.memory_space<vmem>> -> memref<1x128xi32, #tpu.memory_space<vmem>>
    %dma_start3A_567 = tpu.memref_squeeze %dma_start3A_566 : memref<1x128xi32, #tpu.memory_space<vmem>> -> memref<128xi32, #tpu.memory_space<vmem>>
    %dma_start3A_568 = arith.constant 0 : i32
    %dma_start3A_569 = arith.constant 0 : i32
    %dma_start3A_570 = tpu.memref_slice %arg2[%dma_start3A_568, %dma_start3A_569] : memref<10240x32xf32, #tpu.memory_space<hbm>> -> memref<10240x32xf32, #tpu.memory_space<hbm>>
    tpu.enqueue_indirect_dma source(%dma_start3A_570 : memref<10240x32xf32, #tpu.memory_space<hbm>>) target(%dma_start3A_564 : memref<128x32xf32, #tpu.memory_space<vmem>>) offsets(%dma_start3A_567 : memref<128xi32, #tpu.memory_space<vmem>>) semaphore(%arg13 : memref<!tpu.dma_semaphore, #tpu.memory_space<semaphore_mem>>)
    %dma_start3A_571 = arith.constant 4 : i32
    %dma_start3A_572 = arith.constant 4 : i32
    %dma_start3A_573 = arith.constant 0 : i32
    %dma_start3A_574 = arith.constant 0 : i32
    %dma_start3A_575 = tpu.memref_slice %arg11[%dma_start3A_572, %dma_start3A_573, %dma_start3A_574] : memref<6x128x32xf32, #tpu.memory_space<vmem>> -> memref<1x128x32xf32, #tpu.memory_space<vmem>>
    %dma_start3A_576 = tpu.memref_squeeze %dma_start3A_575 : memref<1x128x32xf32, #tpu.memory_space<vmem>> -> memref<128x32xf32, #tpu.memory_space<vmem>>
    %dma_start3A_577 = arith.constant 0 : i32
    %dma_start3A_578 = tpu.memref_slice %arg7[%dma_start3A_571, %dma_start3A_577] : memref<6x128xi32, #tpu.memory_space<vmem>> -> memref<1x128xi32, #tpu.memory_space<vmem>>
    %dma_start3A_579 = tpu.memref_squeeze %dma_start3A_578 : memref<1x128xi32, #tpu.memory_space<vmem>> -> memref<128xi32, #tpu.memory_space<vmem>>
    %dma_start3A_580 = arith.constant 0 : i32
    %dma_start3A_581 = arith.constant 0 : i32
    %dma_start3A_582 = tpu.memref_slice %arg2[%dma_start3A_580, %dma_start3A_581] : memref<10240x32xf32, #tpu.memory_space<hbm>> -> memref<10240x32xf32, #tpu.memory_space<hbm>>
    tpu.enqueue_indirect_dma source(%dma_start3A_582 : memref<10240x32xf32, #tpu.memory_space<hbm>>) target(%dma_start3A_576 : memref<128x32xf32, #tpu.memory_space<vmem>>) offsets(%dma_start3A_579 : memref<128xi32, #tpu.memory_space<vmem>>) semaphore(%arg13 : memref<!tpu.dma_semaphore, #tpu.memory_space<semaphore_mem>>)
    %dma_start3A_583 = arith.constant 5 : i32
    %dma_start3A_584 = arith.constant 5 : i32
    %dma_start3A_585 = arith.constant 0 : i32
    %dma_start3A_586 = arith.constant 0 : i32
    %dma_start3A_587 = tpu.memref_slice %arg11[%dma_start3A_584, %dma_start3A_585, %dma_start3A_586] : memref<6x128x32xf32, #tpu.memory_space<vmem>> -> memref<1x128x32xf32, #tpu.memory_space<vmem>>
    %dma_start3A_588 = tpu.memref_squeeze %dma_start3A_587 : memref<1x128x32xf32, #tpu.memory_space<vmem>> -> memref<128x32xf32, #tpu.memory_space<vmem>>
    %dma_start3A_589 = arith.constant 0 : i32
    %dma_start3A_590 = tpu.memref_slice %arg7[%dma_start3A_583, %dma_start3A_589] : memref<6x128xi32, #tpu.memory_space<vmem>> -> memref<1x128xi32, #tpu.memory_space<vmem>>
    %dma_start3A_591 = tpu.memref_squeeze %dma_start3A_590 : memref<1x128xi32, #tpu.memory_space<vmem>> -> memref<128xi32, #tpu.memory_space<vmem>>
    %dma_start3A_592 = arith.constant 0 : i32
    %dma_start3A_593 = arith.constant 0 : i32
    %dma_start3A_594 = tpu.memref_slice %arg2[%dma_start3A_592, %dma_start3A_593] : memref<10240x32xf32, #tpu.memory_space<hbm>> -> memref<10240x32xf32, #tpu.memory_space<hbm>>
    tpu.enqueue_indirect_dma source(%dma_start3A_594 : memref<10240x32xf32, #tpu.memory_space<hbm>>) target(%dma_start3A_588 : memref<128x32xf32, #tpu.memory_space<vmem>>) offsets(%dma_start3A_591 : memref<128xi32, #tpu.memory_space<vmem>>) semaphore(%arg13 : memref<!tpu.dma_semaphore, #tpu.memory_space<semaphore_mem>>)
    %dma_wait3A_595 = arith.constant 0 : i32
    %dma_wait3A_596 = arith.constant 0 : i32
    %dma_wait3A_597 = arith.constant 0 : i32
    %dma_wait3A_598 = arith.constant 0 : i32
    %dma_wait3A_599 = tpu.memref_slice %arg11[%dma_wait3A_596, %dma_wait3A_597, %dma_wait3A_598] : memref<6x128x32xf32, #tpu.memory_space<vmem>> -> memref<1x128x32xf32, #tpu.memory_space<vmem>>
    %dma_wait3A_600 = tpu.memref_squeeze %dma_wait3A_599 : memref<1x128x32xf32, #tpu.memory_space<vmem>> -> memref<128x32xf32, #tpu.memory_space<vmem>>
    %dma_wait3A_601 = arith.constant 0 : i32
    %dma_wait3A_602 = tpu.memref_slice %arg7[%dma_wait3A_595, %dma_wait3A_601] : memref<6x128xi32, #tpu.memory_space<vmem>> -> memref<1x128xi32, #tpu.memory_space<vmem>>
    %dma_wait3A_603 = tpu.memref_squeeze %dma_wait3A_602 : memref<1x128xi32, #tpu.memory_space<vmem>> -> memref<128xi32, #tpu.memory_space<vmem>>
    %dma_wait3A_604 = arith.constant 0 : i32
    %dma_wait3A_605 = arith.constant 0 : i32
    %dma_wait3A_606 = tpu.memref_slice %arg2[%dma_wait3A_604, %dma_wait3A_605] : memref<10240x32xf32, #tpu.memory_space<hbm>> -> memref<10240x32xf32, #tpu.memory_space<hbm>>
    tpu.wait_indirect_dma semaphore(%arg13 : memref<!tpu.dma_semaphore, #tpu.memory_space<semaphore_mem>>) src(%dma_wait3A_606 : memref<10240x32xf32, #tpu.memory_space<hbm>>) dst(%dma_wait3A_600 : memref<128x32xf32, #tpu.memory_space<vmem>>)
    %dma_wait3A_607 = arith.constant 1 : i32
    %dma_wait3A_608 = arith.constant 1 : i32
    %dma_wait3A_609 = arith.constant 0 : i32
    %dma_wait3A_610 = arith.constant 0 : i32
    %dma_wait3A_611 = tpu.memref_slice %arg11[%dma_wait3A_608, %dma_wait3A_609, %dma_wait3A_610] : memref<6x128x32xf32, #tpu.memory_space<vmem>> -> memref<1x128x32xf32, #tpu.memory_space<vmem>>
    %dma_wait3A_612 = tpu.memref_squeeze %dma_wait3A_611 : memref<1x128x32xf32, #tpu.memory_space<vmem>> -> memref<128x32xf32, #tpu.memory_space<vmem>>
    %dma_wait3A_613 = arith.constant 0 : i32
    %dma_wait3A_614 = tpu.memref_slice %arg7[%dma_wait3A_607, %dma_wait3A_613] : memref<6x128xi32, #tpu.memory_space<vmem>> -> memref<1x128xi32, #tpu.memory_space<vmem>>
    %dma_wait3A_615 = tpu.memref_squeeze %dma_wait3A_614 : memref<1x128xi32, #tpu.memory_space<vmem>> -> memref<128xi32, #tpu.memory_space<vmem>>
    %dma_wait3A_616 = arith.constant 0 : i32
    %dma_wait3A_617 = arith.constant 0 : i32
    %dma_wait3A_618 = tpu.memref_slice %arg2[%dma_wait3A_616, %dma_wait3A_617] : memref<10240x32xf32, #tpu.memory_space<hbm>> -> memref<10240x32xf32, #tpu.memory_space<hbm>>
    tpu.wait_indirect_dma semaphore(%arg13 : memref<!tpu.dma_semaphore, #tpu.memory_space<semaphore_mem>>) src(%dma_wait3A_618 : memref<10240x32xf32, #tpu.memory_space<hbm>>) dst(%dma_wait3A_612 : memref<128x32xf32, #tpu.memory_space<vmem>>)
    %dma_wait3A_619 = arith.constant 2 : i32
    %dma_wait3A_620 = arith.constant 2 : i32
    %dma_wait3A_621 = arith.constant 0 : i32
    %dma_wait3A_622 = arith.constant 0 : i32
    %dma_wait3A_623 = tpu.memref_slice %arg11[%dma_wait3A_620, %dma_wait3A_621, %dma_wait3A_622] : memref<6x128x32xf32, #tpu.memory_space<vmem>> -> memref<1x128x32xf32, #tpu.memory_space<vmem>>
    %dma_wait3A_624 = tpu.memref_squeeze %dma_wait3A_623 : memref<1x128x32xf32, #tpu.memory_space<vmem>> -> memref<128x32xf32, #tpu.memory_space<vmem>>
    %dma_wait3A_625 = arith.constant 0 : i32
    %dma_wait3A_626 = tpu.memref_slice %arg7[%dma_wait3A_619, %dma_wait3A_625] : memref<6x128xi32, #tpu.memory_space<vmem>> -> memref<1x128xi32, #tpu.memory_space<vmem>>
    %dma_wait3A_627 = tpu.memref_squeeze %dma_wait3A_626 : memref<1x128xi32, #tpu.memory_space<vmem>> -> memref<128xi32, #tpu.memory_space<vmem>>
    %dma_wait3A_628 = arith.constant 0 : i32
    %dma_wait3A_629 = arith.constant 0 : i32
    %dma_wait3A_630 = tpu.memref_slice %arg2[%dma_wait3A_628, %dma_wait3A_629] : memref<10240x32xf32, #tpu.memory_space<hbm>> -> memref<10240x32xf32, #tpu.memory_space<hbm>>
    tpu.wait_indirect_dma semaphore(%arg13 : memref<!tpu.dma_semaphore, #tpu.memory_space<semaphore_mem>>) src(%dma_wait3A_630 : memref<10240x32xf32, #tpu.memory_space<hbm>>) dst(%dma_wait3A_624 : memref<128x32xf32, #tpu.memory_space<vmem>>)
    %dma_wait3A_631 = arith.constant 3 : i32
    %dma_wait3A_632 = arith.constant 3 : i32
    %dma_wait3A_633 = arith.constant 0 : i32
    %dma_wait3A_634 = arith.constant 0 : i32
    %dma_wait3A_635 = tpu.memref_slice %arg11[%dma_wait3A_632, %dma_wait3A_633, %dma_wait3A_634] : memref<6x128x32xf32, #tpu.memory_space<vmem>> -> memref<1x128x32xf32, #tpu.memory_space<vmem>>
    %dma_wait3A_636 = tpu.memref_squeeze %dma_wait3A_635 : memref<1x128x32xf32, #tpu.memory_space<vmem>> -> memref<128x32xf32, #tpu.memory_space<vmem>>
    %dma_wait3A_637 = arith.constant 0 : i32
    %dma_wait3A_638 = tpu.memref_slice %arg7[%dma_wait3A_631, %dma_wait3A_637] : memref<6x128xi32, #tpu.memory_space<vmem>> -> memref<1x128xi32, #tpu.memory_space<vmem>>
    %dma_wait3A_639 = tpu.memref_squeeze %dma_wait3A_638 : memref<1x128xi32, #tpu.memory_space<vmem>> -> memref<128xi32, #tpu.memory_space<vmem>>
    %dma_wait3A_640 = arith.constant 0 : i32
    %dma_wait3A_641 = arith.constant 0 : i32
    %dma_wait3A_642 = tpu.memref_slice %arg2[%dma_wait3A_640, %dma_wait3A_641] : memref<10240x32xf32, #tpu.memory_space<hbm>> -> memref<10240x32xf32, #tpu.memory_space<hbm>>
    tpu.wait_indirect_dma semaphore(%arg13 : memref<!tpu.dma_semaphore, #tpu.memory_space<semaphore_mem>>) src(%dma_wait3A_642 : memref<10240x32xf32, #tpu.memory_space<hbm>>) dst(%dma_wait3A_636 : memref<128x32xf32, #tpu.memory_space<vmem>>)
    %dma_wait3A_643 = arith.constant 4 : i32
    %dma_wait3A_644 = arith.constant 4 : i32
    %dma_wait3A_645 = arith.constant 0 : i32
    %dma_wait3A_646 = arith.constant 0 : i32
    %dma_wait3A_647 = tpu.memref_slice %arg11[%dma_wait3A_644, %dma_wait3A_645, %dma_wait3A_646] : memref<6x128x32xf32, #tpu.memory_space<vmem>> -> memref<1x128x32xf32, #tpu.memory_space<vmem>>
    %dma_wait3A_648 = tpu.memref_squeeze %dma_wait3A_647 : memref<1x128x32xf32, #tpu.memory_space<vmem>> -> memref<128x32xf32, #tpu.memory_space<vmem>>
    %dma_wait3A_649 = arith.constant 0 : i32
    %dma_wait3A_650 = tpu.memref_slice %arg7[%dma_wait3A_643, %dma_wait3A_649] : memref<6x128xi32, #tpu.memory_space<vmem>> -> memref<1x128xi32, #tpu.memory_space<vmem>>
    %dma_wait3A_651 = tpu.memref_squeeze %dma_wait3A_650 : memref<1x128xi32, #tpu.memory_space<vmem>> -> memref<128xi32, #tpu.memory_space<vmem>>
    %dma_wait3A_652 = arith.constant 0 : i32
    %dma_wait3A_653 = arith.constant 0 : i32
    %dma_wait3A_654 = tpu.memref_slice %arg2[%dma_wait3A_652, %dma_wait3A_653] : memref<10240x32xf32, #tpu.memory_space<hbm>> -> memref<10240x32xf32, #tpu.memory_space<hbm>>
    tpu.wait_indirect_dma semaphore(%arg13 : memref<!tpu.dma_semaphore, #tpu.memory_space<semaphore_mem>>) src(%dma_wait3A_654 : memref<10240x32xf32, #tpu.memory_space<hbm>>) dst(%dma_wait3A_648 : memref<128x32xf32, #tpu.memory_space<vmem>>)
    %dma_wait3A_655 = arith.constant 5 : i32
    %dma_wait3A_656 = arith.constant 5 : i32
    %dma_wait3A_657 = arith.constant 0 : i32
    %dma_wait3A_658 = arith.constant 0 : i32
    %dma_wait3A_659 = tpu.memref_slice %arg11[%dma_wait3A_656, %dma_wait3A_657, %dma_wait3A_658] : memref<6x128x32xf32, #tpu.memory_space<vmem>> -> memref<1x128x32xf32, #tpu.memory_space<vmem>>
    %dma_wait3A_660 = tpu.memref_squeeze %dma_wait3A_659 : memref<1x128x32xf32, #tpu.memory_space<vmem>> -> memref<128x32xf32, #tpu.memory_space<vmem>>
    %dma_wait3A_661 = arith.constant 0 : i32
    %dma_wait3A_662 = tpu.memref_slice %arg7[%dma_wait3A_655, %dma_wait3A_661] : memref<6x128xi32, #tpu.memory_space<vmem>> -> memref<1x128xi32, #tpu.memory_space<vmem>>
    %dma_wait3A_663 = tpu.memref_squeeze %dma_wait3A_662 : memref<1x128xi32, #tpu.memory_space<vmem>> -> memref<128xi32, #tpu.memory_space<vmem>>
    %dma_wait3A_664 = arith.constant 0 : i32
    %dma_wait3A_665 = arith.constant 0 : i32
    %dma_wait3A_666 = tpu.memref_slice %arg2[%dma_wait3A_664, %dma_wait3A_665] : memref<10240x32xf32, #tpu.memory_space<hbm>> -> memref<10240x32xf32, #tpu.memory_space<hbm>>
    tpu.wait_indirect_dma semaphore(%arg13 : memref<!tpu.dma_semaphore, #tpu.memory_space<semaphore_mem>>) src(%dma_wait3A_666 : memref<10240x32xf32, #tpu.memory_space<hbm>>) dst(%dma_wait3A_660 : memref<128x32xf32, #tpu.memory_space<vmem>>)
    %dma_start3A_667 = arith.constant 0 : i32
    %dma_start3A_668 = arith.constant 0 : i32
    %dma_start3A_669 = arith.constant 0 : i32
    %dma_start3A_670 = arith.constant 0 : i32
    %dma_start3A_671 = tpu.memref_slice %arg11[%dma_start3A_667, %dma_start3A_669, %dma_start3A_670] : memref<6x128x32xf32, #tpu.memory_space<vmem>> -> memref<1x128x32xf32, #tpu.memory_space<vmem>>
    %dma_start3A_672 = tpu.memref_squeeze %dma_start3A_671 : memref<1x128x32xf32, #tpu.memory_space<vmem>> -> memref<128x32xf32, #tpu.memory_space<vmem>>
    %dma_start3A_673 = arith.constant 0 : i32
    %dma_start3A_674 = tpu.memref_slice %arg9[%dma_start3A_668, %dma_start3A_673] : memref<6x128xi32, #tpu.memory_space<vmem>> -> memref<1x128xi32, #tpu.memory_space<vmem>>
    %dma_start3A_675 = tpu.memref_squeeze %dma_start3A_674 : memref<1x128xi32, #tpu.memory_space<vmem>> -> memref<128xi32, #tpu.memory_space<vmem>>
    %dma_start3A_676 = arith.constant 0 : i32
    %dma_start3A_677 = arith.constant 0 : i32
    %dma_start3A_678 = tpu.memref_slice %arg6[%dma_start3A_676, %dma_start3A_677] : memref<10240x32xf32, #tpu.memory_space<vmem_shared>> -> memref<10240x32xf32, #tpu.memory_space<vmem_shared>>
    tpu.enqueue_indirect_dma source(%dma_start3A_672 : memref<128x32xf32, #tpu.memory_space<vmem>>) target(%dma_start3A_678 : memref<10240x32xf32, #tpu.memory_space<vmem_shared>>) offsets(%dma_start3A_675 : memref<128xi32, #tpu.memory_space<vmem>>) semaphore(%arg15 : memref<!tpu.dma_semaphore, #tpu.memory_space<semaphore_mem>>) {add = true}
    %dma_start3A_679 = arith.constant 1 : i32
    %dma_start3A_680 = arith.constant 1 : i32
    %dma_start3A_681 = arith.constant 0 : i32
    %dma_start3A_682 = arith.constant 0 : i32
    %dma_start3A_683 = tpu.memref_slice %arg11[%dma_start3A_679, %dma_start3A_681, %dma_start3A_682] : memref<6x128x32xf32, #tpu.memory_space<vmem>> -> memref<1x128x32xf32, #tpu.memory_space<vmem>>
    %dma_start3A_684 = tpu.memref_squeeze %dma_start3A_683 : memref<1x128x32xf32, #tpu.memory_space<vmem>> -> memref<128x32xf32, #tpu.memory_space<vmem>>
    %dma_start3A_685 = arith.constant 0 : i32
    %dma_start3A_686 = tpu.memref_slice %arg9[%dma_start3A_680, %dma_start3A_685] : memref<6x128xi32, #tpu.memory_space<vmem>> -> memref<1x128xi32, #tpu.memory_space<vmem>>
    %dma_start3A_687 = tpu.memref_squeeze %dma_start3A_686 : memref<1x128xi32, #tpu.memory_space<vmem>> -> memref<128xi32, #tpu.memory_space<vmem>>
    %dma_start3A_688 = arith.constant 0 : i32
    %dma_start3A_689 = arith.constant 0 : i32
    %dma_start3A_690 = tpu.memref_slice %arg6[%dma_start3A_688, %dma_start3A_689] : memref<10240x32xf32, #tpu.memory_space<vmem_shared>> -> memref<10240x32xf32, #tpu.memory_space<vmem_shared>>
    tpu.enqueue_indirect_dma source(%dma_start3A_684 : memref<128x32xf32, #tpu.memory_space<vmem>>) target(%dma_start3A_690 : memref<10240x32xf32, #tpu.memory_space<vmem_shared>>) offsets(%dma_start3A_687 : memref<128xi32, #tpu.memory_space<vmem>>) semaphore(%arg15 : memref<!tpu.dma_semaphore, #tpu.memory_space<semaphore_mem>>) {add = true}
    %dma_start3A_691 = arith.constant 2 : i32
    %dma_start3A_692 = arith.constant 2 : i32
    %dma_start3A_693 = arith.constant 0 : i32
    %dma_start3A_694 = arith.constant 0 : i32
    %dma_start3A_695 = tpu.memref_slice %arg11[%dma_start3A_691, %dma_start3A_693, %dma_start3A_694] : memref<6x128x32xf32, #tpu.memory_space<vmem>> -> memref<1x128x32xf32, #tpu.memory_space<vmem>>
    %dma_start3A_696 = tpu.memref_squeeze %dma_start3A_695 : memref<1x128x32xf32, #tpu.memory_space<vmem>> -> memref<128x32xf32, #tpu.memory_space<vmem>>
    %dma_start3A_697 = arith.constant 0 : i32
    %dma_start3A_698 = tpu.memref_slice %arg9[%dma_start3A_692, %dma_start3A_697] : memref<6x128xi32, #tpu.memory_space<vmem>> -> memref<1x128xi32, #tpu.memory_space<vmem>>
    %dma_start3A_699 = tpu.memref_squeeze %dma_start3A_698 : memref<1x128xi32, #tpu.memory_space<vmem>> -> memref<128xi32, #tpu.memory_space<vmem>>
    %dma_start3A_700 = arith.constant 0 : i32
    %dma_start3A_701 = arith.constant 0 : i32
    %dma_start3A_702 = tpu.memref_slice %arg6[%dma_start3A_700, %dma_start3A_701] : memref<10240x32xf32, #tpu.memory_space<vmem_shared>> -> memref<10240x32xf32, #tpu.memory_space<vmem_shared>>
    tpu.enqueue_indirect_dma source(%dma_start3A_696 : memref<128x32xf32, #tpu.memory_space<vmem>>) target(%dma_start3A_702 : memref<10240x32xf32, #tpu.memory_space<vmem_shared>>) offsets(%dma_start3A_699 : memref<128xi32, #tpu.memory_space<vmem>>) semaphore(%arg15 : memref<!tpu.dma_semaphore, #tpu.memory_space<semaphore_mem>>) {add = true}
    %dma_start3A_703 = arith.constant 3 : i32
    %dma_start3A_704 = arith.constant 3 : i32
    %dma_start3A_705 = arith.constant 0 : i32
    %dma_start3A_706 = arith.constant 0 : i32
    %dma_start3A_707 = tpu.memref_slice %arg11[%dma_start3A_703, %dma_start3A_705, %dma_start3A_706] : memref<6x128x32xf32, #tpu.memory_space<vmem>> -> memref<1x128x32xf32, #tpu.memory_space<vmem>>
    %dma_start3A_708 = tpu.memref_squeeze %dma_start3A_707 : memref<1x128x32xf32, #tpu.memory_space<vmem>> -> memref<128x32xf32, #tpu.memory_space<vmem>>
    %dma_start3A_709 = arith.constant 0 : i32
    %dma_start3A_710 = tpu.memref_slice %arg9[%dma_start3A_704, %dma_start3A_709] : memref<6x128xi32, #tpu.memory_space<vmem>> -> memref<1x128xi32, #tpu.memory_space<vmem>>
    %dma_start3A_711 = tpu.memref_squeeze %dma_start3A_710 : memref<1x128xi32, #tpu.memory_space<vmem>> -> memref<128xi32, #tpu.memory_space<vmem>>
    %dma_start3A_712 = arith.constant 0 : i32
    %dma_start3A_713 = arith.constant 0 : i32
    %dma_start3A_714 = tpu.memref_slice %arg6[%dma_start3A_712, %dma_start3A_713] : memref<10240x32xf32, #tpu.memory_space<vmem_shared>> -> memref<10240x32xf32, #tpu.memory_space<vmem_shared>>
    tpu.enqueue_indirect_dma source(%dma_start3A_708 : memref<128x32xf32, #tpu.memory_space<vmem>>) target(%dma_start3A_714 : memref<10240x32xf32, #tpu.memory_space<vmem_shared>>) offsets(%dma_start3A_711 : memref<128xi32, #tpu.memory_space<vmem>>) semaphore(%arg15 : memref<!tpu.dma_semaphore, #tpu.memory_space<semaphore_mem>>) {add = true}
    %dma_start3A_715 = arith.constant 4 : i32
    %dma_start3A_716 = arith.constant 4 : i32
    %dma_start3A_717 = arith.constant 0 : i32
    %dma_start3A_718 = arith.constant 0 : i32
    %dma_start3A_719 = tpu.memref_slice %arg11[%dma_start3A_715, %dma_start3A_717, %dma_start3A_718] : memref<6x128x32xf32, #tpu.memory_space<vmem>> -> memref<1x128x32xf32, #tpu.memory_space<vmem>>
    %dma_start3A_720 = tpu.memref_squeeze %dma_start3A_719 : memref<1x128x32xf32, #tpu.memory_space<vmem>> -> memref<128x32xf32, #tpu.memory_space<vmem>>
    %dma_start3A_721 = arith.constant 0 : i32
    %dma_start3A_722 = tpu.memref_slice %arg9[%dma_start3A_716, %dma_start3A_721] : memref<6x128xi32, #tpu.memory_space<vmem>> -> memref<1x128xi32, #tpu.memory_space<vmem>>
    %dma_start3A_723 = tpu.memref_squeeze %dma_start3A_722 : memref<1x128xi32, #tpu.memory_space<vmem>> -> memref<128xi32, #tpu.memory_space<vmem>>
    %dma_start3A_724 = arith.constant 0 : i32
    %dma_start3A_725 = arith.constant 0 : i32
    %dma_start3A_726 = tpu.memref_slice %arg6[%dma_start3A_724, %dma_start3A_725] : memref<10240x32xf32, #tpu.memory_space<vmem_shared>> -> memref<10240x32xf32, #tpu.memory_space<vmem_shared>>
    tpu.enqueue_indirect_dma source(%dma_start3A_720 : memref<128x32xf32, #tpu.memory_space<vmem>>) target(%dma_start3A_726 : memref<10240x32xf32, #tpu.memory_space<vmem_shared>>) offsets(%dma_start3A_723 : memref<128xi32, #tpu.memory_space<vmem>>) semaphore(%arg15 : memref<!tpu.dma_semaphore, #tpu.memory_space<semaphore_mem>>) {add = true}
    %dma_start3A_727 = arith.constant 5 : i32
    %dma_start3A_728 = arith.constant 5 : i32
    %dma_start3A_729 = arith.constant 0 : i32
    %dma_start3A_730 = arith.constant 0 : i32
    %dma_start3A_731 = tpu.memref_slice %arg11[%dma_start3A_727, %dma_start3A_729, %dma_start3A_730] : memref<6x128x32xf32, #tpu.memory_space<vmem>> -> memref<1x128x32xf32, #tpu.memory_space<vmem>>
    %dma_start3A_732 = tpu.memref_squeeze %dma_start3A_731 : memref<1x128x32xf32, #tpu.memory_space<vmem>> -> memref<128x32xf32, #tpu.memory_space<vmem>>
    %dma_start3A_733 = arith.constant 0 : i32
    %dma_start3A_734 = tpu.memref_slice %arg9[%dma_start3A_728, %dma_start3A_733] : memref<6x128xi32, #tpu.memory_space<vmem>> -> memref<1x128xi32, #tpu.memory_space<vmem>>
    %dma_start3A_735 = tpu.memref_squeeze %dma_start3A_734 : memref<1x128xi32, #tpu.memory_space<vmem>> -> memref<128xi32, #tpu.memory_space<vmem>>
    %dma_start3A_736 = arith.constant 0 : i32
    %dma_start3A_737 = arith.constant 0 : i32
    %dma_start3A_738 = tpu.memref_slice %arg6[%dma_start3A_736, %dma_start3A_737] : memref<10240x32xf32, #tpu.memory_space<vmem_shared>> -> memref<10240x32xf32, #tpu.memory_space<vmem_shared>>
    tpu.enqueue_indirect_dma source(%dma_start3A_732 : memref<128x32xf32, #tpu.memory_space<vmem>>) target(%dma_start3A_738 : memref<10240x32xf32, #tpu.memory_space<vmem_shared>>) offsets(%dma_start3A_735 : memref<128xi32, #tpu.memory_space<vmem>>) semaphore(%arg15 : memref<!tpu.dma_semaphore, #tpu.memory_space<semaphore_mem>>) {add = true}
    %dma_wait3A_739 = arith.constant 0 : i32
    %dma_wait3A_740 = arith.constant 0 : i32
    %dma_wait3A_741 = arith.constant 0 : i32
    %dma_wait3A_742 = arith.constant 0 : i32
    %dma_wait3A_743 = tpu.memref_slice %arg11[%dma_wait3A_739, %dma_wait3A_741, %dma_wait3A_742] : memref<6x128x32xf32, #tpu.memory_space<vmem>> -> memref<1x128x32xf32, #tpu.memory_space<vmem>>
    %dma_wait3A_744 = tpu.memref_squeeze %dma_wait3A_743 : memref<1x128x32xf32, #tpu.memory_space<vmem>> -> memref<128x32xf32, #tpu.memory_space<vmem>>
    %dma_wait3A_745 = arith.constant 0 : i32
    %dma_wait3A_746 = tpu.memref_slice %arg9[%dma_wait3A_740, %dma_wait3A_745] : memref<6x128xi32, #tpu.memory_space<vmem>> -> memref<1x128xi32, #tpu.memory_space<vmem>>
    %dma_wait3A_747 = tpu.memref_squeeze %dma_wait3A_746 : memref<1x128xi32, #tpu.memory_space<vmem>> -> memref<128xi32, #tpu.memory_space<vmem>>
    %dma_wait3A_748 = arith.constant 0 : i32
    %dma_wait3A_749 = arith.constant 0 : i32
    %dma_wait3A_750 = tpu.memref_slice %arg6[%dma_wait3A_748, %dma_wait3A_749] : memref<10240x32xf32, #tpu.memory_space<vmem_shared>> -> memref<10240x32xf32, #tpu.memory_space<vmem_shared>>
    tpu.wait_indirect_dma semaphore(%arg15 : memref<!tpu.dma_semaphore, #tpu.memory_space<semaphore_mem>>) src(%dma_wait3A_744 : memref<128x32xf32, #tpu.memory_space<vmem>>) dst(%dma_wait3A_750 : memref<10240x32xf32, #tpu.memory_space<vmem_shared>>)
    %dma_wait3A_751 = arith.constant 1 : i32
    %dma_wait3A_752 = arith.constant 1 : i32
    %dma_wait3A_753 = arith.constant 0 : i32
    %dma_wait3A_754 = arith.constant 0 : i32
    %dma_wait3A_755 = tpu.memref_slice %arg11[%dma_wait3A_751, %dma_wait3A_753, %dma_wait3A_754] : memref<6x128x32xf32, #tpu.memory_space<vmem>> -> memref<1x128x32xf32, #tpu.memory_space<vmem>>
    %dma_wait3A_756 = tpu.memref_squeeze %dma_wait3A_755 : memref<1x128x32xf32, #tpu.memory_space<vmem>> -> memref<128x32xf32, #tpu.memory_space<vmem>>
    %dma_wait3A_757 = arith.constant 0 : i32
    %dma_wait3A_758 = tpu.memref_slice %arg9[%dma_wait3A_752, %dma_wait3A_757] : memref<6x128xi32, #tpu.memory_space<vmem>> -> memref<1x128xi32, #tpu.memory_space<vmem>>
    %dma_wait3A_759 = tpu.memref_squeeze %dma_wait3A_758 : memref<1x128xi32, #tpu.memory_space<vmem>> -> memref<128xi32, #tpu.memory_space<vmem>>
    %dma_wait3A_760 = arith.constant 0 : i32
    %dma_wait3A_761 = arith.constant 0 : i32
    %dma_wait3A_762 = tpu.memref_slice %arg6[%dma_wait3A_760, %dma_wait3A_761] : memref<10240x32xf32, #tpu.memory_space<vmem_shared>> -> memref<10240x32xf32, #tpu.memory_space<vmem_shared>>
    tpu.wait_indirect_dma semaphore(%arg15 : memref<!tpu.dma_semaphore, #tpu.memory_space<semaphore_mem>>) src(%dma_wait3A_756 : memref<128x32xf32, #tpu.memory_space<vmem>>) dst(%dma_wait3A_762 : memref<10240x32xf32, #tpu.memory_space<vmem_shared>>)
    %dma_wait3A_763 = arith.constant 2 : i32
    %dma_wait3A_764 = arith.constant 2 : i32
    %dma_wait3A_765 = arith.constant 0 : i32
    %dma_wait3A_766 = arith.constant 0 : i32
    %dma_wait3A_767 = tpu.memref_slice %arg11[%dma_wait3A_763, %dma_wait3A_765, %dma_wait3A_766] : memref<6x128x32xf32, #tpu.memory_space<vmem>> -> memref<1x128x32xf32, #tpu.memory_space<vmem>>
    %dma_wait3A_768 = tpu.memref_squeeze %dma_wait3A_767 : memref<1x128x32xf32, #tpu.memory_space<vmem>> -> memref<128x32xf32, #tpu.memory_space<vmem>>
    %dma_wait3A_769 = arith.constant 0 : i32
    %dma_wait3A_770 = tpu.memref_slice %arg9[%dma_wait3A_764, %dma_wait3A_769] : memref<6x128xi32, #tpu.memory_space<vmem>> -> memref<1x128xi32, #tpu.memory_space<vmem>>
    %dma_wait3A_771 = tpu.memref_squeeze %dma_wait3A_770 : memref<1x128xi32, #tpu.memory_space<vmem>> -> memref<128xi32, #tpu.memory_space<vmem>>
    %dma_wait3A_772 = arith.constant 0 : i32
    %dma_wait3A_773 = arith.constant 0 : i32
    %dma_wait3A_774 = tpu.memref_slice %arg6[%dma_wait3A_772, %dma_wait3A_773] : memref<10240x32xf32, #tpu.memory_space<vmem_shared>> -> memref<10240x32xf32, #tpu.memory_space<vmem_shared>>
    tpu.wait_indirect_dma semaphore(%arg15 : memref<!tpu.dma_semaphore, #tpu.memory_space<semaphore_mem>>) src(%dma_wait3A_768 : memref<128x32xf32, #tpu.memory_space<vmem>>) dst(%dma_wait3A_774 : memref<10240x32xf32, #tpu.memory_space<vmem_shared>>)
    %dma_wait3A_775 = arith.constant 3 : i32
    %dma_wait3A_776 = arith.constant 3 : i32
    %dma_wait3A_777 = arith.constant 0 : i32
    %dma_wait3A_778 = arith.constant 0 : i32
    %dma_wait3A_779 = tpu.memref_slice %arg11[%dma_wait3A_775, %dma_wait3A_777, %dma_wait3A_778] : memref<6x128x32xf32, #tpu.memory_space<vmem>> -> memref<1x128x32xf32, #tpu.memory_space<vmem>>
    %dma_wait3A_780 = tpu.memref_squeeze %dma_wait3A_779 : memref<1x128x32xf32, #tpu.memory_space<vmem>> -> memref<128x32xf32, #tpu.memory_space<vmem>>
    %dma_wait3A_781 = arith.constant 0 : i32
    %dma_wait3A_782 = tpu.memref_slice %arg9[%dma_wait3A_776, %dma_wait3A_781] : memref<6x128xi32, #tpu.memory_space<vmem>> -> memref<1x128xi32, #tpu.memory_space<vmem>>
    %dma_wait3A_783 = tpu.memref_squeeze %dma_wait3A_782 : memref<1x128xi32, #tpu.memory_space<vmem>> -> memref<128xi32, #tpu.memory_space<vmem>>
    %dma_wait3A_784 = arith.constant 0 : i32
    %dma_wait3A_785 = arith.constant 0 : i32
    %dma_wait3A_786 = tpu.memref_slice %arg6[%dma_wait3A_784, %dma_wait3A_785] : memref<10240x32xf32, #tpu.memory_space<vmem_shared>> -> memref<10240x32xf32, #tpu.memory_space<vmem_shared>>
    tpu.wait_indirect_dma semaphore(%arg15 : memref<!tpu.dma_semaphore, #tpu.memory_space<semaphore_mem>>) src(%dma_wait3A_780 : memref<128x32xf32, #tpu.memory_space<vmem>>) dst(%dma_wait3A_786 : memref<10240x32xf32, #tpu.memory_space<vmem_shared>>)
    %dma_wait3A_787 = arith.constant 4 : i32
    %dma_wait3A_788 = arith.constant 4 : i32
    %dma_wait3A_789 = arith.constant 0 : i32
    %dma_wait3A_790 = arith.constant 0 : i32
    %dma_wait3A_791 = tpu.memref_slice %arg11[%dma_wait3A_787, %dma_wait3A_789, %dma_wait3A_790] : memref<6x128x32xf32, #tpu.memory_space<vmem>> -> memref<1x128x32xf32, #tpu.memory_space<vmem>>
    %dma_wait3A_792 = tpu.memref_squeeze %dma_wait3A_791 : memref<1x128x32xf32, #tpu.memory_space<vmem>> -> memref<128x32xf32, #tpu.memory_space<vmem>>
    %dma_wait3A_793 = arith.constant 0 : i32
    %dma_wait3A_794 = tpu.memref_slice %arg9[%dma_wait3A_788, %dma_wait3A_793] : memref<6x128xi32, #tpu.memory_space<vmem>> -> memref<1x128xi32, #tpu.memory_space<vmem>>
    %dma_wait3A_795 = tpu.memref_squeeze %dma_wait3A_794 : memref<1x128xi32, #tpu.memory_space<vmem>> -> memref<128xi32, #tpu.memory_space<vmem>>
    %dma_wait3A_796 = arith.constant 0 : i32
    %dma_wait3A_797 = arith.constant 0 : i32
    %dma_wait3A_798 = tpu.memref_slice %arg6[%dma_wait3A_796, %dma_wait3A_797] : memref<10240x32xf32, #tpu.memory_space<vmem_shared>> -> memref<10240x32xf32, #tpu.memory_space<vmem_shared>>
    tpu.wait_indirect_dma semaphore(%arg15 : memref<!tpu.dma_semaphore, #tpu.memory_space<semaphore_mem>>) src(%dma_wait3A_792 : memref<128x32xf32, #tpu.memory_space<vmem>>) dst(%dma_wait3A_798 : memref<10240x32xf32, #tpu.memory_space<vmem_shared>>)
    %dma_wait3A_799 = arith.constant 5 : i32
    %dma_wait3A_800 = arith.constant 5 : i32
    %dma_wait3A_801 = arith.constant 0 : i32
    %dma_wait3A_802 = arith.constant 0 : i32
    %dma_wait3A_803 = tpu.memref_slice %arg11[%dma_wait3A_799, %dma_wait3A_801, %dma_wait3A_802] : memref<6x128x32xf32, #tpu.memory_space<vmem>> -> memref<1x128x32xf32, #tpu.memory_space<vmem>>
    %dma_wait3A_804 = tpu.memref_squeeze %dma_wait3A_803 : memref<1x128x32xf32, #tpu.memory_space<vmem>> -> memref<128x32xf32, #tpu.memory_space<vmem>>
    %dma_wait3A_805 = arith.constant 0 : i32
    %dma_wait3A_806 = tpu.memref_slice %arg9[%dma_wait3A_800, %dma_wait3A_805] : memref<6x128xi32, #tpu.memory_space<vmem>> -> memref<1x128xi32, #tpu.memory_space<vmem>>
    %dma_wait3A_807 = tpu.memref_squeeze %dma_wait3A_806 : memref<1x128xi32, #tpu.memory_space<vmem>> -> memref<128xi32, #tpu.memory_space<vmem>>
    %dma_wait3A_808 = arith.constant 0 : i32
    %dma_wait3A_809 = arith.constant 0 : i32
    %dma_wait3A_810 = tpu.memref_slice %arg6[%dma_wait3A_808, %dma_wait3A_809] : memref<10240x32xf32, #tpu.memory_space<vmem_shared>> -> memref<10240x32xf32, #tpu.memory_space<vmem_shared>>
    tpu.wait_indirect_dma semaphore(%arg15 : memref<!tpu.dma_semaphore, #tpu.memory_space<semaphore_mem>>) src(%dma_wait3A_804 : memref<128x32xf32, #tpu.memory_space<vmem>>) dst(%dma_wait3A_810 : memref<10240x32xf32, #tpu.memory_space<vmem_shared>>)
    %dma_wait3A_811 = arith.constant 0 : i32
    %dma_wait3A_812 = arith.constant 0 : i32
    %dma_wait3A_813 = arith.constant 0 : i32
    %dma_wait3A_814 = arith.constant 0 : i32
    %dma_wait3A_815 = tpu.memref_slice %arg12[%dma_wait3A_811, %dma_wait3A_813, %dma_wait3A_814] : memref<6x128x32xf32, #tpu.memory_space<vmem>> -> memref<1x128x32xf32, #tpu.memory_space<vmem>>
    %dma_wait3A_816 = tpu.memref_squeeze %dma_wait3A_815 : memref<1x128x32xf32, #tpu.memory_space<vmem>> -> memref<128x32xf32, #tpu.memory_space<vmem>>
    %dma_wait3A_817 = arith.constant 0 : i32
    %dma_wait3A_818 = tpu.memref_slice %arg10[%dma_wait3A_812, %dma_wait3A_817] : memref<6x128xi32, #tpu.memory_space<vmem>> -> memref<1x128xi32, #tpu.memory_space<vmem>>
    %dma_wait3A_819 = tpu.memref_squeeze %dma_wait3A_818 : memref<1x128xi32, #tpu.memory_space<vmem>> -> memref<128xi32, #tpu.memory_space<vmem>>
    %dma_wait3A_820 = arith.constant 0 : i32
    %dma_wait3A_821 = arith.constant 0 : i32
    %dma_wait3A_822 = tpu.memref_slice %arg6[%dma_wait3A_820, %dma_wait3A_821] : memref<10240x32xf32, #tpu.memory_space<vmem_shared>> -> memref<10240x32xf32, #tpu.memory_space<vmem_shared>>
    tpu.wait_indirect_dma semaphore(%arg16 : memref<!tpu.dma_semaphore, #tpu.memory_space<semaphore_mem>>) src(%dma_wait3A_816 : memref<128x32xf32, #tpu.memory_space<vmem>>) dst(%dma_wait3A_822 : memref<10240x32xf32, #tpu.memory_space<vmem_shared>>)
    %dma_wait3A_823 = arith.constant 1 : i32
    %dma_wait3A_824 = arith.constant 1 : i32
    %dma_wait3A_825 = arith.constant 0 : i32
    %dma_wait3A_826 = arith.constant 0 : i32
    %dma_wait3A_827 = tpu.memref_slice %arg12[%dma_wait3A_823, %dma_wait3A_825, %dma_wait3A_826] : memref<6x128x32xf32, #tpu.memory_space<vmem>> -> memref<1x128x32xf32, #tpu.memory_space<vmem>>
    %dma_wait3A_828 = tpu.memref_squeeze %dma_wait3A_827 : memref<1x128x32xf32, #tpu.memory_space<vmem>> -> memref<128x32xf32, #tpu.memory_space<vmem>>
    %dma_wait3A_829 = arith.constant 0 : i32
    %dma_wait3A_830 = tpu.memref_slice %arg10[%dma_wait3A_824, %dma_wait3A_829] : memref<6x128xi32, #tpu.memory_space<vmem>> -> memref<1x128xi32, #tpu.memory_space<vmem>>
    %dma_wait3A_831 = tpu.memref_squeeze %dma_wait3A_830 : memref<1x128xi32, #tpu.memory_space<vmem>> -> memref<128xi32, #tpu.memory_space<vmem>>
    %dma_wait3A_832 = arith.constant 0 : i32
    %dma_wait3A_833 = arith.constant 0 : i32
    %dma_wait3A_834 = tpu.memref_slice %arg6[%dma_wait3A_832, %dma_wait3A_833] : memref<10240x32xf32, #tpu.memory_space<vmem_shared>> -> memref<10240x32xf32, #tpu.memory_space<vmem_shared>>
    tpu.wait_indirect_dma semaphore(%arg16 : memref<!tpu.dma_semaphore, #tpu.memory_space<semaphore_mem>>) src(%dma_wait3A_828 : memref<128x32xf32, #tpu.memory_space<vmem>>) dst(%dma_wait3A_834 : memref<10240x32xf32, #tpu.memory_space<vmem_shared>>)
    %dma_wait3A_835 = arith.constant 2 : i32
    %dma_wait3A_836 = arith.constant 2 : i32
    %dma_wait3A_837 = arith.constant 0 : i32
    %dma_wait3A_838 = arith.constant 0 : i32
    %dma_wait3A_839 = tpu.memref_slice %arg12[%dma_wait3A_835, %dma_wait3A_837, %dma_wait3A_838] : memref<6x128x32xf32, #tpu.memory_space<vmem>> -> memref<1x128x32xf32, #tpu.memory_space<vmem>>
    %dma_wait3A_840 = tpu.memref_squeeze %dma_wait3A_839 : memref<1x128x32xf32, #tpu.memory_space<vmem>> -> memref<128x32xf32, #tpu.memory_space<vmem>>
    %dma_wait3A_841 = arith.constant 0 : i32
    %dma_wait3A_842 = tpu.memref_slice %arg10[%dma_wait3A_836, %dma_wait3A_841] : memref<6x128xi32, #tpu.memory_space<vmem>> -> memref<1x128xi32, #tpu.memory_space<vmem>>
    %dma_wait3A_843 = tpu.memref_squeeze %dma_wait3A_842 : memref<1x128xi32, #tpu.memory_space<vmem>> -> memref<128xi32, #tpu.memory_space<vmem>>
    %dma_wait3A_844 = arith.constant 0 : i32
    %dma_wait3A_845 = arith.constant 0 : i32
    %dma_wait3A_846 = tpu.memref_slice %arg6[%dma_wait3A_844, %dma_wait3A_845] : memref<10240x32xf32, #tpu.memory_space<vmem_shared>> -> memref<10240x32xf32, #tpu.memory_space<vmem_shared>>
    tpu.wait_indirect_dma semaphore(%arg16 : memref<!tpu.dma_semaphore, #tpu.memory_space<semaphore_mem>>) src(%dma_wait3A_840 : memref<128x32xf32, #tpu.memory_space<vmem>>) dst(%dma_wait3A_846 : memref<10240x32xf32, #tpu.memory_space<vmem_shared>>)
    %dma_wait3A_847 = arith.constant 3 : i32
    %dma_wait3A_848 = arith.constant 3 : i32
    %dma_wait3A_849 = arith.constant 0 : i32
    %dma_wait3A_850 = arith.constant 0 : i32
    %dma_wait3A_851 = tpu.memref_slice %arg12[%dma_wait3A_847, %dma_wait3A_849, %dma_wait3A_850] : memref<6x128x32xf32, #tpu.memory_space<vmem>> -> memref<1x128x32xf32, #tpu.memory_space<vmem>>
    %dma_wait3A_852 = tpu.memref_squeeze %dma_wait3A_851 : memref<1x128x32xf32, #tpu.memory_space<vmem>> -> memref<128x32xf32, #tpu.memory_space<vmem>>
    %dma_wait3A_853 = arith.constant 0 : i32
    %dma_wait3A_854 = tpu.memref_slice %arg10[%dma_wait3A_848, %dma_wait3A_853] : memref<6x128xi32, #tpu.memory_space<vmem>> -> memref<1x128xi32, #tpu.memory_space<vmem>>
    %dma_wait3A_855 = tpu.memref_squeeze %dma_wait3A_854 : memref<1x128xi32, #tpu.memory_space<vmem>> -> memref<128xi32, #tpu.memory_space<vmem>>
    %dma_wait3A_856 = arith.constant 0 : i32
    %dma_wait3A_857 = arith.constant 0 : i32
    %dma_wait3A_858 = tpu.memref_slice %arg6[%dma_wait3A_856, %dma_wait3A_857] : memref<10240x32xf32, #tpu.memory_space<vmem_shared>> -> memref<10240x32xf32, #tpu.memory_space<vmem_shared>>
    tpu.wait_indirect_dma semaphore(%arg16 : memref<!tpu.dma_semaphore, #tpu.memory_space<semaphore_mem>>) src(%dma_wait3A_852 : memref<128x32xf32, #tpu.memory_space<vmem>>) dst(%dma_wait3A_858 : memref<10240x32xf32, #tpu.memory_space<vmem_shared>>)
    %dma_wait3A_859 = arith.constant 4 : i32
    %dma_wait3A_860 = arith.constant 4 : i32
    %dma_wait3A_861 = arith.constant 0 : i32
    %dma_wait3A_862 = arith.constant 0 : i32
    %dma_wait3A_863 = tpu.memref_slice %arg12[%dma_wait3A_859, %dma_wait3A_861, %dma_wait3A_862] : memref<6x128x32xf32, #tpu.memory_space<vmem>> -> memref<1x128x32xf32, #tpu.memory_space<vmem>>
    %dma_wait3A_864 = tpu.memref_squeeze %dma_wait3A_863 : memref<1x128x32xf32, #tpu.memory_space<vmem>> -> memref<128x32xf32, #tpu.memory_space<vmem>>
    %dma_wait3A_865 = arith.constant 0 : i32
    %dma_wait3A_866 = tpu.memref_slice %arg10[%dma_wait3A_860, %dma_wait3A_865] : memref<6x128xi32, #tpu.memory_space<vmem>> -> memref<1x128xi32, #tpu.memory_space<vmem>>
    %dma_wait3A_867 = tpu.memref_squeeze %dma_wait3A_866 : memref<1x128xi32, #tpu.memory_space<vmem>> -> memref<128xi32, #tpu.memory_space<vmem>>
    %dma_wait3A_868 = arith.constant 0 : i32
    %dma_wait3A_869 = arith.constant 0 : i32
    %dma_wait3A_870 = tpu.memref_slice %arg6[%dma_wait3A_868, %dma_wait3A_869] : memref<10240x32xf32, #tpu.memory_space<vmem_shared>> -> memref<10240x32xf32, #tpu.memory_space<vmem_shared>>
    tpu.wait_indirect_dma semaphore(%arg16 : memref<!tpu.dma_semaphore, #tpu.memory_space<semaphore_mem>>) src(%dma_wait3A_864 : memref<128x32xf32, #tpu.memory_space<vmem>>) dst(%dma_wait3A_870 : memref<10240x32xf32, #tpu.memory_space<vmem_shared>>)
    %dma_wait3A_871 = arith.constant 5 : i32
    %dma_wait3A_872 = arith.constant 5 : i32
    %dma_wait3A_873 = arith.constant 0 : i32
    %dma_wait3A_874 = arith.constant 0 : i32
    %dma_wait3A_875 = tpu.memref_slice %arg12[%dma_wait3A_871, %dma_wait3A_873, %dma_wait3A_874] : memref<6x128x32xf32, #tpu.memory_space<vmem>> -> memref<1x128x32xf32, #tpu.memory_space<vmem>>
    %dma_wait3A_876 = tpu.memref_squeeze %dma_wait3A_875 : memref<1x128x32xf32, #tpu.memory_space<vmem>> -> memref<128x32xf32, #tpu.memory_space<vmem>>
    %dma_wait3A_877 = arith.constant 0 : i32
    %dma_wait3A_878 = tpu.memref_slice %arg10[%dma_wait3A_872, %dma_wait3A_877] : memref<6x128xi32, #tpu.memory_space<vmem>> -> memref<1x128xi32, #tpu.memory_space<vmem>>
    %dma_wait3A_879 = tpu.memref_squeeze %dma_wait3A_878 : memref<1x128xi32, #tpu.memory_space<vmem>> -> memref<128xi32, #tpu.memory_space<vmem>>
    %dma_wait3A_880 = arith.constant 0 : i32
    %dma_wait3A_881 = arith.constant 0 : i32
    %dma_wait3A_882 = tpu.memref_slice %arg6[%dma_wait3A_880, %dma_wait3A_881] : memref<10240x32xf32, #tpu.memory_space<vmem_shared>> -> memref<10240x32xf32, #tpu.memory_space<vmem_shared>>
    tpu.wait_indirect_dma semaphore(%arg16 : memref<!tpu.dma_semaphore, #tpu.memory_space<semaphore_mem>>) src(%dma_wait3A_876 : memref<128x32xf32, #tpu.memory_space<vmem>>) dst(%dma_wait3A_882 : memref<10240x32xf32, #tpu.memory_space<vmem_shared>>)
    %lt3A = arith.constant 4 : i32
    %lt3A_883 = arith.cmpi slt, %add3A, %lt3A : i32
    %convert_element_type3A = arith.extui %lt3A_883 : i1 to i32
    %cond3A = arith.constant 0 : i32
    %cond3A_884 = arith.cmpi ne, %convert_element_type3A, %cond3A : i32
    scf.if %cond3A_884 {
      %add3A_886 = arith.constant 2496 : i32
      %add3A_887 = arith.addi %add3A_886, %add3A : i32
      %run_scoped3A_888 = arith.constant 0 : i32
      "tpu.region"() ({
        %run_scoped3A_894 = tpu.sem_alloc : memref<!tpu.dma_semaphore, #tpu.memory_space<semaphore_mem>>
        %dma_start3A_895 = arith.constant 0 : i32
        %dma_start3A_896 = arith.constant 0 : i32
        %dma_start3A_897 = tpu.memref_slice %arg7[%dma_start3A_895, %dma_start3A_896] : memref<6x128xi32, #tpu.memory_space<vmem>> -> memref<1x128xi32, #tpu.memory_space<vmem>>
        %dma_start3A_898 = arith.constant 0 : i32
        %dma_start3A_899 = tpu.memref_slice %arg3[%run_scoped3A_888, %add3A_887, %dma_start3A_898] : memref<2x2500x128xi32, #tpu.memory_space<hbm>> -> memref<1x1x128xi32, #tpu.memory_space<hbm>>
        %dma_start3A_900 = tpu.memref_squeeze %dma_start3A_899 : memref<1x1x128xi32, #tpu.memory_space<hbm>> -> memref<1x128xi32, #tpu.memory_space<hbm>>
        %dma_start3A_901 = arith.constant 0 : i32
        %dma_start3A_902 = arith.constant 0 : i32
        %dma_start3A_903 = tpu.memref_slice %arg7[%dma_start3A_901, %dma_start3A_902] : memref<6x128xi32, #tpu.memory_space<vmem>> -> memref<1x128xi32, #tpu.memory_space<vmem>>
        %dma_start3A_904 = arith.constant 0 : i32
        %dma_start3A_905 = tpu.memref_slice %arg3[%run_scoped3A_888, %add3A_887, %dma_start3A_904] : memref<2x2500x128xi32, #tpu.memory_space<hbm>> -> memref<1x1x128xi32, #tpu.memory_space<hbm>>
        %dma_start3A_906 = tpu.memref_squeeze %dma_start3A_905 : memref<1x1x128xi32, #tpu.memory_space<hbm>> -> memref<1x128xi32, #tpu.memory_space<hbm>>
        tpu.enqueue_dma source(%dma_start3A_906 : memref<1x128xi32, #tpu.memory_space<hbm>>) target(%dma_start3A_903 : memref<1x128xi32, #tpu.memory_space<vmem>>) target_semaphore(%run_scoped3A_894 : memref<!tpu.dma_semaphore, #tpu.memory_space<semaphore_mem>>)
        %dma_wait3A_907 = arith.constant 0 : i32
        %dma_wait3A_908 = arith.constant 0 : i32
        %dma_wait3A_909 = tpu.memref_slice %arg7[%dma_wait3A_907, %dma_wait3A_908] : memref<6x128xi32, #tpu.memory_space<vmem>> -> memref<1x128xi32, #tpu.memory_space<vmem>>
        %dma_wait3A_910 = arith.constant 0 : i32
        %dma_wait3A_911 = tpu.memref_slice %arg3[%run_scoped3A_888, %add3A_887, %dma_wait3A_910] : memref<2x2500x128xi32, #tpu.memory_space<hbm>> -> memref<1x1x128xi32, #tpu.memory_space<hbm>>
        %dma_wait3A_912 = tpu.memref_squeeze %dma_wait3A_911 : memref<1x1x128xi32, #tpu.memory_space<hbm>> -> memref<1x128xi32, #tpu.memory_space<hbm>>
        %dma_wait3A_913 = arith.constant 0 : i32
        %dma_wait3A_914 = arith.constant 0 : i32
        %dma_wait3A_915 = tpu.memref_slice %arg7[%dma_wait3A_913, %dma_wait3A_914] : memref<6x128xi32, #tpu.memory_space<vmem>> -> memref<1x128xi32, #tpu.memory_space<vmem>>
        %dma_wait3A_916 = arith.constant 0 : i32
        %dma_wait3A_917 = tpu.memref_slice %arg3[%run_scoped3A_888, %add3A_887, %dma_wait3A_916] : memref<2x2500x128xi32, #tpu.memory_space<hbm>> -> memref<1x1x128xi32, #tpu.memory_space<hbm>>
        %dma_wait3A_918 = tpu.memref_squeeze %dma_wait3A_917 : memref<1x1x128xi32, #tpu.memory_space<hbm>> -> memref<1x128xi32, #tpu.memory_space<hbm>>
        tpu.wait_dma2 semaphore(%run_scoped3A_894 : memref<!tpu.dma_semaphore, #tpu.memory_space<semaphore_mem>>) src(%dma_wait3A_918 : memref<1x128xi32, #tpu.memory_space<hbm>>) dst(%dma_wait3A_915 : memref<1x128xi32, #tpu.memory_space<vmem>>)
        tpu.yield
      }) : () -> ()
      %run_scoped3A_889 = arith.constant 1 : i32
      "tpu.region"() ({
        %run_scoped3A_894 = tpu.sem_alloc : memref<!tpu.dma_semaphore, #tpu.memory_space<semaphore_mem>>
        %dma_start3A_895 = arith.constant 0 : i32
        %dma_start3A_896 = arith.constant 0 : i32
        %dma_start3A_897 = tpu.memref_slice %arg9[%dma_start3A_895, %dma_start3A_896] : memref<6x128xi32, #tpu.memory_space<vmem>> -> memref<1x128xi32, #tpu.memory_space<vmem>>
        %dma_start3A_898 = arith.constant 0 : i32
        %dma_start3A_899 = tpu.memref_slice %arg3[%run_scoped3A_889, %add3A_887, %dma_start3A_898] : memref<2x2500x128xi32, #tpu.memory_space<hbm>> -> memref<1x1x128xi32, #tpu.memory_space<hbm>>
        %dma_start3A_900 = tpu.memref_squeeze %dma_start3A_899 : memref<1x1x128xi32, #tpu.memory_space<hbm>> -> memref<1x128xi32, #tpu.memory_space<hbm>>
        %dma_start3A_901 = arith.constant 0 : i32
        %dma_start3A_902 = arith.constant 0 : i32
        %dma_start3A_903 = tpu.memref_slice %arg9[%dma_start3A_901, %dma_start3A_902] : memref<6x128xi32, #tpu.memory_space<vmem>> -> memref<1x128xi32, #tpu.memory_space<vmem>>
        %dma_start3A_904 = arith.constant 0 : i32
        %dma_start3A_905 = tpu.memref_slice %arg3[%run_scoped3A_889, %add3A_887, %dma_start3A_904] : memref<2x2500x128xi32, #tpu.memory_space<hbm>> -> memref<1x1x128xi32, #tpu.memory_space<hbm>>
        %dma_start3A_906 = tpu.memref_squeeze %dma_start3A_905 : memref<1x1x128xi32, #tpu.memory_space<hbm>> -> memref<1x128xi32, #tpu.memory_space<hbm>>
        tpu.enqueue_dma source(%dma_start3A_906 : memref<1x128xi32, #tpu.memory_space<hbm>>) target(%dma_start3A_903 : memref<1x128xi32, #tpu.memory_space<vmem>>) target_semaphore(%run_scoped3A_894 : memref<!tpu.dma_semaphore, #tpu.memory_space<semaphore_mem>>)
        %dma_wait3A_907 = arith.constant 0 : i32
        %dma_wait3A_908 = arith.constant 0 : i32
        %dma_wait3A_909 = tpu.memref_slice %arg9[%dma_wait3A_907, %dma_wait3A_908] : memref<6x128xi32, #tpu.memory_space<vmem>> -> memref<1x128xi32, #tpu.memory_space<vmem>>
        %dma_wait3A_910 = arith.constant 0 : i32
        %dma_wait3A_911 = tpu.memref_slice %arg3[%run_scoped3A_889, %add3A_887, %dma_wait3A_910] : memref<2x2500x128xi32, #tpu.memory_space<hbm>> -> memref<1x1x128xi32, #tpu.memory_space<hbm>>
        %dma_wait3A_912 = tpu.memref_squeeze %dma_wait3A_911 : memref<1x1x128xi32, #tpu.memory_space<hbm>> -> memref<1x128xi32, #tpu.memory_space<hbm>>
        %dma_wait3A_913 = arith.constant 0 : i32
        %dma_wait3A_914 = arith.constant 0 : i32
        %dma_wait3A_915 = tpu.memref_slice %arg9[%dma_wait3A_913, %dma_wait3A_914] : memref<6x128xi32, #tpu.memory_space<vmem>> -> memref<1x128xi32, #tpu.memory_space<vmem>>
        %dma_wait3A_916 = arith.constant 0 : i32
        %dma_wait3A_917 = tpu.memref_slice %arg3[%run_scoped3A_889, %add3A_887, %dma_wait3A_916] : memref<2x2500x128xi32, #tpu.memory_space<hbm>> -> memref<1x1x128xi32, #tpu.memory_space<hbm>>
        %dma_wait3A_918 = tpu.memref_squeeze %dma_wait3A_917 : memref<1x1x128xi32, #tpu.memory_space<hbm>> -> memref<1x128xi32, #tpu.memory_space<hbm>>
        tpu.wait_dma2 semaphore(%run_scoped3A_894 : memref<!tpu.dma_semaphore, #tpu.memory_space<semaphore_mem>>) src(%dma_wait3A_918 : memref<1x128xi32, #tpu.memory_space<hbm>>) dst(%dma_wait3A_915 : memref<1x128xi32, #tpu.memory_space<vmem>>)
        tpu.yield
      }) : () -> ()
      %run_scoped3A_890 = arith.constant 0 : i32
      %run_scoped3A_891 = arith.constant 0 : i32
      "tpu.region"() ({
        %run_scoped3A_894 = tpu.sem_alloc : memref<!tpu.dma_semaphore, #tpu.memory_space<semaphore_mem>>
        %dma_start3A_895 = arith.constant 0 : i32
        %dma_start3A_896 = arith.constant 0 : i32
        %dma_start3A_897 = tpu.memref_slice %arg11[%run_scoped3A_891, %dma_start3A_895, %dma_start3A_896] : memref<6x128x32xf32, #tpu.memory_space<vmem>> -> memref<1x128x32xf32, #tpu.memory_space<vmem>>
        %dma_start3A_898 = tpu.memref_squeeze %dma_start3A_897 : memref<1x128x32xf32, #tpu.memory_space<vmem>> -> memref<128x32xf32, #tpu.memory_space<vmem>>
        %dma_start3A_899 = arith.constant 0 : i32
        %dma_start3A_900 = tpu.memref_slice %arg7[%run_scoped3A_890, %dma_start3A_899] : memref<6x128xi32, #tpu.memory_space<vmem>> -> memref<1x128xi32, #tpu.memory_space<vmem>>
        %dma_start3A_901 = tpu.memref_squeeze %dma_start3A_900 : memref<1x128xi32, #tpu.memory_space<vmem>> -> memref<128xi32, #tpu.memory_space<vmem>>
        %dma_start3A_902 = arith.constant 0 : i32
        %dma_start3A_903 = arith.constant 0 : i32
        %dma_start3A_904 = tpu.memref_slice %arg2[%dma_start3A_902, %dma_start3A_903] : memref<10240x32xf32, #tpu.memory_space<hbm>> -> memref<10240x32xf32, #tpu.memory_space<hbm>>
        tpu.enqueue_indirect_dma source(%dma_start3A_904 : memref<10240x32xf32, #tpu.memory_space<hbm>>) target(%dma_start3A_898 : memref<128x32xf32, #tpu.memory_space<vmem>>) offsets(%dma_start3A_901 : memref<128xi32, #tpu.memory_space<vmem>>) semaphore(%run_scoped3A_894 : memref<!tpu.dma_semaphore, #tpu.memory_space<semaphore_mem>>)
        %dma_wait3A_905 = arith.constant 0 : i32
        %dma_wait3A_906 = arith.constant 0 : i32
        %dma_wait3A_907 = tpu.memref_slice %arg11[%run_scoped3A_891, %dma_wait3A_905, %dma_wait3A_906] : memref<6x128x32xf32, #tpu.memory_space<vmem>> -> memref<1x128x32xf32, #tpu.memory_space<vmem>>
        %dma_wait3A_908 = tpu.memref_squeeze %dma_wait3A_907 : memref<1x128x32xf32, #tpu.memory_space<vmem>> -> memref<128x32xf32, #tpu.memory_space<vmem>>
        %dma_wait3A_909 = arith.constant 0 : i32
        %dma_wait3A_910 = tpu.memref_slice %arg7[%run_scoped3A_890, %dma_wait3A_909] : memref<6x128xi32, #tpu.memory_space<vmem>> -> memref<1x128xi32, #tpu.memory_space<vmem>>
        %dma_wait3A_911 = tpu.memref_squeeze %dma_wait3A_910 : memref<1x128xi32, #tpu.memory_space<vmem>> -> memref<128xi32, #tpu.memory_space<vmem>>
        %dma_wait3A_912 = arith.constant 0 : i32
        %dma_wait3A_913 = arith.constant 0 : i32
        %dma_wait3A_914 = tpu.memref_slice %arg2[%dma_wait3A_912, %dma_wait3A_913] : memref<10240x32xf32, #tpu.memory_space<hbm>> -> memref<10240x32xf32, #tpu.memory_space<hbm>>
        tpu.wait_indirect_dma semaphore(%run_scoped3A_894 : memref<!tpu.dma_semaphore, #tpu.memory_space<semaphore_mem>>) src(%dma_wait3A_914 : memref<10240x32xf32, #tpu.memory_space<hbm>>) dst(%dma_wait3A_908 : memref<128x32xf32, #tpu.memory_space<vmem>>)
        tpu.yield
      }) : () -> ()
      %run_scoped3A_892 = arith.constant 0 : i32
      %run_scoped3A_893 = arith.constant 0 : i32
      "tpu.region"() ({
        %run_scoped3A_894 = tpu.sem_alloc : memref<!tpu.dma_semaphore, #tpu.memory_space<semaphore_mem>>
        %dma_start3A_895 = arith.constant 0 : i32
        %dma_start3A_896 = arith.constant 0 : i32
        %dma_start3A_897 = tpu.memref_slice %arg11[%run_scoped3A_892, %dma_start3A_895, %dma_start3A_896] : memref<6x128x32xf32, #tpu.memory_space<vmem>> -> memref<1x128x32xf32, #tpu.memory_space<vmem>>
        %dma_start3A_898 = tpu.memref_squeeze %dma_start3A_897 : memref<1x128x32xf32, #tpu.memory_space<vmem>> -> memref<128x32xf32, #tpu.memory_space<vmem>>
        %dma_start3A_899 = arith.constant 0 : i32
        %dma_start3A_900 = tpu.memref_slice %arg9[%run_scoped3A_893, %dma_start3A_899] : memref<6x128xi32, #tpu.memory_space<vmem>> -> memref<1x128xi32, #tpu.memory_space<vmem>>
        %dma_start3A_901 = tpu.memref_squeeze %dma_start3A_900 : memref<1x128xi32, #tpu.memory_space<vmem>> -> memref<128xi32, #tpu.memory_space<vmem>>
        %dma_start3A_902 = arith.constant 0 : i32
        %dma_start3A_903 = arith.constant 0 : i32
        %dma_start3A_904 = tpu.memref_slice %arg6[%dma_start3A_902, %dma_start3A_903] : memref<10240x32xf32, #tpu.memory_space<vmem_shared>> -> memref<10240x32xf32, #tpu.memory_space<vmem_shared>>
        tpu.enqueue_indirect_dma source(%dma_start3A_898 : memref<128x32xf32, #tpu.memory_space<vmem>>) target(%dma_start3A_904 : memref<10240x32xf32, #tpu.memory_space<vmem_shared>>) offsets(%dma_start3A_901 : memref<128xi32, #tpu.memory_space<vmem>>) semaphore(%run_scoped3A_894 : memref<!tpu.dma_semaphore, #tpu.memory_space<semaphore_mem>>) {add = true}
        %dma_wait3A_905 = arith.constant 0 : i32
        %dma_wait3A_906 = arith.constant 0 : i32
        %dma_wait3A_907 = tpu.memref_slice %arg11[%run_scoped3A_892, %dma_wait3A_905, %dma_wait3A_906] : memref<6x128x32xf32, #tpu.memory_space<vmem>> -> memref<1x128x32xf32, #tpu.memory_space<vmem>>
        %dma_wait3A_908 = tpu.memref_squeeze %dma_wait3A_907 : memref<1x128x32xf32, #tpu.memory_space<vmem>> -> memref<128x32xf32, #tpu.memory_space<vmem>>
        %dma_wait3A_909 = arith.constant 0 : i32
        %dma_wait3A_910 = tpu.memref_slice %arg9[%run_scoped3A_893, %dma_wait3A_909] : memref<6x128xi32, #tpu.memory_space<vmem>> -> memref<1x128xi32, #tpu.memory_space<vmem>>
        %dma_wait3A_911 = tpu.memref_squeeze %dma_wait3A_910 : memref<1x128xi32, #tpu.memory_space<vmem>> -> memref<128xi32, #tpu.memory_space<vmem>>
        %dma_wait3A_912 = arith.constant 0 : i32
        %dma_wait3A_913 = arith.constant 0 : i32
        %dma_wait3A_914 = tpu.memref_slice %arg6[%dma_wait3A_912, %dma_wait3A_913] : memref<10240x32xf32, #tpu.memory_space<vmem_shared>> -> memref<10240x32xf32, #tpu.memory_space<vmem_shared>>
        tpu.wait_indirect_dma semaphore(%run_scoped3A_894 : memref<!tpu.dma_semaphore, #tpu.memory_space<semaphore_mem>>) src(%dma_wait3A_908 : memref<128x32xf32, #tpu.memory_space<vmem>>) dst(%dma_wait3A_914 : memref<10240x32xf32, #tpu.memory_space<vmem_shared>>)
        tpu.yield
      }) : () -> ()
    } else {
    }
    %barrier3A_885 = arith.constant 0 : index
    tpu.barrier barrier_id(%barrier3A_885)
    "tpu.region"() ({
      %run_scoped3A_886 = tpu.sem_alloc : memref<!tpu.dma_semaphore, #tpu.memory_space<semaphore_mem>>
      %dma_start3A_887 = arith.constant 0 : i32
      %dma_start3A_888 = tpu.memref_slice %arg5[%arg0, %mul3A_2, %dma_start3A_887] : memref<2x10240x32xf32, #tpu.memory_space<hbm>> -> memref<1x640x32xf32, #tpu.memory_space<hbm>>
      %dma_start3A_889 = tpu.memref_squeeze %dma_start3A_888 : memref<1x640x32xf32, #tpu.memory_space<hbm>> -> memref<640x32xf32, #tpu.memory_space<hbm>>
      %dma_start3A_890 = arith.constant 0 : i32
      %dma_start3A_891 = tpu.memref_slice %arg6[%mul3A_2, %dma_start3A_890] : memref<10240x32xf32, #tpu.memory_space<vmem_shared>> -> memref<640x32xf32, #tpu.memory_space<vmem_shared>>
      tpu.enqueue_dma source(%dma_start3A_891 : memref<640x32xf32, #tpu.memory_space<vmem_shared>>) target(%dma_start3A_889 : memref<640x32xf32, #tpu.memory_space<hbm>>) target_semaphore(%run_scoped3A_886 : memref<!tpu.dma_semaphore, #tpu.memory_space<semaphore_mem>>)
      %dma_wait3A_892 = arith.constant 0 : i32
      %dma_wait3A_893 = tpu.memref_slice %arg5[%arg0, %mul3A_2, %dma_wait3A_892] : memref<2x10240x32xf32, #tpu.memory_space<hbm>> -> memref<1x640x32xf32, #tpu.memory_space<hbm>>
      %dma_wait3A_894 = tpu.memref_squeeze %dma_wait3A_893 : memref<1x640x32xf32, #tpu.memory_space<hbm>> -> memref<640x32xf32, #tpu.memory_space<hbm>>
      %dma_wait3A_895 = arith.constant 0 : i32
      %dma_wait3A_896 = tpu.memref_slice %arg6[%mul3A_2, %dma_wait3A_895] : memref<10240x32xf32, #tpu.memory_space<vmem_shared>> -> memref<640x32xf32, #tpu.memory_space<vmem_shared>>
      tpu.wait_dma2 semaphore(%run_scoped3A_886 : memref<!tpu.dma_semaphore, #tpu.memory_space<semaphore_mem>>) src(%dma_wait3A_896 : memref<640x32xf32, #tpu.memory_space<vmem_shared>>) dst(%dma_wait3A_894 : memref<640x32xf32, #tpu.memory_space<hbm>>)
      tpu.yield
    }) : () -> ()
    return
  }
}

#map = affine_map<(d0, d1) -> (0, 0)>
#map1 = affine_map<(d0, d1) -> (0, 0, 0)>
module attributes {stable_mosaic.version = 14 : i64} {
  func.func @body(%arg0: i32, %arg1: i32, %arg2: memref<10240x72xf32, #tpu.memory_space<hbm>>, %arg3: memref<2x2500x128xi32, #tpu.memory_space<hbm>>, %arg4: memref<10240x72xf32, #tpu.memory_space<hbm>>, %arg5: memref<2x10240x72xf32, #tpu.memory_space<hbm>>, %arg6: memref<10240x72xf32, #tpu.memory_space<vmem_shared>>, %arg7: memref<3x128xi32, #tpu.memory_space<vmem>>, %arg8: memref<3x128xi32, #tpu.memory_space<vmem>>, %arg9: memref<3x128xi32, #tpu.memory_space<vmem>>, %arg10: memref<3x128xi32, #tpu.memory_space<vmem>>, %arg11: memref<3x128x72xf32, #tpu.memory_space<vmem>>, %arg12: memref<3x128x72xf32, #tpu.memory_space<vmem>>, %arg13: memref<!tpu.dma_semaphore, #tpu.memory_space<semaphore_mem>>, %arg14: memref<!tpu.dma_semaphore, #tpu.memory_space<semaphore_mem>>, %arg15: memref<!tpu.dma_semaphore, #tpu.memory_space<semaphore_mem>>, %arg16: memref<!tpu.dma_semaphore, #tpu.memory_space<semaphore_mem>>) attributes {dimension_semantics = [#tpu.dimension_semantics<core_parallel>, #tpu.dimension_semantics<subcore_parallel>], iteration_bounds = array<i64: 2, 16>, scalar_prefetch = 0 : i64, scratch_operands = 11 : i64, tpu.core_type = #tpu.core_type<sc_vector_subcore>, window_params = [{transform_indices = #map}, {transform_indices = #map1}, {transform_indices = #map}, {transform_indices = #map1}]} {
    %mul3A = arith.constant 16 : i32
    %mul3A_0 = arith.muli %arg0, %mul3A : i32
    %add3A = arith.addi %mul3A_0, %arg1 : i32
    %mul3A_1 = arith.constant 640 : i32
    %mul3A_2 = arith.muli %arg1, %mul3A_1 : i32
    "tpu.region"() ({
      %run_scoped3A_306 = tpu.sem_alloc : memref<!tpu.dma_semaphore, #tpu.memory_space<semaphore_mem>>
      %dma_start3A_307 = arith.constant 0 : i32
      %dma_start3A_308 = tpu.memref_slice %arg6[%mul3A_2, %dma_start3A_307] : memref<10240x72xf32, #tpu.memory_space<vmem_shared>> -> memref<640x72xf32, #tpu.memory_space<vmem_shared>>
      %dma_start3A_309 = arith.constant 0 : i32
      %dma_start3A_310 = tpu.memref_slice %arg4[%mul3A_2, %dma_start3A_309] : memref<10240x72xf32, #tpu.memory_space<hbm>> -> memref<640x72xf32, #tpu.memory_space<hbm>>
      tpu.enqueue_dma source(%dma_start3A_310 : memref<640x72xf32, #tpu.memory_space<hbm>>) target(%dma_start3A_308 : memref<640x72xf32, #tpu.memory_space<vmem_shared>>) target_semaphore(%run_scoped3A_306 : memref<!tpu.dma_semaphore, #tpu.memory_space<semaphore_mem>>)
      %dma_wait3A_311 = arith.constant 0 : i32
      %dma_wait3A_312 = tpu.memref_slice %arg6[%mul3A_2, %dma_wait3A_311] : memref<10240x72xf32, #tpu.memory_space<vmem_shared>> -> memref<640x72xf32, #tpu.memory_space<vmem_shared>>
      %dma_wait3A_313 = arith.constant 0 : i32
      %dma_wait3A_314 = tpu.memref_slice %arg4[%mul3A_2, %dma_wait3A_313] : memref<10240x72xf32, #tpu.memory_space<hbm>> -> memref<640x72xf32, #tpu.memory_space<hbm>>
      tpu.wait_dma2 semaphore(%run_scoped3A_306 : memref<!tpu.dma_semaphore, #tpu.memory_space<semaphore_mem>>) src(%dma_wait3A_314 : memref<640x72xf32, #tpu.memory_space<hbm>>) dst(%dma_wait3A_312 : memref<640x72xf32, #tpu.memory_space<vmem_shared>>)
      tpu.yield
    }) : () -> ()
    %barrier3A = arith.constant 0 : index
    tpu.barrier barrier_id(%barrier3A)
    %mul3A_3 = arith.constant 78 : i32
    %mul3A_4 = arith.muli %add3A, %mul3A_3 : i32
    %add3A_5 = arith.constant 0 : i32
    %add3A_6 = arith.addi %mul3A_4, %add3A_5 : i32
    %run_scoped3A = arith.constant 0 : i32
    "tpu.region"() ({
      %run_scoped3A_306 = tpu.sem_alloc : memref<!tpu.dma_semaphore, #tpu.memory_space<semaphore_mem>>
      %dma_start3A_307 = arith.constant 0 : i32
      %dma_start3A_308 = tpu.memref_slice %arg3[%run_scoped3A, %add3A_6, %dma_start3A_307] : memref<2x2500x128xi32, #tpu.memory_space<hbm>> -> memref<1x3x128xi32, #tpu.memory_space<hbm>>
      %dma_start3A_309 = tpu.memref_squeeze %dma_start3A_308 : memref<1x3x128xi32, #tpu.memory_space<hbm>> -> memref<3x128xi32, #tpu.memory_space<hbm>>
      %dma_start3A_310 = arith.constant 0 : i32
      %dma_start3A_311 = tpu.memref_slice %arg3[%run_scoped3A, %add3A_6, %dma_start3A_310] : memref<2x2500x128xi32, #tpu.memory_space<hbm>> -> memref<1x3x128xi32, #tpu.memory_space<hbm>>
      %dma_start3A_312 = tpu.memref_squeeze %dma_start3A_311 : memref<1x3x128xi32, #tpu.memory_space<hbm>> -> memref<3x128xi32, #tpu.memory_space<hbm>>
      tpu.enqueue_dma source(%dma_start3A_312 : memref<3x128xi32, #tpu.memory_space<hbm>>) target(%arg7 : memref<3x128xi32, #tpu.memory_space<vmem>>) target_semaphore(%run_scoped3A_306 : memref<!tpu.dma_semaphore, #tpu.memory_space<semaphore_mem>>)
      %dma_wait3A_313 = arith.constant 0 : i32
      %dma_wait3A_314 = tpu.memref_slice %arg3[%run_scoped3A, %add3A_6, %dma_wait3A_313] : memref<2x2500x128xi32, #tpu.memory_space<hbm>> -> memref<1x3x128xi32, #tpu.memory_space<hbm>>
      %dma_wait3A_315 = tpu.memref_squeeze %dma_wait3A_314 : memref<1x3x128xi32, #tpu.memory_space<hbm>> -> memref<3x128xi32, #tpu.memory_space<hbm>>
      %dma_wait3A_316 = arith.constant 0 : i32
      %dma_wait3A_317 = tpu.memref_slice %arg3[%run_scoped3A, %add3A_6, %dma_wait3A_316] : memref<2x2500x128xi32, #tpu.memory_space<hbm>> -> memref<1x3x128xi32, #tpu.memory_space<hbm>>
      %dma_wait3A_318 = tpu.memref_squeeze %dma_wait3A_317 : memref<1x3x128xi32, #tpu.memory_space<hbm>> -> memref<3x128xi32, #tpu.memory_space<hbm>>
      tpu.wait_dma2 semaphore(%run_scoped3A_306 : memref<!tpu.dma_semaphore, #tpu.memory_space<semaphore_mem>>) src(%dma_wait3A_318 : memref<3x128xi32, #tpu.memory_space<hbm>>) dst(%arg7 : memref<3x128xi32, #tpu.memory_space<vmem>>)
      tpu.yield
    }) : () -> ()
    %run_scoped3A_7 = arith.constant 1 : i32
    "tpu.region"() ({
      %run_scoped3A_306 = tpu.sem_alloc : memref<!tpu.dma_semaphore, #tpu.memory_space<semaphore_mem>>
      %dma_start3A_307 = arith.constant 0 : i32
      %dma_start3A_308 = tpu.memref_slice %arg3[%run_scoped3A_7, %add3A_6, %dma_start3A_307] : memref<2x2500x128xi32, #tpu.memory_space<hbm>> -> memref<1x3x128xi32, #tpu.memory_space<hbm>>
      %dma_start3A_309 = tpu.memref_squeeze %dma_start3A_308 : memref<1x3x128xi32, #tpu.memory_space<hbm>> -> memref<3x128xi32, #tpu.memory_space<hbm>>
      %dma_start3A_310 = arith.constant 0 : i32
      %dma_start3A_311 = tpu.memref_slice %arg3[%run_scoped3A_7, %add3A_6, %dma_start3A_310] : memref<2x2500x128xi32, #tpu.memory_space<hbm>> -> memref<1x3x128xi32, #tpu.memory_space<hbm>>
      %dma_start3A_312 = tpu.memref_squeeze %dma_start3A_311 : memref<1x3x128xi32, #tpu.memory_space<hbm>> -> memref<3x128xi32, #tpu.memory_space<hbm>>
      tpu.enqueue_dma source(%dma_start3A_312 : memref<3x128xi32, #tpu.memory_space<hbm>>) target(%arg9 : memref<3x128xi32, #tpu.memory_space<vmem>>) target_semaphore(%run_scoped3A_306 : memref<!tpu.dma_semaphore, #tpu.memory_space<semaphore_mem>>)
      %dma_wait3A_313 = arith.constant 0 : i32
      %dma_wait3A_314 = tpu.memref_slice %arg3[%run_scoped3A_7, %add3A_6, %dma_wait3A_313] : memref<2x2500x128xi32, #tpu.memory_space<hbm>> -> memref<1x3x128xi32, #tpu.memory_space<hbm>>
      %dma_wait3A_315 = tpu.memref_squeeze %dma_wait3A_314 : memref<1x3x128xi32, #tpu.memory_space<hbm>> -> memref<3x128xi32, #tpu.memory_space<hbm>>
      %dma_wait3A_316 = arith.constant 0 : i32
      %dma_wait3A_317 = tpu.memref_slice %arg3[%run_scoped3A_7, %add3A_6, %dma_wait3A_316] : memref<2x2500x128xi32, #tpu.memory_space<hbm>> -> memref<1x3x128xi32, #tpu.memory_space<hbm>>
      %dma_wait3A_318 = tpu.memref_squeeze %dma_wait3A_317 : memref<1x3x128xi32, #tpu.memory_space<hbm>> -> memref<3x128xi32, #tpu.memory_space<hbm>>
      tpu.wait_dma2 semaphore(%run_scoped3A_306 : memref<!tpu.dma_semaphore, #tpu.memory_space<semaphore_mem>>) src(%dma_wait3A_318 : memref<3x128xi32, #tpu.memory_space<hbm>>) dst(%arg9 : memref<3x128xi32, #tpu.memory_space<vmem>>)
      tpu.yield
    }) : () -> ()
    %dma_start3A = arith.constant 0 : i32
    %dma_start3A_8 = arith.constant 0 : i32
    %dma_start3A_9 = arith.constant 0 : i32
    %dma_start3A_10 = arith.constant 0 : i32
    %dma_start3A_11 = tpu.memref_slice %arg11[%dma_start3A_8, %dma_start3A_9, %dma_start3A_10] : memref<3x128x72xf32, #tpu.memory_space<vmem>> -> memref<1x128x72xf32, #tpu.memory_space<vmem>>
    %dma_start3A_12 = tpu.memref_squeeze %dma_start3A_11 : memref<1x128x72xf32, #tpu.memory_space<vmem>> -> memref<128x72xf32, #tpu.memory_space<vmem>>
    %dma_start3A_13 = arith.constant 0 : i32
    %dma_start3A_14 = tpu.memref_slice %arg7[%dma_start3A, %dma_start3A_13] : memref<3x128xi32, #tpu.memory_space<vmem>> -> memref<1x128xi32, #tpu.memory_space<vmem>>
    %dma_start3A_15 = tpu.memref_squeeze %dma_start3A_14 : memref<1x128xi32, #tpu.memory_space<vmem>> -> memref<128xi32, #tpu.memory_space<vmem>>
    %dma_start3A_16 = arith.constant 0 : i32
    %dma_start3A_17 = arith.constant 0 : i32
    %dma_start3A_18 = tpu.memref_slice %arg2[%dma_start3A_16, %dma_start3A_17] : memref<10240x72xf32, #tpu.memory_space<hbm>> -> memref<10240x72xf32, #tpu.memory_space<hbm>>
    tpu.enqueue_indirect_dma source(%dma_start3A_18 : memref<10240x72xf32, #tpu.memory_space<hbm>>) target(%dma_start3A_12 : memref<128x72xf32, #tpu.memory_space<vmem>>) offsets(%dma_start3A_15 : memref<128xi32, #tpu.memory_space<vmem>>) semaphore(%arg13 : memref<!tpu.dma_semaphore, #tpu.memory_space<semaphore_mem>>)
    %dma_start3A_19 = arith.constant 1 : i32
    %dma_start3A_20 = arith.constant 1 : i32
    %dma_start3A_21 = arith.constant 0 : i32
    %dma_start3A_22 = arith.constant 0 : i32
    %dma_start3A_23 = tpu.memref_slice %arg11[%dma_start3A_20, %dma_start3A_21, %dma_start3A_22] : memref<3x128x72xf32, #tpu.memory_space<vmem>> -> memref<1x128x72xf32, #tpu.memory_space<vmem>>
    %dma_start3A_24 = tpu.memref_squeeze %dma_start3A_23 : memref<1x128x72xf32, #tpu.memory_space<vmem>> -> memref<128x72xf32, #tpu.memory_space<vmem>>
    %dma_start3A_25 = arith.constant 0 : i32
    %dma_start3A_26 = tpu.memref_slice %arg7[%dma_start3A_19, %dma_start3A_25] : memref<3x128xi32, #tpu.memory_space<vmem>> -> memref<1x128xi32, #tpu.memory_space<vmem>>
    %dma_start3A_27 = tpu.memref_squeeze %dma_start3A_26 : memref<1x128xi32, #tpu.memory_space<vmem>> -> memref<128xi32, #tpu.memory_space<vmem>>
    %dma_start3A_28 = arith.constant 0 : i32
    %dma_start3A_29 = arith.constant 0 : i32
    %dma_start3A_30 = tpu.memref_slice %arg2[%dma_start3A_28, %dma_start3A_29] : memref<10240x72xf32, #tpu.memory_space<hbm>> -> memref<10240x72xf32, #tpu.memory_space<hbm>>
    tpu.enqueue_indirect_dma source(%dma_start3A_30 : memref<10240x72xf32, #tpu.memory_space<hbm>>) target(%dma_start3A_24 : memref<128x72xf32, #tpu.memory_space<vmem>>) offsets(%dma_start3A_27 : memref<128xi32, #tpu.memory_space<vmem>>) semaphore(%arg13 : memref<!tpu.dma_semaphore, #tpu.memory_space<semaphore_mem>>)
    %dma_start3A_31 = arith.constant 2 : i32
    %dma_start3A_32 = arith.constant 2 : i32
    %dma_start3A_33 = arith.constant 0 : i32
    %dma_start3A_34 = arith.constant 0 : i32
    %dma_start3A_35 = tpu.memref_slice %arg11[%dma_start3A_32, %dma_start3A_33, %dma_start3A_34] : memref<3x128x72xf32, #tpu.memory_space<vmem>> -> memref<1x128x72xf32, #tpu.memory_space<vmem>>
    %dma_start3A_36 = tpu.memref_squeeze %dma_start3A_35 : memref<1x128x72xf32, #tpu.memory_space<vmem>> -> memref<128x72xf32, #tpu.memory_space<vmem>>
    %dma_start3A_37 = arith.constant 0 : i32
    %dma_start3A_38 = tpu.memref_slice %arg7[%dma_start3A_31, %dma_start3A_37] : memref<3x128xi32, #tpu.memory_space<vmem>> -> memref<1x128xi32, #tpu.memory_space<vmem>>
    %dma_start3A_39 = tpu.memref_squeeze %dma_start3A_38 : memref<1x128xi32, #tpu.memory_space<vmem>> -> memref<128xi32, #tpu.memory_space<vmem>>
    %dma_start3A_40 = arith.constant 0 : i32
    %dma_start3A_41 = arith.constant 0 : i32
    %dma_start3A_42 = tpu.memref_slice %arg2[%dma_start3A_40, %dma_start3A_41] : memref<10240x72xf32, #tpu.memory_space<hbm>> -> memref<10240x72xf32, #tpu.memory_space<hbm>>
    tpu.enqueue_indirect_dma source(%dma_start3A_42 : memref<10240x72xf32, #tpu.memory_space<hbm>>) target(%dma_start3A_36 : memref<128x72xf32, #tpu.memory_space<vmem>>) offsets(%dma_start3A_39 : memref<128xi32, #tpu.memory_space<vmem>>) semaphore(%arg13 : memref<!tpu.dma_semaphore, #tpu.memory_space<semaphore_mem>>)
    %add3A_43 = arith.constant 3 : i32
    %add3A_44 = arith.addi %mul3A_4, %add3A_43 : i32
    %run_scoped3A_45 = arith.constant 0 : i32
    "tpu.region"() ({
      %run_scoped3A_306 = tpu.sem_alloc : memref<!tpu.dma_semaphore, #tpu.memory_space<semaphore_mem>>
      %dma_start3A_307 = arith.constant 0 : i32
      %dma_start3A_308 = tpu.memref_slice %arg3[%run_scoped3A_45, %add3A_44, %dma_start3A_307] : memref<2x2500x128xi32, #tpu.memory_space<hbm>> -> memref<1x3x128xi32, #tpu.memory_space<hbm>>
      %dma_start3A_309 = tpu.memref_squeeze %dma_start3A_308 : memref<1x3x128xi32, #tpu.memory_space<hbm>> -> memref<3x128xi32, #tpu.memory_space<hbm>>
      %dma_start3A_310 = arith.constant 0 : i32
      %dma_start3A_311 = tpu.memref_slice %arg3[%run_scoped3A_45, %add3A_44, %dma_start3A_310] : memref<2x2500x128xi32, #tpu.memory_space<hbm>> -> memref<1x3x128xi32, #tpu.memory_space<hbm>>
      %dma_start3A_312 = tpu.memref_squeeze %dma_start3A_311 : memref<1x3x128xi32, #tpu.memory_space<hbm>> -> memref<3x128xi32, #tpu.memory_space<hbm>>
      tpu.enqueue_dma source(%dma_start3A_312 : memref<3x128xi32, #tpu.memory_space<hbm>>) target(%arg8 : memref<3x128xi32, #tpu.memory_space<vmem>>) target_semaphore(%run_scoped3A_306 : memref<!tpu.dma_semaphore, #tpu.memory_space<semaphore_mem>>)
      %dma_wait3A_313 = arith.constant 0 : i32
      %dma_wait3A_314 = tpu.memref_slice %arg3[%run_scoped3A_45, %add3A_44, %dma_wait3A_313] : memref<2x2500x128xi32, #tpu.memory_space<hbm>> -> memref<1x3x128xi32, #tpu.memory_space<hbm>>
      %dma_wait3A_315 = tpu.memref_squeeze %dma_wait3A_314 : memref<1x3x128xi32, #tpu.memory_space<hbm>> -> memref<3x128xi32, #tpu.memory_space<hbm>>
      %dma_wait3A_316 = arith.constant 0 : i32
      %dma_wait3A_317 = tpu.memref_slice %arg3[%run_scoped3A_45, %add3A_44, %dma_wait3A_316] : memref<2x2500x128xi32, #tpu.memory_space<hbm>> -> memref<1x3x128xi32, #tpu.memory_space<hbm>>
      %dma_wait3A_318 = tpu.memref_squeeze %dma_wait3A_317 : memref<1x3x128xi32, #tpu.memory_space<hbm>> -> memref<3x128xi32, #tpu.memory_space<hbm>>
      tpu.wait_dma2 semaphore(%run_scoped3A_306 : memref<!tpu.dma_semaphore, #tpu.memory_space<semaphore_mem>>) src(%dma_wait3A_318 : memref<3x128xi32, #tpu.memory_space<hbm>>) dst(%arg8 : memref<3x128xi32, #tpu.memory_space<vmem>>)
      tpu.yield
    }) : () -> ()
    %run_scoped3A_46 = arith.constant 1 : i32
    "tpu.region"() ({
      %run_scoped3A_306 = tpu.sem_alloc : memref<!tpu.dma_semaphore, #tpu.memory_space<semaphore_mem>>
      %dma_start3A_307 = arith.constant 0 : i32
      %dma_start3A_308 = tpu.memref_slice %arg3[%run_scoped3A_46, %add3A_44, %dma_start3A_307] : memref<2x2500x128xi32, #tpu.memory_space<hbm>> -> memref<1x3x128xi32, #tpu.memory_space<hbm>>
      %dma_start3A_309 = tpu.memref_squeeze %dma_start3A_308 : memref<1x3x128xi32, #tpu.memory_space<hbm>> -> memref<3x128xi32, #tpu.memory_space<hbm>>
      %dma_start3A_310 = arith.constant 0 : i32
      %dma_start3A_311 = tpu.memref_slice %arg3[%run_scoped3A_46, %add3A_44, %dma_start3A_310] : memref<2x2500x128xi32, #tpu.memory_space<hbm>> -> memref<1x3x128xi32, #tpu.memory_space<hbm>>
      %dma_start3A_312 = tpu.memref_squeeze %dma_start3A_311 : memref<1x3x128xi32, #tpu.memory_space<hbm>> -> memref<3x128xi32, #tpu.memory_space<hbm>>
      tpu.enqueue_dma source(%dma_start3A_312 : memref<3x128xi32, #tpu.memory_space<hbm>>) target(%arg10 : memref<3x128xi32, #tpu.memory_space<vmem>>) target_semaphore(%run_scoped3A_306 : memref<!tpu.dma_semaphore, #tpu.memory_space<semaphore_mem>>)
      %dma_wait3A_313 = arith.constant 0 : i32
      %dma_wait3A_314 = tpu.memref_slice %arg3[%run_scoped3A_46, %add3A_44, %dma_wait3A_313] : memref<2x2500x128xi32, #tpu.memory_space<hbm>> -> memref<1x3x128xi32, #tpu.memory_space<hbm>>
      %dma_wait3A_315 = tpu.memref_squeeze %dma_wait3A_314 : memref<1x3x128xi32, #tpu.memory_space<hbm>> -> memref<3x128xi32, #tpu.memory_space<hbm>>
      %dma_wait3A_316 = arith.constant 0 : i32
      %dma_wait3A_317 = tpu.memref_slice %arg3[%run_scoped3A_46, %add3A_44, %dma_wait3A_316] : memref<2x2500x128xi32, #tpu.memory_space<hbm>> -> memref<1x3x128xi32, #tpu.memory_space<hbm>>
      %dma_wait3A_318 = tpu.memref_squeeze %dma_wait3A_317 : memref<1x3x128xi32, #tpu.memory_space<hbm>> -> memref<3x128xi32, #tpu.memory_space<hbm>>
      tpu.wait_dma2 semaphore(%run_scoped3A_306 : memref<!tpu.dma_semaphore, #tpu.memory_space<semaphore_mem>>) src(%dma_wait3A_318 : memref<3x128xi32, #tpu.memory_space<hbm>>) dst(%arg10 : memref<3x128xi32, #tpu.memory_space<vmem>>)
      tpu.yield
    }) : () -> ()
    %dma_start3A_47 = arith.constant 0 : i32
    %dma_start3A_48 = arith.constant 0 : i32
    %dma_start3A_49 = arith.constant 0 : i32
    %dma_start3A_50 = arith.constant 0 : i32
    %dma_start3A_51 = tpu.memref_slice %arg12[%dma_start3A_48, %dma_start3A_49, %dma_start3A_50] : memref<3x128x72xf32, #tpu.memory_space<vmem>> -> memref<1x128x72xf32, #tpu.memory_space<vmem>>
    %dma_start3A_52 = tpu.memref_squeeze %dma_start3A_51 : memref<1x128x72xf32, #tpu.memory_space<vmem>> -> memref<128x72xf32, #tpu.memory_space<vmem>>
    %dma_start3A_53 = arith.constant 0 : i32
    %dma_start3A_54 = tpu.memref_slice %arg8[%dma_start3A_47, %dma_start3A_53] : memref<3x128xi32, #tpu.memory_space<vmem>> -> memref<1x128xi32, #tpu.memory_space<vmem>>
    %dma_start3A_55 = tpu.memref_squeeze %dma_start3A_54 : memref<1x128xi32, #tpu.memory_space<vmem>> -> memref<128xi32, #tpu.memory_space<vmem>>
    %dma_start3A_56 = arith.constant 0 : i32
    %dma_start3A_57 = arith.constant 0 : i32
    %dma_start3A_58 = tpu.memref_slice %arg2[%dma_start3A_56, %dma_start3A_57] : memref<10240x72xf32, #tpu.memory_space<hbm>> -> memref<10240x72xf32, #tpu.memory_space<hbm>>
    tpu.enqueue_indirect_dma source(%dma_start3A_58 : memref<10240x72xf32, #tpu.memory_space<hbm>>) target(%dma_start3A_52 : memref<128x72xf32, #tpu.memory_space<vmem>>) offsets(%dma_start3A_55 : memref<128xi32, #tpu.memory_space<vmem>>) semaphore(%arg14 : memref<!tpu.dma_semaphore, #tpu.memory_space<semaphore_mem>>)
    %dma_start3A_59 = arith.constant 1 : i32
    %dma_start3A_60 = arith.constant 1 : i32
    %dma_start3A_61 = arith.constant 0 : i32
    %dma_start3A_62 = arith.constant 0 : i32
    %dma_start3A_63 = tpu.memref_slice %arg12[%dma_start3A_60, %dma_start3A_61, %dma_start3A_62] : memref<3x128x72xf32, #tpu.memory_space<vmem>> -> memref<1x128x72xf32, #tpu.memory_space<vmem>>
    %dma_start3A_64 = tpu.memref_squeeze %dma_start3A_63 : memref<1x128x72xf32, #tpu.memory_space<vmem>> -> memref<128x72xf32, #tpu.memory_space<vmem>>
    %dma_start3A_65 = arith.constant 0 : i32
    %dma_start3A_66 = tpu.memref_slice %arg8[%dma_start3A_59, %dma_start3A_65] : memref<3x128xi32, #tpu.memory_space<vmem>> -> memref<1x128xi32, #tpu.memory_space<vmem>>
    %dma_start3A_67 = tpu.memref_squeeze %dma_start3A_66 : memref<1x128xi32, #tpu.memory_space<vmem>> -> memref<128xi32, #tpu.memory_space<vmem>>
    %dma_start3A_68 = arith.constant 0 : i32
    %dma_start3A_69 = arith.constant 0 : i32
    %dma_start3A_70 = tpu.memref_slice %arg2[%dma_start3A_68, %dma_start3A_69] : memref<10240x72xf32, #tpu.memory_space<hbm>> -> memref<10240x72xf32, #tpu.memory_space<hbm>>
    tpu.enqueue_indirect_dma source(%dma_start3A_70 : memref<10240x72xf32, #tpu.memory_space<hbm>>) target(%dma_start3A_64 : memref<128x72xf32, #tpu.memory_space<vmem>>) offsets(%dma_start3A_67 : memref<128xi32, #tpu.memory_space<vmem>>) semaphore(%arg14 : memref<!tpu.dma_semaphore, #tpu.memory_space<semaphore_mem>>)
    %dma_start3A_71 = arith.constant 2 : i32
    %dma_start3A_72 = arith.constant 2 : i32
    %dma_start3A_73 = arith.constant 0 : i32
    %dma_start3A_74 = arith.constant 0 : i32
    %dma_start3A_75 = tpu.memref_slice %arg12[%dma_start3A_72, %dma_start3A_73, %dma_start3A_74] : memref<3x128x72xf32, #tpu.memory_space<vmem>> -> memref<1x128x72xf32, #tpu.memory_space<vmem>>
    %dma_start3A_76 = tpu.memref_squeeze %dma_start3A_75 : memref<1x128x72xf32, #tpu.memory_space<vmem>> -> memref<128x72xf32, #tpu.memory_space<vmem>>
    %dma_start3A_77 = arith.constant 0 : i32
    %dma_start3A_78 = tpu.memref_slice %arg8[%dma_start3A_71, %dma_start3A_77] : memref<3x128xi32, #tpu.memory_space<vmem>> -> memref<1x128xi32, #tpu.memory_space<vmem>>
    %dma_start3A_79 = tpu.memref_squeeze %dma_start3A_78 : memref<1x128xi32, #tpu.memory_space<vmem>> -> memref<128xi32, #tpu.memory_space<vmem>>
    %dma_start3A_80 = arith.constant 0 : i32
    %dma_start3A_81 = arith.constant 0 : i32
    %dma_start3A_82 = tpu.memref_slice %arg2[%dma_start3A_80, %dma_start3A_81] : memref<10240x72xf32, #tpu.memory_space<hbm>> -> memref<10240x72xf32, #tpu.memory_space<hbm>>
    tpu.enqueue_indirect_dma source(%dma_start3A_82 : memref<10240x72xf32, #tpu.memory_space<hbm>>) target(%dma_start3A_76 : memref<128x72xf32, #tpu.memory_space<vmem>>) offsets(%dma_start3A_79 : memref<128xi32, #tpu.memory_space<vmem>>) semaphore(%arg14 : memref<!tpu.dma_semaphore, #tpu.memory_space<semaphore_mem>>)
    %scan3A = arith.constant 0 : i32
    %scan3A_83 = arith.constant 0 : i32
    %scan3A_84 = arith.constant 12 : i32
    %scan3A_85 = arith.addi %scan3A_83, %scan3A_84 : i32
    %scan3A_86 = arith.constant 1 : i32
    scf.for %scan3A_306 = %scan3A_83 to %scan3A_85 step %scan3A_86  : i32 {
      %dma_wait3A_307 = arith.constant 0 : i32
      %dma_wait3A_308 = arith.constant 0 : i32
      %dma_wait3A_309 = arith.constant 0 : i32
      %dma_wait3A_310 = arith.constant 0 : i32
      %dma_wait3A_311 = tpu.memref_slice %arg11[%dma_wait3A_308, %dma_wait3A_309, %dma_wait3A_310] : memref<3x128x72xf32, #tpu.memory_space<vmem>> -> memref<1x128x72xf32, #tpu.memory_space<vmem>>
      %dma_wait3A_312 = tpu.memref_squeeze %dma_wait3A_311 : memref<1x128x72xf32, #tpu.memory_space<vmem>> -> memref<128x72xf32, #tpu.memory_space<vmem>>
      %dma_wait3A_313 = arith.constant 0 : i32
      %dma_wait3A_314 = tpu.memref_slice %arg7[%dma_wait3A_307, %dma_wait3A_313] : memref<3x128xi32, #tpu.memory_space<vmem>> -> memref<1x128xi32, #tpu.memory_space<vmem>>
      %dma_wait3A_315 = tpu.memref_squeeze %dma_wait3A_314 : memref<1x128xi32, #tpu.memory_space<vmem>> -> memref<128xi32, #tpu.memory_space<vmem>>
      %dma_wait3A_316 = arith.constant 0 : i32
      %dma_wait3A_317 = arith.constant 0 : i32
      %dma_wait3A_318 = tpu.memref_slice %arg2[%dma_wait3A_316, %dma_wait3A_317] : memref<10240x72xf32, #tpu.memory_space<hbm>> -> memref<10240x72xf32, #tpu.memory_space<hbm>>
      tpu.wait_indirect_dma semaphore(%arg13 : memref<!tpu.dma_semaphore, #tpu.memory_space<semaphore_mem>>) src(%dma_wait3A_318 : memref<10240x72xf32, #tpu.memory_space<hbm>>) dst(%dma_wait3A_312 : memref<128x72xf32, #tpu.memory_space<vmem>>)
      %dma_wait3A_319 = arith.constant 1 : i32
      %dma_wait3A_320 = arith.constant 1 : i32
      %dma_wait3A_321 = arith.constant 0 : i32
      %dma_wait3A_322 = arith.constant 0 : i32
      %dma_wait3A_323 = tpu.memref_slice %arg11[%dma_wait3A_320, %dma_wait3A_321, %dma_wait3A_322] : memref<3x128x72xf32, #tpu.memory_space<vmem>> -> memref<1x128x72xf32, #tpu.memory_space<vmem>>
      %dma_wait3A_324 = tpu.memref_squeeze %dma_wait3A_323 : memref<1x128x72xf32, #tpu.memory_space<vmem>> -> memref<128x72xf32, #tpu.memory_space<vmem>>
      %dma_wait3A_325 = arith.constant 0 : i32
      %dma_wait3A_326 = tpu.memref_slice %arg7[%dma_wait3A_319, %dma_wait3A_325] : memref<3x128xi32, #tpu.memory_space<vmem>> -> memref<1x128xi32, #tpu.memory_space<vmem>>
      %dma_wait3A_327 = tpu.memref_squeeze %dma_wait3A_326 : memref<1x128xi32, #tpu.memory_space<vmem>> -> memref<128xi32, #tpu.memory_space<vmem>>
      %dma_wait3A_328 = arith.constant 0 : i32
      %dma_wait3A_329 = arith.constant 0 : i32
      %dma_wait3A_330 = tpu.memref_slice %arg2[%dma_wait3A_328, %dma_wait3A_329] : memref<10240x72xf32, #tpu.memory_space<hbm>> -> memref<10240x72xf32, #tpu.memory_space<hbm>>
      tpu.wait_indirect_dma semaphore(%arg13 : memref<!tpu.dma_semaphore, #tpu.memory_space<semaphore_mem>>) src(%dma_wait3A_330 : memref<10240x72xf32, #tpu.memory_space<hbm>>) dst(%dma_wait3A_324 : memref<128x72xf32, #tpu.memory_space<vmem>>)
      %dma_wait3A_331 = arith.constant 2 : i32
      %dma_wait3A_332 = arith.constant 2 : i32
      %dma_wait3A_333 = arith.constant 0 : i32
      %dma_wait3A_334 = arith.constant 0 : i32
      %dma_wait3A_335 = tpu.memref_slice %arg11[%dma_wait3A_332, %dma_wait3A_333, %dma_wait3A_334] : memref<3x128x72xf32, #tpu.memory_space<vmem>> -> memref<1x128x72xf32, #tpu.memory_space<vmem>>
      %dma_wait3A_336 = tpu.memref_squeeze %dma_wait3A_335 : memref<1x128x72xf32, #tpu.memory_space<vmem>> -> memref<128x72xf32, #tpu.memory_space<vmem>>
      %dma_wait3A_337 = arith.constant 0 : i32
      %dma_wait3A_338 = tpu.memref_slice %arg7[%dma_wait3A_331, %dma_wait3A_337] : memref<3x128xi32, #tpu.memory_space<vmem>> -> memref<1x128xi32, #tpu.memory_space<vmem>>
      %dma_wait3A_339 = tpu.memref_squeeze %dma_wait3A_338 : memref<1x128xi32, #tpu.memory_space<vmem>> -> memref<128xi32, #tpu.memory_space<vmem>>
      %dma_wait3A_340 = arith.constant 0 : i32
      %dma_wait3A_341 = arith.constant 0 : i32
      %dma_wait3A_342 = tpu.memref_slice %arg2[%dma_wait3A_340, %dma_wait3A_341] : memref<10240x72xf32, #tpu.memory_space<hbm>> -> memref<10240x72xf32, #tpu.memory_space<hbm>>
      tpu.wait_indirect_dma semaphore(%arg13 : memref<!tpu.dma_semaphore, #tpu.memory_space<semaphore_mem>>) src(%dma_wait3A_342 : memref<10240x72xf32, #tpu.memory_space<hbm>>) dst(%dma_wait3A_336 : memref<128x72xf32, #tpu.memory_space<vmem>>)
      %dma_start3A_343 = arith.constant 0 : i32
      %dma_start3A_344 = arith.constant 0 : i32
      %dma_start3A_345 = arith.constant 0 : i32
      %dma_start3A_346 = arith.constant 0 : i32
      %dma_start3A_347 = tpu.memref_slice %arg11[%dma_start3A_343, %dma_start3A_345, %dma_start3A_346] : memref<3x128x72xf32, #tpu.memory_space<vmem>> -> memref<1x128x72xf32, #tpu.memory_space<vmem>>
      %dma_start3A_348 = tpu.memref_squeeze %dma_start3A_347 : memref<1x128x72xf32, #tpu.memory_space<vmem>> -> memref<128x72xf32, #tpu.memory_space<vmem>>
      %dma_start3A_349 = arith.constant 0 : i32
      %dma_start3A_350 = tpu.memref_slice %arg9[%dma_start3A_344, %dma_start3A_349] : memref<3x128xi32, #tpu.memory_space<vmem>> -> memref<1x128xi32, #tpu.memory_space<vmem>>
      %dma_start3A_351 = tpu.memref_squeeze %dma_start3A_350 : memref<1x128xi32, #tpu.memory_space<vmem>> -> memref<128xi32, #tpu.memory_space<vmem>>
      %dma_start3A_352 = arith.constant 0 : i32
      %dma_start3A_353 = arith.constant 0 : i32
      %dma_start3A_354 = tpu.memref_slice %arg6[%dma_start3A_352, %dma_start3A_353] : memref<10240x72xf32, #tpu.memory_space<vmem_shared>> -> memref<10240x72xf32, #tpu.memory_space<vmem_shared>>
      tpu.enqueue_indirect_dma source(%dma_start3A_348 : memref<128x72xf32, #tpu.memory_space<vmem>>) target(%dma_start3A_354 : memref<10240x72xf32, #tpu.memory_space<vmem_shared>>) offsets(%dma_start3A_351 : memref<128xi32, #tpu.memory_space<vmem>>) semaphore(%arg15 : memref<!tpu.dma_semaphore, #tpu.memory_space<semaphore_mem>>) {add = true}
      %dma_start3A_355 = arith.constant 1 : i32
      %dma_start3A_356 = arith.constant 1 : i32
      %dma_start3A_357 = arith.constant 0 : i32
      %dma_start3A_358 = arith.constant 0 : i32
      %dma_start3A_359 = tpu.memref_slice %arg11[%dma_start3A_355, %dma_start3A_357, %dma_start3A_358] : memref<3x128x72xf32, #tpu.memory_space<vmem>> -> memref<1x128x72xf32, #tpu.memory_space<vmem>>
      %dma_start3A_360 = tpu.memref_squeeze %dma_start3A_359 : memref<1x128x72xf32, #tpu.memory_space<vmem>> -> memref<128x72xf32, #tpu.memory_space<vmem>>
      %dma_start3A_361 = arith.constant 0 : i32
      %dma_start3A_362 = tpu.memref_slice %arg9[%dma_start3A_356, %dma_start3A_361] : memref<3x128xi32, #tpu.memory_space<vmem>> -> memref<1x128xi32, #tpu.memory_space<vmem>>
      %dma_start3A_363 = tpu.memref_squeeze %dma_start3A_362 : memref<1x128xi32, #tpu.memory_space<vmem>> -> memref<128xi32, #tpu.memory_space<vmem>>
      %dma_start3A_364 = arith.constant 0 : i32
      %dma_start3A_365 = arith.constant 0 : i32
      %dma_start3A_366 = tpu.memref_slice %arg6[%dma_start3A_364, %dma_start3A_365] : memref<10240x72xf32, #tpu.memory_space<vmem_shared>> -> memref<10240x72xf32, #tpu.memory_space<vmem_shared>>
      tpu.enqueue_indirect_dma source(%dma_start3A_360 : memref<128x72xf32, #tpu.memory_space<vmem>>) target(%dma_start3A_366 : memref<10240x72xf32, #tpu.memory_space<vmem_shared>>) offsets(%dma_start3A_363 : memref<128xi32, #tpu.memory_space<vmem>>) semaphore(%arg15 : memref<!tpu.dma_semaphore, #tpu.memory_space<semaphore_mem>>) {add = true}
      %dma_start3A_367 = arith.constant 2 : i32
      %dma_start3A_368 = arith.constant 2 : i32
      %dma_start3A_369 = arith.constant 0 : i32
      %dma_start3A_370 = arith.constant 0 : i32
      %dma_start3A_371 = tpu.memref_slice %arg11[%dma_start3A_367, %dma_start3A_369, %dma_start3A_370] : memref<3x128x72xf32, #tpu.memory_space<vmem>> -> memref<1x128x72xf32, #tpu.memory_space<vmem>>
      %dma_start3A_372 = tpu.memref_squeeze %dma_start3A_371 : memref<1x128x72xf32, #tpu.memory_space<vmem>> -> memref<128x72xf32, #tpu.memory_space<vmem>>
      %dma_start3A_373 = arith.constant 0 : i32
      %dma_start3A_374 = tpu.memref_slice %arg9[%dma_start3A_368, %dma_start3A_373] : memref<3x128xi32, #tpu.memory_space<vmem>> -> memref<1x128xi32, #tpu.memory_space<vmem>>
      %dma_start3A_375 = tpu.memref_squeeze %dma_start3A_374 : memref<1x128xi32, #tpu.memory_space<vmem>> -> memref<128xi32, #tpu.memory_space<vmem>>
      %dma_start3A_376 = arith.constant 0 : i32
      %dma_start3A_377 = arith.constant 0 : i32
      %dma_start3A_378 = tpu.memref_slice %arg6[%dma_start3A_376, %dma_start3A_377] : memref<10240x72xf32, #tpu.memory_space<vmem_shared>> -> memref<10240x72xf32, #tpu.memory_space<vmem_shared>>
      tpu.enqueue_indirect_dma source(%dma_start3A_372 : memref<128x72xf32, #tpu.memory_space<vmem>>) target(%dma_start3A_378 : memref<10240x72xf32, #tpu.memory_space<vmem_shared>>) offsets(%dma_start3A_375 : memref<128xi32, #tpu.memory_space<vmem>>) semaphore(%arg15 : memref<!tpu.dma_semaphore, #tpu.memory_space<semaphore_mem>>) {add = true}
      %dma_wait3A_379 = arith.constant 0 : i32
      %dma_wait3A_380 = arith.constant 0 : i32
      %dma_wait3A_381 = arith.constant 0 : i32
      %dma_wait3A_382 = arith.constant 0 : i32
      %dma_wait3A_383 = tpu.memref_slice %arg12[%dma_wait3A_380, %dma_wait3A_381, %dma_wait3A_382] : memref<3x128x72xf32, #tpu.memory_space<vmem>> -> memref<1x128x72xf32, #tpu.memory_space<vmem>>
      %dma_wait3A_384 = tpu.memref_squeeze %dma_wait3A_383 : memref<1x128x72xf32, #tpu.memory_space<vmem>> -> memref<128x72xf32, #tpu.memory_space<vmem>>
      %dma_wait3A_385 = arith.constant 0 : i32
      %dma_wait3A_386 = tpu.memref_slice %arg8[%dma_wait3A_379, %dma_wait3A_385] : memref<3x128xi32, #tpu.memory_space<vmem>> -> memref<1x128xi32, #tpu.memory_space<vmem>>
      %dma_wait3A_387 = tpu.memref_squeeze %dma_wait3A_386 : memref<1x128xi32, #tpu.memory_space<vmem>> -> memref<128xi32, #tpu.memory_space<vmem>>
      %dma_wait3A_388 = arith.constant 0 : i32
      %dma_wait3A_389 = arith.constant 0 : i32
      %dma_wait3A_390 = tpu.memref_slice %arg2[%dma_wait3A_388, %dma_wait3A_389] : memref<10240x72xf32, #tpu.memory_space<hbm>> -> memref<10240x72xf32, #tpu.memory_space<hbm>>
      tpu.wait_indirect_dma semaphore(%arg14 : memref<!tpu.dma_semaphore, #tpu.memory_space<semaphore_mem>>) src(%dma_wait3A_390 : memref<10240x72xf32, #tpu.memory_space<hbm>>) dst(%dma_wait3A_384 : memref<128x72xf32, #tpu.memory_space<vmem>>)
      %dma_wait3A_391 = arith.constant 1 : i32
      %dma_wait3A_392 = arith.constant 1 : i32
      %dma_wait3A_393 = arith.constant 0 : i32
      %dma_wait3A_394 = arith.constant 0 : i32
      %dma_wait3A_395 = tpu.memref_slice %arg12[%dma_wait3A_392, %dma_wait3A_393, %dma_wait3A_394] : memref<3x128x72xf32, #tpu.memory_space<vmem>> -> memref<1x128x72xf32, #tpu.memory_space<vmem>>
      %dma_wait3A_396 = tpu.memref_squeeze %dma_wait3A_395 : memref<1x128x72xf32, #tpu.memory_space<vmem>> -> memref<128x72xf32, #tpu.memory_space<vmem>>
      %dma_wait3A_397 = arith.constant 0 : i32
      %dma_wait3A_398 = tpu.memref_slice %arg8[%dma_wait3A_391, %dma_wait3A_397] : memref<3x128xi32, #tpu.memory_space<vmem>> -> memref<1x128xi32, #tpu.memory_space<vmem>>
      %dma_wait3A_399 = tpu.memref_squeeze %dma_wait3A_398 : memref<1x128xi32, #tpu.memory_space<vmem>> -> memref<128xi32, #tpu.memory_space<vmem>>
      %dma_wait3A_400 = arith.constant 0 : i32
      %dma_wait3A_401 = arith.constant 0 : i32
      %dma_wait3A_402 = tpu.memref_slice %arg2[%dma_wait3A_400, %dma_wait3A_401] : memref<10240x72xf32, #tpu.memory_space<hbm>> -> memref<10240x72xf32, #tpu.memory_space<hbm>>
      tpu.wait_indirect_dma semaphore(%arg14 : memref<!tpu.dma_semaphore, #tpu.memory_space<semaphore_mem>>) src(%dma_wait3A_402 : memref<10240x72xf32, #tpu.memory_space<hbm>>) dst(%dma_wait3A_396 : memref<128x72xf32, #tpu.memory_space<vmem>>)
      %dma_wait3A_403 = arith.constant 2 : i32
      %dma_wait3A_404 = arith.constant 2 : i32
      %dma_wait3A_405 = arith.constant 0 : i32
      %dma_wait3A_406 = arith.constant 0 : i32
      %dma_wait3A_407 = tpu.memref_slice %arg12[%dma_wait3A_404, %dma_wait3A_405, %dma_wait3A_406] : memref<3x128x72xf32, #tpu.memory_space<vmem>> -> memref<1x128x72xf32, #tpu.memory_space<vmem>>
      %dma_wait3A_408 = tpu.memref_squeeze %dma_wait3A_407 : memref<1x128x72xf32, #tpu.memory_space<vmem>> -> memref<128x72xf32, #tpu.memory_space<vmem>>
      %dma_wait3A_409 = arith.constant 0 : i32
      %dma_wait3A_410 = tpu.memref_slice %arg8[%dma_wait3A_403, %dma_wait3A_409] : memref<3x128xi32, #tpu.memory_space<vmem>> -> memref<1x128xi32, #tpu.memory_space<vmem>>
      %dma_wait3A_411 = tpu.memref_squeeze %dma_wait3A_410 : memref<1x128xi32, #tpu.memory_space<vmem>> -> memref<128xi32, #tpu.memory_space<vmem>>
      %dma_wait3A_412 = arith.constant 0 : i32
      %dma_wait3A_413 = arith.constant 0 : i32
      %dma_wait3A_414 = tpu.memref_slice %arg2[%dma_wait3A_412, %dma_wait3A_413] : memref<10240x72xf32, #tpu.memory_space<hbm>> -> memref<10240x72xf32, #tpu.memory_space<hbm>>
      tpu.wait_indirect_dma semaphore(%arg14 : memref<!tpu.dma_semaphore, #tpu.memory_space<semaphore_mem>>) src(%dma_wait3A_414 : memref<10240x72xf32, #tpu.memory_space<hbm>>) dst(%dma_wait3A_408 : memref<128x72xf32, #tpu.memory_space<vmem>>)
      %dma_start3A_415 = arith.constant 0 : i32
      %dma_start3A_416 = arith.constant 0 : i32
      %dma_start3A_417 = arith.constant 0 : i32
      %dma_start3A_418 = arith.constant 0 : i32
      %dma_start3A_419 = tpu.memref_slice %arg12[%dma_start3A_415, %dma_start3A_417, %dma_start3A_418] : memref<3x128x72xf32, #tpu.memory_space<vmem>> -> memref<1x128x72xf32, #tpu.memory_space<vmem>>
      %dma_start3A_420 = tpu.memref_squeeze %dma_start3A_419 : memref<1x128x72xf32, #tpu.memory_space<vmem>> -> memref<128x72xf32, #tpu.memory_space<vmem>>
      %dma_start3A_421 = arith.constant 0 : i32
      %dma_start3A_422 = tpu.memref_slice %arg10[%dma_start3A_416, %dma_start3A_421] : memref<3x128xi32, #tpu.memory_space<vmem>> -> memref<1x128xi32, #tpu.memory_space<vmem>>
      %dma_start3A_423 = tpu.memref_squeeze %dma_start3A_422 : memref<1x128xi32, #tpu.memory_space<vmem>> -> memref<128xi32, #tpu.memory_space<vmem>>
      %dma_start3A_424 = arith.constant 0 : i32
      %dma_start3A_425 = arith.constant 0 : i32
      %dma_start3A_426 = tpu.memref_slice %arg6[%dma_start3A_424, %dma_start3A_425] : memref<10240x72xf32, #tpu.memory_space<vmem_shared>> -> memref<10240x72xf32, #tpu.memory_space<vmem_shared>>
      tpu.enqueue_indirect_dma source(%dma_start3A_420 : memref<128x72xf32, #tpu.memory_space<vmem>>) target(%dma_start3A_426 : memref<10240x72xf32, #tpu.memory_space<vmem_shared>>) offsets(%dma_start3A_423 : memref<128xi32, #tpu.memory_space<vmem>>) semaphore(%arg16 : memref<!tpu.dma_semaphore, #tpu.memory_space<semaphore_mem>>) {add = true}
      %dma_start3A_427 = arith.constant 1 : i32
      %dma_start3A_428 = arith.constant 1 : i32
      %dma_start3A_429 = arith.constant 0 : i32
      %dma_start3A_430 = arith.constant 0 : i32
      %dma_start3A_431 = tpu.memref_slice %arg12[%dma_start3A_427, %dma_start3A_429, %dma_start3A_430] : memref<3x128x72xf32, #tpu.memory_space<vmem>> -> memref<1x128x72xf32, #tpu.memory_space<vmem>>
      %dma_start3A_432 = tpu.memref_squeeze %dma_start3A_431 : memref<1x128x72xf32, #tpu.memory_space<vmem>> -> memref<128x72xf32, #tpu.memory_space<vmem>>
      %dma_start3A_433 = arith.constant 0 : i32
      %dma_start3A_434 = tpu.memref_slice %arg10[%dma_start3A_428, %dma_start3A_433] : memref<3x128xi32, #tpu.memory_space<vmem>> -> memref<1x128xi32, #tpu.memory_space<vmem>>
      %dma_start3A_435 = tpu.memref_squeeze %dma_start3A_434 : memref<1x128xi32, #tpu.memory_space<vmem>> -> memref<128xi32, #tpu.memory_space<vmem>>
      %dma_start3A_436 = arith.constant 0 : i32
      %dma_start3A_437 = arith.constant 0 : i32
      %dma_start3A_438 = tpu.memref_slice %arg6[%dma_start3A_436, %dma_start3A_437] : memref<10240x72xf32, #tpu.memory_space<vmem_shared>> -> memref<10240x72xf32, #tpu.memory_space<vmem_shared>>
      tpu.enqueue_indirect_dma source(%dma_start3A_432 : memref<128x72xf32, #tpu.memory_space<vmem>>) target(%dma_start3A_438 : memref<10240x72xf32, #tpu.memory_space<vmem_shared>>) offsets(%dma_start3A_435 : memref<128xi32, #tpu.memory_space<vmem>>) semaphore(%arg16 : memref<!tpu.dma_semaphore, #tpu.memory_space<semaphore_mem>>) {add = true}
      %dma_start3A_439 = arith.constant 2 : i32
      %dma_start3A_440 = arith.constant 2 : i32
      %dma_start3A_441 = arith.constant 0 : i32
      %dma_start3A_442 = arith.constant 0 : i32
      %dma_start3A_443 = tpu.memref_slice %arg12[%dma_start3A_439, %dma_start3A_441, %dma_start3A_442] : memref<3x128x72xf32, #tpu.memory_space<vmem>> -> memref<1x128x72xf32, #tpu.memory_space<vmem>>
      %dma_start3A_444 = tpu.memref_squeeze %dma_start3A_443 : memref<1x128x72xf32, #tpu.memory_space<vmem>> -> memref<128x72xf32, #tpu.memory_space<vmem>>
      %dma_start3A_445 = arith.constant 0 : i32
      %dma_start3A_446 = tpu.memref_slice %arg10[%dma_start3A_440, %dma_start3A_445] : memref<3x128xi32, #tpu.memory_space<vmem>> -> memref<1x128xi32, #tpu.memory_space<vmem>>
      %dma_start3A_447 = tpu.memref_squeeze %dma_start3A_446 : memref<1x128xi32, #tpu.memory_space<vmem>> -> memref<128xi32, #tpu.memory_space<vmem>>
      %dma_start3A_448 = arith.constant 0 : i32
      %dma_start3A_449 = arith.constant 0 : i32
      %dma_start3A_450 = tpu.memref_slice %arg6[%dma_start3A_448, %dma_start3A_449] : memref<10240x72xf32, #tpu.memory_space<vmem_shared>> -> memref<10240x72xf32, #tpu.memory_space<vmem_shared>>
      tpu.enqueue_indirect_dma source(%dma_start3A_444 : memref<128x72xf32, #tpu.memory_space<vmem>>) target(%dma_start3A_450 : memref<10240x72xf32, #tpu.memory_space<vmem_shared>>) offsets(%dma_start3A_447 : memref<128xi32, #tpu.memory_space<vmem>>) semaphore(%arg16 : memref<!tpu.dma_semaphore, #tpu.memory_space<semaphore_mem>>) {add = true}
      %dma_wait3A_451 = arith.constant 0 : i32
      %dma_wait3A_452 = arith.constant 0 : i32
      %dma_wait3A_453 = arith.constant 0 : i32
      %dma_wait3A_454 = arith.constant 0 : i32
      %dma_wait3A_455 = tpu.memref_slice %arg11[%dma_wait3A_451, %dma_wait3A_453, %dma_wait3A_454] : memref<3x128x72xf32, #tpu.memory_space<vmem>> -> memref<1x128x72xf32, #tpu.memory_space<vmem>>
      %dma_wait3A_456 = tpu.memref_squeeze %dma_wait3A_455 : memref<1x128x72xf32, #tpu.memory_space<vmem>> -> memref<128x72xf32, #tpu.memory_space<vmem>>
      %dma_wait3A_457 = arith.constant 0 : i32
      %dma_wait3A_458 = tpu.memref_slice %arg9[%dma_wait3A_452, %dma_wait3A_457] : memref<3x128xi32, #tpu.memory_space<vmem>> -> memref<1x128xi32, #tpu.memory_space<vmem>>
      %dma_wait3A_459 = tpu.memref_squeeze %dma_wait3A_458 : memref<1x128xi32, #tpu.memory_space<vmem>> -> memref<128xi32, #tpu.memory_space<vmem>>
      %dma_wait3A_460 = arith.constant 0 : i32
      %dma_wait3A_461 = arith.constant 0 : i32
      %dma_wait3A_462 = tpu.memref_slice %arg6[%dma_wait3A_460, %dma_wait3A_461] : memref<10240x72xf32, #tpu.memory_space<vmem_shared>> -> memref<10240x72xf32, #tpu.memory_space<vmem_shared>>
      tpu.wait_indirect_dma semaphore(%arg15 : memref<!tpu.dma_semaphore, #tpu.memory_space<semaphore_mem>>) src(%dma_wait3A_456 : memref<128x72xf32, #tpu.memory_space<vmem>>) dst(%dma_wait3A_462 : memref<10240x72xf32, #tpu.memory_space<vmem_shared>>)
      %dma_wait3A_463 = arith.constant 1 : i32
      %dma_wait3A_464 = arith.constant 1 : i32
      %dma_wait3A_465 = arith.constant 0 : i32
      %dma_wait3A_466 = arith.constant 0 : i32
      %dma_wait3A_467 = tpu.memref_slice %arg11[%dma_wait3A_463, %dma_wait3A_465, %dma_wait3A_466] : memref<3x128x72xf32, #tpu.memory_space<vmem>> -> memref<1x128x72xf32, #tpu.memory_space<vmem>>
      %dma_wait3A_468 = tpu.memref_squeeze %dma_wait3A_467 : memref<1x128x72xf32, #tpu.memory_space<vmem>> -> memref<128x72xf32, #tpu.memory_space<vmem>>
      %dma_wait3A_469 = arith.constant 0 : i32
      %dma_wait3A_470 = tpu.memref_slice %arg9[%dma_wait3A_464, %dma_wait3A_469] : memref<3x128xi32, #tpu.memory_space<vmem>> -> memref<1x128xi32, #tpu.memory_space<vmem>>
      %dma_wait3A_471 = tpu.memref_squeeze %dma_wait3A_470 : memref<1x128xi32, #tpu.memory_space<vmem>> -> memref<128xi32, #tpu.memory_space<vmem>>
      %dma_wait3A_472 = arith.constant 0 : i32
      %dma_wait3A_473 = arith.constant 0 : i32
      %dma_wait3A_474 = tpu.memref_slice %arg6[%dma_wait3A_472, %dma_wait3A_473] : memref<10240x72xf32, #tpu.memory_space<vmem_shared>> -> memref<10240x72xf32, #tpu.memory_space<vmem_shared>>
      tpu.wait_indirect_dma semaphore(%arg15 : memref<!tpu.dma_semaphore, #tpu.memory_space<semaphore_mem>>) src(%dma_wait3A_468 : memref<128x72xf32, #tpu.memory_space<vmem>>) dst(%dma_wait3A_474 : memref<10240x72xf32, #tpu.memory_space<vmem_shared>>)
      %dma_wait3A_475 = arith.constant 2 : i32
      %dma_wait3A_476 = arith.constant 2 : i32
      %dma_wait3A_477 = arith.constant 0 : i32
      %dma_wait3A_478 = arith.constant 0 : i32
      %dma_wait3A_479 = tpu.memref_slice %arg11[%dma_wait3A_475, %dma_wait3A_477, %dma_wait3A_478] : memref<3x128x72xf32, #tpu.memory_space<vmem>> -> memref<1x128x72xf32, #tpu.memory_space<vmem>>
      %dma_wait3A_480 = tpu.memref_squeeze %dma_wait3A_479 : memref<1x128x72xf32, #tpu.memory_space<vmem>> -> memref<128x72xf32, #tpu.memory_space<vmem>>
      %dma_wait3A_481 = arith.constant 0 : i32
      %dma_wait3A_482 = tpu.memref_slice %arg9[%dma_wait3A_476, %dma_wait3A_481] : memref<3x128xi32, #tpu.memory_space<vmem>> -> memref<1x128xi32, #tpu.memory_space<vmem>>
      %dma_wait3A_483 = tpu.memref_squeeze %dma_wait3A_482 : memref<1x128xi32, #tpu.memory_space<vmem>> -> memref<128xi32, #tpu.memory_space<vmem>>
      %dma_wait3A_484 = arith.constant 0 : i32
      %dma_wait3A_485 = arith.constant 0 : i32
      %dma_wait3A_486 = tpu.memref_slice %arg6[%dma_wait3A_484, %dma_wait3A_485] : memref<10240x72xf32, #tpu.memory_space<vmem_shared>> -> memref<10240x72xf32, #tpu.memory_space<vmem_shared>>
      tpu.wait_indirect_dma semaphore(%arg15 : memref<!tpu.dma_semaphore, #tpu.memory_space<semaphore_mem>>) src(%dma_wait3A_480 : memref<128x72xf32, #tpu.memory_space<vmem>>) dst(%dma_wait3A_486 : memref<10240x72xf32, #tpu.memory_space<vmem_shared>>)
      %mul3A_487 = arith.constant 2 : i32
      %mul3A_488 = arith.muli %mul3A_487, %scan3A_306 : i32
      %add3A_489 = arith.constant 2 : i32
      %add3A_490 = arith.addi %mul3A_488, %add3A_489 : i32
      %mul3A_491 = arith.constant 3 : i32
      %mul3A_492 = arith.muli %add3A_490, %mul3A_491 : i32
      %add3A_493 = arith.addi %mul3A_4, %mul3A_492 : i32
      %run_scoped3A_494 = arith.constant 0 : i32
      "tpu.region"() ({
        %run_scoped3A_613 = tpu.sem_alloc : memref<!tpu.dma_semaphore, #tpu.memory_space<semaphore_mem>>
        %dma_start3A_614 = arith.constant 0 : i32
        %dma_start3A_615 = tpu.memref_slice %arg3[%run_scoped3A_494, %add3A_493, %dma_start3A_614] : memref<2x2500x128xi32, #tpu.memory_space<hbm>> -> memref<1x3x128xi32, #tpu.memory_space<hbm>>
        %dma_start3A_616 = tpu.memref_squeeze %dma_start3A_615 : memref<1x3x128xi32, #tpu.memory_space<hbm>> -> memref<3x128xi32, #tpu.memory_space<hbm>>
        %dma_start3A_617 = arith.constant 0 : i32
        %dma_start3A_618 = tpu.memref_slice %arg3[%run_scoped3A_494, %add3A_493, %dma_start3A_617] : memref<2x2500x128xi32, #tpu.memory_space<hbm>> -> memref<1x3x128xi32, #tpu.memory_space<hbm>>
        %dma_start3A_619 = tpu.memref_squeeze %dma_start3A_618 : memref<1x3x128xi32, #tpu.memory_space<hbm>> -> memref<3x128xi32, #tpu.memory_space<hbm>>
        tpu.enqueue_dma source(%dma_start3A_619 : memref<3x128xi32, #tpu.memory_space<hbm>>) target(%arg7 : memref<3x128xi32, #tpu.memory_space<vmem>>) target_semaphore(%run_scoped3A_613 : memref<!tpu.dma_semaphore, #tpu.memory_space<semaphore_mem>>)
        %dma_wait3A_620 = arith.constant 0 : i32
        %dma_wait3A_621 = tpu.memref_slice %arg3[%run_scoped3A_494, %add3A_493, %dma_wait3A_620] : memref<2x2500x128xi32, #tpu.memory_space<hbm>> -> memref<1x3x128xi32, #tpu.memory_space<hbm>>
        %dma_wait3A_622 = tpu.memref_squeeze %dma_wait3A_621 : memref<1x3x128xi32, #tpu.memory_space<hbm>> -> memref<3x128xi32, #tpu.memory_space<hbm>>
        %dma_wait3A_623 = arith.constant 0 : i32
        %dma_wait3A_624 = tpu.memref_slice %arg3[%run_scoped3A_494, %add3A_493, %dma_wait3A_623] : memref<2x2500x128xi32, #tpu.memory_space<hbm>> -> memref<1x3x128xi32, #tpu.memory_space<hbm>>
        %dma_wait3A_625 = tpu.memref_squeeze %dma_wait3A_624 : memref<1x3x128xi32, #tpu.memory_space<hbm>> -> memref<3x128xi32, #tpu.memory_space<hbm>>
        tpu.wait_dma2 semaphore(%run_scoped3A_613 : memref<!tpu.dma_semaphore, #tpu.memory_space<semaphore_mem>>) src(%dma_wait3A_625 : memref<3x128xi32, #tpu.memory_space<hbm>>) dst(%arg7 : memref<3x128xi32, #tpu.memory_space<vmem>>)
        tpu.yield
      }) : () -> ()
      %run_scoped3A_495 = arith.constant 1 : i32
      "tpu.region"() ({
        %run_scoped3A_613 = tpu.sem_alloc : memref<!tpu.dma_semaphore, #tpu.memory_space<semaphore_mem>>
        %dma_start3A_614 = arith.constant 0 : i32
        %dma_start3A_615 = tpu.memref_slice %arg3[%run_scoped3A_495, %add3A_493, %dma_start3A_614] : memref<2x2500x128xi32, #tpu.memory_space<hbm>> -> memref<1x3x128xi32, #tpu.memory_space<hbm>>
        %dma_start3A_616 = tpu.memref_squeeze %dma_start3A_615 : memref<1x3x128xi32, #tpu.memory_space<hbm>> -> memref<3x128xi32, #tpu.memory_space<hbm>>
        %dma_start3A_617 = arith.constant 0 : i32
        %dma_start3A_618 = tpu.memref_slice %arg3[%run_scoped3A_495, %add3A_493, %dma_start3A_617] : memref<2x2500x128xi32, #tpu.memory_space<hbm>> -> memref<1x3x128xi32, #tpu.memory_space<hbm>>
        %dma_start3A_619 = tpu.memref_squeeze %dma_start3A_618 : memref<1x3x128xi32, #tpu.memory_space<hbm>> -> memref<3x128xi32, #tpu.memory_space<hbm>>
        tpu.enqueue_dma source(%dma_start3A_619 : memref<3x128xi32, #tpu.memory_space<hbm>>) target(%arg9 : memref<3x128xi32, #tpu.memory_space<vmem>>) target_semaphore(%run_scoped3A_613 : memref<!tpu.dma_semaphore, #tpu.memory_space<semaphore_mem>>)
        %dma_wait3A_620 = arith.constant 0 : i32
        %dma_wait3A_621 = tpu.memref_slice %arg3[%run_scoped3A_495, %add3A_493, %dma_wait3A_620] : memref<2x2500x128xi32, #tpu.memory_space<hbm>> -> memref<1x3x128xi32, #tpu.memory_space<hbm>>
        %dma_wait3A_622 = tpu.memref_squeeze %dma_wait3A_621 : memref<1x3x128xi32, #tpu.memory_space<hbm>> -> memref<3x128xi32, #tpu.memory_space<hbm>>
        %dma_wait3A_623 = arith.constant 0 : i32
        %dma_wait3A_624 = tpu.memref_slice %arg3[%run_scoped3A_495, %add3A_493, %dma_wait3A_623] : memref<2x2500x128xi32, #tpu.memory_space<hbm>> -> memref<1x3x128xi32, #tpu.memory_space<hbm>>
        %dma_wait3A_625 = tpu.memref_squeeze %dma_wait3A_624 : memref<1x3x128xi32, #tpu.memory_space<hbm>> -> memref<3x128xi32, #tpu.memory_space<hbm>>
        tpu.wait_dma2 semaphore(%run_scoped3A_613 : memref<!tpu.dma_semaphore, #tpu.memory_space<semaphore_mem>>) src(%dma_wait3A_625 : memref<3x128xi32, #tpu.memory_space<hbm>>) dst(%arg9 : memref<3x128xi32, #tpu.memory_space<vmem>>)
        tpu.yield
      }) : () -> ()
      %dma_start3A_496 = arith.constant 0 : i32
      %dma_start3A_497 = arith.constant 0 : i32
      %dma_start3A_498 = arith.constant 0 : i32
      %dma_start3A_499 = arith.constant 0 : i32
      %dma_start3A_500 = tpu.memref_slice %arg11[%dma_start3A_497, %dma_start3A_498, %dma_start3A_499] : memref<3x128x72xf32, #tpu.memory_space<vmem>> -> memref<1x128x72xf32, #tpu.memory_space<vmem>>
      %dma_start3A_501 = tpu.memref_squeeze %dma_start3A_500 : memref<1x128x72xf32, #tpu.memory_space<vmem>> -> memref<128x72xf32, #tpu.memory_space<vmem>>
      %dma_start3A_502 = arith.constant 0 : i32
      %dma_start3A_503 = tpu.memref_slice %arg7[%dma_start3A_496, %dma_start3A_502] : memref<3x128xi32, #tpu.memory_space<vmem>> -> memref<1x128xi32, #tpu.memory_space<vmem>>
      %dma_start3A_504 = tpu.memref_squeeze %dma_start3A_503 : memref<1x128xi32, #tpu.memory_space<vmem>> -> memref<128xi32, #tpu.memory_space<vmem>>
      %dma_start3A_505 = arith.constant 0 : i32
      %dma_start3A_506 = arith.constant 0 : i32
      %dma_start3A_507 = tpu.memref_slice %arg2[%dma_start3A_505, %dma_start3A_506] : memref<10240x72xf32, #tpu.memory_space<hbm>> -> memref<10240x72xf32, #tpu.memory_space<hbm>>
      tpu.enqueue_indirect_dma source(%dma_start3A_507 : memref<10240x72xf32, #tpu.memory_space<hbm>>) target(%dma_start3A_501 : memref<128x72xf32, #tpu.memory_space<vmem>>) offsets(%dma_start3A_504 : memref<128xi32, #tpu.memory_space<vmem>>) semaphore(%arg13 : memref<!tpu.dma_semaphore, #tpu.memory_space<semaphore_mem>>)
      %dma_start3A_508 = arith.constant 1 : i32
      %dma_start3A_509 = arith.constant 1 : i32
      %dma_start3A_510 = arith.constant 0 : i32
      %dma_start3A_511 = arith.constant 0 : i32
      %dma_start3A_512 = tpu.memref_slice %arg11[%dma_start3A_509, %dma_start3A_510, %dma_start3A_511] : memref<3x128x72xf32, #tpu.memory_space<vmem>> -> memref<1x128x72xf32, #tpu.memory_space<vmem>>
      %dma_start3A_513 = tpu.memref_squeeze %dma_start3A_512 : memref<1x128x72xf32, #tpu.memory_space<vmem>> -> memref<128x72xf32, #tpu.memory_space<vmem>>
      %dma_start3A_514 = arith.constant 0 : i32
      %dma_start3A_515 = tpu.memref_slice %arg7[%dma_start3A_508, %dma_start3A_514] : memref<3x128xi32, #tpu.memory_space<vmem>> -> memref<1x128xi32, #tpu.memory_space<vmem>>
      %dma_start3A_516 = tpu.memref_squeeze %dma_start3A_515 : memref<1x128xi32, #tpu.memory_space<vmem>> -> memref<128xi32, #tpu.memory_space<vmem>>
      %dma_start3A_517 = arith.constant 0 : i32
      %dma_start3A_518 = arith.constant 0 : i32
      %dma_start3A_519 = tpu.memref_slice %arg2[%dma_start3A_517, %dma_start3A_518] : memref<10240x72xf32, #tpu.memory_space<hbm>> -> memref<10240x72xf32, #tpu.memory_space<hbm>>
      tpu.enqueue_indirect_dma source(%dma_start3A_519 : memref<10240x72xf32, #tpu.memory_space<hbm>>) target(%dma_start3A_513 : memref<128x72xf32, #tpu.memory_space<vmem>>) offsets(%dma_start3A_516 : memref<128xi32, #tpu.memory_space<vmem>>) semaphore(%arg13 : memref<!tpu.dma_semaphore, #tpu.memory_space<semaphore_mem>>)
      %dma_start3A_520 = arith.constant 2 : i32
      %dma_start3A_521 = arith.constant 2 : i32
      %dma_start3A_522 = arith.constant 0 : i32
      %dma_start3A_523 = arith.constant 0 : i32
      %dma_start3A_524 = tpu.memref_slice %arg11[%dma_start3A_521, %dma_start3A_522, %dma_start3A_523] : memref<3x128x72xf32, #tpu.memory_space<vmem>> -> memref<1x128x72xf32, #tpu.memory_space<vmem>>
      %dma_start3A_525 = tpu.memref_squeeze %dma_start3A_524 : memref<1x128x72xf32, #tpu.memory_space<vmem>> -> memref<128x72xf32, #tpu.memory_space<vmem>>
      %dma_start3A_526 = arith.constant 0 : i32
      %dma_start3A_527 = tpu.memref_slice %arg7[%dma_start3A_520, %dma_start3A_526] : memref<3x128xi32, #tpu.memory_space<vmem>> -> memref<1x128xi32, #tpu.memory_space<vmem>>
      %dma_start3A_528 = tpu.memref_squeeze %dma_start3A_527 : memref<1x128xi32, #tpu.memory_space<vmem>> -> memref<128xi32, #tpu.memory_space<vmem>>
      %dma_start3A_529 = arith.constant 0 : i32
      %dma_start3A_530 = arith.constant 0 : i32
      %dma_start3A_531 = tpu.memref_slice %arg2[%dma_start3A_529, %dma_start3A_530] : memref<10240x72xf32, #tpu.memory_space<hbm>> -> memref<10240x72xf32, #tpu.memory_space<hbm>>
      tpu.enqueue_indirect_dma source(%dma_start3A_531 : memref<10240x72xf32, #tpu.memory_space<hbm>>) target(%dma_start3A_525 : memref<128x72xf32, #tpu.memory_space<vmem>>) offsets(%dma_start3A_528 : memref<128xi32, #tpu.memory_space<vmem>>) semaphore(%arg13 : memref<!tpu.dma_semaphore, #tpu.memory_space<semaphore_mem>>)
      %dma_wait3A_532 = arith.constant 0 : i32
      %dma_wait3A_533 = arith.constant 0 : i32
      %dma_wait3A_534 = arith.constant 0 : i32
      %dma_wait3A_535 = arith.constant 0 : i32
      %dma_wait3A_536 = tpu.memref_slice %arg12[%dma_wait3A_532, %dma_wait3A_534, %dma_wait3A_535] : memref<3x128x72xf32, #tpu.memory_space<vmem>> -> memref<1x128x72xf32, #tpu.memory_space<vmem>>
      %dma_wait3A_537 = tpu.memref_squeeze %dma_wait3A_536 : memref<1x128x72xf32, #tpu.memory_space<vmem>> -> memref<128x72xf32, #tpu.memory_space<vmem>>
      %dma_wait3A_538 = arith.constant 0 : i32
      %dma_wait3A_539 = tpu.memref_slice %arg10[%dma_wait3A_533, %dma_wait3A_538] : memref<3x128xi32, #tpu.memory_space<vmem>> -> memref<1x128xi32, #tpu.memory_space<vmem>>
      %dma_wait3A_540 = tpu.memref_squeeze %dma_wait3A_539 : memref<1x128xi32, #tpu.memory_space<vmem>> -> memref<128xi32, #tpu.memory_space<vmem>>
      %dma_wait3A_541 = arith.constant 0 : i32
      %dma_wait3A_542 = arith.constant 0 : i32
      %dma_wait3A_543 = tpu.memref_slice %arg6[%dma_wait3A_541, %dma_wait3A_542] : memref<10240x72xf32, #tpu.memory_space<vmem_shared>> -> memref<10240x72xf32, #tpu.memory_space<vmem_shared>>
      tpu.wait_indirect_dma semaphore(%arg16 : memref<!tpu.dma_semaphore, #tpu.memory_space<semaphore_mem>>) src(%dma_wait3A_537 : memref<128x72xf32, #tpu.memory_space<vmem>>) dst(%dma_wait3A_543 : memref<10240x72xf32, #tpu.memory_space<vmem_shared>>)
      %dma_wait3A_544 = arith.constant 1 : i32
      %dma_wait3A_545 = arith.constant 1 : i32
      %dma_wait3A_546 = arith.constant 0 : i32
      %dma_wait3A_547 = arith.constant 0 : i32
      %dma_wait3A_548 = tpu.memref_slice %arg12[%dma_wait3A_544, %dma_wait3A_546, %dma_wait3A_547] : memref<3x128x72xf32, #tpu.memory_space<vmem>> -> memref<1x128x72xf32, #tpu.memory_space<vmem>>
      %dma_wait3A_549 = tpu.memref_squeeze %dma_wait3A_548 : memref<1x128x72xf32, #tpu.memory_space<vmem>> -> memref<128x72xf32, #tpu.memory_space<vmem>>
      %dma_wait3A_550 = arith.constant 0 : i32
      %dma_wait3A_551 = tpu.memref_slice %arg10[%dma_wait3A_545, %dma_wait3A_550] : memref<3x128xi32, #tpu.memory_space<vmem>> -> memref<1x128xi32, #tpu.memory_space<vmem>>
      %dma_wait3A_552 = tpu.memref_squeeze %dma_wait3A_551 : memref<1x128xi32, #tpu.memory_space<vmem>> -> memref<128xi32, #tpu.memory_space<vmem>>
      %dma_wait3A_553 = arith.constant 0 : i32
      %dma_wait3A_554 = arith.constant 0 : i32
      %dma_wait3A_555 = tpu.memref_slice %arg6[%dma_wait3A_553, %dma_wait3A_554] : memref<10240x72xf32, #tpu.memory_space<vmem_shared>> -> memref<10240x72xf32, #tpu.memory_space<vmem_shared>>
      tpu.wait_indirect_dma semaphore(%arg16 : memref<!tpu.dma_semaphore, #tpu.memory_space<semaphore_mem>>) src(%dma_wait3A_549 : memref<128x72xf32, #tpu.memory_space<vmem>>) dst(%dma_wait3A_555 : memref<10240x72xf32, #tpu.memory_space<vmem_shared>>)
      %dma_wait3A_556 = arith.constant 2 : i32
      %dma_wait3A_557 = arith.constant 2 : i32
      %dma_wait3A_558 = arith.constant 0 : i32
      %dma_wait3A_559 = arith.constant 0 : i32
      %dma_wait3A_560 = tpu.memref_slice %arg12[%dma_wait3A_556, %dma_wait3A_558, %dma_wait3A_559] : memref<3x128x72xf32, #tpu.memory_space<vmem>> -> memref<1x128x72xf32, #tpu.memory_space<vmem>>
      %dma_wait3A_561 = tpu.memref_squeeze %dma_wait3A_560 : memref<1x128x72xf32, #tpu.memory_space<vmem>> -> memref<128x72xf32, #tpu.memory_space<vmem>>
      %dma_wait3A_562 = arith.constant 0 : i32
      %dma_wait3A_563 = tpu.memref_slice %arg10[%dma_wait3A_557, %dma_wait3A_562] : memref<3x128xi32, #tpu.memory_space<vmem>> -> memref<1x128xi32, #tpu.memory_space<vmem>>
      %dma_wait3A_564 = tpu.memref_squeeze %dma_wait3A_563 : memref<1x128xi32, #tpu.memory_space<vmem>> -> memref<128xi32, #tpu.memory_space<vmem>>
      %dma_wait3A_565 = arith.constant 0 : i32
      %dma_wait3A_566 = arith.constant 0 : i32
      %dma_wait3A_567 = tpu.memref_slice %arg6[%dma_wait3A_565, %dma_wait3A_566] : memref<10240x72xf32, #tpu.memory_space<vmem_shared>> -> memref<10240x72xf32, #tpu.memory_space<vmem_shared>>
      tpu.wait_indirect_dma semaphore(%arg16 : memref<!tpu.dma_semaphore, #tpu.memory_space<semaphore_mem>>) src(%dma_wait3A_561 : memref<128x72xf32, #tpu.memory_space<vmem>>) dst(%dma_wait3A_567 : memref<10240x72xf32, #tpu.memory_space<vmem_shared>>)
      %mul3A_568 = arith.constant 2 : i32
      %mul3A_569 = arith.muli %mul3A_568, %scan3A_306 : i32
      %add3A_570 = arith.constant 3 : i32
      %add3A_571 = arith.addi %mul3A_569, %add3A_570 : i32
      %mul3A_572 = arith.constant 3 : i32
      %mul3A_573 = arith.muli %add3A_571, %mul3A_572 : i32
      %add3A_574 = arith.addi %mul3A_4, %mul3A_573 : i32
      %run_scoped3A_575 = arith.constant 0 : i32
      "tpu.region"() ({
        %run_scoped3A_613 = tpu.sem_alloc : memref<!tpu.dma_semaphore, #tpu.memory_space<semaphore_mem>>
        %dma_start3A_614 = arith.constant 0 : i32
        %dma_start3A_615 = tpu.memref_slice %arg3[%run_scoped3A_575, %add3A_574, %dma_start3A_614] : memref<2x2500x128xi32, #tpu.memory_space<hbm>> -> memref<1x3x128xi32, #tpu.memory_space<hbm>>
        %dma_start3A_616 = tpu.memref_squeeze %dma_start3A_615 : memref<1x3x128xi32, #tpu.memory_space<hbm>> -> memref<3x128xi32, #tpu.memory_space<hbm>>
        %dma_start3A_617 = arith.constant 0 : i32
        %dma_start3A_618 = tpu.memref_slice %arg3[%run_scoped3A_575, %add3A_574, %dma_start3A_617] : memref<2x2500x128xi32, #tpu.memory_space<hbm>> -> memref<1x3x128xi32, #tpu.memory_space<hbm>>
        %dma_start3A_619 = tpu.memref_squeeze %dma_start3A_618 : memref<1x3x128xi32, #tpu.memory_space<hbm>> -> memref<3x128xi32, #tpu.memory_space<hbm>>
        tpu.enqueue_dma source(%dma_start3A_619 : memref<3x128xi32, #tpu.memory_space<hbm>>) target(%arg8 : memref<3x128xi32, #tpu.memory_space<vmem>>) target_semaphore(%run_scoped3A_613 : memref<!tpu.dma_semaphore, #tpu.memory_space<semaphore_mem>>)
        %dma_wait3A_620 = arith.constant 0 : i32
        %dma_wait3A_621 = tpu.memref_slice %arg3[%run_scoped3A_575, %add3A_574, %dma_wait3A_620] : memref<2x2500x128xi32, #tpu.memory_space<hbm>> -> memref<1x3x128xi32, #tpu.memory_space<hbm>>
        %dma_wait3A_622 = tpu.memref_squeeze %dma_wait3A_621 : memref<1x3x128xi32, #tpu.memory_space<hbm>> -> memref<3x128xi32, #tpu.memory_space<hbm>>
        %dma_wait3A_623 = arith.constant 0 : i32
        %dma_wait3A_624 = tpu.memref_slice %arg3[%run_scoped3A_575, %add3A_574, %dma_wait3A_623] : memref<2x2500x128xi32, #tpu.memory_space<hbm>> -> memref<1x3x128xi32, #tpu.memory_space<hbm>>
        %dma_wait3A_625 = tpu.memref_squeeze %dma_wait3A_624 : memref<1x3x128xi32, #tpu.memory_space<hbm>> -> memref<3x128xi32, #tpu.memory_space<hbm>>
        tpu.wait_dma2 semaphore(%run_scoped3A_613 : memref<!tpu.dma_semaphore, #tpu.memory_space<semaphore_mem>>) src(%dma_wait3A_625 : memref<3x128xi32, #tpu.memory_space<hbm>>) dst(%arg8 : memref<3x128xi32, #tpu.memory_space<vmem>>)
        tpu.yield
      }) : () -> ()
      %run_scoped3A_576 = arith.constant 1 : i32
      "tpu.region"() ({
        %run_scoped3A_613 = tpu.sem_alloc : memref<!tpu.dma_semaphore, #tpu.memory_space<semaphore_mem>>
        %dma_start3A_614 = arith.constant 0 : i32
        %dma_start3A_615 = tpu.memref_slice %arg3[%run_scoped3A_576, %add3A_574, %dma_start3A_614] : memref<2x2500x128xi32, #tpu.memory_space<hbm>> -> memref<1x3x128xi32, #tpu.memory_space<hbm>>
        %dma_start3A_616 = tpu.memref_squeeze %dma_start3A_615 : memref<1x3x128xi32, #tpu.memory_space<hbm>> -> memref<3x128xi32, #tpu.memory_space<hbm>>
        %dma_start3A_617 = arith.constant 0 : i32
        %dma_start3A_618 = tpu.memref_slice %arg3[%run_scoped3A_576, %add3A_574, %dma_start3A_617] : memref<2x2500x128xi32, #tpu.memory_space<hbm>> -> memref<1x3x128xi32, #tpu.memory_space<hbm>>
        %dma_start3A_619 = tpu.memref_squeeze %dma_start3A_618 : memref<1x3x128xi32, #tpu.memory_space<hbm>> -> memref<3x128xi32, #tpu.memory_space<hbm>>
        tpu.enqueue_dma source(%dma_start3A_619 : memref<3x128xi32, #tpu.memory_space<hbm>>) target(%arg10 : memref<3x128xi32, #tpu.memory_space<vmem>>) target_semaphore(%run_scoped3A_613 : memref<!tpu.dma_semaphore, #tpu.memory_space<semaphore_mem>>)
        %dma_wait3A_620 = arith.constant 0 : i32
        %dma_wait3A_621 = tpu.memref_slice %arg3[%run_scoped3A_576, %add3A_574, %dma_wait3A_620] : memref<2x2500x128xi32, #tpu.memory_space<hbm>> -> memref<1x3x128xi32, #tpu.memory_space<hbm>>
        %dma_wait3A_622 = tpu.memref_squeeze %dma_wait3A_621 : memref<1x3x128xi32, #tpu.memory_space<hbm>> -> memref<3x128xi32, #tpu.memory_space<hbm>>
        %dma_wait3A_623 = arith.constant 0 : i32
        %dma_wait3A_624 = tpu.memref_slice %arg3[%run_scoped3A_576, %add3A_574, %dma_wait3A_623] : memref<2x2500x128xi32, #tpu.memory_space<hbm>> -> memref<1x3x128xi32, #tpu.memory_space<hbm>>
        %dma_wait3A_625 = tpu.memref_squeeze %dma_wait3A_624 : memref<1x3x128xi32, #tpu.memory_space<hbm>> -> memref<3x128xi32, #tpu.memory_space<hbm>>
        tpu.wait_dma2 semaphore(%run_scoped3A_613 : memref<!tpu.dma_semaphore, #tpu.memory_space<semaphore_mem>>) src(%dma_wait3A_625 : memref<3x128xi32, #tpu.memory_space<hbm>>) dst(%arg10 : memref<3x128xi32, #tpu.memory_space<vmem>>)
        tpu.yield
      }) : () -> ()
      %dma_start3A_577 = arith.constant 0 : i32
      %dma_start3A_578 = arith.constant 0 : i32
      %dma_start3A_579 = arith.constant 0 : i32
      %dma_start3A_580 = arith.constant 0 : i32
      %dma_start3A_581 = tpu.memref_slice %arg12[%dma_start3A_578, %dma_start3A_579, %dma_start3A_580] : memref<3x128x72xf32, #tpu.memory_space<vmem>> -> memref<1x128x72xf32, #tpu.memory_space<vmem>>
      %dma_start3A_582 = tpu.memref_squeeze %dma_start3A_581 : memref<1x128x72xf32, #tpu.memory_space<vmem>> -> memref<128x72xf32, #tpu.memory_space<vmem>>
      %dma_start3A_583 = arith.constant 0 : i32
      %dma_start3A_584 = tpu.memref_slice %arg8[%dma_start3A_577, %dma_start3A_583] : memref<3x128xi32, #tpu.memory_space<vmem>> -> memref<1x128xi32, #tpu.memory_space<vmem>>
      %dma_start3A_585 = tpu.memref_squeeze %dma_start3A_584 : memref<1x128xi32, #tpu.memory_space<vmem>> -> memref<128xi32, #tpu.memory_space<vmem>>
      %dma_start3A_586 = arith.constant 0 : i32
      %dma_start3A_587 = arith.constant 0 : i32
      %dma_start3A_588 = tpu.memref_slice %arg2[%dma_start3A_586, %dma_start3A_587] : memref<10240x72xf32, #tpu.memory_space<hbm>> -> memref<10240x72xf32, #tpu.memory_space<hbm>>
      tpu.enqueue_indirect_dma source(%dma_start3A_588 : memref<10240x72xf32, #tpu.memory_space<hbm>>) target(%dma_start3A_582 : memref<128x72xf32, #tpu.memory_space<vmem>>) offsets(%dma_start3A_585 : memref<128xi32, #tpu.memory_space<vmem>>) semaphore(%arg14 : memref<!tpu.dma_semaphore, #tpu.memory_space<semaphore_mem>>)
      %dma_start3A_589 = arith.constant 1 : i32
      %dma_start3A_590 = arith.constant 1 : i32
      %dma_start3A_591 = arith.constant 0 : i32
      %dma_start3A_592 = arith.constant 0 : i32
      %dma_start3A_593 = tpu.memref_slice %arg12[%dma_start3A_590, %dma_start3A_591, %dma_start3A_592] : memref<3x128x72xf32, #tpu.memory_space<vmem>> -> memref<1x128x72xf32, #tpu.memory_space<vmem>>
      %dma_start3A_594 = tpu.memref_squeeze %dma_start3A_593 : memref<1x128x72xf32, #tpu.memory_space<vmem>> -> memref<128x72xf32, #tpu.memory_space<vmem>>
      %dma_start3A_595 = arith.constant 0 : i32
      %dma_start3A_596 = tpu.memref_slice %arg8[%dma_start3A_589, %dma_start3A_595] : memref<3x128xi32, #tpu.memory_space<vmem>> -> memref<1x128xi32, #tpu.memory_space<vmem>>
      %dma_start3A_597 = tpu.memref_squeeze %dma_start3A_596 : memref<1x128xi32, #tpu.memory_space<vmem>> -> memref<128xi32, #tpu.memory_space<vmem>>
      %dma_start3A_598 = arith.constant 0 : i32
      %dma_start3A_599 = arith.constant 0 : i32
      %dma_start3A_600 = tpu.memref_slice %arg2[%dma_start3A_598, %dma_start3A_599] : memref<10240x72xf32, #tpu.memory_space<hbm>> -> memref<10240x72xf32, #tpu.memory_space<hbm>>
      tpu.enqueue_indirect_dma source(%dma_start3A_600 : memref<10240x72xf32, #tpu.memory_space<hbm>>) target(%dma_start3A_594 : memref<128x72xf32, #tpu.memory_space<vmem>>) offsets(%dma_start3A_597 : memref<128xi32, #tpu.memory_space<vmem>>) semaphore(%arg14 : memref<!tpu.dma_semaphore, #tpu.memory_space<semaphore_mem>>)
      %dma_start3A_601 = arith.constant 2 : i32
      %dma_start3A_602 = arith.constant 2 : i32
      %dma_start3A_603 = arith.constant 0 : i32
      %dma_start3A_604 = arith.constant 0 : i32
      %dma_start3A_605 = tpu.memref_slice %arg12[%dma_start3A_602, %dma_start3A_603, %dma_start3A_604] : memref<3x128x72xf32, #tpu.memory_space<vmem>> -> memref<1x128x72xf32, #tpu.memory_space<vmem>>
      %dma_start3A_606 = tpu.memref_squeeze %dma_start3A_605 : memref<1x128x72xf32, #tpu.memory_space<vmem>> -> memref<128x72xf32, #tpu.memory_space<vmem>>
      %dma_start3A_607 = arith.constant 0 : i32
      %dma_start3A_608 = tpu.memref_slice %arg8[%dma_start3A_601, %dma_start3A_607] : memref<3x128xi32, #tpu.memory_space<vmem>> -> memref<1x128xi32, #tpu.memory_space<vmem>>
      %dma_start3A_609 = tpu.memref_squeeze %dma_start3A_608 : memref<1x128xi32, #tpu.memory_space<vmem>> -> memref<128xi32, #tpu.memory_space<vmem>>
      %dma_start3A_610 = arith.constant 0 : i32
      %dma_start3A_611 = arith.constant 0 : i32
      %dma_start3A_612 = tpu.memref_slice %arg2[%dma_start3A_610, %dma_start3A_611] : memref<10240x72xf32, #tpu.memory_space<hbm>> -> memref<10240x72xf32, #tpu.memory_space<hbm>>
      tpu.enqueue_indirect_dma source(%dma_start3A_612 : memref<10240x72xf32, #tpu.memory_space<hbm>>) target(%dma_start3A_606 : memref<128x72xf32, #tpu.memory_space<vmem>>) offsets(%dma_start3A_609 : memref<128xi32, #tpu.memory_space<vmem>>) semaphore(%arg14 : memref<!tpu.dma_semaphore, #tpu.memory_space<semaphore_mem>>)
    }
    %scan3A_87 = arith.constant 12 : i32
    %dma_wait3A = arith.constant 0 : i32
    %dma_wait3A_88 = arith.constant 0 : i32
    %dma_wait3A_89 = arith.constant 0 : i32
    %dma_wait3A_90 = arith.constant 0 : i32
    %dma_wait3A_91 = tpu.memref_slice %arg11[%dma_wait3A_88, %dma_wait3A_89, %dma_wait3A_90] : memref<3x128x72xf32, #tpu.memory_space<vmem>> -> memref<1x128x72xf32, #tpu.memory_space<vmem>>
    %dma_wait3A_92 = tpu.memref_squeeze %dma_wait3A_91 : memref<1x128x72xf32, #tpu.memory_space<vmem>> -> memref<128x72xf32, #tpu.memory_space<vmem>>
    %dma_wait3A_93 = arith.constant 0 : i32
    %dma_wait3A_94 = tpu.memref_slice %arg7[%dma_wait3A, %dma_wait3A_93] : memref<3x128xi32, #tpu.memory_space<vmem>> -> memref<1x128xi32, #tpu.memory_space<vmem>>
    %dma_wait3A_95 = tpu.memref_squeeze %dma_wait3A_94 : memref<1x128xi32, #tpu.memory_space<vmem>> -> memref<128xi32, #tpu.memory_space<vmem>>
    %dma_wait3A_96 = arith.constant 0 : i32
    %dma_wait3A_97 = arith.constant 0 : i32
    %dma_wait3A_98 = tpu.memref_slice %arg2[%dma_wait3A_96, %dma_wait3A_97] : memref<10240x72xf32, #tpu.memory_space<hbm>> -> memref<10240x72xf32, #tpu.memory_space<hbm>>
    tpu.wait_indirect_dma semaphore(%arg13 : memref<!tpu.dma_semaphore, #tpu.memory_space<semaphore_mem>>) src(%dma_wait3A_98 : memref<10240x72xf32, #tpu.memory_space<hbm>>) dst(%dma_wait3A_92 : memref<128x72xf32, #tpu.memory_space<vmem>>)
    %dma_wait3A_99 = arith.constant 1 : i32
    %dma_wait3A_100 = arith.constant 1 : i32
    %dma_wait3A_101 = arith.constant 0 : i32
    %dma_wait3A_102 = arith.constant 0 : i32
    %dma_wait3A_103 = tpu.memref_slice %arg11[%dma_wait3A_100, %dma_wait3A_101, %dma_wait3A_102] : memref<3x128x72xf32, #tpu.memory_space<vmem>> -> memref<1x128x72xf32, #tpu.memory_space<vmem>>
    %dma_wait3A_104 = tpu.memref_squeeze %dma_wait3A_103 : memref<1x128x72xf32, #tpu.memory_space<vmem>> -> memref<128x72xf32, #tpu.memory_space<vmem>>
    %dma_wait3A_105 = arith.constant 0 : i32
    %dma_wait3A_106 = tpu.memref_slice %arg7[%dma_wait3A_99, %dma_wait3A_105] : memref<3x128xi32, #tpu.memory_space<vmem>> -> memref<1x128xi32, #tpu.memory_space<vmem>>
    %dma_wait3A_107 = tpu.memref_squeeze %dma_wait3A_106 : memref<1x128xi32, #tpu.memory_space<vmem>> -> memref<128xi32, #tpu.memory_space<vmem>>
    %dma_wait3A_108 = arith.constant 0 : i32
    %dma_wait3A_109 = arith.constant 0 : i32
    %dma_wait3A_110 = tpu.memref_slice %arg2[%dma_wait3A_108, %dma_wait3A_109] : memref<10240x72xf32, #tpu.memory_space<hbm>> -> memref<10240x72xf32, #tpu.memory_space<hbm>>
    tpu.wait_indirect_dma semaphore(%arg13 : memref<!tpu.dma_semaphore, #tpu.memory_space<semaphore_mem>>) src(%dma_wait3A_110 : memref<10240x72xf32, #tpu.memory_space<hbm>>) dst(%dma_wait3A_104 : memref<128x72xf32, #tpu.memory_space<vmem>>)
    %dma_wait3A_111 = arith.constant 2 : i32
    %dma_wait3A_112 = arith.constant 2 : i32
    %dma_wait3A_113 = arith.constant 0 : i32
    %dma_wait3A_114 = arith.constant 0 : i32
    %dma_wait3A_115 = tpu.memref_slice %arg11[%dma_wait3A_112, %dma_wait3A_113, %dma_wait3A_114] : memref<3x128x72xf32, #tpu.memory_space<vmem>> -> memref<1x128x72xf32, #tpu.memory_space<vmem>>
    %dma_wait3A_116 = tpu.memref_squeeze %dma_wait3A_115 : memref<1x128x72xf32, #tpu.memory_space<vmem>> -> memref<128x72xf32, #tpu.memory_space<vmem>>
    %dma_wait3A_117 = arith.constant 0 : i32
    %dma_wait3A_118 = tpu.memref_slice %arg7[%dma_wait3A_111, %dma_wait3A_117] : memref<3x128xi32, #tpu.memory_space<vmem>> -> memref<1x128xi32, #tpu.memory_space<vmem>>
    %dma_wait3A_119 = tpu.memref_squeeze %dma_wait3A_118 : memref<1x128xi32, #tpu.memory_space<vmem>> -> memref<128xi32, #tpu.memory_space<vmem>>
    %dma_wait3A_120 = arith.constant 0 : i32
    %dma_wait3A_121 = arith.constant 0 : i32
    %dma_wait3A_122 = tpu.memref_slice %arg2[%dma_wait3A_120, %dma_wait3A_121] : memref<10240x72xf32, #tpu.memory_space<hbm>> -> memref<10240x72xf32, #tpu.memory_space<hbm>>
    tpu.wait_indirect_dma semaphore(%arg13 : memref<!tpu.dma_semaphore, #tpu.memory_space<semaphore_mem>>) src(%dma_wait3A_122 : memref<10240x72xf32, #tpu.memory_space<hbm>>) dst(%dma_wait3A_116 : memref<128x72xf32, #tpu.memory_space<vmem>>)
    %dma_start3A_123 = arith.constant 0 : i32
    %dma_start3A_124 = arith.constant 0 : i32
    %dma_start3A_125 = arith.constant 0 : i32
    %dma_start3A_126 = arith.constant 0 : i32
    %dma_start3A_127 = tpu.memref_slice %arg11[%dma_start3A_123, %dma_start3A_125, %dma_start3A_126] : memref<3x128x72xf32, #tpu.memory_space<vmem>> -> memref<1x128x72xf32, #tpu.memory_space<vmem>>
    %dma_start3A_128 = tpu.memref_squeeze %dma_start3A_127 : memref<1x128x72xf32, #tpu.memory_space<vmem>> -> memref<128x72xf32, #tpu.memory_space<vmem>>
    %dma_start3A_129 = arith.constant 0 : i32
    %dma_start3A_130 = tpu.memref_slice %arg9[%dma_start3A_124, %dma_start3A_129] : memref<3x128xi32, #tpu.memory_space<vmem>> -> memref<1x128xi32, #tpu.memory_space<vmem>>
    %dma_start3A_131 = tpu.memref_squeeze %dma_start3A_130 : memref<1x128xi32, #tpu.memory_space<vmem>> -> memref<128xi32, #tpu.memory_space<vmem>>
    %dma_start3A_132 = arith.constant 0 : i32
    %dma_start3A_133 = arith.constant 0 : i32
    %dma_start3A_134 = tpu.memref_slice %arg6[%dma_start3A_132, %dma_start3A_133] : memref<10240x72xf32, #tpu.memory_space<vmem_shared>> -> memref<10240x72xf32, #tpu.memory_space<vmem_shared>>
    tpu.enqueue_indirect_dma source(%dma_start3A_128 : memref<128x72xf32, #tpu.memory_space<vmem>>) target(%dma_start3A_134 : memref<10240x72xf32, #tpu.memory_space<vmem_shared>>) offsets(%dma_start3A_131 : memref<128xi32, #tpu.memory_space<vmem>>) semaphore(%arg15 : memref<!tpu.dma_semaphore, #tpu.memory_space<semaphore_mem>>) {add = true}
    %dma_start3A_135 = arith.constant 1 : i32
    %dma_start3A_136 = arith.constant 1 : i32
    %dma_start3A_137 = arith.constant 0 : i32
    %dma_start3A_138 = arith.constant 0 : i32
    %dma_start3A_139 = tpu.memref_slice %arg11[%dma_start3A_135, %dma_start3A_137, %dma_start3A_138] : memref<3x128x72xf32, #tpu.memory_space<vmem>> -> memref<1x128x72xf32, #tpu.memory_space<vmem>>
    %dma_start3A_140 = tpu.memref_squeeze %dma_start3A_139 : memref<1x128x72xf32, #tpu.memory_space<vmem>> -> memref<128x72xf32, #tpu.memory_space<vmem>>
    %dma_start3A_141 = arith.constant 0 : i32
    %dma_start3A_142 = tpu.memref_slice %arg9[%dma_start3A_136, %dma_start3A_141] : memref<3x128xi32, #tpu.memory_space<vmem>> -> memref<1x128xi32, #tpu.memory_space<vmem>>
    %dma_start3A_143 = tpu.memref_squeeze %dma_start3A_142 : memref<1x128xi32, #tpu.memory_space<vmem>> -> memref<128xi32, #tpu.memory_space<vmem>>
    %dma_start3A_144 = arith.constant 0 : i32
    %dma_start3A_145 = arith.constant 0 : i32
    %dma_start3A_146 = tpu.memref_slice %arg6[%dma_start3A_144, %dma_start3A_145] : memref<10240x72xf32, #tpu.memory_space<vmem_shared>> -> memref<10240x72xf32, #tpu.memory_space<vmem_shared>>
    tpu.enqueue_indirect_dma source(%dma_start3A_140 : memref<128x72xf32, #tpu.memory_space<vmem>>) target(%dma_start3A_146 : memref<10240x72xf32, #tpu.memory_space<vmem_shared>>) offsets(%dma_start3A_143 : memref<128xi32, #tpu.memory_space<vmem>>) semaphore(%arg15 : memref<!tpu.dma_semaphore, #tpu.memory_space<semaphore_mem>>) {add = true}
    %dma_start3A_147 = arith.constant 2 : i32
    %dma_start3A_148 = arith.constant 2 : i32
    %dma_start3A_149 = arith.constant 0 : i32
    %dma_start3A_150 = arith.constant 0 : i32
    %dma_start3A_151 = tpu.memref_slice %arg11[%dma_start3A_147, %dma_start3A_149, %dma_start3A_150] : memref<3x128x72xf32, #tpu.memory_space<vmem>> -> memref<1x128x72xf32, #tpu.memory_space<vmem>>
    %dma_start3A_152 = tpu.memref_squeeze %dma_start3A_151 : memref<1x128x72xf32, #tpu.memory_space<vmem>> -> memref<128x72xf32, #tpu.memory_space<vmem>>
    %dma_start3A_153 = arith.constant 0 : i32
    %dma_start3A_154 = tpu.memref_slice %arg9[%dma_start3A_148, %dma_start3A_153] : memref<3x128xi32, #tpu.memory_space<vmem>> -> memref<1x128xi32, #tpu.memory_space<vmem>>
    %dma_start3A_155 = tpu.memref_squeeze %dma_start3A_154 : memref<1x128xi32, #tpu.memory_space<vmem>> -> memref<128xi32, #tpu.memory_space<vmem>>
    %dma_start3A_156 = arith.constant 0 : i32
    %dma_start3A_157 = arith.constant 0 : i32
    %dma_start3A_158 = tpu.memref_slice %arg6[%dma_start3A_156, %dma_start3A_157] : memref<10240x72xf32, #tpu.memory_space<vmem_shared>> -> memref<10240x72xf32, #tpu.memory_space<vmem_shared>>
    tpu.enqueue_indirect_dma source(%dma_start3A_152 : memref<128x72xf32, #tpu.memory_space<vmem>>) target(%dma_start3A_158 : memref<10240x72xf32, #tpu.memory_space<vmem_shared>>) offsets(%dma_start3A_155 : memref<128xi32, #tpu.memory_space<vmem>>) semaphore(%arg15 : memref<!tpu.dma_semaphore, #tpu.memory_space<semaphore_mem>>) {add = true}
    %dma_wait3A_159 = arith.constant 0 : i32
    %dma_wait3A_160 = arith.constant 0 : i32
    %dma_wait3A_161 = arith.constant 0 : i32
    %dma_wait3A_162 = arith.constant 0 : i32
    %dma_wait3A_163 = tpu.memref_slice %arg12[%dma_wait3A_160, %dma_wait3A_161, %dma_wait3A_162] : memref<3x128x72xf32, #tpu.memory_space<vmem>> -> memref<1x128x72xf32, #tpu.memory_space<vmem>>
    %dma_wait3A_164 = tpu.memref_squeeze %dma_wait3A_163 : memref<1x128x72xf32, #tpu.memory_space<vmem>> -> memref<128x72xf32, #tpu.memory_space<vmem>>
    %dma_wait3A_165 = arith.constant 0 : i32
    %dma_wait3A_166 = tpu.memref_slice %arg8[%dma_wait3A_159, %dma_wait3A_165] : memref<3x128xi32, #tpu.memory_space<vmem>> -> memref<1x128xi32, #tpu.memory_space<vmem>>
    %dma_wait3A_167 = tpu.memref_squeeze %dma_wait3A_166 : memref<1x128xi32, #tpu.memory_space<vmem>> -> memref<128xi32, #tpu.memory_space<vmem>>
    %dma_wait3A_168 = arith.constant 0 : i32
    %dma_wait3A_169 = arith.constant 0 : i32
    %dma_wait3A_170 = tpu.memref_slice %arg2[%dma_wait3A_168, %dma_wait3A_169] : memref<10240x72xf32, #tpu.memory_space<hbm>> -> memref<10240x72xf32, #tpu.memory_space<hbm>>
    tpu.wait_indirect_dma semaphore(%arg14 : memref<!tpu.dma_semaphore, #tpu.memory_space<semaphore_mem>>) src(%dma_wait3A_170 : memref<10240x72xf32, #tpu.memory_space<hbm>>) dst(%dma_wait3A_164 : memref<128x72xf32, #tpu.memory_space<vmem>>)
    %dma_wait3A_171 = arith.constant 1 : i32
    %dma_wait3A_172 = arith.constant 1 : i32
    %dma_wait3A_173 = arith.constant 0 : i32
    %dma_wait3A_174 = arith.constant 0 : i32
    %dma_wait3A_175 = tpu.memref_slice %arg12[%dma_wait3A_172, %dma_wait3A_173, %dma_wait3A_174] : memref<3x128x72xf32, #tpu.memory_space<vmem>> -> memref<1x128x72xf32, #tpu.memory_space<vmem>>
    %dma_wait3A_176 = tpu.memref_squeeze %dma_wait3A_175 : memref<1x128x72xf32, #tpu.memory_space<vmem>> -> memref<128x72xf32, #tpu.memory_space<vmem>>
    %dma_wait3A_177 = arith.constant 0 : i32
    %dma_wait3A_178 = tpu.memref_slice %arg8[%dma_wait3A_171, %dma_wait3A_177] : memref<3x128xi32, #tpu.memory_space<vmem>> -> memref<1x128xi32, #tpu.memory_space<vmem>>
    %dma_wait3A_179 = tpu.memref_squeeze %dma_wait3A_178 : memref<1x128xi32, #tpu.memory_space<vmem>> -> memref<128xi32, #tpu.memory_space<vmem>>
    %dma_wait3A_180 = arith.constant 0 : i32
    %dma_wait3A_181 = arith.constant 0 : i32
    %dma_wait3A_182 = tpu.memref_slice %arg2[%dma_wait3A_180, %dma_wait3A_181] : memref<10240x72xf32, #tpu.memory_space<hbm>> -> memref<10240x72xf32, #tpu.memory_space<hbm>>
    tpu.wait_indirect_dma semaphore(%arg14 : memref<!tpu.dma_semaphore, #tpu.memory_space<semaphore_mem>>) src(%dma_wait3A_182 : memref<10240x72xf32, #tpu.memory_space<hbm>>) dst(%dma_wait3A_176 : memref<128x72xf32, #tpu.memory_space<vmem>>)
    %dma_wait3A_183 = arith.constant 2 : i32
    %dma_wait3A_184 = arith.constant 2 : i32
    %dma_wait3A_185 = arith.constant 0 : i32
    %dma_wait3A_186 = arith.constant 0 : i32
    %dma_wait3A_187 = tpu.memref_slice %arg12[%dma_wait3A_184, %dma_wait3A_185, %dma_wait3A_186] : memref<3x128x72xf32, #tpu.memory_space<vmem>> -> memref<1x128x72xf32, #tpu.memory_space<vmem>>
    %dma_wait3A_188 = tpu.memref_squeeze %dma_wait3A_187 : memref<1x128x72xf32, #tpu.memory_space<vmem>> -> memref<128x72xf32, #tpu.memory_space<vmem>>
    %dma_wait3A_189 = arith.constant 0 : i32
    %dma_wait3A_190 = tpu.memref_slice %arg8[%dma_wait3A_183, %dma_wait3A_189] : memref<3x128xi32, #tpu.memory_space<vmem>> -> memref<1x128xi32, #tpu.memory_space<vmem>>
    %dma_wait3A_191 = tpu.memref_squeeze %dma_wait3A_190 : memref<1x128xi32, #tpu.memory_space<vmem>> -> memref<128xi32, #tpu.memory_space<vmem>>
    %dma_wait3A_192 = arith.constant 0 : i32
    %dma_wait3A_193 = arith.constant 0 : i32
    %dma_wait3A_194 = tpu.memref_slice %arg2[%dma_wait3A_192, %dma_wait3A_193] : memref<10240x72xf32, #tpu.memory_space<hbm>> -> memref<10240x72xf32, #tpu.memory_space<hbm>>
    tpu.wait_indirect_dma semaphore(%arg14 : memref<!tpu.dma_semaphore, #tpu.memory_space<semaphore_mem>>) src(%dma_wait3A_194 : memref<10240x72xf32, #tpu.memory_space<hbm>>) dst(%dma_wait3A_188 : memref<128x72xf32, #tpu.memory_space<vmem>>)
    %dma_start3A_195 = arith.constant 0 : i32
    %dma_start3A_196 = arith.constant 0 : i32
    %dma_start3A_197 = arith.constant 0 : i32
    %dma_start3A_198 = arith.constant 0 : i32
    %dma_start3A_199 = tpu.memref_slice %arg12[%dma_start3A_195, %dma_start3A_197, %dma_start3A_198] : memref<3x128x72xf32, #tpu.memory_space<vmem>> -> memref<1x128x72xf32, #tpu.memory_space<vmem>>
    %dma_start3A_200 = tpu.memref_squeeze %dma_start3A_199 : memref<1x128x72xf32, #tpu.memory_space<vmem>> -> memref<128x72xf32, #tpu.memory_space<vmem>>
    %dma_start3A_201 = arith.constant 0 : i32
    %dma_start3A_202 = tpu.memref_slice %arg10[%dma_start3A_196, %dma_start3A_201] : memref<3x128xi32, #tpu.memory_space<vmem>> -> memref<1x128xi32, #tpu.memory_space<vmem>>
    %dma_start3A_203 = tpu.memref_squeeze %dma_start3A_202 : memref<1x128xi32, #tpu.memory_space<vmem>> -> memref<128xi32, #tpu.memory_space<vmem>>
    %dma_start3A_204 = arith.constant 0 : i32
    %dma_start3A_205 = arith.constant 0 : i32
    %dma_start3A_206 = tpu.memref_slice %arg6[%dma_start3A_204, %dma_start3A_205] : memref<10240x72xf32, #tpu.memory_space<vmem_shared>> -> memref<10240x72xf32, #tpu.memory_space<vmem_shared>>
    tpu.enqueue_indirect_dma source(%dma_start3A_200 : memref<128x72xf32, #tpu.memory_space<vmem>>) target(%dma_start3A_206 : memref<10240x72xf32, #tpu.memory_space<vmem_shared>>) offsets(%dma_start3A_203 : memref<128xi32, #tpu.memory_space<vmem>>) semaphore(%arg16 : memref<!tpu.dma_semaphore, #tpu.memory_space<semaphore_mem>>) {add = true}
    %dma_start3A_207 = arith.constant 1 : i32
    %dma_start3A_208 = arith.constant 1 : i32
    %dma_start3A_209 = arith.constant 0 : i32
    %dma_start3A_210 = arith.constant 0 : i32
    %dma_start3A_211 = tpu.memref_slice %arg12[%dma_start3A_207, %dma_start3A_209, %dma_start3A_210] : memref<3x128x72xf32, #tpu.memory_space<vmem>> -> memref<1x128x72xf32, #tpu.memory_space<vmem>>
    %dma_start3A_212 = tpu.memref_squeeze %dma_start3A_211 : memref<1x128x72xf32, #tpu.memory_space<vmem>> -> memref<128x72xf32, #tpu.memory_space<vmem>>
    %dma_start3A_213 = arith.constant 0 : i32
    %dma_start3A_214 = tpu.memref_slice %arg10[%dma_start3A_208, %dma_start3A_213] : memref<3x128xi32, #tpu.memory_space<vmem>> -> memref<1x128xi32, #tpu.memory_space<vmem>>
    %dma_start3A_215 = tpu.memref_squeeze %dma_start3A_214 : memref<1x128xi32, #tpu.memory_space<vmem>> -> memref<128xi32, #tpu.memory_space<vmem>>
    %dma_start3A_216 = arith.constant 0 : i32
    %dma_start3A_217 = arith.constant 0 : i32
    %dma_start3A_218 = tpu.memref_slice %arg6[%dma_start3A_216, %dma_start3A_217] : memref<10240x72xf32, #tpu.memory_space<vmem_shared>> -> memref<10240x72xf32, #tpu.memory_space<vmem_shared>>
    tpu.enqueue_indirect_dma source(%dma_start3A_212 : memref<128x72xf32, #tpu.memory_space<vmem>>) target(%dma_start3A_218 : memref<10240x72xf32, #tpu.memory_space<vmem_shared>>) offsets(%dma_start3A_215 : memref<128xi32, #tpu.memory_space<vmem>>) semaphore(%arg16 : memref<!tpu.dma_semaphore, #tpu.memory_space<semaphore_mem>>) {add = true}
    %dma_start3A_219 = arith.constant 2 : i32
    %dma_start3A_220 = arith.constant 2 : i32
    %dma_start3A_221 = arith.constant 0 : i32
    %dma_start3A_222 = arith.constant 0 : i32
    %dma_start3A_223 = tpu.memref_slice %arg12[%dma_start3A_219, %dma_start3A_221, %dma_start3A_222] : memref<3x128x72xf32, #tpu.memory_space<vmem>> -> memref<1x128x72xf32, #tpu.memory_space<vmem>>
    %dma_start3A_224 = tpu.memref_squeeze %dma_start3A_223 : memref<1x128x72xf32, #tpu.memory_space<vmem>> -> memref<128x72xf32, #tpu.memory_space<vmem>>
    %dma_start3A_225 = arith.constant 0 : i32
    %dma_start3A_226 = tpu.memref_slice %arg10[%dma_start3A_220, %dma_start3A_225] : memref<3x128xi32, #tpu.memory_space<vmem>> -> memref<1x128xi32, #tpu.memory_space<vmem>>
    %dma_start3A_227 = tpu.memref_squeeze %dma_start3A_226 : memref<1x128xi32, #tpu.memory_space<vmem>> -> memref<128xi32, #tpu.memory_space<vmem>>
    %dma_start3A_228 = arith.constant 0 : i32
    %dma_start3A_229 = arith.constant 0 : i32
    %dma_start3A_230 = tpu.memref_slice %arg6[%dma_start3A_228, %dma_start3A_229] : memref<10240x72xf32, #tpu.memory_space<vmem_shared>> -> memref<10240x72xf32, #tpu.memory_space<vmem_shared>>
    tpu.enqueue_indirect_dma source(%dma_start3A_224 : memref<128x72xf32, #tpu.memory_space<vmem>>) target(%dma_start3A_230 : memref<10240x72xf32, #tpu.memory_space<vmem_shared>>) offsets(%dma_start3A_227 : memref<128xi32, #tpu.memory_space<vmem>>) semaphore(%arg16 : memref<!tpu.dma_semaphore, #tpu.memory_space<semaphore_mem>>) {add = true}
    %dma_wait3A_231 = arith.constant 0 : i32
    %dma_wait3A_232 = arith.constant 0 : i32
    %dma_wait3A_233 = arith.constant 0 : i32
    %dma_wait3A_234 = arith.constant 0 : i32
    %dma_wait3A_235 = tpu.memref_slice %arg11[%dma_wait3A_231, %dma_wait3A_233, %dma_wait3A_234] : memref<3x128x72xf32, #tpu.memory_space<vmem>> -> memref<1x128x72xf32, #tpu.memory_space<vmem>>
    %dma_wait3A_236 = tpu.memref_squeeze %dma_wait3A_235 : memref<1x128x72xf32, #tpu.memory_space<vmem>> -> memref<128x72xf32, #tpu.memory_space<vmem>>
    %dma_wait3A_237 = arith.constant 0 : i32
    %dma_wait3A_238 = tpu.memref_slice %arg9[%dma_wait3A_232, %dma_wait3A_237] : memref<3x128xi32, #tpu.memory_space<vmem>> -> memref<1x128xi32, #tpu.memory_space<vmem>>
    %dma_wait3A_239 = tpu.memref_squeeze %dma_wait3A_238 : memref<1x128xi32, #tpu.memory_space<vmem>> -> memref<128xi32, #tpu.memory_space<vmem>>
    %dma_wait3A_240 = arith.constant 0 : i32
    %dma_wait3A_241 = arith.constant 0 : i32
    %dma_wait3A_242 = tpu.memref_slice %arg6[%dma_wait3A_240, %dma_wait3A_241] : memref<10240x72xf32, #tpu.memory_space<vmem_shared>> -> memref<10240x72xf32, #tpu.memory_space<vmem_shared>>
    tpu.wait_indirect_dma semaphore(%arg15 : memref<!tpu.dma_semaphore, #tpu.memory_space<semaphore_mem>>) src(%dma_wait3A_236 : memref<128x72xf32, #tpu.memory_space<vmem>>) dst(%dma_wait3A_242 : memref<10240x72xf32, #tpu.memory_space<vmem_shared>>)
    %dma_wait3A_243 = arith.constant 1 : i32
    %dma_wait3A_244 = arith.constant 1 : i32
    %dma_wait3A_245 = arith.constant 0 : i32
    %dma_wait3A_246 = arith.constant 0 : i32
    %dma_wait3A_247 = tpu.memref_slice %arg11[%dma_wait3A_243, %dma_wait3A_245, %dma_wait3A_246] : memref<3x128x72xf32, #tpu.memory_space<vmem>> -> memref<1x128x72xf32, #tpu.memory_space<vmem>>
    %dma_wait3A_248 = tpu.memref_squeeze %dma_wait3A_247 : memref<1x128x72xf32, #tpu.memory_space<vmem>> -> memref<128x72xf32, #tpu.memory_space<vmem>>
    %dma_wait3A_249 = arith.constant 0 : i32
    %dma_wait3A_250 = tpu.memref_slice %arg9[%dma_wait3A_244, %dma_wait3A_249] : memref<3x128xi32, #tpu.memory_space<vmem>> -> memref<1x128xi32, #tpu.memory_space<vmem>>
    %dma_wait3A_251 = tpu.memref_squeeze %dma_wait3A_250 : memref<1x128xi32, #tpu.memory_space<vmem>> -> memref<128xi32, #tpu.memory_space<vmem>>
    %dma_wait3A_252 = arith.constant 0 : i32
    %dma_wait3A_253 = arith.constant 0 : i32
    %dma_wait3A_254 = tpu.memref_slice %arg6[%dma_wait3A_252, %dma_wait3A_253] : memref<10240x72xf32, #tpu.memory_space<vmem_shared>> -> memref<10240x72xf32, #tpu.memory_space<vmem_shared>>
    tpu.wait_indirect_dma semaphore(%arg15 : memref<!tpu.dma_semaphore, #tpu.memory_space<semaphore_mem>>) src(%dma_wait3A_248 : memref<128x72xf32, #tpu.memory_space<vmem>>) dst(%dma_wait3A_254 : memref<10240x72xf32, #tpu.memory_space<vmem_shared>>)
    %dma_wait3A_255 = arith.constant 2 : i32
    %dma_wait3A_256 = arith.constant 2 : i32
    %dma_wait3A_257 = arith.constant 0 : i32
    %dma_wait3A_258 = arith.constant 0 : i32
    %dma_wait3A_259 = tpu.memref_slice %arg11[%dma_wait3A_255, %dma_wait3A_257, %dma_wait3A_258] : memref<3x128x72xf32, #tpu.memory_space<vmem>> -> memref<1x128x72xf32, #tpu.memory_space<vmem>>
    %dma_wait3A_260 = tpu.memref_squeeze %dma_wait3A_259 : memref<1x128x72xf32, #tpu.memory_space<vmem>> -> memref<128x72xf32, #tpu.memory_space<vmem>>
    %dma_wait3A_261 = arith.constant 0 : i32
    %dma_wait3A_262 = tpu.memref_slice %arg9[%dma_wait3A_256, %dma_wait3A_261] : memref<3x128xi32, #tpu.memory_space<vmem>> -> memref<1x128xi32, #tpu.memory_space<vmem>>
    %dma_wait3A_263 = tpu.memref_squeeze %dma_wait3A_262 : memref<1x128xi32, #tpu.memory_space<vmem>> -> memref<128xi32, #tpu.memory_space<vmem>>
    %dma_wait3A_264 = arith.constant 0 : i32
    %dma_wait3A_265 = arith.constant 0 : i32
    %dma_wait3A_266 = tpu.memref_slice %arg6[%dma_wait3A_264, %dma_wait3A_265] : memref<10240x72xf32, #tpu.memory_space<vmem_shared>> -> memref<10240x72xf32, #tpu.memory_space<vmem_shared>>
    tpu.wait_indirect_dma semaphore(%arg15 : memref<!tpu.dma_semaphore, #tpu.memory_space<semaphore_mem>>) src(%dma_wait3A_260 : memref<128x72xf32, #tpu.memory_space<vmem>>) dst(%dma_wait3A_266 : memref<10240x72xf32, #tpu.memory_space<vmem_shared>>)
    %dma_wait3A_267 = arith.constant 0 : i32
    %dma_wait3A_268 = arith.constant 0 : i32
    %dma_wait3A_269 = arith.constant 0 : i32
    %dma_wait3A_270 = arith.constant 0 : i32
    %dma_wait3A_271 = tpu.memref_slice %arg12[%dma_wait3A_267, %dma_wait3A_269, %dma_wait3A_270] : memref<3x128x72xf32, #tpu.memory_space<vmem>> -> memref<1x128x72xf32, #tpu.memory_space<vmem>>
    %dma_wait3A_272 = tpu.memref_squeeze %dma_wait3A_271 : memref<1x128x72xf32, #tpu.memory_space<vmem>> -> memref<128x72xf32, #tpu.memory_space<vmem>>
    %dma_wait3A_273 = arith.constant 0 : i32
    %dma_wait3A_274 = tpu.memref_slice %arg10[%dma_wait3A_268, %dma_wait3A_273] : memref<3x128xi32, #tpu.memory_space<vmem>> -> memref<1x128xi32, #tpu.memory_space<vmem>>
    %dma_wait3A_275 = tpu.memref_squeeze %dma_wait3A_274 : memref<1x128xi32, #tpu.memory_space<vmem>> -> memref<128xi32, #tpu.memory_space<vmem>>
    %dma_wait3A_276 = arith.constant 0 : i32
    %dma_wait3A_277 = arith.constant 0 : i32
    %dma_wait3A_278 = tpu.memref_slice %arg6[%dma_wait3A_276, %dma_wait3A_277] : memref<10240x72xf32, #tpu.memory_space<vmem_shared>> -> memref<10240x72xf32, #tpu.memory_space<vmem_shared>>
    tpu.wait_indirect_dma semaphore(%arg16 : memref<!tpu.dma_semaphore, #tpu.memory_space<semaphore_mem>>) src(%dma_wait3A_272 : memref<128x72xf32, #tpu.memory_space<vmem>>) dst(%dma_wait3A_278 : memref<10240x72xf32, #tpu.memory_space<vmem_shared>>)
    %dma_wait3A_279 = arith.constant 1 : i32
    %dma_wait3A_280 = arith.constant 1 : i32
    %dma_wait3A_281 = arith.constant 0 : i32
    %dma_wait3A_282 = arith.constant 0 : i32
    %dma_wait3A_283 = tpu.memref_slice %arg12[%dma_wait3A_279, %dma_wait3A_281, %dma_wait3A_282] : memref<3x128x72xf32, #tpu.memory_space<vmem>> -> memref<1x128x72xf32, #tpu.memory_space<vmem>>
    %dma_wait3A_284 = tpu.memref_squeeze %dma_wait3A_283 : memref<1x128x72xf32, #tpu.memory_space<vmem>> -> memref<128x72xf32, #tpu.memory_space<vmem>>
    %dma_wait3A_285 = arith.constant 0 : i32
    %dma_wait3A_286 = tpu.memref_slice %arg10[%dma_wait3A_280, %dma_wait3A_285] : memref<3x128xi32, #tpu.memory_space<vmem>> -> memref<1x128xi32, #tpu.memory_space<vmem>>
    %dma_wait3A_287 = tpu.memref_squeeze %dma_wait3A_286 : memref<1x128xi32, #tpu.memory_space<vmem>> -> memref<128xi32, #tpu.memory_space<vmem>>
    %dma_wait3A_288 = arith.constant 0 : i32
    %dma_wait3A_289 = arith.constant 0 : i32
    %dma_wait3A_290 = tpu.memref_slice %arg6[%dma_wait3A_288, %dma_wait3A_289] : memref<10240x72xf32, #tpu.memory_space<vmem_shared>> -> memref<10240x72xf32, #tpu.memory_space<vmem_shared>>
    tpu.wait_indirect_dma semaphore(%arg16 : memref<!tpu.dma_semaphore, #tpu.memory_space<semaphore_mem>>) src(%dma_wait3A_284 : memref<128x72xf32, #tpu.memory_space<vmem>>) dst(%dma_wait3A_290 : memref<10240x72xf32, #tpu.memory_space<vmem_shared>>)
    %dma_wait3A_291 = arith.constant 2 : i32
    %dma_wait3A_292 = arith.constant 2 : i32
    %dma_wait3A_293 = arith.constant 0 : i32
    %dma_wait3A_294 = arith.constant 0 : i32
    %dma_wait3A_295 = tpu.memref_slice %arg12[%dma_wait3A_291, %dma_wait3A_293, %dma_wait3A_294] : memref<3x128x72xf32, #tpu.memory_space<vmem>> -> memref<1x128x72xf32, #tpu.memory_space<vmem>>
    %dma_wait3A_296 = tpu.memref_squeeze %dma_wait3A_295 : memref<1x128x72xf32, #tpu.memory_space<vmem>> -> memref<128x72xf32, #tpu.memory_space<vmem>>
    %dma_wait3A_297 = arith.constant 0 : i32
    %dma_wait3A_298 = tpu.memref_slice %arg10[%dma_wait3A_292, %dma_wait3A_297] : memref<3x128xi32, #tpu.memory_space<vmem>> -> memref<1x128xi32, #tpu.memory_space<vmem>>
    %dma_wait3A_299 = tpu.memref_squeeze %dma_wait3A_298 : memref<1x128xi32, #tpu.memory_space<vmem>> -> memref<128xi32, #tpu.memory_space<vmem>>
    %dma_wait3A_300 = arith.constant 0 : i32
    %dma_wait3A_301 = arith.constant 0 : i32
    %dma_wait3A_302 = tpu.memref_slice %arg6[%dma_wait3A_300, %dma_wait3A_301] : memref<10240x72xf32, #tpu.memory_space<vmem_shared>> -> memref<10240x72xf32, #tpu.memory_space<vmem_shared>>
    tpu.wait_indirect_dma semaphore(%arg16 : memref<!tpu.dma_semaphore, #tpu.memory_space<semaphore_mem>>) src(%dma_wait3A_296 : memref<128x72xf32, #tpu.memory_space<vmem>>) dst(%dma_wait3A_302 : memref<10240x72xf32, #tpu.memory_space<vmem_shared>>)
    %lt3A = arith.constant 4 : i32
    %lt3A_303 = arith.cmpi slt, %add3A, %lt3A : i32
    %convert_element_type3A = arith.extui %lt3A_303 : i1 to i32
    %cond3A = arith.constant 0 : i32
    %cond3A_304 = arith.cmpi ne, %convert_element_type3A, %cond3A : i32
    scf.if %cond3A_304 {
      %add3A_306 = arith.constant 2496 : i32
      %add3A_307 = arith.addi %add3A_306, %add3A : i32
      %run_scoped3A_308 = arith.constant 0 : i32
      "tpu.region"() ({
        %run_scoped3A_314 = tpu.sem_alloc : memref<!tpu.dma_semaphore, #tpu.memory_space<semaphore_mem>>
        %dma_start3A_315 = arith.constant 0 : i32
        %dma_start3A_316 = arith.constant 0 : i32
        %dma_start3A_317 = tpu.memref_slice %arg7[%dma_start3A_315, %dma_start3A_316] : memref<3x128xi32, #tpu.memory_space<vmem>> -> memref<1x128xi32, #tpu.memory_space<vmem>>
        %dma_start3A_318 = arith.constant 0 : i32
        %dma_start3A_319 = tpu.memref_slice %arg3[%run_scoped3A_308, %add3A_307, %dma_start3A_318] : memref<2x2500x128xi32, #tpu.memory_space<hbm>> -> memref<1x1x128xi32, #tpu.memory_space<hbm>>
        %dma_start3A_320 = tpu.memref_squeeze %dma_start3A_319 : memref<1x1x128xi32, #tpu.memory_space<hbm>> -> memref<1x128xi32, #tpu.memory_space<hbm>>
        %dma_start3A_321 = arith.constant 0 : i32
        %dma_start3A_322 = arith.constant 0 : i32
        %dma_start3A_323 = tpu.memref_slice %arg7[%dma_start3A_321, %dma_start3A_322] : memref<3x128xi32, #tpu.memory_space<vmem>> -> memref<1x128xi32, #tpu.memory_space<vmem>>
        %dma_start3A_324 = arith.constant 0 : i32
        %dma_start3A_325 = tpu.memref_slice %arg3[%run_scoped3A_308, %add3A_307, %dma_start3A_324] : memref<2x2500x128xi32, #tpu.memory_space<hbm>> -> memref<1x1x128xi32, #tpu.memory_space<hbm>>
        %dma_start3A_326 = tpu.memref_squeeze %dma_start3A_325 : memref<1x1x128xi32, #tpu.memory_space<hbm>> -> memref<1x128xi32, #tpu.memory_space<hbm>>
        tpu.enqueue_dma source(%dma_start3A_326 : memref<1x128xi32, #tpu.memory_space<hbm>>) target(%dma_start3A_323 : memref<1x128xi32, #tpu.memory_space<vmem>>) target_semaphore(%run_scoped3A_314 : memref<!tpu.dma_semaphore, #tpu.memory_space<semaphore_mem>>)
        %dma_wait3A_327 = arith.constant 0 : i32
        %dma_wait3A_328 = arith.constant 0 : i32
        %dma_wait3A_329 = tpu.memref_slice %arg7[%dma_wait3A_327, %dma_wait3A_328] : memref<3x128xi32, #tpu.memory_space<vmem>> -> memref<1x128xi32, #tpu.memory_space<vmem>>
        %dma_wait3A_330 = arith.constant 0 : i32
        %dma_wait3A_331 = tpu.memref_slice %arg3[%run_scoped3A_308, %add3A_307, %dma_wait3A_330] : memref<2x2500x128xi32, #tpu.memory_space<hbm>> -> memref<1x1x128xi32, #tpu.memory_space<hbm>>
        %dma_wait3A_332 = tpu.memref_squeeze %dma_wait3A_331 : memref<1x1x128xi32, #tpu.memory_space<hbm>> -> memref<1x128xi32, #tpu.memory_space<hbm>>
        %dma_wait3A_333 = arith.constant 0 : i32
        %dma_wait3A_334 = arith.constant 0 : i32
        %dma_wait3A_335 = tpu.memref_slice %arg7[%dma_wait3A_333, %dma_wait3A_334] : memref<3x128xi32, #tpu.memory_space<vmem>> -> memref<1x128xi32, #tpu.memory_space<vmem>>
        %dma_wait3A_336 = arith.constant 0 : i32
        %dma_wait3A_337 = tpu.memref_slice %arg3[%run_scoped3A_308, %add3A_307, %dma_wait3A_336] : memref<2x2500x128xi32, #tpu.memory_space<hbm>> -> memref<1x1x128xi32, #tpu.memory_space<hbm>>
        %dma_wait3A_338 = tpu.memref_squeeze %dma_wait3A_337 : memref<1x1x128xi32, #tpu.memory_space<hbm>> -> memref<1x128xi32, #tpu.memory_space<hbm>>
        tpu.wait_dma2 semaphore(%run_scoped3A_314 : memref<!tpu.dma_semaphore, #tpu.memory_space<semaphore_mem>>) src(%dma_wait3A_338 : memref<1x128xi32, #tpu.memory_space<hbm>>) dst(%dma_wait3A_335 : memref<1x128xi32, #tpu.memory_space<vmem>>)
        tpu.yield
      }) : () -> ()
      %run_scoped3A_309 = arith.constant 1 : i32
      "tpu.region"() ({
        %run_scoped3A_314 = tpu.sem_alloc : memref<!tpu.dma_semaphore, #tpu.memory_space<semaphore_mem>>
        %dma_start3A_315 = arith.constant 0 : i32
        %dma_start3A_316 = arith.constant 0 : i32
        %dma_start3A_317 = tpu.memref_slice %arg9[%dma_start3A_315, %dma_start3A_316] : memref<3x128xi32, #tpu.memory_space<vmem>> -> memref<1x128xi32, #tpu.memory_space<vmem>>
        %dma_start3A_318 = arith.constant 0 : i32
        %dma_start3A_319 = tpu.memref_slice %arg3[%run_scoped3A_309, %add3A_307, %dma_start3A_318] : memref<2x2500x128xi32, #tpu.memory_space<hbm>> -> memref<1x1x128xi32, #tpu.memory_space<hbm>>
        %dma_start3A_320 = tpu.memref_squeeze %dma_start3A_319 : memref<1x1x128xi32, #tpu.memory_space<hbm>> -> memref<1x128xi32, #tpu.memory_space<hbm>>
        %dma_start3A_321 = arith.constant 0 : i32
        %dma_start3A_322 = arith.constant 0 : i32
        %dma_start3A_323 = tpu.memref_slice %arg9[%dma_start3A_321, %dma_start3A_322] : memref<3x128xi32, #tpu.memory_space<vmem>> -> memref<1x128xi32, #tpu.memory_space<vmem>>
        %dma_start3A_324 = arith.constant 0 : i32
        %dma_start3A_325 = tpu.memref_slice %arg3[%run_scoped3A_309, %add3A_307, %dma_start3A_324] : memref<2x2500x128xi32, #tpu.memory_space<hbm>> -> memref<1x1x128xi32, #tpu.memory_space<hbm>>
        %dma_start3A_326 = tpu.memref_squeeze %dma_start3A_325 : memref<1x1x128xi32, #tpu.memory_space<hbm>> -> memref<1x128xi32, #tpu.memory_space<hbm>>
        tpu.enqueue_dma source(%dma_start3A_326 : memref<1x128xi32, #tpu.memory_space<hbm>>) target(%dma_start3A_323 : memref<1x128xi32, #tpu.memory_space<vmem>>) target_semaphore(%run_scoped3A_314 : memref<!tpu.dma_semaphore, #tpu.memory_space<semaphore_mem>>)
        %dma_wait3A_327 = arith.constant 0 : i32
        %dma_wait3A_328 = arith.constant 0 : i32
        %dma_wait3A_329 = tpu.memref_slice %arg9[%dma_wait3A_327, %dma_wait3A_328] : memref<3x128xi32, #tpu.memory_space<vmem>> -> memref<1x128xi32, #tpu.memory_space<vmem>>
        %dma_wait3A_330 = arith.constant 0 : i32
        %dma_wait3A_331 = tpu.memref_slice %arg3[%run_scoped3A_309, %add3A_307, %dma_wait3A_330] : memref<2x2500x128xi32, #tpu.memory_space<hbm>> -> memref<1x1x128xi32, #tpu.memory_space<hbm>>
        %dma_wait3A_332 = tpu.memref_squeeze %dma_wait3A_331 : memref<1x1x128xi32, #tpu.memory_space<hbm>> -> memref<1x128xi32, #tpu.memory_space<hbm>>
        %dma_wait3A_333 = arith.constant 0 : i32
        %dma_wait3A_334 = arith.constant 0 : i32
        %dma_wait3A_335 = tpu.memref_slice %arg9[%dma_wait3A_333, %dma_wait3A_334] : memref<3x128xi32, #tpu.memory_space<vmem>> -> memref<1x128xi32, #tpu.memory_space<vmem>>
        %dma_wait3A_336 = arith.constant 0 : i32
        %dma_wait3A_337 = tpu.memref_slice %arg3[%run_scoped3A_309, %add3A_307, %dma_wait3A_336] : memref<2x2500x128xi32, #tpu.memory_space<hbm>> -> memref<1x1x128xi32, #tpu.memory_space<hbm>>
        %dma_wait3A_338 = tpu.memref_squeeze %dma_wait3A_337 : memref<1x1x128xi32, #tpu.memory_space<hbm>> -> memref<1x128xi32, #tpu.memory_space<hbm>>
        tpu.wait_dma2 semaphore(%run_scoped3A_314 : memref<!tpu.dma_semaphore, #tpu.memory_space<semaphore_mem>>) src(%dma_wait3A_338 : memref<1x128xi32, #tpu.memory_space<hbm>>) dst(%dma_wait3A_335 : memref<1x128xi32, #tpu.memory_space<vmem>>)
        tpu.yield
      }) : () -> ()
      %run_scoped3A_310 = arith.constant 0 : i32
      %run_scoped3A_311 = arith.constant 0 : i32
      "tpu.region"() ({
        %run_scoped3A_314 = tpu.sem_alloc : memref<!tpu.dma_semaphore, #tpu.memory_space<semaphore_mem>>
        %dma_start3A_315 = arith.constant 0 : i32
        %dma_start3A_316 = arith.constant 0 : i32
        %dma_start3A_317 = tpu.memref_slice %arg11[%run_scoped3A_311, %dma_start3A_315, %dma_start3A_316] : memref<3x128x72xf32, #tpu.memory_space<vmem>> -> memref<1x128x72xf32, #tpu.memory_space<vmem>>
        %dma_start3A_318 = tpu.memref_squeeze %dma_start3A_317 : memref<1x128x72xf32, #tpu.memory_space<vmem>> -> memref<128x72xf32, #tpu.memory_space<vmem>>
        %dma_start3A_319 = arith.constant 0 : i32
        %dma_start3A_320 = tpu.memref_slice %arg7[%run_scoped3A_310, %dma_start3A_319] : memref<3x128xi32, #tpu.memory_space<vmem>> -> memref<1x128xi32, #tpu.memory_space<vmem>>
        %dma_start3A_321 = tpu.memref_squeeze %dma_start3A_320 : memref<1x128xi32, #tpu.memory_space<vmem>> -> memref<128xi32, #tpu.memory_space<vmem>>
        %dma_start3A_322 = arith.constant 0 : i32
        %dma_start3A_323 = arith.constant 0 : i32
        %dma_start3A_324 = tpu.memref_slice %arg2[%dma_start3A_322, %dma_start3A_323] : memref<10240x72xf32, #tpu.memory_space<hbm>> -> memref<10240x72xf32, #tpu.memory_space<hbm>>
        tpu.enqueue_indirect_dma source(%dma_start3A_324 : memref<10240x72xf32, #tpu.memory_space<hbm>>) target(%dma_start3A_318 : memref<128x72xf32, #tpu.memory_space<vmem>>) offsets(%dma_start3A_321 : memref<128xi32, #tpu.memory_space<vmem>>) semaphore(%run_scoped3A_314 : memref<!tpu.dma_semaphore, #tpu.memory_space<semaphore_mem>>)
        %dma_wait3A_325 = arith.constant 0 : i32
        %dma_wait3A_326 = arith.constant 0 : i32
        %dma_wait3A_327 = tpu.memref_slice %arg11[%run_scoped3A_311, %dma_wait3A_325, %dma_wait3A_326] : memref<3x128x72xf32, #tpu.memory_space<vmem>> -> memref<1x128x72xf32, #tpu.memory_space<vmem>>
        %dma_wait3A_328 = tpu.memref_squeeze %dma_wait3A_327 : memref<1x128x72xf32, #tpu.memory_space<vmem>> -> memref<128x72xf32, #tpu.memory_space<vmem>>
        %dma_wait3A_329 = arith.constant 0 : i32
        %dma_wait3A_330 = tpu.memref_slice %arg7[%run_scoped3A_310, %dma_wait3A_329] : memref<3x128xi32, #tpu.memory_space<vmem>> -> memref<1x128xi32, #tpu.memory_space<vmem>>
        %dma_wait3A_331 = tpu.memref_squeeze %dma_wait3A_330 : memref<1x128xi32, #tpu.memory_space<vmem>> -> memref<128xi32, #tpu.memory_space<vmem>>
        %dma_wait3A_332 = arith.constant 0 : i32
        %dma_wait3A_333 = arith.constant 0 : i32
        %dma_wait3A_334 = tpu.memref_slice %arg2[%dma_wait3A_332, %dma_wait3A_333] : memref<10240x72xf32, #tpu.memory_space<hbm>> -> memref<10240x72xf32, #tpu.memory_space<hbm>>
        tpu.wait_indirect_dma semaphore(%run_scoped3A_314 : memref<!tpu.dma_semaphore, #tpu.memory_space<semaphore_mem>>) src(%dma_wait3A_334 : memref<10240x72xf32, #tpu.memory_space<hbm>>) dst(%dma_wait3A_328 : memref<128x72xf32, #tpu.memory_space<vmem>>)
        tpu.yield
      }) : () -> ()
      %run_scoped3A_312 = arith.constant 0 : i32
      %run_scoped3A_313 = arith.constant 0 : i32
      "tpu.region"() ({
        %run_scoped3A_314 = tpu.sem_alloc : memref<!tpu.dma_semaphore, #tpu.memory_space<semaphore_mem>>
        %dma_start3A_315 = arith.constant 0 : i32
        %dma_start3A_316 = arith.constant 0 : i32
        %dma_start3A_317 = tpu.memref_slice %arg11[%run_scoped3A_312, %dma_start3A_315, %dma_start3A_316] : memref<3x128x72xf32, #tpu.memory_space<vmem>> -> memref<1x128x72xf32, #tpu.memory_space<vmem>>
        %dma_start3A_318 = tpu.memref_squeeze %dma_start3A_317 : memref<1x128x72xf32, #tpu.memory_space<vmem>> -> memref<128x72xf32, #tpu.memory_space<vmem>>
        %dma_start3A_319 = arith.constant 0 : i32
        %dma_start3A_320 = tpu.memref_slice %arg9[%run_scoped3A_313, %dma_start3A_319] : memref<3x128xi32, #tpu.memory_space<vmem>> -> memref<1x128xi32, #tpu.memory_space<vmem>>
        %dma_start3A_321 = tpu.memref_squeeze %dma_start3A_320 : memref<1x128xi32, #tpu.memory_space<vmem>> -> memref<128xi32, #tpu.memory_space<vmem>>
        %dma_start3A_322 = arith.constant 0 : i32
        %dma_start3A_323 = arith.constant 0 : i32
        %dma_start3A_324 = tpu.memref_slice %arg6[%dma_start3A_322, %dma_start3A_323] : memref<10240x72xf32, #tpu.memory_space<vmem_shared>> -> memref<10240x72xf32, #tpu.memory_space<vmem_shared>>
        tpu.enqueue_indirect_dma source(%dma_start3A_318 : memref<128x72xf32, #tpu.memory_space<vmem>>) target(%dma_start3A_324 : memref<10240x72xf32, #tpu.memory_space<vmem_shared>>) offsets(%dma_start3A_321 : memref<128xi32, #tpu.memory_space<vmem>>) semaphore(%run_scoped3A_314 : memref<!tpu.dma_semaphore, #tpu.memory_space<semaphore_mem>>) {add = true}
        %dma_wait3A_325 = arith.constant 0 : i32
        %dma_wait3A_326 = arith.constant 0 : i32
        %dma_wait3A_327 = tpu.memref_slice %arg11[%run_scoped3A_312, %dma_wait3A_325, %dma_wait3A_326] : memref<3x128x72xf32, #tpu.memory_space<vmem>> -> memref<1x128x72xf32, #tpu.memory_space<vmem>>
        %dma_wait3A_328 = tpu.memref_squeeze %dma_wait3A_327 : memref<1x128x72xf32, #tpu.memory_space<vmem>> -> memref<128x72xf32, #tpu.memory_space<vmem>>
        %dma_wait3A_329 = arith.constant 0 : i32
        %dma_wait3A_330 = tpu.memref_slice %arg9[%run_scoped3A_313, %dma_wait3A_329] : memref<3x128xi32, #tpu.memory_space<vmem>> -> memref<1x128xi32, #tpu.memory_space<vmem>>
        %dma_wait3A_331 = tpu.memref_squeeze %dma_wait3A_330 : memref<1x128xi32, #tpu.memory_space<vmem>> -> memref<128xi32, #tpu.memory_space<vmem>>
        %dma_wait3A_332 = arith.constant 0 : i32
        %dma_wait3A_333 = arith.constant 0 : i32
        %dma_wait3A_334 = tpu.memref_slice %arg6[%dma_wait3A_332, %dma_wait3A_333] : memref<10240x72xf32, #tpu.memory_space<vmem_shared>> -> memref<10240x72xf32, #tpu.memory_space<vmem_shared>>
        tpu.wait_indirect_dma semaphore(%run_scoped3A_314 : memref<!tpu.dma_semaphore, #tpu.memory_space<semaphore_mem>>) src(%dma_wait3A_328 : memref<128x72xf32, #tpu.memory_space<vmem>>) dst(%dma_wait3A_334 : memref<10240x72xf32, #tpu.memory_space<vmem_shared>>)
        tpu.yield
      }) : () -> ()
    } else {
    }
    %barrier3A_305 = arith.constant 0 : index
    tpu.barrier barrier_id(%barrier3A_305)
    "tpu.region"() ({
      %run_scoped3A_306 = tpu.sem_alloc : memref<!tpu.dma_semaphore, #tpu.memory_space<semaphore_mem>>
      %dma_start3A_307 = arith.constant 0 : i32
      %dma_start3A_308 = tpu.memref_slice %arg5[%arg0, %mul3A_2, %dma_start3A_307] : memref<2x10240x72xf32, #tpu.memory_space<hbm>> -> memref<1x640x72xf32, #tpu.memory_space<hbm>>
      %dma_start3A_309 = tpu.memref_squeeze %dma_start3A_308 : memref<1x640x72xf32, #tpu.memory_space<hbm>> -> memref<640x72xf32, #tpu.memory_space<hbm>>
      %dma_start3A_310 = arith.constant 0 : i32
      %dma_start3A_311 = tpu.memref_slice %arg6[%mul3A_2, %dma_start3A_310] : memref<10240x72xf32, #tpu.memory_space<vmem_shared>> -> memref<640x72xf32, #tpu.memory_space<vmem_shared>>
      tpu.enqueue_dma source(%dma_start3A_311 : memref<640x72xf32, #tpu.memory_space<vmem_shared>>) target(%dma_start3A_309 : memref<640x72xf32, #tpu.memory_space<hbm>>) target_semaphore(%run_scoped3A_306 : memref<!tpu.dma_semaphore, #tpu.memory_space<semaphore_mem>>)
      %dma_wait3A_312 = arith.constant 0 : i32
      %dma_wait3A_313 = tpu.memref_slice %arg5[%arg0, %mul3A_2, %dma_wait3A_312] : memref<2x10240x72xf32, #tpu.memory_space<hbm>> -> memref<1x640x72xf32, #tpu.memory_space<hbm>>
      %dma_wait3A_314 = tpu.memref_squeeze %dma_wait3A_313 : memref<1x640x72xf32, #tpu.memory_space<hbm>> -> memref<640x72xf32, #tpu.memory_space<hbm>>
      %dma_wait3A_315 = arith.constant 0 : i32
      %dma_wait3A_316 = tpu.memref_slice %arg6[%mul3A_2, %dma_wait3A_315] : memref<10240x72xf32, #tpu.memory_space<vmem_shared>> -> memref<640x72xf32, #tpu.memory_space<vmem_shared>>
      tpu.wait_dma2 semaphore(%run_scoped3A_306 : memref<!tpu.dma_semaphore, #tpu.memory_space<semaphore_mem>>) src(%dma_wait3A_316 : memref<640x72xf32, #tpu.memory_space<vmem_shared>>) dst(%dma_wait3A_314 : memref<640x72xf32, #tpu.memory_space<hbm>>)
      tpu.yield
    }) : () -> ()
    return
  }
}

module attributes {stable_mosaic.version = 14 : i64} {
  func.func @_tc1_body(%arg0: i32, %arg1: memref<2048x128xf32, #tpu.memory_space<vmem>>, %arg2: memref<64x128xf32, #tpu.memory_space<vmem>>, %arg3: memref<64x128xf32, #tpu.memory_space<vmem>>, %arg4: memref<1x64xf32, #tpu.memory_space<vmem>>, %arg5: memref<2048x72xf32, #tpu.memory_space<vmem>>, %arg6: memref<2048x64xf32, #tpu.memory_space<vmem>>) attributes {dimension_semantics = [#tpu.dimension_semantics<arbitrary>], iteration_bounds = array<i64: 5>, scalar_prefetch = 0 : i64, scratch_operands = 0 : i64, tpu.core_type = #tpu.core_type<tc>, window_params = [{transform_indices = @transform_0, window_bounds = array<i64: 2048, 128>}, {pipeline_mode = #tpu.pipeline_mode<synchronous>, transform_indices = @transform_1, window_bounds = array<i64: 64, 128>}, {pipeline_mode = #tpu.pipeline_mode<synchronous>, transform_indices = @transform_2, window_bounds = array<i64: 64, 128>}, {pipeline_mode = #tpu.pipeline_mode<synchronous>, transform_indices = @transform_3, window_bounds = array<i64: 1, 64>}, {transform_indices = @transform_4, window_bounds = array<i64: 2048, 72>}, {transform_indices = @transform_5, window_bounds = array<i64: 2048, 64>}]} {
    %get3A = arith.constant 0 : index
    %get3A_0 = arith.constant 0 : index
    %get3A_1 = vector.load %arg1[%get3A, %get3A_0] : memref<2048x128xf32, #tpu.memory_space<vmem>>, vector<2048x128xf32>
    %get3A_2 = arith.constant 0 : index
    %get3A_3 = arith.constant 0 : index
    %get3A_4 = vector.load %arg2[%get3A_2, %get3A_3] : memref<64x128xf32, #tpu.memory_space<vmem>>, vector<64x128xf32>
    %dot_general3A = arith.constant dense<0.000000e+00> : vector<2048x64xf32>
    %dot_general3A_5 = tpu.matmul %get3A_1, %get3A_4, %dot_general3A {dimension_numbers = #tpu.dot_dimension_numbers<[1], [1], [0], [0], [0, 0, 1, 0], [], []>, transpose_lhs_hint = false} : vector<2048x128xf32>, vector<64x128xf32>, vector<2048x64xf32> -> vector<2048x64xf32>
    %swap3A = arith.constant 0 : index
    %swap3A_6 = arith.constant 0 : index
    %swap3A_7 = vector.load %arg5[%swap3A, %swap3A_6] : memref<2048x72xf32, #tpu.memory_space<vmem>>, vector<2048x64xf32>
    tpu.vector_store %arg5[%swap3A, %swap3A_6], %dot_general3A_5 {strides = array<i32>} : memref<2048x72xf32, #tpu.memory_space<vmem>>, vector<2048x64xf32>,
    %broadcast_in_dim3A = arith.constant 1.000000e+00 : f32
    %broadcast_in_dim3A_8 = vector.broadcast %broadcast_in_dim3A : f32 to vector<2048x8xf32>
    %swap3A_9 = arith.constant 0 : index
    %swap3A_10 = arith.constant 64 : index
    %swap3A_11 = vector.load %arg5[%swap3A_9, %swap3A_10] : memref<2048x72xf32, #tpu.memory_space<vmem>>, vector<2048x8xf32>
    tpu.vector_store %arg5[%swap3A_9, %swap3A_10], %broadcast_in_dim3A_8 {strides = array<i32>} : memref<2048x72xf32, #tpu.memory_space<vmem>>, vector<2048x8xf32>,
    %get3A_12 = arith.constant 0 : index
    %get3A_13 = arith.constant 0 : index
    %get3A_14 = vector.load %arg3[%get3A_12, %get3A_13] : memref<64x128xf32, #tpu.memory_space<vmem>>, vector<64x128xf32>
    %dot_general3A_15 = arith.constant dense<0.000000e+00> : vector<2048x64xf32>
    %dot_general3A_16 = tpu.matmul %get3A_1, %get3A_14, %dot_general3A_15 {dimension_numbers = #tpu.dot_dimension_numbers<[1], [1], [0], [0], [0, 0, 1, 0], [], []>, transpose_lhs_hint = false} : vector<2048x128xf32>, vector<64x128xf32>, vector<2048x64xf32> -> vector<2048x64xf32>
    %get3A_17 = arith.constant 0 : index
    %get3A_18 = arith.constant 0 : index
    %get3A_19 = vector.load %arg4[%get3A_17, %get3A_18] : memref<1x64xf32, #tpu.memory_space<vmem>>, vector<1x64xf32>
    %add3A = vector.broadcast %get3A_19 : vector<1x64xf32> to vector<2048x64xf32>
    %add3A_20 = arith.addf %dot_general3A_16, %add3A : vector<2048x64xf32>
    %swap3A_21 = arith.constant 0 : index
    %swap3A_22 = arith.constant 0 : index
    %swap3A_23 = vector.load %arg6[%swap3A_21, %swap3A_22] : memref<2048x64xf32, #tpu.memory_space<vmem>>, vector<2048x64xf32>
    tpu.vector_store %arg6[%swap3A_21, %swap3A_22], %add3A_20 {strides = array<i32>} : memref<2048x64xf32, #tpu.memory_space<vmem>>, vector<2048x64xf32>,
    return
  }
  func.func @transform_0(%arg0: i32) -> (i32, i32) {
    %c0_i32 = arith.constant 0 : i32
    %c0_i32_0 = arith.constant 0 : i32
    return %arg0, %c0_i32 : i32, i32
  }
  func.func @transform_1(%arg0: i32) -> (i32, i32) {
    %c0_i32 = arith.constant 0 : i32
    %c0_i32_0 = arith.constant 0 : i32
    %c0_i32_1 = arith.constant 0 : i32
    return %c0_i32, %c0_i32_0 : i32, i32
  }
  func.func @transform_2(%arg0: i32) -> (i32, i32) {
    %c0_i32 = arith.constant 0 : i32
    %c0_i32_0 = arith.constant 0 : i32
    %c0_i32_1 = arith.constant 0 : i32
    return %c0_i32, %c0_i32_0 : i32, i32
  }
  func.func @transform_3(%arg0: i32) -> (i32, i32) {
    %c0_i32 = arith.constant 0 : i32
    %c0_i32_0 = arith.constant 0 : i32
    %c0_i32_1 = arith.constant 0 : i32
    return %c0_i32, %c0_i32_0 : i32, i32
  }
  func.func @transform_4(%arg0: i32) -> (i32, i32) {
    %c0_i32 = arith.constant 0 : i32
    %c0_i32_0 = arith.constant 0 : i32
    return %arg0, %c0_i32 : i32, i32
  }
  func.func @transform_5(%arg0: i32) -> (i32, i32) {
    %c0_i32 = arith.constant 0 : i32
    %c0_i32_0 = arith.constant 0 : i32
    return %arg0, %c0_i32 : i32, i32
  }
}

module attributes {stable_mosaic.version = 14 : i64} {
  func.func @_tc2_body(%arg0: i32, %arg1: memref<2x2048x72xf32, #tpu.memory_space<vmem>>, %arg2: memref<2048x64xf32, #tpu.memory_space<vmem>>, %arg3: memref<32x64xf32, #tpu.memory_space<vmem>>, %arg4: memref<32x64xf32, #tpu.memory_space<vmem>>, %arg5: memref<1x32xf32, #tpu.memory_space<vmem>>, %arg6: memref<2048x32xf32, #tpu.memory_space<vmem>>, %arg7: memref<2048x32xf32, #tpu.memory_space<vmem>>) attributes {dimension_semantics = [#tpu.dimension_semantics<arbitrary>], iteration_bounds = array<i64: 5>, scalar_prefetch = 0 : i64, scratch_operands = 0 : i64, tpu.core_type = #tpu.core_type<tc>, window_params = [{transform_indices = @transform_0, window_bounds = array<i64: 2, 2048, 72>}, {transform_indices = @transform_1, window_bounds = array<i64: 2048, 64>}, {pipeline_mode = #tpu.pipeline_mode<synchronous>, transform_indices = @transform_2, window_bounds = array<i64: 32, 64>}, {pipeline_mode = #tpu.pipeline_mode<synchronous>, transform_indices = @transform_3, window_bounds = array<i64: 32, 64>}, {pipeline_mode = #tpu.pipeline_mode<synchronous>, transform_indices = @transform_4, window_bounds = array<i64: 1, 32>}, {transform_indices = @transform_5, window_bounds = array<i64: 2048, 32>}, {transform_indices = @transform_6, window_bounds = array<i64: 2048, 32>}]} {
    %get3A = arith.constant 0 : index
    %get3A_0 = arith.constant 0 : index
    %get3A_1 = arith.constant 0 : index
    %get3A_2 = vector.load %arg1[%get3A, %get3A_0, %get3A_1] : memref<2x2048x72xf32, #tpu.memory_space<vmem>>, vector<1x2048x64xf32>
    %get3A_3 = vector.shape_cast %get3A_2 : vector<1x2048x64xf32> to vector<2048x64xf32>
    %get3A_4 = arith.constant 1 : index
    %get3A_5 = arith.constant 0 : index
    %get3A_6 = arith.constant 0 : index
    %get3A_7 = vector.load %arg1[%get3A_4, %get3A_5, %get3A_6] : memref<2x2048x72xf32, #tpu.memory_space<vmem>>, vector<1x2048x64xf32>
    %get3A_8 = vector.shape_cast %get3A_7 : vector<1x2048x64xf32> to vector<2048x64xf32>
    %add3A = arith.addf %get3A_3, %get3A_8 : vector<2048x64xf32>
    %get3A_9 = arith.constant 0 : index
    %get3A_10 = arith.constant 0 : index
    %get3A_11 = arith.constant 64 : index
    %get3A_12 = vector.load %arg1[%get3A_9, %get3A_10, %get3A_11] : memref<2x2048x72xf32, #tpu.memory_space<vmem>>, vector<1x2048x1xf32>
    %get3A_13 = vector.shape_cast %get3A_12 : vector<1x2048x1xf32> to vector<2048x1xf32>
    %get3A_14 = arith.constant 1 : index
    %get3A_15 = arith.constant 0 : index
    %get3A_16 = arith.constant 64 : index
    %get3A_17 = vector.load %arg1[%get3A_14, %get3A_15, %get3A_16] : memref<2x2048x72xf32, #tpu.memory_space<vmem>>, vector<1x2048x1xf32>
    %get3A_18 = vector.shape_cast %get3A_17 : vector<1x2048x1xf32> to vector<2048x1xf32>
    %add3A_19 = arith.addf %get3A_13, %get3A_18 : vector<2048x1xf32>
    %max3A = arith.constant 1.000000e+00 : f32
    %max3A_20 = vector.broadcast %max3A : f32 to vector<2048x1xf32>
    %max3A_21 = arith.maximumf %add3A_19, %max3A_20 : vector<2048x1xf32>
    %div3A = vector.broadcast %max3A_21 : vector<2048x1xf32> to vector<2048x64xf32>
    %div3A_22 = arith.divf %add3A, %div3A : vector<2048x64xf32>
    %get3A_23 = arith.constant 0 : index
    %get3A_24 = arith.constant 0 : index
    %get3A_25 = vector.load %arg2[%get3A_23, %get3A_24] : memref<2048x64xf32, #tpu.memory_space<vmem>>, vector<2048x64xf32>
    %add3A_26 = arith.addf %div3A_22, %get3A_25 : vector<2048x64xf32>
    %max3A_27 = arith.constant 0.000000e+00 : f32
    %max3A_28 = vector.broadcast %max3A_27 : f32 to vector<2048x64xf32>
    %max3A_29 = arith.maximumf %add3A_26, %max3A_28 : vector<2048x64xf32>
    %get3A_30 = arith.constant 0 : index
    %get3A_31 = arith.constant 0 : index
    %get3A_32 = vector.load %arg3[%get3A_30, %get3A_31] : memref<32x64xf32, #tpu.memory_space<vmem>>, vector<32x64xf32>
    %dot_general3A = arith.constant dense<0.000000e+00> : vector<2048x32xf32>
    %dot_general3A_33 = tpu.matmul %max3A_29, %get3A_32, %dot_general3A {dimension_numbers = #tpu.dot_dimension_numbers<[1], [1], [0], [0], [0, 0, 1, 0], [], []>, transpose_lhs_hint = false} : vector<2048x64xf32>, vector<32x64xf32>, vector<2048x32xf32> -> vector<2048x32xf32>
    %swap3A = arith.constant 0 : index
    %swap3A_34 = arith.constant 0 : index
    %swap3A_35 = vector.load %arg6[%swap3A, %swap3A_34] : memref<2048x32xf32, #tpu.memory_space<vmem>>, vector<2048x32xf32>
    tpu.vector_store %arg6[%swap3A, %swap3A_34], %dot_general3A_33 {strides = array<i32>} : memref<2048x32xf32, #tpu.memory_space<vmem>>, vector<2048x32xf32>,
    %get3A_36 = arith.constant 0 : index
    %get3A_37 = arith.constant 0 : index
    %get3A_38 = vector.load %arg4[%get3A_36, %get3A_37] : memref<32x64xf32, #tpu.memory_space<vmem>>, vector<32x64xf32>
    %dot_general3A_39 = arith.constant dense<0.000000e+00> : vector<2048x32xf32>
    %dot_general3A_40 = tpu.matmul %max3A_29, %get3A_38, %dot_general3A_39 {dimension_numbers = #tpu.dot_dimension_numbers<[1], [1], [0], [0], [0, 0, 1, 0], [], []>, transpose_lhs_hint = false} : vector<2048x64xf32>, vector<32x64xf32>, vector<2048x32xf32> -> vector<2048x32xf32>
    %get3A_41 = arith.constant 0 : index
    %get3A_42 = arith.constant 0 : index
    %get3A_43 = vector.load %arg5[%get3A_41, %get3A_42] : memref<1x32xf32, #tpu.memory_space<vmem>>, vector<1x32xf32>
    %add3A_44 = vector.broadcast %get3A_43 : vector<1x32xf32> to vector<2048x32xf32>
    %add3A_45 = arith.addf %dot_general3A_40, %add3A_44 : vector<2048x32xf32>
    %swap3A_46 = arith.constant 0 : index
    %swap3A_47 = arith.constant 0 : index
    %swap3A_48 = vector.load %arg7[%swap3A_46, %swap3A_47] : memref<2048x32xf32, #tpu.memory_space<vmem>>, vector<2048x32xf32>
    tpu.vector_store %arg7[%swap3A_46, %swap3A_47], %add3A_45 {strides = array<i32>} : memref<2048x32xf32, #tpu.memory_space<vmem>>, vector<2048x32xf32>,
    return
  }
  func.func @transform_0(%arg0: i32) -> (i32, i32, i32) {
    %c0_i32 = arith.constant 0 : i32
    %c0_i32_0 = arith.constant 0 : i32
    %c0_i32_1 = arith.constant 0 : i32
    return %c0_i32, %arg0, %c0_i32_0 : i32, i32, i32
  }
  func.func @transform_1(%arg0: i32) -> (i32, i32) {
    %c0_i32 = arith.constant 0 : i32
    %c0_i32_0 = arith.constant 0 : i32
    return %arg0, %c0_i32 : i32, i32
  }
  func.func @transform_2(%arg0: i32) -> (i32, i32) {
    %c0_i32 = arith.constant 0 : i32
    %c0_i32_0 = arith.constant 0 : i32
    %c0_i32_1 = arith.constant 0 : i32
    return %c0_i32, %c0_i32_0 : i32, i32
  }
  func.func @transform_3(%arg0: i32) -> (i32, i32) {
    %c0_i32 = arith.constant 0 : i32
    %c0_i32_0 = arith.constant 0 : i32
    %c0_i32_1 = arith.constant 0 : i32
    return %c0_i32, %c0_i32_0 : i32, i32
  }
  func.func @transform_4(%arg0: i32) -> (i32, i32) {
    %c0_i32 = arith.constant 0 : i32
    %c0_i32_0 = arith.constant 0 : i32
    %c0_i32_1 = arith.constant 0 : i32
    return %c0_i32, %c0_i32_0 : i32, i32
  }
  func.func @transform_5(%arg0: i32) -> (i32, i32) {
    %c0_i32 = arith.constant 0 : i32
    %c0_i32_0 = arith.constant 0 : i32
    return %arg0, %c0_i32 : i32, i32
  }
  func.func @transform_6(%arg0: i32) -> (i32, i32) {
    %c0_i32 = arith.constant 0 : i32
    %c0_i32_0 = arith.constant 0 : i32
    return %arg0, %c0_i32 : i32, i32
  }
}

module attributes {stable_mosaic.version = 14 : i64} {
  func.func @_tc3_body(%arg0: i32, %arg1: memref<2x2048x32xf32, #tpu.memory_space<vmem>>, %arg2: memref<2x2048x72xf32, #tpu.memory_space<vmem>>, %arg3: memref<2048x32xf32, #tpu.memory_space<vmem>>, %arg4: memref<2x32xf32, #tpu.memory_space<vmem>>, %arg5: memref<1x2xf32, #tpu.memory_space<vmem>>, %arg6: memref<2048x2xf32, #tpu.memory_space<vmem>>) attributes {dimension_semantics = [#tpu.dimension_semantics<arbitrary>], iteration_bounds = array<i64: 5>, scalar_prefetch = 0 : i64, scratch_operands = 0 : i64, tpu.core_type = #tpu.core_type<tc>, window_params = [{transform_indices = @transform_0, window_bounds = array<i64: 2, 2048, 32>}, {transform_indices = @transform_1, window_bounds = array<i64: 2, 2048, 72>}, {transform_indices = @transform_2, window_bounds = array<i64: 2048, 32>}, {pipeline_mode = #tpu.pipeline_mode<synchronous>, transform_indices = @transform_3, window_bounds = array<i64: 2, 32>}, {pipeline_mode = #tpu.pipeline_mode<synchronous>, transform_indices = @transform_4, window_bounds = array<i64: 1, 2>}, {transform_indices = @transform_5, window_bounds = array<i64: 2048, 2>}]} {
    %get3A = arith.constant 0 : index
    %get3A_0 = arith.constant 0 : index
    %get3A_1 = arith.constant 0 : index
    %get3A_2 = vector.load %arg1[%get3A, %get3A_0, %get3A_1] : memref<2x2048x32xf32, #tpu.memory_space<vmem>>, vector<1x2048x32xf32>
    %get3A_3 = vector.shape_cast %get3A_2 : vector<1x2048x32xf32> to vector<2048x32xf32>
    %get3A_4 = arith.constant 1 : index
    %get3A_5 = arith.constant 0 : index
    %get3A_6 = arith.constant 0 : index
    %get3A_7 = vector.load %arg1[%get3A_4, %get3A_5, %get3A_6] : memref<2x2048x32xf32, #tpu.memory_space<vmem>>, vector<1x2048x32xf32>
    %get3A_8 = vector.shape_cast %get3A_7 : vector<1x2048x32xf32> to vector<2048x32xf32>
    %add3A = arith.addf %get3A_3, %get3A_8 : vector<2048x32xf32>
    %get3A_9 = arith.constant 0 : index
    %get3A_10 = arith.constant 0 : index
    %get3A_11 = arith.constant 64 : index
    %get3A_12 = vector.load %arg2[%get3A_9, %get3A_10, %get3A_11] : memref<2x2048x72xf32, #tpu.memory_space<vmem>>, vector<1x2048x1xf32>
    %get3A_13 = vector.shape_cast %get3A_12 : vector<1x2048x1xf32> to vector<2048x1xf32>
    %get3A_14 = arith.constant 1 : index
    %get3A_15 = arith.constant 0 : index
    %get3A_16 = arith.constant 64 : index
    %get3A_17 = vector.load %arg2[%get3A_14, %get3A_15, %get3A_16] : memref<2x2048x72xf32, #tpu.memory_space<vmem>>, vector<1x2048x1xf32>
    %get3A_18 = vector.shape_cast %get3A_17 : vector<1x2048x1xf32> to vector<2048x1xf32>
    %add3A_19 = arith.addf %get3A_13, %get3A_18 : vector<2048x1xf32>
    %max3A = arith.constant 1.000000e+00 : f32
    %max3A_20 = vector.broadcast %max3A : f32 to vector<2048x1xf32>
    %max3A_21 = arith.maximumf %add3A_19, %max3A_20 : vector<2048x1xf32>
    %div3A = vector.broadcast %max3A_21 : vector<2048x1xf32> to vector<2048x32xf32>
    %div3A_22 = arith.divf %add3A, %div3A : vector<2048x32xf32>
    %get3A_23 = arith.constant 0 : index
    %get3A_24 = arith.constant 0 : index
    %get3A_25 = vector.load %arg3[%get3A_23, %get3A_24] : memref<2048x32xf32, #tpu.memory_space<vmem>>, vector<2048x32xf32>
    %add3A_26 = arith.addf %div3A_22, %get3A_25 : vector<2048x32xf32>
    %max3A_27 = arith.constant 0.000000e+00 : f32
    %max3A_28 = vector.broadcast %max3A_27 : f32 to vector<2048x32xf32>
    %max3A_29 = arith.maximumf %add3A_26, %max3A_28 : vector<2048x32xf32>
    %get3A_30 = arith.constant 0 : index
    %get3A_31 = arith.constant 0 : index
    %get3A_32 = vector.load %arg4[%get3A_30, %get3A_31] : memref<2x32xf32, #tpu.memory_space<vmem>>, vector<2x32xf32>
    %dot_general3A = arith.constant dense<0.000000e+00> : vector<2048x2xf32>
    %dot_general3A_33 = tpu.matmul %max3A_29, %get3A_32, %dot_general3A {dimension_numbers = #tpu.dot_dimension_numbers<[1], [1], [0], [0], [0, 0, 1, 0], [], []>, transpose_lhs_hint = false} : vector<2048x32xf32>, vector<2x32xf32>, vector<2048x2xf32> -> vector<2048x2xf32>
    %get3A_34 = arith.constant 0 : index
    %get3A_35 = arith.constant 0 : index
    %get3A_36 = vector.load %arg5[%get3A_34, %get3A_35] : memref<1x2xf32, #tpu.memory_space<vmem>>, vector<1x2xf32>
    %add3A_37 = vector.broadcast %get3A_36 : vector<1x2xf32> to vector<2048x2xf32>
    %add3A_38 = arith.addf %dot_general3A_33, %add3A_37 : vector<2048x2xf32>
    %reduce_max3A = arith.constant dense<0xFF800000> : vector<2048xf32>
    %reduce_max3A_39 = vector.multi_reduction <maximumf>, %add3A_38, %reduce_max3A [1] : vector<2048x2xf32> to vector<2048xf32>
    %broadcast_in_dim3A = vector.shape_cast %reduce_max3A_39 : vector<2048xf32> to vector<2048x1xf32>
    %sub3A = vector.broadcast %broadcast_in_dim3A : vector<2048x1xf32> to vector<2048x2xf32>
    %sub3A_40 = arith.subf %add3A_38, %sub3A : vector<2048x2xf32>
    %exp3A = math.exp %sub3A_40 : vector<2048x2xf32>
    %reduce_sum3A = arith.constant dense<0.000000e+00> : vector<2048xf32>
    %reduce_sum3A_41 = vector.multi_reduction <add>, %exp3A, %reduce_sum3A [1] : vector<2048x2xf32> to vector<2048xf32>
    %broadcast_in_dim3A_42 = vector.shape_cast %reduce_sum3A_41 : vector<2048xf32> to vector<2048x1xf32>
    %log3A = math.log %broadcast_in_dim3A_42 : vector<2048x1xf32>
    %sub3A_43 = vector.broadcast %log3A : vector<2048x1xf32> to vector<2048x2xf32>
    %sub3A_44 = arith.subf %sub3A_40, %sub3A_43 : vector<2048x2xf32>
    %swap3A = arith.constant 0 : index
    %swap3A_45 = arith.constant 0 : index
    %swap3A_46 = vector.load %arg6[%swap3A, %swap3A_45] : memref<2048x2xf32, #tpu.memory_space<vmem>>, vector<2048x2xf32>
    tpu.vector_store %arg6[%swap3A, %swap3A_45], %sub3A_44 {strides = array<i32>} : memref<2048x2xf32, #tpu.memory_space<vmem>>, vector<2048x2xf32>,
    return
  }
  func.func @transform_0(%arg0: i32) -> (i32, i32, i32) {
    %c0_i32 = arith.constant 0 : i32
    %c0_i32_0 = arith.constant 0 : i32
    %c0_i32_1 = arith.constant 0 : i32
    return %c0_i32, %arg0, %c0_i32_0 : i32, i32, i32
  }
  func.func @transform_1(%arg0: i32) -> (i32, i32, i32) {
    %c0_i32 = arith.constant 0 : i32
    %c0_i32_0 = arith.constant 0 : i32
    %c0_i32_1 = arith.constant 0 : i32
    return %c0_i32, %arg0, %c0_i32_0 : i32, i32, i32
  }
  func.func @transform_2(%arg0: i32) -> (i32, i32) {
    %c0_i32 = arith.constant 0 : i32
    %c0_i32_0 = arith.constant 0 : i32
    return %arg0, %c0_i32 : i32, i32
  }
  func.func @transform_3(%arg0: i32) -> (i32, i32) {
    %c0_i32 = arith.constant 0 : i32
    %c0_i32_0 = arith.constant 0 : i32
    %c0_i32_1 = arith.constant 0 : i32
    return %c0_i32, %c0_i32_0 : i32, i32
  }
  func.func @transform_4(%arg0: i32) -> (i32, i32) {
    %c0_i32 = arith.constant 0 : i32
    %c0_i32_0 = arith.constant 0 : i32
    %c0_i32_1 = arith.constant 0 : i32
    return %c0_i32, %c0_i32_0 : i32, i32
  }
  func.func @transform_5(%arg0: i32) -> (i32, i32) {
    %c0_i32 = arith.constant 0 : i32
    %c0_i32_0 = arith.constant 0 : i32
    return %arg0, %c0_i32 : i32, i32
  }
}

</mosaic_0001>

<sc_bundles>
// kernel: kernel.10.cloned.1.call-start
scs
__scs_entry_jumppad:
0x0: {  	(pc) =	sbr.rel $0x88, $3  }
0x1: {  	(tag) =	ssettag $0x0;
	lr =	simm.s32 $0x1  }
0x2: {  	[smem:$0x3F97] =	sst lr;
	_ =	strace $0xD0000000  }
0x3: {  	_ = 	snop  }
0x4: {  	_ = 	snop  }
0x5: {  	_ = 	snop  }
0x6: {  	_ = 	snop  }
0x7: {  	_ = 	snop  }
__scs_overlays_trampoline_lowered:
0x8: {  	[smem:$0x3FA6] =	sst s0  }
0x9: {  	[smem:$0x3FA7] =	sst s1  }
0xa: {  	[smem:$0x3FA8] =	sst s2  }
0xb: {  	[smem:$0x3FA9] =	sst s3  }
0xc: {  	[smem:$0x3FAA] =	sst s4  }
0xd: {  	[smem:$0x3FAB] =	sst s5  }
0xe: {  	[smem:$0x3FAC] =	sst s6  }
0xf: {  	[smem:$0x3FAD] =	sst s7  }
0x10: {  	[smem:$0x3FAE] =	sst s8  }
0x11: {  	[smem:$0x3FAF] =	sst s9;
	s0 =	simm.s32 @!p0 $0x0  }
0x12: {  	s1 =	sld [smem:$0x3F95];
	s0 =	simm.s32 @p0 $0x1  }
0x13: {  	[smem:$0x3FB0] =	sst s0;
	s0 =	simm.s32 @!p1 $0x0  }
0x14: {  	s2 =	sld [smem:$0x3F94];
	s0 =	simm.s32 @p1 $0x1  }
0x15: {  	[smem:$0x3FB1] =	sst s0;
	s0 =	simm.s32 @!p2 $0x0  }
0x16: {  	s3 =	sld [smem:$0x3FDB];
	s0 =	simm.s32 @p2 $0x1  }
0x17: {  	s4 =	simm.s32 $0x1BF5;
	[smem:$0x3FB3] =	sst s0  }
0x18: {  	s0 =	sld [smem:$0x3F96];
	_ =	swait.ge [sflag:s4], $0x0  }
0x19: {  	s7 =	sld [smem:$0x3F97]  }
0x1a: {  	s8 =	sadd.s32 $0xFFFFE003, lr  }
0x1b: {  	s9 =	sadd.s32 $0xFFFFFEF7, lr;
	s5 =	simm.s32 $0xFFFFFFFF;
	p2 =	slt.u32 s8, $0xFFFFF086  }
0x1c: {  	p1 =	slt.u32 s9, $0xF7A;
	s5 =	simm.s32 @!p2 $0x0  }
0x1d: {  	s5 =	simm.s32 @p1 $0x1;
	p0 =	seq.s32 s7, s2  }
0x1e: {  	s7 =	smul.u32 @!p0 $0xF7A, s2;
	p2 =	seq.s32 @!p0 s5, $0x0  }
0x1f: {  	s9 =	smul.u32 $0xF7A, s1;
	s8 =	simm.s32 @!p0 $0x1BF5;
	p2 =	por !p2, p0  }
0x20: {  	[sflag:s8] =	ssyncset.s32 @!p0 $0xFFFFF086;
	s6 =	sadd.s32 @!p0 s3, s7;
	s7 =	simm.s32 @!p0 $0x108  }
0x21: {  	s3 =	sadd.s32 s3, s9;
	s6 =	sadd.s32 @!p0 $0x88, s6;
	s7 =	simm.s32 @p2 $0x1082  }
0x22: {  	[simem:s7], [sflag:s8] =	dma.local @!p0 [hbm:s6], $0xF7A  }
0x23: {  	s9 =	sor.u32 $0xD0000000, s2;
	s6 =	simm.s32 $0x108;
	_ =	swait.ge @!p0 [sflag:s8], $0x0  }
0x24: {  	s3 =	sadd.s32 $0x88, s3;
	s6 =	simm.s32 @!p1 $0x1082;
	[sflag:s4] =	ssyncset.s32 $0xFFFFF086  }
0x25: {  	[simem:s6], [sflag:s4] =	dma.local [hbm:s3], $0xF7A  }
0x26: {  	[smem:$0x3F97] =	sst s1;
	(tag) =	ssettag s2;
	_ =	strace s9  }
0x27: {  	s1 =	sld [smem:$0x3FA7]  }
0x28: {  	s2 =	sld [smem:$0x3FA8]  }
0x29: {  	s4 =	sld [smem:$0x3FAA]  }
0x2a: {  	p0 =	seq.s32 s5, $0x0;
	s5 =	sld [smem:$0x3FAB]  }
0x2b: {  	s6 =	sld [smem:$0x3FAC]  }
0x2c: {  	s7 =	sld [smem:$0x3FAD]  }
0x2d: {  	s3 =	simm.s32 $0x108;
	s8 =	sld [smem:$0x3FAE]  }
0x2e: {  	s3 =	simm.s32 @!p0 $0x1082;
	s9 =	sld [smem:$0x3FAF]  }
0x2f: {  	lr =	sadd.s32 s0, s3;
	s0 =	sld [smem:$0x3FA6]  }
0x30: {  	s3 =	sld [smem:$0x3FA9]  }
0x31: {  	[smem:$0x3FB2] =	sst s10  }
0x32: {  	s10 =	sld [smem:$0x3FB0];
	_ =	sdelay $0x3  }
0x33: {  	p0 =	seq.s32 s10, $0x1;
	s10 =	sld [smem:$0x3FB2];
	_ =	sdelay $0x3  }
0x34: {  	[smem:$0x3FB2] =	sst s10  }
0x35: {  	s10 =	sld [smem:$0x3FB1];
	_ =	sdelay $0x3  }
0x36: {  	p1 =	seq.s32 s10, $0x1;
	s10 =	sld [smem:$0x3FB2];
	_ =	sdelay $0x3  }
0x37: {  	[smem:$0x3FB2] =	sst s10  }
0x38: {  	s10 =	sld [smem:$0x3FB3]  }
0x39: {  	_ = 	snop;
	(pc) =	sbr.ind lr, $3  }
0x3a: {  	_ = 	snop  }
0x3b: {  	_ = 	snop  }
0x3c: {  	p2 =	seq.s32 s10, $0x1;
	s10 =	sld [smem:$0x3FB2]  }
0x3d: {  	_ =	shalt  }
0x3e: {  	_ =	shalt  }
0x3f: {  	_ =	shalt  }
0x40: {  	_ =	shalt  }
0x41: {  	_ =	shalt  }
0x42: {  	_ =	shalt  }
0x43: {  	_ =	shalt  }
0x44: {  	_ =	shalt  }
0x45: {  	_ =	shalt  }
0x46: {  	_ =	shalt  }
0x47: {  	_ =	shalt  }
0x48: {  	_ =	shalt  }
0x49: {  	_ =	shalt  }
0x4a: {  	_ =	shalt  }
0x4b: {  	_ =	shalt  }
0x4c: {  	_ =	shalt  }
0x4d: {  	_ =	shalt  }
0x4e: {  	_ =	shalt  }
0x4f: {  	_ =	shalt  }
0x50: {  	_ =	shalt  }
0x51: {  	_ =	shalt  }
0x52: {  	_ =	shalt  }
0x53: {  	_ =	shalt  }
0x54: {  	_ =	shalt  }
0x55: {  	_ =	shalt  }
0x56: {  	_ =	shalt  }
0x57: {  	_ =	shalt  }
0x58: {  	_ =	shalt  }
0x59: {  	_ =	shalt  }
0x5a: {  	_ =	shalt  }
0x5b: {  	_ =	shalt  }
0x5c: {  	_ =	shalt  }
0x5d: {  	_ =	shalt  }
0x5e: {  	_ =	shalt  }
0x5f: {  	_ =	shalt  }
0x60: {  	_ =	shalt  }
0x61: {  	_ =	shalt  }
0x62: {  	_ =	shalt  }
0x63: {  	_ =	shalt  }
0x64: {  	_ =	shalt  }
0x65: {  	_ =	shalt  }
0x66: {  	_ =	shalt  }
0x67: {  	_ =	shalt  }
0x68: {  	_ =	shalt  }
0x69: {  	_ =	shalt  }
0x6a: {  	_ =	shalt  }
0x6b: {  	_ =	shalt  }
0x6c: {  	_ =	shalt  }
0x6d: {  	_ =	shalt  }
0x6e: {  	_ =	shalt  }
0x6f: {  	_ =	shalt  }
0x70: {  	_ =	shalt  }
0x71: {  	_ =	shalt  }
0x72: {  	_ =	shalt  }
0x73: {  	_ =	shalt  }
0x74: {  	_ =	shalt  }
0x75: {  	_ =	shalt  }
0x76: {  	_ =	shalt  }
0x77: {  	_ =	shalt  }
0x78: {  	_ =	shalt  }
0x79: {  	_ =	shalt  }
0x7a: {  	_ =	shalt  }
0x7b: {  	_ =	shalt  }
0x7c: {  	_ =	shalt  }
0x7d: {  	_ =	shalt  }
0x7e: {  	_ =	shalt  }
0x7f: {  	_ =	shalt  }
0x80: {  	_ =	shalt  }
0x81: {  	_ =	shalt  }
0x82: {  	_ =	shalt  }
0x83: {  	_ =	shalt  }
0x84: {  	_ =	shalt  }
0x85: {  	_ =	shalt  }
0x86: {  	_ =	shalt  }
0x87: {  	_ =	shalt  }
.Lfunc_end0:
.L_simem_size_0:
called_computation.1_lowered:
.L_overlay_start_0:
0x88: {  	s2 =	sld [smem:$0x3FD9]  }
0x89: {  	s3 =	sld [smem:$0x3FFE];
	_ =	sdelay $0x1  }
0x8a: {  	s1 =	srdreg.scid  }
0x8b: {  	s0 =	sand.u32 $0x1, s1  }
0x8c: {  	s16 =	sshll.u32 s0, $0xA;
	s2 =	sadd.s32 s3, s2  }
0x8d: {  	s2 =	sadd.s32 s2, s16  }
0x8e: {  	[smem:$0x3FBE] =	sst s2  }
0x8f: {  	_ = 	snop  }
0x90: {  	(tm) =	ssettm $0x1  }
0x91: {  	s17 =	sld [smem:$0x3FFB];
	_ =	sdelay $0x3  }
0x92: {  	_ =	strace s17  }
0x93: {  	s2 =	sld [smem:$0x3FFC];
	_ =	sdelay $0x3  }
0x94: {  	_ =	strace s2  }
0x95: {  	s2 =	sld [smem:$0x3FFD];
	_ =	sdelay $0x3  }
0x96: {  	_ =	strace s2  }
0x97: {  	_ =	strace $0x8FFFFFFF  }
0x98: {  	s18 =	sld [smem:$0x3FDB];
	_ =	sdelay $0x1  }
0x99: {  	s19 =	simm.s32 $_scs_section_size  }
0x9a: {  	s4 =	simm.s32 $_size__tile_overlayer_lowered;
	s5 =	simm.s32 $_tile_overlayer_lowered  }
0x9b: {  	s22 =	simm.s32 $0x1BFF;
	s21 =	sshll.u32 s5, $0x1;
	s2 =	sadd.s32 s19, s18  }
0x9c: {  	s6 =	simm.s32 $0x0;
	s20 =	sshll.u32 s4, $0x1;
	s4 =	sadd.s32 s21, s2  }
0x9d: {  	[timem:s6], [sflag:s22] =	dma.local [hbm:s4], s20  }
0x9e: {  	_ =	swait.ge [sflag:s22], s20  }
0x9f: {  	s3 =	ssub.s32 $0x0, s20;
	[sflag:s22] =	ssyncset.done $0x0  }
0xa0: {  	[sflag:s22] =	ssyncadd.s32 s3;
	_ =	sdelay $0x1  }
0xa1: {  	s23 =	simm.s32 $0x1B8B  }
0xa2: {  	_ =	swait.ge [sflag:s23], $0x1  }
0xa3: {  	[sflag:s23] =	ssyncset.done $0x0  }
0xa4: {  	s25 =	simm.s32 $0x1B8E;
	s24 =	sld [smem:$0x3FFE];
	[sflag:s23] =	ssyncadd.s32 $0xFFFFFFFF  }
0xa5: {  	s26 =	simm.s32 $execute0_lowered;
	[smem:$0x3FD2] =	sst s25  }
0xa6: {  	s4 =	sshll.u32 s26, $0x1;
	_ =	strace $0x80000049;
	[dreg:$0x1] =	wrdreg $0xFFFFFFFF  }
0xa7: {  	s28 =	simm.s32 $_size_execute0_lowered;
	s2 =	sadd.s32 s2, s4;
	[dreg:$0x0] =	wrdreg $0x0  }
0xa8: {  	s4 =	sshll.u32 s28, $0x1;
	[dreg:$0x2] =	wrdreg s2  }
0xa9: {  	[dreg:$0x3] =	wrdreg s4  }
0xaa: {  	[dreg:$0x4] =	wrdreg $0xC0  }
0xab: {  	_ =	task [dreg:s6], $0x5FFFF  }
0xac: {  	[dreg:$0x1] =	wrdreg $0xFFFFFFFF  }
0xad: {  	[dreg:$0x0] =	wrdreg $0x60  }
0xae: {  	[dreg:$0x2] =	wrdreg s24  }
0xaf: {  	[dreg:$0x3] =	wrdreg $0x0  }
0xb0: {  	[dreg:$0x4] =	wrdreg $0x9  }
0xb1: {  	_ =	task.clear_ibuf [dreg:s6], $0x5FFFF;
	_ =	strace $0x90000049  }
0xb2: {  	s29 =	simm.s32 $0x9;
	_ =	strace $0x8000004B  }
0xb3: {  	_ =	swait.ge [sflag:s29], $0x1  }
0xb4: {  	[sflag:s29] =	ssyncadd.s32 $0xFFFFFFFF  }
0xb5: {  	_ =	strace $0x9000004B  }
0xb6: {  	_ =	sfence  }
0xb7: {  	s30 =	sld [smem:$0x0];
	_ =	sdelay $0x2  }
0xb8: {  	s31 =	sshll.u32 s1, $0xD;
	s1 =	sshrl.u32 s1, $0x2  }
0xb9: {  	s3 =	sand.u32 $0x4000, s31;
	s1 =	sadd.s32 s1, s30  }
0xba: {  	s0 =	sor.u32 s3, s0;
	s1 =	sshll.u32 s1, $0x11  }
0xbb: {  	s0 =	sor.u32 s1, s0  }
0xbc: {  	s0 =	sadd.s32 $0x8F2B, s0  }
0xbd: {  	[sflag:s0] =	ssyncadd.remote.s32 $0x1  }
0xbe: {  	_ =	sfence.sel $0xFFFF  }
0xbf: {  	[dreg:$0x0] =	wrdreg $0xFFFFFFFF;
	(pc) =	sbr.abs _section_cstart, $3  }
0xc0: {  	[dreg:$0x1] =	wrdreg $0xFFFFFFFF  }
0xc1: {  	_ =	task.clear_ibuf [dreg:s6], $0x2FFFF;
	_ =	strace $0x9FFFFFFF  }
0xc2: {  	(tm) =	ssettm $0x7FFFFFFF  }
0xc3: {  	_ =	shalt  }
tec
execute0_lowered:
.L_overlay_start_1:
0x0: {  	(tag) =	ssettag $0x1  }
0x1: {  	s0 =	rddreg [dreg:$0x0]  }
0x2: {  	s2 =	rddreg [dreg:$0x1]  }
0x3: {  	s3 =	simm.s32 $0x0;
	s13 =	stileid.u32;
	s1 =	srdreg.scid  }
0x4: {  	s28 =	simm.s32 $0x5480;
	s29 =	simm.s32 $0x5800;
	s30 =	simm.s32 $0x3  }
0x5: {  	[smem:$0x7FF] =	sst s3;
	s5 =	smul.u32 $0x5000, s13;
	s1 =	sand.u32 $0x1, s1  }
0x6: {  	s4 =	sadd.s32 $0x15800, s0;
	s8 =	sadd.s32 $0x1E00, s0;
	s16 =	sshll.u32 s13, $0x6  }
0x7: {  	s22 =	sshll.u32 s13, $0x4;
	s23 =	smul.u32 $0x4E0, s13;
	_ =	strace $0x8000004A  }
0x8: {  	s6 =	smul.u32 $0x50000, s1;
	s7 =	sshll.u32 s1, $0x4;
	s10 =	ssub.s32 $0x2, s1  }
0x9: {  	s14 =	sor.u32 $0x1C05, s16;
	s1 =	smul.u32 $0x4E00, s1;
	s9 =	sshrl.u32 s5, $0x3  }
0xa: {  	s7 =	sor.u32 s13, s7;
	s12 =	sshrl.u32 s10, $0x1;
	[dreg:$0x6] =	wrdreg s14  }
0xb: {  	s6 =	sadd.s32 s5, s6;
	s11 =	smul.u32 $0x2700, s7;
	s9 =	sadd.s32 s9, s0  }
0xc: {  	s31 =	ssub.s32 s10, s12;
	s5 =	sadd.s32 s5, s2;
	s9 =	sadd.s32 $0x1F800, s9  }
0xd: {  	s1 =	sadd.s32 s1, s8;
	s31 =	smax.u32 s31, $0x1;
	[dreg:$0x5] =	wrdreg s9  }
0xe: {  	p0 =	sgt.u32 s7, $0x3;
	s1 =	sadd.s32 s23, s1;
	[dreg:$0xf] =	wrdreg s31  }
0xf: {  	s16 =	sshrl.u32 s5, $0x3;
	s15 =	sshrl.u32 s11, $0x3;
	[dreg:$0x3] =	wrdreg s1  }
0x10: {  	s9 =	sadd.s32 s22, s8;
	[dreg:$0x10] =	wrdreg s16;
	s17 =	sadd.s32 s8, s15  }
0x11: {  	s6 =	sshrl.u32 s6, $0x3;
	s25 =	sadd.s32 $0x9C00, s9;
	[dreg:$0x4] =	wrdreg s17  }
0x12: {  	s0 =	sadd.s32 s6, s0;
	s26 =	sadd.s32 $0x13840, s9;
	[dreg:$0xc] =	wrdreg s25  }
0x13: {  	s7 =	simm.s32 $0x5380;
	s0 =	sadd.s32 $0x29800, s0;
	[dreg:$0xd] =	wrdreg s26  }
0x14: {  	s12 =	simm.s32 $0x2;
	s18 =	sadd.s32 $0x9C40, s17;
	[dreg:$0xe] =	wrdreg s0  }
0x15: {  	s23 =	simm.s32 $0x1;
	s19 =	sadd.s32 $0x60, s17;
	[dreg:$0x7] =	wrdreg s18  }
0x16: {  	s1 =	simm.s32 $0x0;
	s20 =	sadd.s32 $0x9CA0, s17;
	[dreg:$0x8] =	wrdreg s19  }
0x17: {  	s21 =	sadd.s32 $0x480, s17;
	s24 =	sadd.s32 $0xA0C0, s17;
	[dreg:$0x9] =	wrdreg s20  }
0x18: {  	s25 =	simm.s32 $0x5400;
	s26 =	simm.s32 $0x5780;
	[dreg:$0xa] =	wrdreg s21  }
0x19: {  	s0 =	simm.s32 $0x4;
	[dreg:$0xb] =	wrdreg s24;
	s18 =	simm.s32 $0x5  }
0x1a: {  	s21 =	simm.s32 $0x80;
	s24 =	simm.s32 $0x5700;
	s19 =	simm.s32 $0x5880  }
.LBB2_1:
0x1b: {  	[dreg:$0x11] =	wrdreg s1  }
0x1c: {  	s10 =	rddreg [dreg:$0x5]  }
0x1d: {  	[spmem:s16], [sflag:s14] =	dma.local [hbm:s10], $0xA00  }
0x1e: {  	_ =	swait.ge [sflag:s18], $0xA00  }
0x1f: {  	[sflag:s18] =	ssyncset.done $0x0  }
0x20: {  	[sflag:s18] =	ssyncadd.s32 $0xFFFFF600  }
0x21: {  	[bflag:$0x0] =	sbarrier.arrive $0xFFFF  }
0x22: {  	s16 =	simm.s32 $0x5000;
	s1 =	rddreg [dreg:$0x4]  }
0x23: {  	[tilespmem:s16], [sflag:$0x5] =	stream.linear.gather [hbm4b:s1+s3], $0x300, $0x38;
	[tilespmem:$0x11C00] =	vst v63  }
0x24: {  	_ =	swait.ge [sflag:s18], $0x300  }
0x25: {  	[sflag:s18] =	ssyncset.done $0x0  }
0x26: {  	s20 =	simm.s32 $0x5600;
	s5 =	rddreg [dreg:$0x7];
	[sflag:s18] =	ssyncadd.s32 $0xFFFFFD00  }
0x27: {  	[tilespmem:s20], [sflag:$0x5] =	stream.linear.gather [hbm4b:s5+s3], $0x300, $0x38;
	[tilespmem:$0x11C00] =	vst v63  }
0x28: {  	_ =	swait.ge [sflag:s18], $0x300  }
0x29: {  	[sflag:s18] =	ssyncset.done $0x0  }
0x2a: {  	s22 =	simm.s32 $0x5C00;
	[sflag:s18] =	ssyncadd.s32 $0xFFFFFD00  }
0x2b: {  	[tilespmem:s22], [sflag:$0x1] =	stream.indirect.gather [hbm4b:s4+s21], $0x20, s16, s21, $0xb8;
	[tilespmem:$0x11C00] =	vst v63  }
0x2c: {  	s6 =	simm.s32 $0x6C00;
	s5 =	simm.s32 $0x5080  }
0x2d: {  	[tilespmem:s6], [sflag:$0x1] =	stream.indirect.gather [hbm4b:s4+s21], $0x20, s5, s21, $0xb8;
	[tilespmem:$0x11C00] =	vst v63  }
0x2e: {  	s8 =	simm.s32 $0x5100;
	s9 =	simm.s32 $0x7C00  }
0x2f: {  	[tilespmem:s9], [sflag:$0x1] =	stream.indirect.gather [hbm4b:s4+s21], $0x20, s8, s21, $0xb8;
	[tilespmem:$0x11C00] =	vst v63  }
0x30: {  	s31 =	simm.s32 $0x8C00;
	s10 =	simm.s32 $0x5180  }
0x31: {  	[tilespmem:s31], [sflag:$0x1] =	stream.indirect.gather [hbm4b:s4+s21], $0x20, s10, s21, $0xb8;
	[tilespmem:$0x11C00] =	vst v63  }
0x32: {  	s11 =	simm.s32 $0x5200;
	s1 =	simm.s32 $0x9C00  }
0x33: {  	[tilespmem:s1], [sflag:$0x1] =	stream.indirect.gather [hbm4b:s4+s21], $0x20, s11, s21, $0xb8;
	[tilespmem:$0x11C00] =	vst v63  }
0x34: {  	s13 =	simm.s32 $0x5280;
	s9 =	simm.s32 $0xAC00  }
0x35: {  	[tilespmem:s9], [sflag:$0x1] =	stream.indirect.gather [hbm4b:s4+s21], $0x20, s13, s21, $0xb8;
	[tilespmem:$0x11C00] =	vst v63  }
0x36: {  	s15 =	rddreg [dreg:$0x8];
	s8 =	simm.s32 $0x5300  }
0x37: {  	[tilespmem:s8], [sflag:$0x5] =	stream.linear.gather [hbm4b:s15+s3], $0x300, $0x38;
	[tilespmem:$0x11C00] =	vst v63  }
0x38: {  	_ =	swait.ge [sflag:s18], $0x300  }
0x39: {  	[sflag:s18] =	ssyncset.done $0x0  }
0x3a: {  	s5 =	simm.s32 $0x5900;
	s17 =	rddreg [dreg:$0x9];
	[sflag:s18] =	ssyncadd.s32 $0xFFFFFD00  }
0x3b: {  	[tilespmem:s5], [sflag:$0x5] =	stream.linear.gather [hbm4b:s17+s3], $0x300, $0x38;
	[tilespmem:$0x11C00] =	vst v63  }
0x3c: {  	_ =	swait.ge [sflag:s18], $0x300  }
0x3d: {  	[sflag:s18] =	ssyncset.done $0x0  }
0x3e: {  	s11 =	simm.s32 $0xBC00;
	[sflag:s18] =	ssyncadd.s32 $0xFFFFFD00  }
0x3f: {  	[tilespmem:s11], [sflag:$0x2] =	stream.indirect.gather [hbm4b:s4+s21], $0x20, s8, s21, $0xb8;
	[tilespmem:$0x11C00] =	vst v63  }
0x40: {  	s13 =	simm.s32 $0xCC00  }
0x41: {  	[tilespmem:s13], [sflag:$0x2] =	stream.indirect.gather [hbm4b:s4+s21], $0x20, s7, s21, $0xb8;
	[tilespmem:$0x11C00] =	vst v63  }
0x42: {  	s15 =	simm.s32 $0xDC00  }
0x43: {  	[tilespmem:s15], [sflag:$0x2] =	stream.indirect.gather [hbm4b:s4+s21], $0x20, s25, s21, $0xb8;
	[tilespmem:$0x11C00] =	vst v63  }
0x44: {  	s25 =	simm.s32 $0xEC00  }
0x45: {  	[tilespmem:s25], [sflag:$0x2] =	stream.indirect.gather [hbm4b:s4+s21], $0x20, s28, s21, $0xb8;
	[tilespmem:$0x11C00] =	vst v63  }
0x46: {  	s10 =	simm.s32 $0x5500;
	s17 =	simm.s32 $0xFC00  }
0x47: {  	[tilespmem:s17], [sflag:$0x2] =	stream.indirect.gather [hbm4b:s4+s21], $0x20, s10, s21, $0xb8;
	[tilespmem:$0x11C00] =	vst v63  }
0x48: {  	s28 =	simm.s32 $0x5580;
	s10 =	simm.s32 $0x10C00  }
0x49: {  	[tilespmem:s10], [sflag:$0x2] =	stream.indirect.gather [hbm4b:s4+s21], $0x20, s28, s21, $0xb8;
	[tilespmem:$0x11C00] =	vst v63  }
0x4a: {  	_ =	swait.ge [sflag:s23], $0x1000  }
0x4b: {  	[sflag:s23] =	ssyncset.done $0x0  }
0x4c: {  	[sflag:s23] =	ssyncadd.s32 $0xFFFFF000  }
0x4d: {  	_ =	swait.ge [sflag:s23], $0x1000  }
0x4e: {  	[sflag:s23] =	ssyncset.done $0x0  }
0x4f: {  	[sflag:s23] =	ssyncadd.s32 $0xFFFFF000  }
0x50: {  	_ =	swait.ge [sflag:s23], $0x1000  }
0x51: {  	[sflag:s23] =	ssyncset.done $0x0  }
0x52: {  	[sflag:s23] =	ssyncadd.s32 $0xFFFFF000  }
0x53: {  	_ =	swait.ge [sflag:s23], $0x1000  }
0x54: {  	[sflag:s23] =	ssyncset.done $0x0  }
0x55: {  	[sflag:s23] =	ssyncadd.s32 $0xFFFFF000  }
0x56: {  	_ =	swait.ge [sflag:s23], $0x1000  }
0x57: {  	[sflag:s23] =	ssyncset.done $0x0  }
0x58: {  	[sflag:s23] =	ssyncadd.s32 $0xFFFFF000  }
0x59: {  	_ =	swait.ge [sflag:s23], $0x1000  }
0x5a: {  	[sflag:s23] =	ssyncset.done $0x0  }
0x5b: {  	[sflag:s23] =	ssyncadd.s32 $0xFFFFF000  }
0x5c: {  	[spmem:s2] =	stream.indirect.scatter.add.f32 [tilespmem:s22], [sflag:$0x3], $0x20, s20, s21, $0xb8;
	[tilespmem:$0x11C00] =	vst v63  }
0x5d: {  	s6 =	simm.s32 $0x6C00;
	s28 =	simm.s32 $0x5680  }
0x5e: {  	[spmem:s2] =	stream.indirect.scatter.add.f32 [tilespmem:s6], [sflag:$0x3], $0x20, s28, s21, $0xb8;
	[tilespmem:$0x11C00] =	vst v63  }
0x5f: {  	s14 =	simm.s32 $0x7C00  }
0x60: {  	[spmem:s2] =	stream.indirect.scatter.add.f32 [tilespmem:s14], [sflag:$0x3], $0x20, s24, s21, $0xb8;
	[tilespmem:$0x11C00] =	vst v63  }
0x61: {  	_ = 	snop  }
0x62: {  	[spmem:s2] =	stream.indirect.scatter.add.f32 [tilespmem:s31], [sflag:$0x3], $0x20, s26, s21, $0xb8;
	[tilespmem:$0x11C00] =	vst v63  }
0x63: {  	_ = 	snop  }
0x64: {  	[spmem:s2] =	stream.indirect.scatter.add.f32 [tilespmem:s1], [sflag:$0x3], $0x20, s29, s21, $0xb8;
	[tilespmem:$0x11C00] =	vst v63  }
0x65: {  	_ = 	snop  }
0x66: {  	[spmem:s2] =	stream.indirect.scatter.add.f32 [tilespmem:s9], [sflag:$0x3], $0x20, s19, s21, $0xb8;
	[tilespmem:$0x11C00] =	vst v63  }
0x67: {  	_ =	swait.ge [sflag:s12], $0x1000  }
0x68: {  	[sflag:s12] =	ssyncset.done $0x0  }
0x69: {  	[sflag:s12] =	ssyncadd.s32 $0xFFFFF000  }
0x6a: {  	_ =	swait.ge [sflag:s12], $0x1000  }
0x6b: {  	[sflag:s12] =	ssyncset.done $0x0  }
0x6c: {  	[sflag:s12] =	ssyncadd.s32 $0xFFFFF000  }
0x6d: {  	_ =	swait.ge [sflag:s12], $0x1000  }
0x6e: {  	[sflag:s12] =	ssyncset.done $0x0  }
0x6f: {  	[sflag:s12] =	ssyncadd.s32 $0xFFFFF000  }
0x70: {  	_ =	swait.ge [sflag:s12], $0x1000  }
0x71: {  	[sflag:s12] =	ssyncset.done $0x0  }
0x72: {  	[sflag:s12] =	ssyncadd.s32 $0xFFFFF000  }
0x73: {  	_ =	swait.ge [sflag:s12], $0x1000  }
0x74: {  	[sflag:s12] =	ssyncset.done $0x0  }
0x75: {  	[sflag:s12] =	ssyncadd.s32 $0xFFFFF000  }
0x76: {  	_ =	swait.ge [sflag:s12], $0x1000  }
0x77: {  	[sflag:s12] =	ssyncset.done $0x0  }
0x78: {  	[sflag:s12] =	ssyncadd.s32 $0xFFFFF000  }
0x79: {  	[spmem:s2] =	stream.indirect.scatter.add.f32 [tilespmem:s11], [sflag:$0x4], $0x20, s5, s21, $0xb8;
	[tilespmem:$0x11C00] =	vst v63  }
0x7a: {  	s14 =	simm.s32 $0x5980  }
0x7b: {  	[spmem:s2] =	stream.indirect.scatter.add.f32 [tilespmem:s13], [sflag:$0x4], $0x20, s14, s21, $0xb8;
	[tilespmem:$0x11C00] =	vst v63  }
0x7c: {  	s14 =	simm.s32 $0x5A00  }
0x7d: {  	[spmem:s2] =	stream.indirect.scatter.add.f32 [tilespmem:s15], [sflag:$0x4], $0x20, s14, s21, $0xb8;
	[tilespmem:$0x11C00] =	vst v63  }
0x7e: {  	s14 =	simm.s32 $0x5A80  }
0x7f: {  	[spmem:s2] =	stream.indirect.scatter.add.f32 [tilespmem:s25], [sflag:$0x4], $0x20, s14, s21, $0xb8;
	[tilespmem:$0x11C00] =	vst v63  }
0x80: {  	s14 =	simm.s32 $0x5B00  }
0x81: {  	[spmem:s2] =	stream.indirect.scatter.add.f32 [tilespmem:s17], [sflag:$0x4], $0x20, s14, s21, $0xb8;
	[tilespmem:$0x11C00] =	vst v63  }
0x82: {  	s14 =	simm.s32 $0x5B80  }
0x83: {  	[spmem:s2] =	stream.indirect.scatter.add.f32 [tilespmem:s10], [sflag:$0x4], $0x20, s14, s21, $0xb8;
	[tilespmem:$0x11C00] =	vst v63  }
0x84: {  	_ =	swait.ge [sflag:s30], $0x1000  }
0x85: {  	[sflag:s30] =	ssyncset.done $0x0  }
0x86: {  	[sflag:s30] =	ssyncadd.s32 $0xFFFFF000  }
0x87: {  	_ =	swait.ge [sflag:s30], $0x1000  }
0x88: {  	[sflag:s30] =	ssyncset.done $0x0  }
0x89: {  	[sflag:s30] =	ssyncadd.s32 $0xFFFFF000  }
0x8a: {  	_ =	swait.ge [sflag:s30], $0x1000  }
0x8b: {  	[sflag:s30] =	ssyncset.done $0x0  }
0x8c: {  	[sflag:s30] =	ssyncadd.s32 $0xFFFFF000  }
0x8d: {  	_ =	swait.ge [sflag:s30], $0x1000  }
0x8e: {  	[sflag:s30] =	ssyncset.done $0x0  }
0x8f: {  	[sflag:s30] =	ssyncadd.s32 $0xFFFFF000  }
0x90: {  	_ =	swait.ge [sflag:s30], $0x1000  }
0x91: {  	[sflag:s30] =	ssyncset.done $0x0  }
0x92: {  	[sflag:s30] =	ssyncadd.s32 $0xFFFFF000  }
0x93: {  	_ =	swait.ge [sflag:s30], $0x1000  }
0x94: {  	s14 =	rddreg [dreg:$0x3]  }
0x95: {  	[sflag:s30] =	ssyncset.done $0x0;
	s10 =	sadd.s32 $0x0, s14  }
0x96: {  	[sflag:s30] =	ssyncadd.s32 $0xFFFFF000;
	s7 =	sadd.s32 $0xC0, s10  }
0x97: {  	[tilespmem:s16], [sflag:$0x5] =	stream.linear.gather [hbm4b:s7+s3], $0x300, $0x38;
	[tilespmem:$0x11C00] =	vst v63  }
0x98: {  	_ =	swait.ge [sflag:s18], $0x300  }
0x99: {  	[sflag:s18] =	ssyncset.done $0x0  }
0x9a: {  	s7 =	sadd.s32 $0x9D00, s10;
	[sflag:s18] =	ssyncadd.s32 $0xFFFFFD00  }
0x9b: {  	[tilespmem:s20], [sflag:$0x5] =	stream.linear.gather [hbm4b:s7+s3], $0x300, $0x38;
	[tilespmem:$0x11C00] =	vst v63  }
0x9c: {  	_ =	swait.ge [sflag:s18], $0x300  }
0x9d: {  	[sflag:s18] =	ssyncset.done $0x0  }
0x9e: {  	[sflag:s18] =	ssyncadd.s32 $0xFFFFFD00  }
0x9f: {  	[tilespmem:s22], [sflag:$0x1] =	stream.indirect.gather [hbm4b:s4+s21], $0x20, s16, s21, $0xb8;
	[tilespmem:$0x11C00] =	vst v63  }
0xa0: {  	s6 =	simm.s32 $0x6C00;
	s20 =	simm.s32 $0x5080  }
0xa1: {  	[tilespmem:s6], [sflag:$0x1] =	stream.indirect.gather [hbm4b:s4+s21], $0x20, s20, s21, $0xb8;
	[tilespmem:$0x11C00] =	vst v63  }
0xa2: {  	s28 =	simm.s32 $0x7C00;
	s22 =	simm.s32 $0x5100  }
0xa3: {  	[tilespmem:s28], [sflag:$0x1] =	stream.indirect.gather [hbm4b:s4+s21], $0x20, s22, s21, $0xb8;
	[tilespmem:$0x11C00] =	vst v63  }
0xa4: {  	s28 =	simm.s32 $0x5180  }
0xa5: {  	[tilespmem:s31], [sflag:$0x1] =	stream.indirect.gather [hbm4b:s4+s21], $0x20, s28, s21, $0xb8;
	[tilespmem:$0x11C00] =	vst v63  }
0xa6: {  	s14 =	simm.s32 $0x5200  }
0xa7: {  	[tilespmem:s1], [sflag:$0x1] =	stream.indirect.gather [hbm4b:s4+s21], $0x20, s14, s21, $0xb8;
	[tilespmem:$0x11C00] =	vst v63  }
0xa8: {  	s22 =	simm.s32 $0x5280  }
0xa9: {  	[tilespmem:s9], [sflag:$0x1] =	stream.indirect.gather [hbm4b:s4+s21], $0x20, s22, s21, $0xb8;
	[tilespmem:$0x11C00] =	vst v63  }
0xaa: {  	_ =	swait.ge [sflag:s0], $0x1000  }
0xab: {  	[sflag:s0] =	ssyncset.done $0x0  }
0xac: {  	[sflag:s0] =	ssyncadd.s32 $0xFFFFF000  }
0xad: {  	_ =	swait.ge [sflag:s0], $0x1000  }
0xae: {  	[sflag:s0] =	ssyncset.done $0x0  }
0xaf: {  	[sflag:s0] =	ssyncadd.s32 $0xFFFFF000  }
0xb0: {  	_ =	swait.ge [sflag:s0], $0x1000  }
0xb1: {  	[sflag:s0] =	ssyncset.done $0x0  }
0xb2: {  	[sflag:s0] =	ssyncadd.s32 $0xFFFFF000  }
0xb3: {  	_ =	swait.ge [sflag:s0], $0x1000  }
0xb4: {  	[sflag:s0] =	ssyncset.done $0x0  }
0xb5: {  	[sflag:s0] =	ssyncadd.s32 $0xFFFFF000  }
0xb6: {  	_ =	swait.ge [sflag:s0], $0x1000  }
0xb7: {  	[sflag:s0] =	ssyncset.done $0x0  }
0xb8: {  	[sflag:s0] =	ssyncadd.s32 $0xFFFFF000  }
0xb9: {  	_ =	swait.ge [sflag:s0], $0x1000  }
0xba: {  	[sflag:s0] =	ssyncset.done $0x0  }
0xbb: {  	s28 =	sadd.s32 $0x120, s10;
	[sflag:s0] =	ssyncadd.s32 $0xFFFFF000  }
0xbc: {  	[tilespmem:s8], [sflag:$0x5] =	stream.linear.gather [hbm4b:s28+s3], $0x300, $0x38;
	[tilespmem:$0x11C00] =	vst v63  }
0xbd: {  	_ =	swait.ge [sflag:s18], $0x300  }
0xbe: {  	[sflag:s18] =	ssyncset.done $0x0  }
0xbf: {  	s10 =	sadd.s32 $0x9D60, s10;
	[sflag:s18] =	ssyncadd.s32 $0xFFFFFD00  }
0xc0: {  	[tilespmem:s5], [sflag:$0x5] =	stream.linear.gather [hbm4b:s10+s3], $0x300, $0x38;
	[tilespmem:$0x11C00] =	vst v63  }
0xc1: {  	_ =	swait.ge [sflag:s18], $0x300  }
0xc2: {  	[sflag:s18] =	ssyncset.done $0x0  }
0xc3: {  	[sflag:s18] =	ssyncadd.s32 $0xFFFFFD00  }
0xc4: {  	[tilespmem:s11], [sflag:$0x2] =	stream.indirect.gather [hbm4b:s4+s21], $0x20, s8, s21, $0xb8;
	[tilespmem:$0x11C00] =	vst v63  }
0xc5: {  	s7 =	simm.s32 $0x5380  }
0xc6: {  	[tilespmem:s13], [sflag:$0x2] =	stream.indirect.gather [hbm4b:s4+s21], $0x20, s7, s21, $0xb8;
	[tilespmem:$0x11C00] =	vst v63  }
0xc7: {  	s16 =	simm.s32 $0x5400  }
0xc8: {  	[tilespmem:s15], [sflag:$0x2] =	stream.indirect.gather [hbm4b:s4+s21], $0x20, s16, s21, $0xb8;
	[tilespmem:$0x11C00] =	vst v63  }
0xc9: {  	s20 =	simm.s32 $0x5480  }
0xca: {  	[tilespmem:s25], [sflag:$0x2] =	stream.indirect.gather [hbm4b:s4+s21], $0x20, s20, s21, $0xb8;
	[tilespmem:$0x11C00] =	vst v63  }
0xcb: {  	s31 =	simm.s32 $0x5500;
	s10 =	simm.s32 $0xC0  }
0xcc: {  	[tilespmem:s17], [sflag:$0x2] =	stream.indirect.gather [hbm4b:s4+s21], $0x20, s31, s21, $0xb8;
	[tilespmem:$0x11C00] =	vst v63  }
.LBB2_2:
0xcd: {  	s14 =	simm.s32 $0x5580;
	s16 =	simm.s32 $0x10C00  }
0xce: {  	[tilespmem:s16], [sflag:$0x2] =	stream.indirect.gather [hbm4b:s4+s21], $0x20, s14, s21, $0xb8;
	[tilespmem:$0x11C00] =	vst v63  }
0xcf: {  	_ =	swait.ge [sflag:s23], $0x1000  }
0xd0: {  	[sflag:s23] =	ssyncset.done $0x0  }
0xd1: {  	[sflag:s23] =	ssyncadd.s32 $0xFFFFF000  }
0xd2: {  	_ =	swait.ge [sflag:s23], $0x1000  }
0xd3: {  	[sflag:s23] =	ssyncset.done $0x0  }
0xd4: {  	[sflag:s23] =	ssyncadd.s32 $0xFFFFF000  }
0xd5: {  	_ =	swait.ge [sflag:s23], $0x1000  }
0xd6: {  	[sflag:s23] =	ssyncset.done $0x0  }
0xd7: {  	[sflag:s23] =	ssyncadd.s32 $0xFFFFF000  }
0xd8: {  	_ =	swait.ge [sflag:s23], $0x1000  }
0xd9: {  	[sflag:s23] =	ssyncset.done $0x0  }
0xda: {  	[sflag:s23] =	ssyncadd.s32 $0xFFFFF000  }
0xdb: {  	_ =	swait.ge [sflag:s23], $0x1000  }
0xdc: {  	[sflag:s23] =	ssyncset.done $0x0  }
0xdd: {  	[sflag:s23] =	ssyncadd.s32 $0xFFFFF000  }
0xde: {  	_ =	swait.ge [sflag:s23], $0x1000  }
0xdf: {  	[sflag:s23] =	ssyncset.done $0x0  }
0xe0: {  	s22 =	simm.s32 $0x5600;
	s7 =	simm.s32 $0x5C00;
	[sflag:s23] =	ssyncadd.s32 $0xFFFFF000  }
0xe1: {  	[spmem:s2] =	stream.indirect.scatter.add.f32 [tilespmem:s7], [sflag:$0x3], $0x20, s22, s21, $0xb8;
	[tilespmem:$0x11C00] =	vst v63  }
0xe2: {  	s25 =	simm.s32 $0x6C00;
	s1 =	simm.s32 $0x5680  }
0xe3: {  	[spmem:s2] =	stream.indirect.scatter.add.f32 [tilespmem:s25], [sflag:$0x3], $0x20, s1, s21, $0xb8;
	[tilespmem:$0x11C00] =	vst v63  }
0xe4: {  	s28 =	simm.s32 $0x7C00  }
0xe5: {  	[spmem:s2] =	stream.indirect.scatter.add.f32 [tilespmem:s28], [sflag:$0x3], $0x20, s24, s21, $0xb8;
	[tilespmem:$0x11C00] =	vst v63  }
0xe6: {  	s31 =	simm.s32 $0x8C00  }
0xe7: {  	[spmem:s2] =	stream.indirect.scatter.add.f32 [tilespmem:s31], [sflag:$0x3], $0x20, s26, s21, $0xb8;
	[tilespmem:$0x11C00] =	vst v63  }
0xe8: {  	s1 =	simm.s32 $0x9C00  }
0xe9: {  	[spmem:s2] =	stream.indirect.scatter.add.f32 [tilespmem:s1], [sflag:$0x3], $0x20, s29, s21, $0xb8;
	[tilespmem:$0x11C00] =	vst v63  }
0xea: {  	s6 =	simm.s32 $0xAC00  }
0xeb: {  	[spmem:s2] =	stream.indirect.scatter.add.f32 [tilespmem:s6], [sflag:$0x3], $0x20, s19, s21, $0xb8;
	[tilespmem:$0x11C00] =	vst v63  }
0xec: {  	_ =	swait.ge [sflag:s12], $0x1000  }
0xed: {  	[sflag:s12] =	ssyncset.done $0x0  }
0xee: {  	[sflag:s12] =	ssyncadd.s32 $0xFFFFF000  }
0xef: {  	_ =	swait.ge [sflag:s12], $0x1000  }
0xf0: {  	[sflag:s12] =	ssyncset.done $0x0  }
0xf1: {  	[sflag:s12] =	ssyncadd.s32 $0xFFFFF000  }
0xf2: {  	_ =	swait.ge [sflag:s12], $0x1000  }
0xf3: {  	[sflag:s12] =	ssyncset.done $0x0  }
0xf4: {  	[sflag:s12] =	ssyncadd.s32 $0xFFFFF000  }
0xf5: {  	_ =	swait.ge [sflag:s12], $0x1000  }
0xf6: {  	[sflag:s12] =	ssyncset.done $0x0  }
0xf7: {  	[sflag:s12] =	ssyncadd.s32 $0xFFFFF000  }
0xf8: {  	_ =	swait.ge [sflag:s12], $0x1000  }
0xf9: {  	[sflag:s12] =	ssyncset.done $0x0  }
0xfa: {  	[sflag:s12] =	ssyncadd.s32 $0xFFFFF000  }
0xfb: {  	_ =	swait.ge [sflag:s12], $0x1000  }
0xfc: {  	[sflag:s12] =	ssyncset.done $0x0  }
0xfd: {  	s9 =	simm.s32 $0x5900;
	s11 =	simm.s32 $0xBC00;
	[sflag:s12] =	ssyncadd.s32 $0xFFFFF000  }
0xfe: {  	[spmem:s2] =	stream.indirect.scatter.add.f32 [tilespmem:s11], [sflag:$0x4], $0x20, s9, s21, $0xb8;
	[tilespmem:$0x11C00] =	vst v63  }
0xff: {  	s13 =	simm.s32 $0xCC00;
	s5 =	simm.s32 $0x5980  }
0x100: {  	[spmem:s2] =	stream.indirect.scatter.add.f32 [tilespmem:s13], [sflag:$0x4], $0x20, s5, s21, $0xb8;
	[tilespmem:$0x11C00] =	vst v63  }
0x101: {  	s15 =	simm.s32 $0xDC00;
	s17 =	simm.s32 $0x5A00  }
0x102: {  	[spmem:s2] =	stream.indirect.scatter.add.f32 [tilespmem:s15], [sflag:$0x4], $0x20, s17, s21, $0xb8;
	[tilespmem:$0x11C00] =	vst v63  }
0x103: {  	s5 =	simm.s32 $0xEC00;
	s17 =	simm.s32 $0x5A80  }
0x104: {  	[spmem:s2] =	stream.indirect.scatter.add.f32 [tilespmem:s5], [sflag:$0x4], $0x20, s17, s21, $0xb8;
	[tilespmem:$0x11C00] =	vst v63  }
0x105: {  	s20 =	simm.s32 $0x5B00;
	s17 =	simm.s32 $0xFC00  }
0x106: {  	[spmem:s2] =	stream.indirect.scatter.add.f32 [tilespmem:s17], [sflag:$0x4], $0x20, s20, s21, $0xb8;
	[tilespmem:$0x11C00] =	vst v63  }
0x107: {  	s20 =	simm.s32 $0x5B80  }
0x108: {  	[spmem:s2] =	stream.indirect.scatter.add.f32 [tilespmem:s16], [sflag:$0x4], $0x20, s20, s21, $0xb8;
	[tilespmem:$0x11C00] =	vst v63  }
0x109: {  	_ =	swait.ge [sflag:s30], $0x1000  }
0x10a: {  	[sflag:s30] =	ssyncset.done $0x0  }
0x10b: {  	[sflag:s30] =	ssyncadd.s32 $0xFFFFF000  }
0x10c: {  	_ =	swait.ge [sflag:s30], $0x1000  }
0x10d: {  	[sflag:s30] =	ssyncset.done $0x0  }
0x10e: {  	[sflag:s30] =	ssyncadd.s32 $0xFFFFF000  }
0x10f: {  	_ =	swait.ge [sflag:s30], $0x1000  }
0x110: {  	[sflag:s30] =	ssyncset.done $0x0  }
0x111: {  	[sflag:s30] =	ssyncadd.s32 $0xFFFFF000  }
0x112: {  	_ =	swait.ge [sflag:s30], $0x1000  }
0x113: {  	[sflag:s30] =	ssyncset.done $0x0  }
0x114: {  	[sflag:s30] =	ssyncadd.s32 $0xFFFFF000  }
0x115: {  	_ =	swait.ge [sflag:s30], $0x1000  }
0x116: {  	[sflag:s30] =	ssyncset.done $0x0  }
0x117: {  	[sflag:s30] =	ssyncadd.s32 $0xFFFFF000  }
0x118: {  	_ =	swait.ge [sflag:s30], $0x1000  }
0x119: {  	s14 =	smov.u32 s10;
	s20 =	rddreg [dreg:$0x3]  }
0x11a: {  	[sflag:s30] =	ssyncset.done $0x0;
	s14 =	sadd.s32 s14, s20  }
0x11b: {  	[sflag:s30] =	ssyncadd.s32 $0xFFFFF000;
	s20 =	simm.s32 $0x5000;
	s16 =	sadd.s32 $0xC0, s14  }
0x11c: {  	[tilespmem:s20], [sflag:$0x5] =	stream.linear.gather [hbm4b:s16+s3], $0x300, $0x38;
	[tilespmem:$0x11C00] =	vst v63  }
0x11d: {  	_ =	swait.ge [sflag:s18], $0x300  }
0x11e: {  	[sflag:s18] =	ssyncset.done $0x0  }
0x11f: {  	s16 =	sadd.s32 $0x9D00, s14;
	[sflag:s18] =	ssyncadd.s32 $0xFFFFFD00  }
0x120: {  	[tilespmem:s22], [sflag:$0x5] =	stream.linear.gather [hbm4b:s16+s3], $0x300, $0x38;
	[tilespmem:$0x11C00] =	vst v63  }
0x121: {  	_ =	swait.ge [sflag:s18], $0x300  }
0x122: {  	[sflag:s18] =	ssyncset.done $0x0  }
0x123: {  	[sflag:s18] =	ssyncadd.s32 $0xFFFFFD00  }
0x124: {  	[tilespmem:s7], [sflag:$0x1] =	stream.indirect.gather [hbm4b:s4+s21], $0x20, s20, s21, $0xb8;
	[tilespmem:$0x11C00] =	vst v63  }
0x125: {  	s20 =	simm.s32 $0x5080  }
0x126: {  	[tilespmem:s25], [sflag:$0x1] =	stream.indirect.gather [hbm4b:s4+s21], $0x20, s20, s21, $0xb8;
	[tilespmem:$0x11C00] =	vst v63  }
0x127: {  	s22 =	simm.s32 $0x5100  }
0x128: {  	[tilespmem:s28], [sflag:$0x1] =	stream.indirect.gather [hbm4b:s4+s21], $0x20, s22, s21, $0xb8;
	[tilespmem:$0x11C00] =	vst v63  }
0x129: {  	s25 =	simm.s32 $0x5180  }
0x12a: {  	[tilespmem:s31], [sflag:$0x1] =	stream.indirect.gather [hbm4b:s4+s21], $0x20, s25, s21, $0xb8;
	[tilespmem:$0x11C00] =	vst v63  }
0x12b: {  	s28 =	simm.s32 $0x5200  }
0x12c: {  	[tilespmem:s1], [sflag:$0x1] =	stream.indirect.gather [hbm4b:s4+s21], $0x20, s28, s21, $0xb8;
	[tilespmem:$0x11C00] =	vst v63  }
0x12d: {  	s1 =	simm.s32 $0x5280  }
0x12e: {  	[tilespmem:s6], [sflag:$0x1] =	stream.indirect.gather [hbm4b:s4+s21], $0x20, s1, s21, $0xb8;
	[tilespmem:$0x11C00] =	vst v63  }
0x12f: {  	_ =	swait.ge [sflag:s0], $0x1000  }
0x130: {  	[sflag:s0] =	ssyncset.done $0x0  }
0x131: {  	[sflag:s0] =	ssyncadd.s32 $0xFFFFF000  }
0x132: {  	_ =	swait.ge [sflag:s0], $0x1000  }
0x133: {  	[sflag:s0] =	ssyncset.done $0x0  }
0x134: {  	[sflag:s0] =	ssyncadd.s32 $0xFFFFF000  }
0x135: {  	_ =	swait.ge [sflag:s0], $0x1000  }
0x136: {  	[sflag:s0] =	ssyncset.done $0x0  }
0x137: {  	[sflag:s0] =	ssyncadd.s32 $0xFFFFF000  }
0x138: {  	_ =	swait.ge [sflag:s0], $0x1000  }
0x139: {  	[sflag:s0] =	ssyncset.done $0x0  }
0x13a: {  	[sflag:s0] =	ssyncadd.s32 $0xFFFFF000  }
0x13b: {  	_ =	swait.ge [sflag:s0], $0x1000  }
0x13c: {  	[sflag:s0] =	ssyncset.done $0x0  }
0x13d: {  	[sflag:s0] =	ssyncadd.s32 $0xFFFFF000  }
0x13e: {  	_ =	swait.ge [sflag:s0], $0x1000  }
0x13f: {  	[sflag:s0] =	ssyncset.done $0x0  }
0x140: {  	s7 =	sadd.s32 $0x120, s14;
	[sflag:s0] =	ssyncadd.s32 $0xFFFFF000  }
0x141: {  	[tilespmem:s8], [sflag:$0x5] =	stream.linear.gather [hbm4b:s7+s3], $0x300, $0x38;
	[tilespmem:$0x11C00] =	vst v63  }
0x142: {  	_ =	swait.ge [sflag:s18], $0x300  }
0x143: {  	[sflag:s18] =	ssyncset.done $0x0  }
0x144: {  	s14 =	sadd.s32 $0x9D60, s14;
	[sflag:s18] =	ssyncadd.s32 $0xFFFFFD00  }
0x145: {  	[tilespmem:s9], [sflag:$0x5] =	stream.linear.gather [hbm4b:s14+s3], $0x300, $0x38;
	[tilespmem:$0x11C00] =	vst v63  }
0x146: {  	_ =	swait.ge [sflag:s18], $0x300  }
0x147: {  	[sflag:s18] =	ssyncset.done $0x0  }
0x148: {  	[sflag:s18] =	ssyncadd.s32 $0xFFFFFD00  }
0x149: {  	[tilespmem:s11], [sflag:$0x2] =	stream.indirect.gather [hbm4b:s4+s21], $0x20, s8, s21, $0xb8;
	[tilespmem:$0x11C00] =	vst v63  }
0x14a: {  	s20 =	simm.s32 $0x5380  }
0x14b: {  	[tilespmem:s13], [sflag:$0x2] =	stream.indirect.gather [hbm4b:s4+s21], $0x20, s20, s21, $0xb8;
	[tilespmem:$0x11C00] =	vst v63  }
0x14c: {  	p1 =	sne.s32 s10, $0x300;
	s10 =	sadd.s32 $0xC0, s10;
	s22 =	simm.s32 $0x5400  }
0x14d: {  	[tilespmem:s15], [sflag:$0x2] =	stream.indirect.gather [hbm4b:s4+s21], $0x20, s22, s21, $0xb8;
	[tilespmem:$0x11C00] =	vst v63  }
.Ltmp0:
0x14e: {  	s31 =	simm.s32 $0x5900;
	s25 =	simm.s32 $0x5480;
	(pc) =	sbr.rel @p1 .LBB2_2-.Ltmp0, $4  }
0x14f: {  	s28 =	simm.s32 $0x5500;
	s9 =	simm.s32 $0xBC00;
	s11 =	simm.s32 $0xCC00  }
0x150: {  	[tilespmem:s5], [sflag:$0x2] =	stream.indirect.gather [hbm4b:s4+s21], $0x20, s25, s21, $0xb8;
	[tilespmem:$0x11C00] =	vst v63  }
0x151: {  	s13 =	simm.s32 $0xDC00;
	s15 =	simm.s32 $0xEC00;
	s5 =	simm.s32 $0xFC00  }
0x152: {  	[tilespmem:s17], [sflag:$0x2] =	stream.indirect.gather [hbm4b:s4+s21], $0x20, s28, s21, $0xb8;
	[tilespmem:$0x11C00] =	vst v63  }
0x153: {  	s7 =	simm.s32 $0x5580;
	s8 =	simm.s32 $0x10C00  }
0x154: {  	[tilespmem:s8], [sflag:$0x2] =	stream.indirect.gather [hbm4b:s4+s21], $0x20, s7, s21, $0xb8;
	[tilespmem:$0x11C00] =	vst v63  }
0x155: {  	_ =	swait.ge [sflag:s23], $0x1000  }
0x156: {  	[sflag:s23] =	ssyncset.done $0x0  }
0x157: {  	[sflag:s23] =	ssyncadd.s32 $0xFFFFF000  }
0x158: {  	_ =	swait.ge [sflag:s23], $0x1000  }
0x159: {  	[sflag:s23] =	ssyncset.done $0x0  }
0x15a: {  	[sflag:s23] =	ssyncadd.s32 $0xFFFFF000  }
0x15b: {  	_ =	swait.ge [sflag:s23], $0x1000  }
0x15c: {  	[sflag:s23] =	ssyncset.done $0x0  }
0x15d: {  	[sflag:s23] =	ssyncadd.s32 $0xFFFFF000  }
0x15e: {  	_ =	swait.ge [sflag:s23], $0x1000  }
0x15f: {  	[sflag:s23] =	ssyncset.done $0x0  }
0x160: {  	[sflag:s23] =	ssyncadd.s32 $0xFFFFF000  }
0x161: {  	_ =	swait.ge [sflag:s23], $0x1000  }
0x162: {  	[sflag:s23] =	ssyncset.done $0x0  }
0x163: {  	[sflag:s23] =	ssyncadd.s32 $0xFFFFF000  }
0x164: {  	_ =	swait.ge [sflag:s23], $0x1000  }
0x165: {  	[sflag:s23] =	ssyncset.done $0x0  }
0x166: {  	s16 =	simm.s32 $0x5600;
	s19 =	simm.s32 $0x5C00;
	[sflag:s23] =	ssyncadd.s32 $0xFFFFF000  }
0x167: {  	[spmem:s2] =	stream.indirect.scatter.add.f32 [tilespmem:s19], [sflag:$0x3], $0x20, s16, s21, $0xb8;
	[tilespmem:$0x11C00] =	vst v63  }
0x168: {  	s14 =	simm.s32 $0x5680;
	s22 =	simm.s32 $0x6C00  }
0x169: {  	[spmem:s2] =	stream.indirect.scatter.add.f32 [tilespmem:s22], [sflag:$0x3], $0x20, s14, s21, $0xb8;
	[tilespmem:$0x11C00] =	vst v63  }
0x16a: {  	s20 =	simm.s32 $0x5700;
	s26 =	simm.s32 $0x7C00  }
0x16b: {  	[spmem:s2] =	stream.indirect.scatter.add.f32 [tilespmem:s26], [sflag:$0x3], $0x20, s20, s21, $0xb8;
	[tilespmem:$0x11C00] =	vst v63  }
0x16c: {  	s25 =	simm.s32 $0x5780;
	s29 =	simm.s32 $0x8C00  }
0x16d: {  	[spmem:s2] =	stream.indirect.scatter.add.f32 [tilespmem:s29], [sflag:$0x3], $0x20, s25, s21, $0xb8;
	[tilespmem:$0x11C00] =	vst v63  }
0x16e: {  	s28 =	simm.s32 $0x5800;
	s1 =	simm.s32 $0x9C00  }
0x16f: {  	[spmem:s2] =	stream.indirect.scatter.add.f32 [tilespmem:s1], [sflag:$0x3], $0x20, s28, s21, $0xb8;
	[tilespmem:$0x11C00] =	vst v63  }
0x170: {  	s6 =	simm.s32 $0xAC00;
	s17 =	simm.s32 $0x5880  }
0x171: {  	[spmem:s2] =	stream.indirect.scatter.add.f32 [tilespmem:s6], [sflag:$0x3], $0x20, s17, s21, $0xb8;
	[tilespmem:$0x11C00] =	vst v63  }
0x172: {  	_ =	swait.ge [sflag:s12], $0x1000  }
0x173: {  	[sflag:s12] =	ssyncset.done $0x0  }
0x174: {  	[sflag:s12] =	ssyncadd.s32 $0xFFFFF000  }
0x175: {  	_ =	swait.ge [sflag:s12], $0x1000  }
0x176: {  	[sflag:s12] =	ssyncset.done $0x0  }
0x177: {  	[sflag:s12] =	ssyncadd.s32 $0xFFFFF000  }
0x178: {  	_ =	swait.ge [sflag:s12], $0x1000  }
0x179: {  	[sflag:s12] =	ssyncset.done $0x0  }
0x17a: {  	[sflag:s12] =	ssyncadd.s32 $0xFFFFF000  }
0x17b: {  	_ =	swait.ge [sflag:s12], $0x1000  }
0x17c: {  	[sflag:s12] =	ssyncset.done $0x0  }
0x17d: {  	[sflag:s12] =	ssyncadd.s32 $0xFFFFF000  }
0x17e: {  	_ =	swait.ge [sflag:s12], $0x1000  }
0x17f: {  	[sflag:s12] =	ssyncset.done $0x0  }
0x180: {  	[sflag:s12] =	ssyncadd.s32 $0xFFFFF000  }
0x181: {  	_ =	swait.ge [sflag:s12], $0x1000  }
0x182: {  	[sflag:s12] =	ssyncset.done $0x0  }
0x183: {  	[sflag:s12] =	ssyncadd.s32 $0xFFFFF000  }
0x184: {  	[spmem:s2] =	stream.indirect.scatter.add.f32 [tilespmem:s9], [sflag:$0x4], $0x20, s31, s21, $0xb8;
	[tilespmem:$0x11C00] =	vst v63  }
0x185: {  	s10 =	simm.s32 $0x5980  }
0x186: {  	[spmem:s2] =	stream.indirect.scatter.add.f32 [tilespmem:s11], [sflag:$0x4], $0x20, s10, s21, $0xb8;
	[tilespmem:$0x11C00] =	vst v63  }
0x187: {  	s11 =	simm.s32 $0x5A00  }
0x188: {  	[spmem:s2] =	stream.indirect.scatter.add.f32 [tilespmem:s13], [sflag:$0x4], $0x20, s11, s21, $0xb8;
	[tilespmem:$0x11C00] =	vst v63  }
0x189: {  	s13 =	simm.s32 $0x5A80  }
0x18a: {  	[spmem:s2] =	stream.indirect.scatter.add.f32 [tilespmem:s15], [sflag:$0x4], $0x20, s13, s21, $0xb8;
	[tilespmem:$0x11C00] =	vst v63  }
0x18b: {  	s24 =	simm.s32 $0x5B00  }
0x18c: {  	[spmem:s2] =	stream.indirect.scatter.add.f32 [tilespmem:s5], [sflag:$0x4], $0x20, s24, s21, $0xb8;
	[tilespmem:$0x11C00] =	vst v63  }
0x18d: {  	s31 =	simm.s32 $0x5B80  }
0x18e: {  	[spmem:s2] =	stream.indirect.scatter.add.f32 [tilespmem:s8], [sflag:$0x4], $0x20, s31, s21, $0xb8;
	[tilespmem:$0x11C00] =	vst v63  }
0x18f: {  	_ =	swait.ge [sflag:s30], $0x1000  }
0x190: {  	[sflag:s30] =	ssyncset.done $0x0  }
0x191: {  	[sflag:s30] =	ssyncadd.s32 $0xFFFFF000  }
0x192: {  	_ =	swait.ge [sflag:s30], $0x1000  }
0x193: {  	[sflag:s30] =	ssyncset.done $0x0  }
0x194: {  	[sflag:s30] =	ssyncadd.s32 $0xFFFFF000  }
0x195: {  	_ =	swait.ge [sflag:s30], $0x1000  }
0x196: {  	[sflag:s30] =	ssyncset.done $0x0  }
0x197: {  	[sflag:s30] =	ssyncadd.s32 $0xFFFFF000  }
0x198: {  	_ =	swait.ge [sflag:s30], $0x1000  }
0x199: {  	[sflag:s30] =	ssyncset.done $0x0  }
0x19a: {  	[sflag:s30] =	ssyncadd.s32 $0xFFFFF000  }
0x19b: {  	_ =	swait.ge [sflag:s30], $0x1000  }
0x19c: {  	[sflag:s30] =	ssyncset.done $0x0  }
0x19d: {  	[sflag:s30] =	ssyncadd.s32 $0xFFFFF000  }
0x19e: {  	_ =	swait.ge [sflag:s30], $0x1000  }
0x19f: {  	[sflag:s30] =	ssyncset.done $0x0  }
0x1a0: {  	s5 =	simm.s32 $0x5000;
	s10 =	rddreg [dreg:$0xa];
	[sflag:s30] =	ssyncadd.s32 $0xFFFFF000  }
0x1a1: {  	[tilespmem:s5], [sflag:$0x5] =	stream.linear.gather [hbm4b:s10+s3], $0x300, $0x38;
	[tilespmem:$0x11C00] =	vst v63  }
0x1a2: {  	_ =	swait.ge [sflag:s18], $0x300  }
0x1a3: {  	[sflag:s18] =	ssyncset.done $0x0  }
0x1a4: {  	s8 =	rddreg [dreg:$0xb];
	[sflag:s18] =	ssyncadd.s32 $0xFFFFFD00  }
0x1a5: {  	[tilespmem:s16], [sflag:$0x5] =	stream.linear.gather [hbm4b:s8+s3], $0x300, $0x38;
	[tilespmem:$0x11C00] =	vst v63  }
0x1a6: {  	_ =	swait.ge [sflag:s18], $0x300  }
0x1a7: {  	[sflag:s18] =	ssyncset.done $0x0  }
0x1a8: {  	[sflag:s18] =	ssyncadd.s32 $0xFFFFFD00  }
0x1a9: {  	[tilespmem:s19], [sflag:$0x1] =	stream.indirect.gather [hbm4b:s4+s21], $0x20, s5, s21, $0xb8;
	[tilespmem:$0x11C00] =	vst v63  }
0x1aa: {  	s9 =	simm.s32 $0x5080  }
0x1ab: {  	[tilespmem:s22], [sflag:$0x1] =	stream.indirect.gather [hbm4b:s4+s21], $0x20, s9, s21, $0xb8;
	[tilespmem:$0x11C00] =	vst v63  }
0x1ac: {  	s10 =	simm.s32 $0x5100  }
0x1ad: {  	[tilespmem:s26], [sflag:$0x1] =	stream.indirect.gather [hbm4b:s4+s21], $0x20, s10, s21, $0xb8;
	[tilespmem:$0x11C00] =	vst v63  }
0x1ae: {  	s11 =	simm.s32 $0x5180  }
0x1af: {  	[tilespmem:s29], [sflag:$0x1] =	stream.indirect.gather [hbm4b:s4+s21], $0x20, s11, s21, $0xb8;
	[tilespmem:$0x11C00] =	vst v63  }
0x1b0: {  	s13 =	simm.s32 $0x5200  }
0x1b1: {  	[tilespmem:s1], [sflag:$0x1] =	stream.indirect.gather [hbm4b:s4+s21], $0x20, s13, s21, $0xb8;
	[tilespmem:$0x11C00] =	vst v63  }
0x1b2: {  	s15 =	simm.s32 $0x5280  }
0x1b3: {  	[tilespmem:s6], [sflag:$0x1] =	stream.indirect.gather [hbm4b:s4+s21], $0x20, s15, s21, $0xb8;
	[tilespmem:$0x11C00] =	vst v63  }
0x1b4: {  	_ =	swait.ge [sflag:s23], $0x1000  }
0x1b5: {  	[sflag:s23] =	ssyncset.done $0x0  }
0x1b6: {  	[sflag:s23] =	ssyncadd.s32 $0xFFFFF000  }
0x1b7: {  	_ =	swait.ge [sflag:s23], $0x1000  }
0x1b8: {  	[sflag:s23] =	ssyncset.done $0x0  }
0x1b9: {  	[sflag:s23] =	ssyncadd.s32 $0xFFFFF000  }
0x1ba: {  	_ =	swait.ge [sflag:s23], $0x1000  }
0x1bb: {  	[sflag:s23] =	ssyncset.done $0x0  }
0x1bc: {  	[sflag:s23] =	ssyncadd.s32 $0xFFFFF000  }
0x1bd: {  	_ =	swait.ge [sflag:s23], $0x1000  }
0x1be: {  	[sflag:s23] =	ssyncset.done $0x0  }
0x1bf: {  	[sflag:s23] =	ssyncadd.s32 $0xFFFFF000  }
0x1c0: {  	_ =	swait.ge [sflag:s23], $0x1000  }
0x1c1: {  	[sflag:s23] =	ssyncset.done $0x0  }
0x1c2: {  	[sflag:s23] =	ssyncadd.s32 $0xFFFFF000  }
0x1c3: {  	_ =	swait.ge [sflag:s23], $0x1000  }
0x1c4: {  	[sflag:s23] =	ssyncset.done $0x0  }
0x1c5: {  	[sflag:s23] =	ssyncadd.s32 $0xFFFFF000  }
0x1c6: {  	[spmem:s2] =	stream.indirect.scatter.add.f32 [tilespmem:s19], [sflag:$0x3], $0x20, s16, s21, $0xb8;
	[tilespmem:$0x11C00] =	vst v63  }
0x1c7: {  	_ = 	snop  }
0x1c8: {  	[spmem:s2] =	stream.indirect.scatter.add.f32 [tilespmem:s22], [sflag:$0x3], $0x20, s14, s21, $0xb8;
	[tilespmem:$0x11C00] =	vst v63  }
0x1c9: {  	_ = 	snop  }
0x1ca: {  	[spmem:s2] =	stream.indirect.scatter.add.f32 [tilespmem:s26], [sflag:$0x3], $0x20, s20, s21, $0xb8;
	[tilespmem:$0x11C00] =	vst v63  }
0x1cb: {  	_ = 	snop  }
0x1cc: {  	[spmem:s2] =	stream.indirect.scatter.add.f32 [tilespmem:s29], [sflag:$0x3], $0x20, s25, s21, $0xb8;
	[tilespmem:$0x11C00] =	vst v63  }
0x1cd: {  	_ = 	snop  }
0x1ce: {  	[spmem:s2] =	stream.indirect.scatter.add.f32 [tilespmem:s1], [sflag:$0x3], $0x20, s28, s21, $0xb8;
	[tilespmem:$0x11C00] =	vst v63  }
0x1cf: {  	_ = 	snop  }
0x1d0: {  	[spmem:s2] =	stream.indirect.scatter.add.f32 [tilespmem:s6], [sflag:$0x3], $0x20, s17, s21, $0xb8;
	[tilespmem:$0x11C00] =	vst v63  }
0x1d1: {  	_ =	swait.ge [sflag:s30], $0x1000  }
0x1d2: {  	[sflag:s30] =	ssyncset.done $0x0  }
0x1d3: {  	[sflag:s30] =	ssyncadd.s32 $0xFFFFF000  }
0x1d4: {  	_ =	swait.ge [sflag:s30], $0x1000  }
0x1d5: {  	[sflag:s30] =	ssyncset.done $0x0  }
0x1d6: {  	[sflag:s30] =	ssyncadd.s32 $0xFFFFF000  }
0x1d7: {  	_ =	swait.ge [sflag:s30], $0x1000  }
0x1d8: {  	[sflag:s30] =	ssyncset.done $0x0  }
0x1d9: {  	[sflag:s30] =	ssyncadd.s32 $0xFFFFF000  }
0x1da: {  	_ =	swait.ge [sflag:s30], $0x1000  }
0x1db: {  	[sflag:s30] =	ssyncset.done $0x0  }
0x1dc: {  	[sflag:s30] =	ssyncadd.s32 $0xFFFFF000  }
0x1dd: {  	_ =	swait.ge [sflag:s30], $0x1000  }
0x1de: {  	[sflag:s30] =	ssyncset.done $0x0  }
0x1df: {  	[sflag:s30] =	ssyncadd.s32 $0xFFFFF000  }
0x1e0: {  	_ =	swait.ge [sflag:s30], $0x1000  }
0x1e1: {  	[sflag:s30] =	ssyncset.done $0x0  }
0x1e2: {  	[sflag:s30] =	ssyncadd.s32 $0xFFFFF000  }
0x1e3: {  	_ =	swait.ge [sflag:s0], $0x1000  }
0x1e4: {  	[sflag:s0] =	ssyncset.done $0x0  }
0x1e5: {  	[sflag:s0] =	ssyncadd.s32 $0xFFFFF000  }
0x1e6: {  	_ =	swait.ge [sflag:s0], $0x1000  }
0x1e7: {  	[sflag:s0] =	ssyncset.done $0x0  }
0x1e8: {  	[sflag:s0] =	ssyncadd.s32 $0xFFFFF000  }
0x1e9: {  	_ =	swait.ge [sflag:s0], $0x1000  }
0x1ea: {  	[sflag:s0] =	ssyncset.done $0x0  }
0x1eb: {  	[sflag:s0] =	ssyncadd.s32 $0xFFFFF000  }
0x1ec: {  	_ =	swait.ge [sflag:s0], $0x1000  }
0x1ed: {  	[sflag:s0] =	ssyncset.done $0x0  }
0x1ee: {  	[sflag:s0] =	ssyncadd.s32 $0xFFFFF000  }
0x1ef: {  	_ =	swait.ge [sflag:s0], $0x1000  }
0x1f0: {  	[sflag:s0] =	ssyncset.done $0x0  }
0x1f1: {  	[sflag:s0] =	ssyncadd.s32 $0xFFFFF000  }
0x1f2: {  	_ =	swait.ge [sflag:s0], $0x1000  }
0x1f3: {  	s10 =	simm.s32 @!p0 $0x0;
	s16 =	simm.s32 @!p0 $0x5;
	[sflag:s0] =	ssyncset.done $0x0  }
0x1f4: {  	s1 =	simm.s32 @!p0 $0x5000;
	s14 =	rddreg [dreg:$0xc];
	[sflag:s0] =	ssyncadd.s32 $0xFFFFF000  }
0x1f5: {  	[tilespmem:s1], [sflag:$0x5] =	stream.linear.gather @!p0 [hbm4b:s14+s10], $0x80, $0x38;
	[tilespmem:$0x11C00] =	vst v63  }
0x1f6: {  	_ =	swait.ge @!p0 [sflag:s16], $0x80  }
0x1f7: {  	[sflag:s16] =	ssyncset.done @!p0 $0x0  }
0x1f8: {  	s5 =	simm.s32 @!p0 $0x5600;
	s14 =	rddreg [dreg:$0xd];
	[sflag:s16] =	ssyncadd.s32 @!p0 $0xFFFFFF80  }
0x1f9: {  	[tilespmem:s5], [sflag:$0x5] =	stream.linear.gather @!p0 [hbm4b:s14+s10], $0x80, $0x38;
	[tilespmem:$0x11C00] =	vst v63  }
0x1fa: {  	_ =	swait.ge @!p0 [sflag:s16], $0x80  }
0x1fb: {  	[sflag:s16] =	ssyncset.done @!p0 $0x0  }
0x1fc: {  	s14 =	simm.s32 @!p0 $0x80;
	s10 =	simm.s32 @!p0 $0x5C00;
	[sflag:s16] =	ssyncadd.s32 @!p0 $0xFFFFFF80  }
0x1fd: {  	[tilespmem:s10], [sflag:$0x5] =	stream.indirect.gather @!p0 [hbm4b:s4+s14], $0x20, s1, s14, $0xb8;
	[tilespmem:$0x11C00] =	vst v63  }
0x1fe: {  	_ =	swait.ge @!p0 [sflag:s16], $0x1000  }
0x1ff: {  	[sflag:s16] =	ssyncset.done @!p0 $0x0  }
0x200: {  	[sflag:s16] =	ssyncadd.s32 @!p0 $0xFFFFF000  }
0x201: {  	[spmem:s2] =	stream.indirect.scatter.add.f32 @!p0 [tilespmem:s10], [sflag:$0x5], $0x20, s5, s14, $0xb8;
	[tilespmem:$0x11C00] =	vst v63  }
0x202: {  	_ =	swait.ge @!p0 [sflag:s16], $0x1000  }
0x203: {  	[sflag:s16] =	ssyncset.done @!p0 $0x0  }
0x204: {  	[sflag:s16] =	ssyncadd.s32 @!p0 $0xFFFFF000  }
0x205: {  	[bflag:$0x0] =	sbarrier.arrive $0xFFFF  }
0x206: {  	s14 =	rddreg [dreg:$0x6]  }
0x207: {  	s22 =	rddreg [dreg:$0xe]  }
0x208: {  	s16 =	rddreg [dreg:$0x10]  }
0x209: {  	[hbm:s22], [sflag:s14] =	dma.local [spmem:s16], $0xA00  }
0x20a: {  	_ =	swait.ge [sflag:s18], $0xA00  }
0x20b: {  	s25 =	rddreg [dreg:$0x11]  }
0x20c: {  	s31 =	rddreg [dreg:$0xf];
	s1 =	sadd.s32 $0x1, s25  }
0x20d: {  	p1 =	sne.s32 s1, s31  }
.Ltmp1:
0x20e: {  	_ = 	snop;
	(pc) =	sbr.rel @p1 .LBB2_1-.Ltmp1, $4  }
0x20f: {  	_ = 	snop  }
0x210: {  	s7 =	simm.s32 $0x5380;
	s24 =	simm.s32 $0x5700;
	s19 =	simm.s32 $0x5880  }
0x211: {  	s26 =	simm.s32 $0x5780;
	s29 =	simm.s32 $0x5800;
	[sflag:s18] =	ssyncset.done $0x0  }
0x212: {  	s28 =	simm.s32 $0x5480;
	[sflag:s18] =	ssyncadd.s32 $0xFFFFF600;
	s25 =	simm.s32 $0x5400  }
0x213: {  	_ =	sfence.sel $0x180000  }
0x214: {  	[bflag:$0x0] =	sbarrier.arrive $0xFFFF  }
0x215: {  	_ =	strace $0x9000004A  }
0x216: {  	s0 =	stileid.u32;
	[bflag:$0x2] =	sbarrier.arrive $0xFFFF  }
0x217: {  	p0 =	sne.s32 s0, $0x0;
	s0 =	rddreg [dreg:$0x2]  }
0x218: {  	s0 =	sadd.s32 @!p0 $0x100000, s0  }
0x219: {  	[sflag:s0] =	ssyncadd.tile.s32 @!p0 $0x1;
	_ =	shalt  }
.Lfunc_end2:
_tile_overlayer_lowered:
.L_overlay_start_2:
0x21a: {  	(tag) =	ssettag $0x2  }
0x21b: {  	s0 =	rddreg [dreg:$0x0];
	s2 =	stileid.u32  }
0x21c: {  	s1 =	rddreg [dreg:$0x1];
	p0 =	sne.s32 s2, $0x0  }
0x21d: {  	s3 =	rddreg [dreg:$0x2];
	[bflag:$0x3] =	sbarrier.arrive $0xFFFF;
	s2 =	simm.s32 @!p0 $0x1C05  }
0x21e: {  	[timem:s3], [sflag:s2] =	dma.local @!p0 [hbm:s0], s1  }
0x21f: {  	s0 =	simm.s32 @!p0 $0x5  }
0x220: {  	_ =	swait.ge @!p0 [sflag:s0], s1  }
0x221: {  	s1 =	ssub.s32 @!p0 $0x0, s1;
	[sflag:s0] =	ssyncset.done @!p0 $0x0  }
0x222: {  	[sflag:s0] =	ssyncadd.s32 @!p0 s1  }
0x223: {  	[bflag:$0x3] =	sbarrier.arrive $0xFFFF  }
0x224: {  	_ =	shalt  }

// kernel: kernel.7.cloned.1.call-start
scs
__scs_entry_jumppad:
0x0: {  	(pc) =	sbr.rel $0x88, $3  }
0x1: {  	(tag) =	ssettag $0x0;
	lr =	simm.s32 $0x1  }
0x2: {  	[smem:$0x3F97] =	sst lr;
	_ =	strace $0xD0000000  }
0x3: {  	_ = 	snop  }
0x4: {  	_ = 	snop  }
0x5: {  	_ = 	snop  }
0x6: {  	_ = 	snop  }
0x7: {  	_ = 	snop  }
__scs_overlays_trampoline_lowered:
0x8: {  	[smem:$0x3FA6] =	sst s0  }
0x9: {  	[smem:$0x3FA7] =	sst s1  }
0xa: {  	[smem:$0x3FA8] =	sst s2  }
0xb: {  	[smem:$0x3FA9] =	sst s3  }
0xc: {  	[smem:$0x3FAA] =	sst s4  }
0xd: {  	[smem:$0x3FAB] =	sst s5  }
0xe: {  	[smem:$0x3FAC] =	sst s6  }
0xf: {  	[smem:$0x3FAD] =	sst s7  }
0x10: {  	[smem:$0x3FAE] =	sst s8  }
0x11: {  	[smem:$0x3FAF] =	sst s9;
	s0 =	simm.s32 @!p0 $0x0  }
0x12: {  	s1 =	sld [smem:$0x3F95];
	s0 =	simm.s32 @p0 $0x1  }
0x13: {  	[smem:$0x3FB0] =	sst s0;
	s0 =	simm.s32 @!p1 $0x0  }
0x14: {  	s2 =	sld [smem:$0x3F94];
	s0 =	simm.s32 @p1 $0x1  }
0x15: {  	[smem:$0x3FB1] =	sst s0;
	s0 =	simm.s32 @!p2 $0x0  }
0x16: {  	s3 =	sld [smem:$0x3FDB];
	s0 =	simm.s32 @p2 $0x1  }
0x17: {  	s4 =	simm.s32 $0x1BF5;
	[smem:$0x3FB3] =	sst s0  }
0x18: {  	s0 =	sld [smem:$0x3F96];
	_ =	swait.ge [sflag:s4], $0x0  }
0x19: {  	s7 =	sld [smem:$0x3F97]  }
0x1a: {  	s8 =	sadd.s32 $0xFFFFE003, lr  }
0x1b: {  	s9 =	sadd.s32 $0xFFFFFEF7, lr;
	s5 =	simm.s32 $0xFFFFFFFF;
	p2 =	slt.u32 s8, $0xFFFFF086  }
0x1c: {  	p1 =	slt.u32 s9, $0xF7A;
	s5 =	simm.s32 @!p2 $0x0  }
0x1d: {  	s5 =	simm.s32 @p1 $0x1;
	p0 =	seq.s32 s7, s2  }
0x1e: {  	s7 =	smul.u32 @!p0 $0xF7A, s2;
	p2 =	seq.s32 @!p0 s5, $0x0  }
0x1f: {  	s9 =	smul.u32 $0xF7A, s1;
	s8 =	simm.s32 @!p0 $0x1BF5;
	p2 =	por !p2, p0  }
0x20: {  	[sflag:s8] =	ssyncset.s32 @!p0 $0xFFFFF086;
	s6 =	sadd.s32 @!p0 s3, s7;
	s7 =	simm.s32 @!p0 $0x108  }
0x21: {  	s3 =	sadd.s32 s3, s9;
	s6 =	sadd.s32 @!p0 $0x88, s6;
	s7 =	simm.s32 @p2 $0x1082  }
0x22: {  	[simem:s7], [sflag:s8] =	dma.local @!p0 [hbm:s6], $0xF7A  }
0x23: {  	s9 =	sor.u32 $0xD0000000, s2;
	s6 =	simm.s32 $0x108;
	_ =	swait.ge @!p0 [sflag:s8], $0x0  }
0x24: {  	s3 =	sadd.s32 $0x88, s3;
	s6 =	simm.s32 @!p1 $0x1082;
	[sflag:s4] =	ssyncset.s32 $0xFFFFF086  }
0x25: {  	[simem:s6], [sflag:s4] =	dma.local [hbm:s3], $0xF7A  }
0x26: {  	[smem:$0x3F97] =	sst s1;
	(tag) =	ssettag s2;
	_ =	strace s9  }
0x27: {  	s1 =	sld [smem:$0x3FA7]  }
0x28: {  	s2 =	sld [smem:$0x3FA8]  }
0x29: {  	s4 =	sld [smem:$0x3FAA]  }
0x2a: {  	p0 =	seq.s32 s5, $0x0;
	s5 =	sld [smem:$0x3FAB]  }
0x2b: {  	s6 =	sld [smem:$0x3FAC]  }
0x2c: {  	s7 =	sld [smem:$0x3FAD]  }
0x2d: {  	s3 =	simm.s32 $0x108;
	s8 =	sld [smem:$0x3FAE]  }
0x2e: {  	s3 =	simm.s32 @!p0 $0x1082;
	s9 =	sld [smem:$0x3FAF]  }
0x2f: {  	lr =	sadd.s32 s0, s3;
	s0 =	sld [smem:$0x3FA6]  }
0x30: {  	s3 =	sld [smem:$0x3FA9]  }
0x31: {  	[smem:$0x3FB2] =	sst s10  }
0x32: {  	s10 =	sld [smem:$0x3FB0];
	_ =	sdelay $0x3  }
0x33: {  	p0 =	seq.s32 s10, $0x1;
	s10 =	sld [smem:$0x3FB2];
	_ =	sdelay $0x3  }
0x34: {  	[smem:$0x3FB2] =	sst s10  }
0x35: {  	s10 =	sld [smem:$0x3FB1];
	_ =	sdelay $0x3  }
0x36: {  	p1 =	seq.s32 s10, $0x1;
	s10 =	sld [smem:$0x3FB2];
	_ =	sdelay $0x3  }
0x37: {  	[smem:$0x3FB2] =	sst s10  }
0x38: {  	s10 =	sld [smem:$0x3FB3]  }
0x39: {  	_ = 	snop;
	(pc) =	sbr.ind lr, $3  }
0x3a: {  	_ = 	snop  }
0x3b: {  	_ = 	snop  }
0x3c: {  	p2 =	seq.s32 s10, $0x1;
	s10 =	sld [smem:$0x3FB2]  }
0x3d: {  	_ =	shalt  }
0x3e: {  	_ =	shalt  }
0x3f: {  	_ =	shalt  }
0x40: {  	_ =	shalt  }
0x41: {  	_ =	shalt  }
0x42: {  	_ =	shalt  }
0x43: {  	_ =	shalt  }
0x44: {  	_ =	shalt  }
0x45: {  	_ =	shalt  }
0x46: {  	_ =	shalt  }
0x47: {  	_ =	shalt  }
0x48: {  	_ =	shalt  }
0x49: {  	_ =	shalt  }
0x4a: {  	_ =	shalt  }
0x4b: {  	_ =	shalt  }
0x4c: {  	_ =	shalt  }
0x4d: {  	_ =	shalt  }
0x4e: {  	_ =	shalt  }
0x4f: {  	_ =	shalt  }
0x50: {  	_ =	shalt  }
0x51: {  	_ =	shalt  }
0x52: {  	_ =	shalt  }
0x53: {  	_ =	shalt  }
0x54: {  	_ =	shalt  }
0x55: {  	_ =	shalt  }
0x56: {  	_ =	shalt  }
0x57: {  	_ =	shalt  }
0x58: {  	_ =	shalt  }
0x59: {  	_ =	shalt  }
0x5a: {  	_ =	shalt  }
0x5b: {  	_ =	shalt  }
0x5c: {  	_ =	shalt  }
0x5d: {  	_ =	shalt  }
0x5e: {  	_ =	shalt  }
0x5f: {  	_ =	shalt  }
0x60: {  	_ =	shalt  }
0x61: {  	_ =	shalt  }
0x62: {  	_ =	shalt  }
0x63: {  	_ =	shalt  }
0x64: {  	_ =	shalt  }
0x65: {  	_ =	shalt  }
0x66: {  	_ =	shalt  }
0x67: {  	_ =	shalt  }
0x68: {  	_ =	shalt  }
0x69: {  	_ =	shalt  }
0x6a: {  	_ =	shalt  }
0x6b: {  	_ =	shalt  }
0x6c: {  	_ =	shalt  }
0x6d: {  	_ =	shalt  }
0x6e: {  	_ =	shalt  }
0x6f: {  	_ =	shalt  }
0x70: {  	_ =	shalt  }
0x71: {  	_ =	shalt  }
0x72: {  	_ =	shalt  }
0x73: {  	_ =	shalt  }
0x74: {  	_ =	shalt  }
0x75: {  	_ =	shalt  }
0x76: {  	_ =	shalt  }
0x77: {  	_ =	shalt  }
0x78: {  	_ =	shalt  }
0x79: {  	_ =	shalt  }
0x7a: {  	_ =	shalt  }
0x7b: {  	_ =	shalt  }
0x7c: {  	_ =	shalt  }
0x7d: {  	_ =	shalt  }
0x7e: {  	_ =	shalt  }
0x7f: {  	_ =	shalt  }
0x80: {  	_ =	shalt  }
0x81: {  	_ =	shalt  }
0x82: {  	_ =	shalt  }
0x83: {  	_ =	shalt  }
0x84: {  	_ =	shalt  }
0x85: {  	_ =	shalt  }
0x86: {  	_ =	shalt  }
0x87: {  	_ =	shalt  }
.Lfunc_end0:
.L_simem_size_0:
called_computation_lowered:
.L_overlay_start_0:
0x88: {  	s2 =	sld [smem:$0x3FD9]  }
0x89: {  	s3 =	sld [smem:$0x3FFE];
	_ =	sdelay $0x1  }
0x8a: {  	s1 =	srdreg.scid  }
0x8b: {  	s0 =	sand.u32 $0x1, s1  }
0x8c: {  	s16 =	sshll.u32 s0, $0xA;
	s2 =	sadd.s32 s3, s2  }
0x8d: {  	s2 =	sadd.s32 s2, s16  }
0x8e: {  	[smem:$0x3FBE] =	sst s2  }
0x8f: {  	_ = 	snop  }
0x90: {  	(tm) =	ssettm $0x1  }
0x91: {  	s17 =	sld [smem:$0x3FFB];
	_ =	sdelay $0x3  }
0x92: {  	_ =	strace s17  }
0x93: {  	s2 =	sld [smem:$0x3FFC];
	_ =	sdelay $0x3  }
0x94: {  	_ =	strace s2  }
0x95: {  	s2 =	sld [smem:$0x3FFD];
	_ =	sdelay $0x3  }
0x96: {  	_ =	strace s2  }
0x97: {  	_ =	strace $0x8FFFFFFF  }
0x98: {  	s18 =	sld [smem:$0x3FDB];
	_ =	sdelay $0x1  }
0x99: {  	s19 =	simm.s32 $_scs_section_size  }
0x9a: {  	s4 =	simm.s32 $_size__tile_overlayer_lowered;
	s5 =	simm.s32 $_tile_overlayer_lowered  }
0x9b: {  	s22 =	simm.s32 $0x1BFF;
	s21 =	sshll.u32 s5, $0x1;
	s2 =	sadd.s32 s19, s18  }
0x9c: {  	s6 =	simm.s32 $0x0;
	s20 =	sshll.u32 s4, $0x1;
	s4 =	sadd.s32 s21, s2  }
0x9d: {  	[timem:s6], [sflag:s22] =	dma.local [hbm:s4], s20  }
0x9e: {  	_ =	swait.ge [sflag:s22], s20  }
0x9f: {  	s3 =	ssub.s32 $0x0, s20;
	[sflag:s22] =	ssyncset.done $0x0  }
0xa0: {  	[sflag:s22] =	ssyncadd.s32 s3;
	_ =	sdelay $0x1  }
0xa1: {  	s23 =	simm.s32 $0x1B8B  }
0xa2: {  	_ =	swait.ge [sflag:s23], $0x1  }
0xa3: {  	[sflag:s23] =	ssyncset.done $0x0  }
0xa4: {  	s25 =	simm.s32 $0x1B8E;
	s24 =	sld [smem:$0x3FFE];
	[sflag:s23] =	ssyncadd.s32 $0xFFFFFFFF  }
0xa5: {  	s26 =	simm.s32 $execute0_lowered;
	[smem:$0x3FD2] =	sst s25  }
0xa6: {  	s4 =	sshll.u32 s26, $0x1;
	_ =	strace $0x80000046;
	[dreg:$0x1] =	wrdreg $0xFFFFFFFF  }
0xa7: {  	s28 =	simm.s32 $_size_execute0_lowered;
	s2 =	sadd.s32 s2, s4;
	[dreg:$0x0] =	wrdreg $0x0  }
0xa8: {  	s4 =	sshll.u32 s28, $0x1;
	[dreg:$0x2] =	wrdreg s2  }
0xa9: {  	[dreg:$0x3] =	wrdreg s4  }
0xaa: {  	[dreg:$0x4] =	wrdreg $0xC0  }
0xab: {  	_ =	task [dreg:s6], $0x5FFFF  }
0xac: {  	[dreg:$0x1] =	wrdreg $0xFFFFFFFF  }
0xad: {  	[dreg:$0x0] =	wrdreg $0x60  }
0xae: {  	[dreg:$0x2] =	wrdreg s24  }
0xaf: {  	[dreg:$0x3] =	wrdreg $0x0  }
0xb0: {  	[dreg:$0x4] =	wrdreg $0x9  }
0xb1: {  	_ =	task.clear_ibuf [dreg:s6], $0x5FFFF;
	_ =	strace $0x90000046  }
0xb2: {  	s29 =	simm.s32 $0x9;
	_ =	strace $0x80000048  }
0xb3: {  	_ =	swait.ge [sflag:s29], $0x1  }
0xb4: {  	[sflag:s29] =	ssyncadd.s32 $0xFFFFFFFF  }
0xb5: {  	_ =	strace $0x90000048  }
0xb6: {  	_ =	sfence  }
0xb7: {  	s30 =	sld [smem:$0x0];
	_ =	sdelay $0x2  }
0xb8: {  	s31 =	sshll.u32 s1, $0xD;
	s1 =	sshrl.u32 s1, $0x2  }
0xb9: {  	s3 =	sand.u32 $0x4000, s31;
	s1 =	sadd.s32 s1, s30  }
0xba: {  	s0 =	sor.u32 s3, s0;
	s1 =	sshll.u32 s1, $0x11  }
0xbb: {  	s0 =	sor.u32 s1, s0  }
0xbc: {  	s0 =	sadd.s32 $0x8F2B, s0  }
0xbd: {  	[sflag:s0] =	ssyncadd.remote.s32 $0x1  }
0xbe: {  	_ =	sfence.sel $0xFFFF  }
0xbf: {  	[dreg:$0x0] =	wrdreg $0xFFFFFFFF;
	(pc) =	sbr.abs _section_cstart, $3  }
0xc0: {  	[dreg:$0x1] =	wrdreg $0xFFFFFFFF  }
0xc1: {  	_ =	task.clear_ibuf [dreg:s6], $0x2FFFF;
	_ =	strace $0x9FFFFFFF  }
0xc2: {  	(tm) =	ssettm $0x7FFFFFFF  }
0xc3: {  	_ =	shalt  }
tec
execute0_lowered:
.L_overlay_start_1:
0x0: {  	(tag) =	ssettag $0x1  }
0x1: {  	s0 =	rddreg [dreg:$0x0]  }
0x2: {  	s2 =	rddreg [dreg:$0x1];
	s3 =	simm.s32 $0x0  }
0x3: {  	s12 =	stileid.u32;
	s1 =	srdreg.scid;
	s16 =	simm.s32 $0x5  }
0x4: {  	s28 =	simm.s32 $0x12600;
	s29 =	simm.s32 $0xB600;
	s30 =	simm.s32 $0x14A00  }
0x5: {  	s31 =	simm.s32 $0xB680;
	s13 =	simm.s32 $0x4;
	s15 =	simm.s32 $0x0  }
0x6: {  	[smem:$0x7FF] =	sst s3;
	s5 =	smul.u32 $0xB400, s12;
	s1 =	sand.u32 $0x1, s1  }
0x7: {  	s4 =	sadd.s32 $0x15800, s0;
	s7 =	sadd.s32 $0x1E00, s0;
	s19 =	sshll.u32 s12, $0x6  }
0x8: {  	s22 =	sshll.u32 s12, $0x4;
	s23 =	smul.u32 $0x4E0, s12;
	_ =	strace $0x80000047  }
0x9: {  	s6 =	smul.u32 $0xB4000, s1;
	s8 =	sshll.u32 s1, $0x4;
	s10 =	ssub.s32 $0x2, s1  }
0xa: {  	s14 =	sor.u32 $0x1C05, s19;
	s1 =	smul.u32 $0x4E00, s1;
	s19 =	simm.s32 $0x80  }
0xb: {  	s9 =	sshrl.u32 s5, $0x3;
	s8 =	sor.u32 s12, s8;
	s17 =	sshrl.u32 s10, $0x1  }
0xc: {  	s12 =	simm.s32 $0x3;
	[dreg:$0x6] =	wrdreg s14;
	s6 =	sadd.s32 s5, s6  }
0xd: {  	s11 =	smul.u32 $0x2700, s8;
	s9 =	sadd.s32 s9, s0;
	s5 =	sadd.s32 s5, s2  }
0xe: {  	s1 =	sadd.s32 s1, s7;
	p0 =	sgt.u32 s8, $0x3;
	s8 =	simm.s32 $0xB800  }
0xf: {  	s6 =	sshrl.u32 s6, $0x3;
	s9 =	sadd.s32 $0x2C000, s9;
	s1 =	sadd.s32 s23, s1  }
0x10: {  	s23 =	simm.s32 $0xB500;
	s0 =	sadd.s32 s6, s0;
	s6 =	ssub.s32 s10, s17  }
0x11: {  	s18 =	sshrl.u32 s11, $0x3;
	[dreg:$0x4] =	wrdreg s9;
	s9 =	sadd.s32 s22, s7  }
0x12: {  	[dreg:$0x3] =	wrdreg s1;
	s17 =	simm.s32 $0xB400;
	s11 =	sadd.s32 s7, s18  }
0x13: {  	s22 =	simm.s32 $0xDE00;
	s24 =	sadd.s32 $0x9C00, s9;
	[dreg:$0x5] =	wrdreg s11  }
0x14: {  	s1 =	simm.s32 $0x1;
	s25 =	sadd.s32 $0x13840, s9;
	[dreg:$0xa] =	wrdreg s24  }
0x15: {  	s10 =	simm.s32 $0xB900;
	s0 =	sadd.s32 $0x42800, s0;
	[dreg:$0xb] =	wrdreg s25  }
0x16: {  	s26 =	smax.u32 s6, $0x1;
	s7 =	sshrl.u32 s5, $0x3;
	[dreg:$0xc] =	wrdreg s0  }
0x17: {  	s18 =	simm.s32 $0xB700;
	s5 =	simm.s32 $0xB780;
	[dreg:$0xd] =	wrdreg s26  }
0x18: {  	s9 =	simm.s32 $0x2;
	s20 =	sadd.s32 $0x9C40, s11;
	[dreg:$0xe] =	wrdreg s7  }
0x19: {  	s21 =	sadd.s32 $0x30, s11;
	s11 =	sadd.s32 $0x9C70, s11;
	[dreg:$0x7] =	wrdreg s20  }
0x1a: {  	s24 =	simm.s32 $0x10200;
	s25 =	simm.s32 $0xB580;
	[dreg:$0x8] =	wrdreg s21  }
0x1b: {  	s26 =	simm.s32 $0xB880;
	s0 =	simm.s32 $0x16E00;
	[dreg:$0x9] =	wrdreg s11  }
0x1c: {  	s20 =	simm.s32 $0xBA00;
	s21 =	simm.s32 $0xB480;
	s11 =	simm.s32 $0xB980  }
.LBB2_1:
0x1d: {  	[dreg:$0xf] =	wrdreg s15  }
0x1e: {  	s6 =	rddreg [dreg:$0x4]  }
0x1f: {  	[spmem:s7], [sflag:s14] =	dma.local [hbm:s6], $0x1680  }
0x20: {  	_ =	swait.ge [sflag:s16], $0x1680  }
0x21: {  	[sflag:s16] =	ssyncset.done $0x0  }
0x22: {  	[sflag:s16] =	ssyncadd.s32 $0xFFFFE980  }
0x23: {  	[bflag:$0x0] =	sbarrier.arrive $0xFFFF  }
0x24: {  	s7 =	rddreg [dreg:$0x5]  }
0x25: {  	[tilespmem:s17], [sflag:$0x5] =	stream.linear.gather [hbm4b:s7+s3], $0x180, $0x38;
	[tilespmem:$0x19200] =	vst v63  }
0x26: {  	_ =	swait.ge [sflag:s16], $0x180  }
0x27: {  	[sflag:s16] =	ssyncset.done $0x0  }
0x28: {  	s14 =	rddreg [dreg:$0x7];
	[sflag:s16] =	ssyncadd.s32 $0xFFFFFE80  }
0x29: {  	[tilespmem:s18], [sflag:$0x5] =	stream.linear.gather [hbm4b:s14+s3], $0x180, $0x38;
	[tilespmem:$0x19200] =	vst v63  }
0x2a: {  	_ =	swait.ge [sflag:s16], $0x180  }
0x2b: {  	[sflag:s16] =	ssyncset.done $0x0  }
0x2c: {  	[sflag:s16] =	ssyncadd.s32 $0xFFFFFE80  }
0x2d: {  	[tilespmem:s20], [sflag:$0x1] =	stream.indirect.gather [hbm4b:s4+s19], $0x48, s17, s19, $0xb8;
	[tilespmem:$0x19200] =	vst v63  }
0x2e: {  	_ = 	snop  }
0x2f: {  	[tilespmem:s22], [sflag:$0x1] =	stream.indirect.gather [hbm4b:s4+s19], $0x48, s21, s19, $0xb8;
	[tilespmem:$0x19200] =	vst v63  }
0x30: {  	_ = 	snop  }
0x31: {  	[tilespmem:s24], [sflag:$0x1] =	stream.indirect.gather [hbm4b:s4+s19], $0x48, s23, s19, $0xb8;
	[tilespmem:$0x19200] =	vst v63  }
0x32: {  	s15 =	rddreg [dreg:$0x8]  }
0x33: {  	[tilespmem:s25], [sflag:$0x5] =	stream.linear.gather [hbm4b:s15+s3], $0x180, $0x38;
	[tilespmem:$0x19200] =	vst v63  }
0x34: {  	_ =	swait.ge [sflag:s16], $0x180  }
0x35: {  	[sflag:s16] =	ssyncset.done $0x0  }
0x36: {  	s7 =	rddreg [dreg:$0x9];
	[sflag:s16] =	ssyncadd.s32 $0xFFFFFE80  }
0x37: {  	[tilespmem:s26], [sflag:$0x5] =	stream.linear.gather [hbm4b:s7+s3], $0x180, $0x38;
	[tilespmem:$0x19200] =	vst v63  }
0x38: {  	_ =	swait.ge [sflag:s16], $0x180  }
0x39: {  	[sflag:s16] =	ssyncset.done $0x0  }
0x3a: {  	[sflag:s16] =	ssyncadd.s32 $0xFFFFFE80  }
0x3b: {  	[tilespmem:s28], [sflag:$0x2] =	stream.indirect.gather [hbm4b:s4+s19], $0x48, s25, s19, $0xb8;
	[tilespmem:$0x19200] =	vst v63  }
0x3c: {  	_ = 	snop  }
0x3d: {  	[tilespmem:s30], [sflag:$0x2] =	stream.indirect.gather [hbm4b:s4+s19], $0x48, s29, s19, $0xb8;
	[tilespmem:$0x19200] =	vst v63  }
0x3e: {  	_ = 	snop  }
0x3f: {  	[tilespmem:s0], [sflag:$0x2] =	stream.indirect.gather [hbm4b:s4+s19], $0x48, s31, s19, $0xb8;
	[tilespmem:$0x19200] =	vst v63  }
0x40: {  	_ =	swait.ge [sflag:s1], $0x2400  }
0x41: {  	[sflag:s1] =	ssyncset.done $0x0  }
0x42: {  	[sflag:s1] =	ssyncadd.s32 $0xFFFFDC00  }
0x43: {  	_ =	swait.ge [sflag:s1], $0x2400  }
0x44: {  	[sflag:s1] =	ssyncset.done $0x0  }
0x45: {  	[sflag:s1] =	ssyncadd.s32 $0xFFFFDC00  }
0x46: {  	_ =	swait.ge [sflag:s1], $0x2400  }
0x47: {  	[sflag:s1] =	ssyncset.done $0x0  }
0x48: {  	[sflag:s1] =	ssyncadd.s32 $0xFFFFDC00  }
0x49: {  	[spmem:s2] =	stream.indirect.scatter.add.f32 [tilespmem:s20], [sflag:$0x3], $0x48, s18, s19, $0xb8;
	[tilespmem:$0x19200] =	vst v63  }
0x4a: {  	_ = 	snop  }
0x4b: {  	[spmem:s2] =	stream.indirect.scatter.add.f32 [tilespmem:s22], [sflag:$0x3], $0x48, s5, s19, $0xb8;
	[tilespmem:$0x19200] =	vst v63  }
0x4c: {  	_ = 	snop  }
0x4d: {  	[spmem:s2] =	stream.indirect.scatter.add.f32 [tilespmem:s24], [sflag:$0x3], $0x48, s8, s19, $0xb8;
	[tilespmem:$0x19200] =	vst v63  }
0x4e: {  	_ =	swait.ge [sflag:s9], $0x2400  }
0x4f: {  	[sflag:s9] =	ssyncset.done $0x0  }
0x50: {  	[sflag:s9] =	ssyncadd.s32 $0xFFFFDC00  }
0x51: {  	_ =	swait.ge [sflag:s9], $0x2400  }
0x52: {  	[sflag:s9] =	ssyncset.done $0x0  }
0x53: {  	[sflag:s9] =	ssyncadd.s32 $0xFFFFDC00  }
0x54: {  	_ =	swait.ge [sflag:s9], $0x2400  }
0x55: {  	[sflag:s9] =	ssyncset.done $0x0  }
0x56: {  	[sflag:s9] =	ssyncadd.s32 $0xFFFFDC00  }
0x57: {  	[spmem:s2] =	stream.indirect.scatter.add.f32 [tilespmem:s28], [sflag:$0x4], $0x48, s26, s19, $0xb8;
	[tilespmem:$0x19200] =	vst v63  }
0x58: {  	_ = 	snop  }
0x59: {  	[spmem:s2] =	stream.indirect.scatter.add.f32 [tilespmem:s30], [sflag:$0x4], $0x48, s10, s19, $0xb8;
	[tilespmem:$0x19200] =	vst v63  }
0x5a: {  	_ = 	snop  }
0x5b: {  	[spmem:s2] =	stream.indirect.scatter.add.f32 [tilespmem:s0], [sflag:$0x4], $0x48, s11, s19, $0xb8;
	[tilespmem:$0x19200] =	vst v63  }
0x5c: {  	_ =	swait.ge [sflag:s12], $0x2400  }
0x5d: {  	[sflag:s12] =	ssyncset.done $0x0  }
0x5e: {  	[sflag:s12] =	ssyncadd.s32 $0xFFFFDC00  }
0x5f: {  	_ =	swait.ge [sflag:s12], $0x2400  }
0x60: {  	[sflag:s12] =	ssyncset.done $0x0  }
0x61: {  	[sflag:s12] =	ssyncadd.s32 $0xFFFFDC00  }
0x62: {  	_ =	swait.ge [sflag:s12], $0x2400  }
0x63: {  	s14 =	rddreg [dreg:$0x3]  }
0x64: {  	[sflag:s12] =	ssyncset.done $0x0;
	s6 =	sadd.s32 $0x0, s14  }
0x65: {  	[sflag:s12] =	ssyncadd.s32 $0xFFFFDC00;
	s15 =	sadd.s32 $0x60, s6  }
0x66: {  	[tilespmem:s17], [sflag:$0x5] =	stream.linear.gather [hbm4b:s15+s3], $0x180, $0x38;
	[tilespmem:$0x19200] =	vst v63  }
0x67: {  	_ =	swait.ge [sflag:s16], $0x180  }
0x68: {  	[sflag:s16] =	ssyncset.done $0x0  }
0x69: {  	s14 =	sadd.s32 $0x9CA0, s6;
	[sflag:s16] =	ssyncadd.s32 $0xFFFFFE80  }
0x6a: {  	[tilespmem:s18], [sflag:$0x5] =	stream.linear.gather [hbm4b:s14+s3], $0x180, $0x38;
	[tilespmem:$0x19200] =	vst v63  }
0x6b: {  	_ =	swait.ge [sflag:s16], $0x180  }
0x6c: {  	[sflag:s16] =	ssyncset.done $0x0  }
0x6d: {  	[sflag:s16] =	ssyncadd.s32 $0xFFFFFE80  }
0x6e: {  	[tilespmem:s20], [sflag:$0x1] =	stream.indirect.gather [hbm4b:s4+s19], $0x48, s17, s19, $0xb8;
	[tilespmem:$0x19200] =	vst v63  }
0x6f: {  	_ = 	snop  }
0x70: {  	[tilespmem:s22], [sflag:$0x1] =	stream.indirect.gather [hbm4b:s4+s19], $0x48, s21, s19, $0xb8;
	[tilespmem:$0x19200] =	vst v63  }
0x71: {  	_ = 	snop  }
0x72: {  	[tilespmem:s24], [sflag:$0x1] =	stream.indirect.gather [hbm4b:s4+s19], $0x48, s23, s19, $0xb8;
	[tilespmem:$0x19200] =	vst v63  }
0x73: {  	_ =	swait.ge [sflag:s13], $0x2400  }
0x74: {  	[sflag:s13] =	ssyncset.done $0x0  }
0x75: {  	[sflag:s13] =	ssyncadd.s32 $0xFFFFDC00  }
0x76: {  	_ =	swait.ge [sflag:s13], $0x2400  }
0x77: {  	[sflag:s13] =	ssyncset.done $0x0  }
0x78: {  	[sflag:s13] =	ssyncadd.s32 $0xFFFFDC00  }
0x79: {  	_ =	swait.ge [sflag:s13], $0x2400  }
0x7a: {  	[sflag:s13] =	ssyncset.done $0x0  }
0x7b: {  	s15 =	sadd.s32 $0x90, s6;
	[sflag:s13] =	ssyncadd.s32 $0xFFFFDC00  }
0x7c: {  	[tilespmem:s25], [sflag:$0x5] =	stream.linear.gather [hbm4b:s15+s3], $0x180, $0x38;
	[tilespmem:$0x19200] =	vst v63  }
0x7d: {  	_ =	swait.ge [sflag:s16], $0x180  }
0x7e: {  	[sflag:s16] =	ssyncset.done $0x0  }
0x7f: {  	s6 =	sadd.s32 $0x9CD0, s6;
	[sflag:s16] =	ssyncadd.s32 $0xFFFFFE80  }
0x80: {  	[tilespmem:s26], [sflag:$0x5] =	stream.linear.gather [hbm4b:s6+s3], $0x180, $0x38;
	[tilespmem:$0x19200] =	vst v63  }
0x81: {  	_ =	swait.ge [sflag:s16], $0x180  }
0x82: {  	[sflag:s16] =	ssyncset.done $0x0  }
0x83: {  	[sflag:s16] =	ssyncadd.s32 $0xFFFFFE80  }
0x84: {  	[tilespmem:s28], [sflag:$0x2] =	stream.indirect.gather [hbm4b:s4+s19], $0x48, s25, s19, $0xb8;
	[tilespmem:$0x19200] =	vst v63  }
0x85: {  	s6 =	simm.s32 $0x60  }
0x86: {  	[tilespmem:s30], [sflag:$0x2] =	stream.indirect.gather [hbm4b:s4+s19], $0x48, s29, s19, $0xb8;
	[tilespmem:$0x19200] =	vst v63  }
.LBB2_2:
0x87: {  	[tilespmem:s0], [sflag:$0x2] =	stream.indirect.gather [hbm4b:s4+s19], $0x48, s31, s19, $0xb8;
	[tilespmem:$0x19200] =	vst v63  }
0x88: {  	_ =	swait.ge [sflag:s1], $0x2400  }
0x89: {  	[sflag:s1] =	ssyncset.done $0x0  }
0x8a: {  	[sflag:s1] =	ssyncadd.s32 $0xFFFFDC00  }
0x8b: {  	_ =	swait.ge [sflag:s1], $0x2400  }
0x8c: {  	[sflag:s1] =	ssyncset.done $0x0  }
0x8d: {  	[sflag:s1] =	ssyncadd.s32 $0xFFFFDC00  }
0x8e: {  	_ =	swait.ge [sflag:s1], $0x2400  }
0x8f: {  	[sflag:s1] =	ssyncset.done $0x0  }
0x90: {  	[sflag:s1] =	ssyncadd.s32 $0xFFFFDC00  }
0x91: {  	[spmem:s2] =	stream.indirect.scatter.add.f32 [tilespmem:s20], [sflag:$0x3], $0x48, s18, s19, $0xb8;
	[tilespmem:$0x19200] =	vst v63  }
0x92: {  	_ = 	snop  }
0x93: {  	[spmem:s2] =	stream.indirect.scatter.add.f32 [tilespmem:s22], [sflag:$0x3], $0x48, s5, s19, $0xb8;
	[tilespmem:$0x19200] =	vst v63  }
0x94: {  	_ = 	snop  }
0x95: {  	[spmem:s2] =	stream.indirect.scatter.add.f32 [tilespmem:s24], [sflag:$0x3], $0x48, s8, s19, $0xb8;
	[tilespmem:$0x19200] =	vst v63  }
0x96: {  	_ =	swait.ge [sflag:s9], $0x2400  }
0x97: {  	[sflag:s9] =	ssyncset.done $0x0  }
0x98: {  	[sflag:s9] =	ssyncadd.s32 $0xFFFFDC00  }
0x99: {  	_ =	swait.ge [sflag:s9], $0x2400  }
0x9a: {  	[sflag:s9] =	ssyncset.done $0x0  }
0x9b: {  	[sflag:s9] =	ssyncadd.s32 $0xFFFFDC00  }
0x9c: {  	_ =	swait.ge [sflag:s9], $0x2400  }
0x9d: {  	[sflag:s9] =	ssyncset.done $0x0  }
0x9e: {  	[sflag:s9] =	ssyncadd.s32 $0xFFFFDC00  }
0x9f: {  	[spmem:s2] =	stream.indirect.scatter.add.f32 [tilespmem:s28], [sflag:$0x4], $0x48, s26, s19, $0xb8;
	[tilespmem:$0x19200] =	vst v63  }
0xa0: {  	_ = 	snop  }
0xa1: {  	[spmem:s2] =	stream.indirect.scatter.add.f32 [tilespmem:s30], [sflag:$0x4], $0x48, s10, s19, $0xb8;
	[tilespmem:$0x19200] =	vst v63  }
0xa2: {  	_ = 	snop  }
0xa3: {  	[spmem:s2] =	stream.indirect.scatter.add.f32 [tilespmem:s0], [sflag:$0x4], $0x48, s11, s19, $0xb8;
	[tilespmem:$0x19200] =	vst v63  }
0xa4: {  	_ =	swait.ge [sflag:s12], $0x2400  }
0xa5: {  	[sflag:s12] =	ssyncset.done $0x0  }
0xa6: {  	[sflag:s12] =	ssyncadd.s32 $0xFFFFDC00  }
0xa7: {  	_ =	swait.ge [sflag:s12], $0x2400  }
0xa8: {  	[sflag:s12] =	ssyncset.done $0x0  }
0xa9: {  	[sflag:s12] =	ssyncadd.s32 $0xFFFFDC00  }
0xaa: {  	_ =	swait.ge [sflag:s12], $0x2400  }
0xab: {  	s7 =	smov.u32 s6;
	s15 =	rddreg [dreg:$0x3]  }
0xac: {  	[sflag:s12] =	ssyncset.done $0x0;
	s7 =	sadd.s32 s7, s15  }
0xad: {  	[sflag:s12] =	ssyncadd.s32 $0xFFFFDC00;
	s15 =	sadd.s32 $0x60, s7  }
0xae: {  	[tilespmem:s17], [sflag:$0x5] =	stream.linear.gather [hbm4b:s15+s3], $0x180, $0x38;
	[tilespmem:$0x19200] =	vst v63  }
0xaf: {  	_ =	swait.ge [sflag:s16], $0x180  }
0xb0: {  	[sflag:s16] =	ssyncset.done $0x0  }
0xb1: {  	s14 =	sadd.s32 $0x9CA0, s7;
	[sflag:s16] =	ssyncadd.s32 $0xFFFFFE80  }
0xb2: {  	[tilespmem:s18], [sflag:$0x5] =	stream.linear.gather [hbm4b:s14+s3], $0x180, $0x38;
	[tilespmem:$0x19200] =	vst v63  }
0xb3: {  	_ =	swait.ge [sflag:s16], $0x180  }
0xb4: {  	[sflag:s16] =	ssyncset.done $0x0  }
0xb5: {  	[sflag:s16] =	ssyncadd.s32 $0xFFFFFE80  }
0xb6: {  	[tilespmem:s20], [sflag:$0x1] =	stream.indirect.gather [hbm4b:s4+s19], $0x48, s17, s19, $0xb8;
	[tilespmem:$0x19200] =	vst v63  }
0xb7: {  	_ = 	snop  }
0xb8: {  	[tilespmem:s22], [sflag:$0x1] =	stream.indirect.gather [hbm4b:s4+s19], $0x48, s21, s19, $0xb8;
	[tilespmem:$0x19200] =	vst v63  }
0xb9: {  	_ = 	snop  }
0xba: {  	[tilespmem:s24], [sflag:$0x1] =	stream.indirect.gather [hbm4b:s4+s19], $0x48, s23, s19, $0xb8;
	[tilespmem:$0x19200] =	vst v63  }
0xbb: {  	_ =	swait.ge [sflag:s13], $0x2400  }
0xbc: {  	[sflag:s13] =	ssyncset.done $0x0  }
0xbd: {  	[sflag:s13] =	ssyncadd.s32 $0xFFFFDC00  }
0xbe: {  	_ =	swait.ge [sflag:s13], $0x2400  }
0xbf: {  	[sflag:s13] =	ssyncset.done $0x0  }
0xc0: {  	[sflag:s13] =	ssyncadd.s32 $0xFFFFDC00  }
0xc1: {  	_ =	swait.ge [sflag:s13], $0x2400  }
0xc2: {  	[sflag:s13] =	ssyncset.done $0x0  }
0xc3: {  	s14 =	sadd.s32 $0x90, s7;
	[sflag:s13] =	ssyncadd.s32 $0xFFFFDC00  }
0xc4: {  	[tilespmem:s25], [sflag:$0x5] =	stream.linear.gather [hbm4b:s14+s3], $0x180, $0x38;
	[tilespmem:$0x19200] =	vst v63  }
0xc5: {  	_ =	swait.ge [sflag:s16], $0x180  }
0xc6: {  	[sflag:s16] =	ssyncset.done $0x0  }
0xc7: {  	s7 =	sadd.s32 $0x9CD0, s7;
	[sflag:s16] =	ssyncadd.s32 $0xFFFFFE80  }
0xc8: {  	[tilespmem:s26], [sflag:$0x5] =	stream.linear.gather [hbm4b:s7+s3], $0x180, $0x38;
	[tilespmem:$0x19200] =	vst v63  }
0xc9: {  	p1 =	sne.s32 s6, $0x420;
	_ =	swait.ge [sflag:s16], $0x180  }
.Ltmp0:
0xca: {  	[sflag:s16] =	ssyncset.done $0x0;
	(pc) =	sbr.rel @p1 .LBB2_2-.Ltmp0, $4  }
0xcb: {  	[sflag:s16] =	ssyncadd.s32 $0xFFFFFE80  }
0xcc: {  	[tilespmem:s28], [sflag:$0x2] =	stream.indirect.gather [hbm4b:s4+s19], $0x48, s25, s19, $0xb8;
	[tilespmem:$0x19200] =	vst v63  }
0xcd: {  	s6 =	sadd.s32 $0x60, s6  }
0xce: {  	[tilespmem:s30], [sflag:$0x2] =	stream.indirect.gather [hbm4b:s4+s19], $0x48, s29, s19, $0xb8;
	[tilespmem:$0x19200] =	vst v63  }
0xcf: {  	[tilespmem:s0], [sflag:$0x2] =	stream.indirect.gather [hbm4b:s4+s19], $0x48, s31, s19, $0xb8;
	[tilespmem:$0x19200] =	vst v63  }
0xd0: {  	_ =	swait.ge [sflag:s1], $0x2400  }
0xd1: {  	[sflag:s1] =	ssyncset.done $0x0  }
0xd2: {  	[sflag:s1] =	ssyncadd.s32 $0xFFFFDC00  }
0xd3: {  	_ =	swait.ge [sflag:s1], $0x2400  }
0xd4: {  	[sflag:s1] =	ssyncset.done $0x0  }
0xd5: {  	[sflag:s1] =	ssyncadd.s32 $0xFFFFDC00  }
0xd6: {  	_ =	swait.ge [sflag:s1], $0x2400  }
0xd7: {  	[sflag:s1] =	ssyncset.done $0x0  }
0xd8: {  	[sflag:s1] =	ssyncadd.s32 $0xFFFFDC00  }
0xd9: {  	[spmem:s2] =	stream.indirect.scatter.add.f32 [tilespmem:s20], [sflag:$0x3], $0x48, s18, s19, $0xb8;
	[tilespmem:$0x19200] =	vst v63  }
0xda: {  	_ = 	snop  }
0xdb: {  	[spmem:s2] =	stream.indirect.scatter.add.f32 [tilespmem:s22], [sflag:$0x3], $0x48, s5, s19, $0xb8;
	[tilespmem:$0x19200] =	vst v63  }
0xdc: {  	_ = 	snop  }
0xdd: {  	[spmem:s2] =	stream.indirect.scatter.add.f32 [tilespmem:s24], [sflag:$0x3], $0x48, s8, s19, $0xb8;
	[tilespmem:$0x19200] =	vst v63  }
0xde: {  	_ =	swait.ge [sflag:s9], $0x2400  }
0xdf: {  	[sflag:s9] =	ssyncset.done $0x0  }
0xe0: {  	[sflag:s9] =	ssyncadd.s32 $0xFFFFDC00  }
0xe1: {  	_ =	swait.ge [sflag:s9], $0x2400  }
0xe2: {  	[sflag:s9] =	ssyncset.done $0x0  }
0xe3: {  	[sflag:s9] =	ssyncadd.s32 $0xFFFFDC00  }
0xe4: {  	_ =	swait.ge [sflag:s9], $0x2400  }
0xe5: {  	[sflag:s9] =	ssyncset.done $0x0  }
0xe6: {  	[sflag:s9] =	ssyncadd.s32 $0xFFFFDC00  }
0xe7: {  	[spmem:s2] =	stream.indirect.scatter.add.f32 [tilespmem:s28], [sflag:$0x4], $0x48, s26, s19, $0xb8;
	[tilespmem:$0x19200] =	vst v63  }
0xe8: {  	_ = 	snop  }
0xe9: {  	[spmem:s2] =	stream.indirect.scatter.add.f32 [tilespmem:s30], [sflag:$0x4], $0x48, s10, s19, $0xb8;
	[tilespmem:$0x19200] =	vst v63  }
0xea: {  	_ = 	snop  }
0xeb: {  	[spmem:s2] =	stream.indirect.scatter.add.f32 [tilespmem:s0], [sflag:$0x4], $0x48, s11, s19, $0xb8;
	[tilespmem:$0x19200] =	vst v63  }
0xec: {  	_ =	swait.ge [sflag:s12], $0x2400  }
0xed: {  	[sflag:s12] =	ssyncset.done $0x0  }
0xee: {  	[sflag:s12] =	ssyncadd.s32 $0xFFFFDC00  }
0xef: {  	_ =	swait.ge [sflag:s12], $0x2400  }
0xf0: {  	[sflag:s12] =	ssyncset.done $0x0  }
0xf1: {  	[sflag:s12] =	ssyncadd.s32 $0xFFFFDC00  }
0xf2: {  	_ =	swait.ge [sflag:s12], $0x2400  }
0xf3: {  	[sflag:s12] =	ssyncset.done $0x0  }
0xf4: {  	[sflag:s12] =	ssyncadd.s32 $0xFFFFDC00  }
0xf5: {  	_ =	swait.ge [sflag:s13], $0x2400  }
0xf6: {  	[sflag:s13] =	ssyncset.done $0x0  }
0xf7: {  	[sflag:s13] =	ssyncadd.s32 $0xFFFFDC00  }
0xf8: {  	_ =	swait.ge [sflag:s13], $0x2400  }
0xf9: {  	[sflag:s13] =	ssyncset.done $0x0  }
0xfa: {  	[sflag:s13] =	ssyncadd.s32 $0xFFFFDC00  }
0xfb: {  	_ =	swait.ge [sflag:s13], $0x2400  }
0xfc: {  	s6 =	simm.s32 @!p0 $0x0;
	s14 =	simm.s32 @!p0 $0xB400;
	[sflag:s13] =	ssyncset.done $0x0  }
0xfd: {  	s15 =	simm.s32 @!p0 $0x5;
	s7 =	rddreg [dreg:$0xa];
	[sflag:s13] =	ssyncadd.s32 $0xFFFFDC00  }
0xfe: {  	[tilespmem:s14], [sflag:$0x5] =	stream.linear.gather @!p0 [hbm4b:s7+s6], $0x80, $0x38;
	[tilespmem:$0x19200] =	vst v63  }
0xff: {  	_ =	swait.ge @!p0 [sflag:s15], $0x80  }
0x100: {  	[sflag:s15] =	ssyncset.done @!p0 $0x0  }
0x101: {  	s14 =	simm.s32 @!p0 $0xB700;
	s7 =	rddreg [dreg:$0xb];
	[sflag:s15] =	ssyncadd.s32 @!p0 $0xFFFFFF80  }
0x102: {  	[tilespmem:s14], [sflag:$0x5] =	stream.linear.gather @!p0 [hbm4b:s7+s6], $0x80, $0x38;
	[tilespmem:$0x19200] =	vst v63  }
0x103: {  	_ =	swait.ge @!p0 [sflag:s15], $0x80  }
0x104: {  	s7 =	simm.s32 @!p0 $0x80;
	[sflag:s15] =	ssyncset.done @!p0 $0x0  }
0x105: {  	s6 =	simm.s32 @!p0 $0xBA00;
	s14 =	simm.s32 @!p0 $0xB400;
	[sflag:s15] =	ssyncadd.s32 @!p0 $0xFFFFFF80  }
0x106: {  	[tilespmem:s6], [sflag:$0x5] =	stream.indirect.gather @!p0 [hbm4b:s4+s7], $0x48, s14, s7, $0xb8;
	[tilespmem:$0x19200] =	vst v63  }
0x107: {  	_ =	swait.ge @!p0 [sflag:s15], $0x2400  }
0x108: {  	[sflag:s15] =	ssyncset.done @!p0 $0x0  }
0x109: {  	s14 =	simm.s32 @!p0 $0xB700;
	[sflag:s15] =	ssyncadd.s32 @!p0 $0xFFFFDC00  }
0x10a: {  	[spmem:s2] =	stream.indirect.scatter.add.f32 @!p0 [tilespmem:s6], [sflag:$0x5], $0x48, s14, s7, $0xb8;
	[tilespmem:$0x19200] =	vst v63  }
0x10b: {  	_ =	swait.ge @!p0 [sflag:s15], $0x2400  }
0x10c: {  	[sflag:s15] =	ssyncset.done @!p0 $0x0  }
0x10d: {  	[sflag:s15] =	ssyncadd.s32 @!p0 $0xFFFFDC00  }
0x10e: {  	[bflag:$0x0] =	sbarrier.arrive $0xFFFF  }
0x10f: {  	s14 =	rddreg [dreg:$0x6]  }
0x110: {  	s15 =	rddreg [dreg:$0xc]  }
0x111: {  	s7 =	rddreg [dreg:$0xe]  }
0x112: {  	[hbm:s15], [sflag:s14] =	dma.local [spmem:s7], $0x1680  }
0x113: {  	_ =	swait.ge [sflag:s16], $0x1680  }
0x114: {  	s6 =	rddreg [dreg:$0xf]  }
0x115: {  	s15 =	sadd.s32 $0x1, s6;
	s6 =	rddreg [dreg:$0xd]  }
0x116: {  	p1 =	sne.s32 s15, s6  }
.Ltmp1:
0x117: {  	_ = 	snop;
	(pc) =	sbr.rel @p1 .LBB2_1-.Ltmp1, $3  }
0x118: {  	_ =	sdelay $0x1  }
0x119: {  	[sflag:s16] =	ssyncset.done $0x0  }
0x11a: {  	[sflag:s16] =	ssyncadd.s32 $0xFFFFE980  }
0x11b: {  	_ =	sfence.sel $0x180000  }
0x11c: {  	[bflag:$0x0] =	sbarrier.arrive $0xFFFF  }
0x11d: {  	_ =	strace $0x90000047  }
0x11e: {  	s0 =	stileid.u32;
	[bflag:$0x2] =	sbarrier.arrive $0xFFFF  }
0x11f: {  	p0 =	sne.s32 s0, $0x0;
	s0 =	rddreg [dreg:$0x2]  }
0x120: {  	s0 =	sadd.s32 @!p0 $0x100000, s0  }
0x121: {  	[sflag:s0] =	ssyncadd.tile.s32 @!p0 $0x1;
	_ =	shalt  }
.Lfunc_end2:
_tile_overlayer_lowered:
.L_overlay_start_2:
0x122: {  	(tag) =	ssettag $0x2  }
0x123: {  	s0 =	rddreg [dreg:$0x0];
	s2 =	stileid.u32  }
0x124: {  	s1 =	rddreg [dreg:$0x1];
	p0 =	sne.s32 s2, $0x0  }
0x125: {  	s3 =	rddreg [dreg:$0x2];
	[bflag:$0x3] =	sbarrier.arrive $0xFFFF;
	s2 =	simm.s32 @!p0 $0x1C05  }
0x126: {  	[timem:s3], [sflag:s2] =	dma.local @!p0 [hbm:s0], s1  }
0x127: {  	s0 =	simm.s32 @!p0 $0x5  }
0x128: {  	_ =	swait.ge @!p0 [sflag:s0], s1  }
0x129: {  	s1 =	ssub.s32 @!p0 $0x0, s1;
	[sflag:s0] =	ssyncset.done @!p0 $0x0  }
0x12a: {  	[sflag:s0] =	ssyncadd.s32 @!p0 s1  }
0x12b: {  	[bflag:$0x3] =	sbarrier.arrive $0xFFFF  }
0x12c: {  	_ =	shalt  }

</sc_bundles>
